<compile_context>
chip_gen: v7x
topology: tpu7x:2x2x1
jax: 0.10.2.dev20260603
libtpu: 0.0.44.dev20260713+nightly
codegen_flags: <defaults>
</compile_context>

<pallas_src>
import functools

import jax
import jax.numpy as jnp
from jax import lax
from jax.experimental import pallas as pl
from jax.experimental.pallas import tpu as pltpu
from jax.experimental.pallas import tpu_sc as plsc

_D = _H = _W = 64
_KVOL = 27
_CI = 128
_CO = 128

_NW = 32
_CHUNK = 96
_NPAD = 10240
_PPW = _NPAD // _NW
_PPWP = 384
_NCH = _PPW * _KVOL // _CHUNK
_NE = 10112
_DUMMY = 10000
_NV = _D * _H * _W
_GEXT = _NV + 128
_EMPTY = _NV
_TRASH = _NV + 8
_NFIX = 4
_BIGC = 1 << 20


def _vperm(x, idx):
    return lax.gather(
        x, idx[:, None],
        lax.GatherDimensionNumbers(
            offset_dims=(), collapsed_slice_dims=(0,), start_index_map=(0,)
        ),
        slice_sizes=(1,),
        mode=lax.GatherScatterMode.PROMISE_IN_BOUNDS,
    )


def _sc_body(grid_hbm, c0_hbm, c1_hbm, c2_hbm, fl_hbm, feats_hbm, out_hbm,
             c0_v, c1_v, c2_v, flb_v, jsrc_v, bld_v, nbf_v, raw_v,
             fidx_v, rows_v, fsp, gsp, ssem, bsem, lsem, gsem, wsem):
    sid = lax.axis_index("s")
    wid = sid * 2 + lax.axis_index("c")

    rps = _NE // 16
    h1 = pltpu.async_copy(
        feats_hbm.at[pl.ds(sid * rps, rps)], fsp.at[pl.ds(sid * rps, rps)],
        ssem,
    )
    gps = _NV // 16
    h2 = pltpu.async_copy(
        grid_hbm.at[pl.ds(sid * gps, gps)], gsp.at[pl.ds(sid * gps, gps)],
        ssem,
    )

    @pl.when(sid == 0)
    def _():
        pltpu.async_copy(
            grid_hbm.at[pl.ds(_NV, _GEXT - _NV)],
            gsp.at[pl.ds(_NV, _GEXT - _NV)], ssem,
        ).wait()
    pltpu.sync_copy(c0_hbm.at[wid], c0_v)
    pltpu.sync_copy(c1_hbm.at[wid], c1_v)
    pltpu.sync_copy(c2_hbm.at[wid], c2_v)
    pltpu.sync_copy(fl_hbm.at[sid], flb_v)
    h1.wait()
    h2.wait()
    plsc.subcore_barrier()

    base = wid * (_NCH * _CHUNK)
    iota = lax.iota(jnp.int32, 16)

    for c in range(5):
        for g in range(8):
            jsrc_v[c, pl.ds(g * 16, 16)] = iota + (
                sid * 640 + c * 128 + g * 16
            )

    hs = [
        pltpu.async_copy(jsrc_v.at[c], gsp.at[flb_v.at[c]], bsem)
        for c in range(5)
    ]
    for h in hs:
        h.wait()
    plsc.subcore_barrier()

    def fix_round(r, carry):
        hg = [
            pltpu.async_copy(gsp.at[flb_v.at[c]], bld_v.at[c], bsem)
            for c in range(5)
        ]
        for h in hg:
            h.wait()
        for c in range(5):
            for g in range(8):
                off = g * 16
                cur = bld_v[c, pl.ds(off, 16)]
                jv = jsrc_v[c, pl.ds(off, 16)]
                fl = flb_v[c, pl.ds(off, 16)]
                bld_v[c, pl.ds(off, 16)] = jnp.where(cur < jv, fl, _TRASH)
        hw = [
            pltpu.async_copy(jsrc_v.at[c], gsp.at[bld_v.at[c]], bsem)
            for c in range(5)
        ]
        for h in hw:
            h.wait()
        plsc.subcore_barrier()
        return carry

    lax.fori_loop(0, _NFIX, fix_round, 0)

    def build_lookup(i, q):
        rbase = i * _CHUNK
        pbase = (rbase * 155345) >> 22
        c0full = c0_v[pl.ds(pbase, 16)]
        c1full = c1_v[pl.ds(pbase, 16)]
        c2full = c2_v[pl.ds(pbase, 16)]
        for g in range(6):
            off = g * 16
            ri = iota + (rbase + off)
            pi = (ri * 155345) >> 22
            kv = ri - pi * _KVOL
            rel = pi - pbase
            c0 = _vperm(c0full, rel)
            c1 = _vperm(c1full, rel)
            c2 = _vperm(c2full, rel)
            d9 = (kv * 57) >> 9
            r9 = kv - d9 * 9
            d3 = (r9 * 11) >> 5
            dk = d9 - 1
            dh = d3 - 1
            dw = (r9 - d3 * 3) - 1
            v0 = c0 + dk
            v1 = c1 + dh
            v2 = c2 + dw
            ok = ((v0 >= 0) & (v0 < _D) & (v1 >= 0) & (v1 < _H)
                  & (v2 >= 0) & (v2 < _W))
            nbf = v0 * (_H * _W) + v1 * _W + v2
            nbf = jnp.where(ok, nbf, _EMPTY)
            nbf_v[q, pl.ds(off, 16)] = nbf
        pltpu.async_copy(gsp.at[nbf_v.at[q]], raw_v.at[q], lsem.at[q])

    def wait_lookup(q):
        pltpu.make_async_copy(gsp.at[nbf_v.at[q]], raw_v.at[q],
                              lsem.at[q]).wait()

    def transform(q):
        for off in (0, 16, 32, 48, 64, 80):
            raw = raw_v[q, pl.ds(off, 16)]
            fi = jnp.where(raw >= 0, raw, _DUMMY)
            fidx_v[q, pl.ds(off, 16)] = fi

    def fire_gather(q, b):
        pltpu.async_copy(fsp.at[fidx_v.at[q]], rows_v.at[b], gsem.at[b])

    def wait_gather(q, b):
        pltpu.make_async_copy(fsp.at[fidx_v.at[q]], rows_v.at[b],
                              gsem.at[b]).wait()

    def fire_write(i, b):
        pltpu.async_copy(
            rows_v.at[b], out_hbm.at[pl.ds(base + i * _CHUNK, _CHUNK)],
            wsem.at[b],
        )

    def wait_write(b):
        pltpu.make_async_copy(
            rows_v.at[b], out_hbm.at[pl.ds(base, _CHUNK)], wsem.at[b]
        ).wait()

    build_lookup(0, 0)
    build_lookup(1, 1)
    wait_lookup(0)
    transform(0)
    fire_gather(0, 0)

    def body(t, carry):
        i0 = 2 * t
        i1 = i0 + 1

        @pl.when(i0 + 2 < _NCH)
        def _():
            build_lookup(i0 + 2, 0)

        wait_lookup(1)
        transform(1)

        @pl.when(t > 0)
        def _():
            wait_write(1)

        wait_gather(0, 0)
        fire_write(i0, 0)
        fire_gather(1, 1)

        @pl.when(i1 + 2 < _NCH)
        def _():
            build_lookup(i1 + 2, 1)

        @pl.when(i1 + 1 < _NCH)
        def _():
            wait_lookup(0)
            transform(0)

        wait_write(0)
        wait_gather(1, 1)
        fire_write(i1, 1)

        @pl.when(i1 + 1 < _NCH)
        def _():
            fire_gather(0, 0)

        return carry

    lax.fori_loop(0, _NCH // 2, body, 0)
    wait_write(1)


@functools.cache
def _sc_gather():
    return pl.kernel(
        _sc_body,
        out_type=jax.ShapeDtypeStruct((_NW * _NCH * _CHUNK, _CI), jnp.float32),
        mesh=plsc.VectorSubcoreMesh(
            core_axis_name="c", subcore_axis_name="s", num_cores=2,
            num_subcores=16,
        ),
        scratch_types=[
            pltpu.VMEM((_PPWP,), jnp.int32),
            pltpu.VMEM((_PPWP,), jnp.int32),
            pltpu.VMEM((_PPWP,), jnp.int32),
            pltpu.VMEM((5, 128), jnp.int32),
            pltpu.VMEM((5, 128), jnp.int32),
            pltpu.VMEM((5, 128), jnp.int32),
            pltpu.VMEM((2, _CHUNK), jnp.int32),
            pltpu.VMEM((2, _CHUNK), jnp.int32),
            pltpu.VMEM((2, _CHUNK), jnp.int32),
            pltpu.VMEM((2, _CHUNK, _CI), jnp.float32),
            pltpu.VMEM_SHARED((_NE, _CI), jnp.float32),
            pltpu.VMEM_SHARED((_GEXT,), jnp.int32),
            pltpu.SemaphoreType.DMA,
            pltpu.SemaphoreType.DMA,
            pltpu.SemaphoreType.DMA((2,)),
            pltpu.SemaphoreType.DMA((2,)),
            pltpu.SemaphoreType.DMA((2,)),
        ],
    )


def _tc_gemm_body(x_ref, w_ref, b_ref, o_ref):
    o_ref[...] = (
        jnp.dot(x_ref[...], w_ref[...], preferred_element_type=jnp.float32)
        + b_ref[...]
    )


_NBLK = 512


def _tc_gemm(xg2, wstack, bias2):
    return pl.pallas_call(
        _tc_gemm_body,
        grid=(_NPAD // _NBLK,),
        in_specs=[
            pl.BlockSpec((_NBLK, _KVOL * _CI), lambda n: (n, 0)),
            pl.BlockSpec((_KVOL * _CI, _CO), lambda n: (0, 0)),
            pl.BlockSpec((1, _CO), lambda n: (0, 0)),
        ],
        out_specs=pl.BlockSpec((_NBLK, _CO), lambda n: (n, 0)),
        out_shape=jax.ShapeDtypeStruct((_NPAD, _CO), jnp.float32),
    )(xg2, wstack, bias2)


def kernel(feats, coords, weight, bias):
    n = feats.shape[0]

    flat = coords[:, 0] * (_H * _W) + coords[:, 1] * _W + coords[:, 2]
    grid_init = jnp.full((_GEXT,), -1, dtype=jnp.int32)
    fl = (
        jnp.full((_NPAD,), _TRASH, dtype=jnp.int32)
        .at[:n]
        .set(flat)
        .reshape(16, 5, 128)
    )
    ct = jnp.full((3, _NPAD), _BIGC, dtype=jnp.int32).at[:, :n].set(coords.T)
    cpad = jnp.full((3, _NW, _PPWP), _BIGC, dtype=jnp.int32)
    cpad = cpad.at[:, :, :_PPW].set(ct.reshape(3, _NW, _PPW))
    c0, c1, c2 = cpad[0], cpad[1], cpad[2]
    feats_ext = jnp.concatenate(
        [feats, jnp.zeros((_NE - n, _CI), dtype=feats.dtype)], axis=0
    )

    xg = _sc_gather()(grid_init, c0, c1, c2, fl, feats_ext).reshape(
        _NPAD, _KVOL * _CI
    )

    wstack = weight.transpose(1, 2, 3, 4, 0).reshape(_KVOL * _CI, _CO)
    out_full = _tc_gemm(xg, wstack, bias.reshape(1, _CO))
    return out_full[:n]

# --- scband reference (transcript-rebuilt; emitter-appended) ---
"""Pipeline reference for scband-sparse-conv3d-79714593013864 (READ-ONLY COPY).

The authoritative reference and input builder live on the scoring server;
editing this copy changes nothing except your own understanding.
"""

import jax, jax.numpy as jnp
import numpy as np

D = H = W = 64
KD = KH = KW = 3
CI = 128
CO = 128
N = 10000


def setup_inputs(seed: int = 0) -> dict:
    key = jax.random.key(seed)
    k1, k2, k3, k4 = jax.random.split(key, 4)
    feats = jax.random.normal(k1, (N, CI), dtype=jnp.float32)
    coords = jax.random.randint(k2, (N, 3), 0, D, dtype=jnp.int32)
    # weight stored as (Co, Kd, Kh, Kw, Ci) matching the permuted nn.Parameter
    fan_in = CI * KD * KH * KW
    bound = 1.0 / np.sqrt(fan_in)
    weight = jax.random.uniform(k3, (CO, KD, KH, KW, CI), dtype=jnp.float32, minval=-bound, maxval=bound)
    bias = jax.random.uniform(k4, (CO,), dtype=jnp.float32, minval=-bound, maxval=bound)
    return {"feats": feats, "coords": coords, "weight": weight, "bias": bias}


def reference(feats, coords, weight, bias):
    # Submanifold sparse 3D convolution: output defined only at input active sites.
    n = feats.shape[0]
    Co, Kd, Kh, Kw, Ci = weight.shape
    # Build dense coordinate hash grid: flat voxel index -> row index (or -1)
    flat = coords[:, 0] * (H * W) + coords[:, 1] * W + coords[:, 2]
    grid = jnp.full((D * H * W,), -1, dtype=jnp.int32).at[flat].set(jnp.arange(n, dtype=jnp.int32))
    bounds = jnp.array([D, H, W], dtype=jnp.int32)
    out = jnp.zeros((n, Co), dtype=feats.dtype)
    for kd in range(Kd):
        for kh in range(Kh):
            for kw in range(Kw):
                off = jnp.array([kd - Kd // 2, kh - Kh // 2, kw - Kw // 2], dtype=jnp.int32)
                nb = coords + off[None, :]
                valid = jnp.all((nb >= 0) & (nb < bounds[None, :]), axis=1)
                nbflat = nb[:, 0] * (H * W) + nb[:, 1] * W + nb[:, 2]
                nbflat = jnp.clip(nbflat, 0, D * H * W - 1)
                idx = grid[nbflat]
                valid = valid & (idx >= 0)
                gathered = jnp.where(valid[:, None], feats[jnp.maximum(idx, 0)], 0.0)
                out = out + gathered @ weight[:, kd, kh, kw, :].T
    out = out + bias[None, :]
    return out

if __name__ == "__main__":
    import jax
    _d = setup_inputs()
    print(jax.jit(kernel)(*tuple(_d.values())))

</pallas_src>

<mosaic_0001>
#map = affine_map<(d0, d1) -> (0)>
#map1 = affine_map<(d0, d1) -> (0, 0)>
#map2 = affine_map<(d0, d1) -> (0, 0, 0)>
module attributes {stable_mosaic.version = 14 : i64} {
  func.func @_sc_body(%arg0: i32, %arg1: i32, %arg2: memref<262272xi32, #tpu.memory_space<hbm>>, %arg3: memref<32x384xi32, #tpu.memory_space<hbm>>, %arg4: memref<32x384xi32, #tpu.memory_space<hbm>>, %arg5: memref<32x384xi32, #tpu.memory_space<hbm>>, %arg6: memref<16x5x128xi32, #tpu.memory_space<hbm>>, %arg7: memref<10112x128xf32, #tpu.memory_space<hbm>>, %arg8: memref<276480x128xf32, #tpu.memory_space<hbm>>, %arg9: memref<384xi32, #tpu.memory_space<vmem>>, %arg10: memref<384xi32, #tpu.memory_space<vmem>>, %arg11: memref<384xi32, #tpu.memory_space<vmem>>, %arg12: memref<5x128xi32, #tpu.memory_space<vmem>>, %arg13: memref<5x128xi32, #tpu.memory_space<vmem>>, %arg14: memref<5x128xi32, #tpu.memory_space<vmem>>, %arg15: memref<2x96xi32, #tpu.memory_space<vmem>>, %arg16: memref<2x96xi32, #tpu.memory_space<vmem>>, %arg17: memref<2x96xi32, #tpu.memory_space<vmem>>, %arg18: memref<2x96x128xf32, #tpu.memory_space<vmem>>, %arg19: memref<10112x128xf32, #tpu.memory_space<vmem_shared>>, %arg20: memref<262272xi32, #tpu.memory_space<vmem_shared>>, %arg21: memref<!tpu.dma_semaphore, #tpu.memory_space<semaphore_mem>>, %arg22: memref<!tpu.dma_semaphore, #tpu.memory_space<semaphore_mem>>, %arg23: memref<2x!tpu.dma_semaphore, #tpu.memory_space<semaphore_mem>>, %arg24: memref<2x!tpu.dma_semaphore, #tpu.memory_space<semaphore_mem>>, %arg25: memref<2x!tpu.dma_semaphore, #tpu.memory_space<semaphore_mem>>) attributes {dimension_semantics = [#tpu.dimension_semantics<core_parallel>, #tpu.dimension_semantics<subcore_parallel>], iteration_bounds = array<i64: 2, 16>, scalar_prefetch = 0 : i64, scratch_operands = 17 : i64, tpu.core_type = #tpu.core_type<sc_vector_subcore>, window_params = [{transform_indices = #map}, {transform_indices = #map1}, {transform_indices = #map1}, {transform_indices = #map1}, {transform_indices = #map2}, {transform_indices = #map1}, {transform_indices = #map1}]} {
    %mul3A = arith.constant 2 : i32
    %mul3A_0 = arith.muli %arg1, %mul3A : i32
    %add3A = arith.addi %mul3A_0, %arg0 : i32
    %mul3A_1 = arith.constant 632 : i32
    %mul3A_2 = arith.muli %arg1, %mul3A_1 : i32
    %mul3A_3 = arith.constant 632 : i32
    %mul3A_4 = arith.muli %arg1, %mul3A_3 : i32
    %dma_start3A = arith.constant 0 : i32
    %dma_start3A_5 = tpu.memref_slice %arg19[%mul3A_4, %dma_start3A] : memref<10112x128xf32, #tpu.memory_space<vmem_shared>> -> memref<632x128xf32, #tpu.memory_space<vmem_shared>>
    %dma_start3A_6 = arith.constant 0 : i32
    %dma_start3A_7 = tpu.memref_slice %arg7[%mul3A_2, %dma_start3A_6] : memref<10112x128xf32, #tpu.memory_space<hbm>> -> memref<632x128xf32, #tpu.memory_space<hbm>>
    tpu.enqueue_dma source(%dma_start3A_7 : memref<632x128xf32, #tpu.memory_space<hbm>>) target(%dma_start3A_5 : memref<632x128xf32, #tpu.memory_space<vmem_shared>>) target_semaphore(%arg21 : memref<!tpu.dma_semaphore, #tpu.memory_space<semaphore_mem>>)
    %mul3A_8 = arith.constant 16384 : i32
    %mul3A_9 = arith.muli %arg1, %mul3A_8 : i32
    %mul3A_10 = arith.constant 16384 : i32
    %mul3A_11 = arith.muli %arg1, %mul3A_10 : i32
    %dma_start3A_12 = tpu.memref_slice %arg20[%mul3A_11] : memref<262272xi32, #tpu.memory_space<vmem_shared>> -> memref<16384xi32, #tpu.memory_space<vmem_shared>>
    %dma_start3A_13 = tpu.memref_slice %arg2[%mul3A_9] : memref<262272xi32, #tpu.memory_space<hbm>> -> memref<16384xi32, #tpu.memory_space<hbm>>
    tpu.enqueue_dma source(%dma_start3A_13 : memref<16384xi32, #tpu.memory_space<hbm>>) target(%dma_start3A_12 : memref<16384xi32, #tpu.memory_space<vmem_shared>>) target_semaphore(%arg21 : memref<!tpu.dma_semaphore, #tpu.memory_space<semaphore_mem>>)
    %eq3A = arith.constant 0 : i32
    %eq3A_14 = arith.cmpi eq, %arg1, %eq3A : i32
    %convert_element_type3A = arith.extui %eq3A_14 : i1 to i32
    %cond3A = arith.constant 0 : i32
    %cond3A_15 = arith.cmpi ne, %convert_element_type3A, %cond3A : i32
    scf.if %cond3A_15 {
      %dma_start3A_2038 = arith.constant 262144 : i32
      %dma_start3A_2039 = tpu.memref_slice %arg20[%dma_start3A_2038] : memref<262272xi32, #tpu.memory_space<vmem_shared>> -> memref<128xi32, #tpu.memory_space<vmem_shared>>
      %dma_start3A_2040 = arith.constant 262144 : i32
      %dma_start3A_2041 = tpu.memref_slice %arg2[%dma_start3A_2040] : memref<262272xi32, #tpu.memory_space<hbm>> -> memref<128xi32, #tpu.memory_space<hbm>>
      tpu.enqueue_dma source(%dma_start3A_2041 : memref<128xi32, #tpu.memory_space<hbm>>) target(%dma_start3A_2039 : memref<128xi32, #tpu.memory_space<vmem_shared>>) target_semaphore(%arg21 : memref<!tpu.dma_semaphore, #tpu.memory_space<semaphore_mem>>)
      %dma_wait3A_2042 = arith.constant 262144 : i32
      %dma_wait3A_2043 = tpu.memref_slice %arg20[%dma_wait3A_2042] : memref<262272xi32, #tpu.memory_space<vmem_shared>> -> memref<128xi32, #tpu.memory_space<vmem_shared>>
      %dma_wait3A_2044 = arith.constant 262144 : i32
      %dma_wait3A_2045 = tpu.memref_slice %arg2[%dma_wait3A_2044] : memref<262272xi32, #tpu.memory_space<hbm>> -> memref<128xi32, #tpu.memory_space<hbm>>
      tpu.wait_dma2 semaphore(%arg21 : memref<!tpu.dma_semaphore, #tpu.memory_space<semaphore_mem>>) src(%dma_wait3A_2045 : memref<128xi32, #tpu.memory_space<hbm>>) dst(%dma_wait3A_2043 : memref<128xi32, #tpu.memory_space<vmem_shared>>)
    } else {
    }
    "tpu.region"() ({
      %run_scoped3A = tpu.sem_alloc : memref<!tpu.dma_semaphore, #tpu.memory_space<semaphore_mem>>
      %dma_start3A_2038 = arith.constant 0 : i32
      %dma_start3A_2039 = tpu.memref_slice %arg3[%add3A, %dma_start3A_2038] : memref<32x384xi32, #tpu.memory_space<hbm>> -> memref<1x384xi32, #tpu.memory_space<hbm>>
      %dma_start3A_2040 = tpu.memref_squeeze %dma_start3A_2039 : memref<1x384xi32, #tpu.memory_space<hbm>> -> memref<384xi32, #tpu.memory_space<hbm>>
      %dma_start3A_2041 = arith.constant 0 : i32
      %dma_start3A_2042 = tpu.memref_slice %arg3[%add3A, %dma_start3A_2041] : memref<32x384xi32, #tpu.memory_space<hbm>> -> memref<1x384xi32, #tpu.memory_space<hbm>>
      %dma_start3A_2043 = tpu.memref_squeeze %dma_start3A_2042 : memref<1x384xi32, #tpu.memory_space<hbm>> -> memref<384xi32, #tpu.memory_space<hbm>>
      tpu.enqueue_dma source(%dma_start3A_2043 : memref<384xi32, #tpu.memory_space<hbm>>) target(%arg9 : memref<384xi32, #tpu.memory_space<vmem>>) target_semaphore(%run_scoped3A : memref<!tpu.dma_semaphore, #tpu.memory_space<semaphore_mem>>)
      %dma_wait3A_2044 = arith.constant 0 : i32
      %dma_wait3A_2045 = tpu.memref_slice %arg3[%add3A, %dma_wait3A_2044] : memref<32x384xi32, #tpu.memory_space<hbm>> -> memref<1x384xi32, #tpu.memory_space<hbm>>
      %dma_wait3A_2046 = tpu.memref_squeeze %dma_wait3A_2045 : memref<1x384xi32, #tpu.memory_space<hbm>> -> memref<384xi32, #tpu.memory_space<hbm>>
      %dma_wait3A_2047 = arith.constant 0 : i32
      %dma_wait3A_2048 = tpu.memref_slice %arg3[%add3A, %dma_wait3A_2047] : memref<32x384xi32, #tpu.memory_space<hbm>> -> memref<1x384xi32, #tpu.memory_space<hbm>>
      %dma_wait3A_2049 = tpu.memref_squeeze %dma_wait3A_2048 : memref<1x384xi32, #tpu.memory_space<hbm>> -> memref<384xi32, #tpu.memory_space<hbm>>
      tpu.wait_dma2 semaphore(%run_scoped3A : memref<!tpu.dma_semaphore, #tpu.memory_space<semaphore_mem>>) src(%dma_wait3A_2049 : memref<384xi32, #tpu.memory_space<hbm>>) dst(%arg9 : memref<384xi32, #tpu.memory_space<vmem>>)
      tpu.yield
    }) : () -> ()
    "tpu.region"() ({
      %run_scoped3A = tpu.sem_alloc : memref<!tpu.dma_semaphore, #tpu.memory_space<semaphore_mem>>
      %dma_start3A_2038 = arith.constant 0 : i32
      %dma_start3A_2039 = tpu.memref_slice %arg4[%add3A, %dma_start3A_2038] : memref<32x384xi32, #tpu.memory_space<hbm>> -> memref<1x384xi32, #tpu.memory_space<hbm>>
      %dma_start3A_2040 = tpu.memref_squeeze %dma_start3A_2039 : memref<1x384xi32, #tpu.memory_space<hbm>> -> memref<384xi32, #tpu.memory_space<hbm>>
      %dma_start3A_2041 = arith.constant 0 : i32
      %dma_start3A_2042 = tpu.memref_slice %arg4[%add3A, %dma_start3A_2041] : memref<32x384xi32, #tpu.memory_space<hbm>> -> memref<1x384xi32, #tpu.memory_space<hbm>>
      %dma_start3A_2043 = tpu.memref_squeeze %dma_start3A_2042 : memref<1x384xi32, #tpu.memory_space<hbm>> -> memref<384xi32, #tpu.memory_space<hbm>>
      tpu.enqueue_dma source(%dma_start3A_2043 : memref<384xi32, #tpu.memory_space<hbm>>) target(%arg10 : memref<384xi32, #tpu.memory_space<vmem>>) target_semaphore(%run_scoped3A : memref<!tpu.dma_semaphore, #tpu.memory_space<semaphore_mem>>)
      %dma_wait3A_2044 = arith.constant 0 : i32
      %dma_wait3A_2045 = tpu.memref_slice %arg4[%add3A, %dma_wait3A_2044] : memref<32x384xi32, #tpu.memory_space<hbm>> -> memref<1x384xi32, #tpu.memory_space<hbm>>
      %dma_wait3A_2046 = tpu.memref_squeeze %dma_wait3A_2045 : memref<1x384xi32, #tpu.memory_space<hbm>> -> memref<384xi32, #tpu.memory_space<hbm>>
      %dma_wait3A_2047 = arith.constant 0 : i32
      %dma_wait3A_2048 = tpu.memref_slice %arg4[%add3A, %dma_wait3A_2047] : memref<32x384xi32, #tpu.memory_space<hbm>> -> memref<1x384xi32, #tpu.memory_space<hbm>>
      %dma_wait3A_2049 = tpu.memref_squeeze %dma_wait3A_2048 : memref<1x384xi32, #tpu.memory_space<hbm>> -> memref<384xi32, #tpu.memory_space<hbm>>
      tpu.wait_dma2 semaphore(%run_scoped3A : memref<!tpu.dma_semaphore, #tpu.memory_space<semaphore_mem>>) src(%dma_wait3A_2049 : memref<384xi32, #tpu.memory_space<hbm>>) dst(%arg10 : memref<384xi32, #tpu.memory_space<vmem>>)
      tpu.yield
    }) : () -> ()
    "tpu.region"() ({
      %run_scoped3A = tpu.sem_alloc : memref<!tpu.dma_semaphore, #tpu.memory_space<semaphore_mem>>
      %dma_start3A_2038 = arith.constant 0 : i32
      %dma_start3A_2039 = tpu.memref_slice %arg5[%add3A, %dma_start3A_2038] : memref<32x384xi32, #tpu.memory_space<hbm>> -> memref<1x384xi32, #tpu.memory_space<hbm>>
      %dma_start3A_2040 = tpu.memref_squeeze %dma_start3A_2039 : memref<1x384xi32, #tpu.memory_space<hbm>> -> memref<384xi32, #tpu.memory_space<hbm>>
      %dma_start3A_2041 = arith.constant 0 : i32
      %dma_start3A_2042 = tpu.memref_slice %arg5[%add3A, %dma_start3A_2041] : memref<32x384xi32, #tpu.memory_space<hbm>> -> memref<1x384xi32, #tpu.memory_space<hbm>>
      %dma_start3A_2043 = tpu.memref_squeeze %dma_start3A_2042 : memref<1x384xi32, #tpu.memory_space<hbm>> -> memref<384xi32, #tpu.memory_space<hbm>>
      tpu.enqueue_dma source(%dma_start3A_2043 : memref<384xi32, #tpu.memory_space<hbm>>) target(%arg11 : memref<384xi32, #tpu.memory_space<vmem>>) target_semaphore(%run_scoped3A : memref<!tpu.dma_semaphore, #tpu.memory_space<semaphore_mem>>)
      %dma_wait3A_2044 = arith.constant 0 : i32
      %dma_wait3A_2045 = tpu.memref_slice %arg5[%add3A, %dma_wait3A_2044] : memref<32x384xi32, #tpu.memory_space<hbm>> -> memref<1x384xi32, #tpu.memory_space<hbm>>
      %dma_wait3A_2046 = tpu.memref_squeeze %dma_wait3A_2045 : memref<1x384xi32, #tpu.memory_space<hbm>> -> memref<384xi32, #tpu.memory_space<hbm>>
      %dma_wait3A_2047 = arith.constant 0 : i32
      %dma_wait3A_2048 = tpu.memref_slice %arg5[%add3A, %dma_wait3A_2047] : memref<32x384xi32, #tpu.memory_space<hbm>> -> memref<1x384xi32, #tpu.memory_space<hbm>>
      %dma_wait3A_2049 = tpu.memref_squeeze %dma_wait3A_2048 : memref<1x384xi32, #tpu.memory_space<hbm>> -> memref<384xi32, #tpu.memory_space<hbm>>
      tpu.wait_dma2 semaphore(%run_scoped3A : memref<!tpu.dma_semaphore, #tpu.memory_space<semaphore_mem>>) src(%dma_wait3A_2049 : memref<384xi32, #tpu.memory_space<hbm>>) dst(%arg11 : memref<384xi32, #tpu.memory_space<vmem>>)
      tpu.yield
    }) : () -> ()
    "tpu.region"() ({
      %run_scoped3A = tpu.sem_alloc : memref<!tpu.dma_semaphore, #tpu.memory_space<semaphore_mem>>
      %dma_start3A_2038 = arith.constant 0 : i32
      %dma_start3A_2039 = arith.constant 0 : i32
      %dma_start3A_2040 = tpu.memref_slice %arg6[%arg1, %dma_start3A_2038, %dma_start3A_2039] : memref<16x5x128xi32, #tpu.memory_space<hbm>> -> memref<1x5x128xi32, #tpu.memory_space<hbm>>
      %dma_start3A_2041 = tpu.memref_squeeze %dma_start3A_2040 : memref<1x5x128xi32, #tpu.memory_space<hbm>> -> memref<5x128xi32, #tpu.memory_space<hbm>>
      %dma_start3A_2042 = arith.constant 0 : i32
      %dma_start3A_2043 = arith.constant 0 : i32
      %dma_start3A_2044 = tpu.memref_slice %arg6[%arg1, %dma_start3A_2042, %dma_start3A_2043] : memref<16x5x128xi32, #tpu.memory_space<hbm>> -> memref<1x5x128xi32, #tpu.memory_space<hbm>>
      %dma_start3A_2045 = tpu.memref_squeeze %dma_start3A_2044 : memref<1x5x128xi32, #tpu.memory_space<hbm>> -> memref<5x128xi32, #tpu.memory_space<hbm>>
      tpu.enqueue_dma source(%dma_start3A_2045 : memref<5x128xi32, #tpu.memory_space<hbm>>) target(%arg12 : memref<5x128xi32, #tpu.memory_space<vmem>>) target_semaphore(%run_scoped3A : memref<!tpu.dma_semaphore, #tpu.memory_space<semaphore_mem>>)
      %dma_wait3A_2046 = arith.constant 0 : i32
      %dma_wait3A_2047 = arith.constant 0 : i32
      %dma_wait3A_2048 = tpu.memref_slice %arg6[%arg1, %dma_wait3A_2046, %dma_wait3A_2047] : memref<16x5x128xi32, #tpu.memory_space<hbm>> -> memref<1x5x128xi32, #tpu.memory_space<hbm>>
      %dma_wait3A_2049 = tpu.memref_squeeze %dma_wait3A_2048 : memref<1x5x128xi32, #tpu.memory_space<hbm>> -> memref<5x128xi32, #tpu.memory_space<hbm>>
      %dma_wait3A_2050 = arith.constant 0 : i32
      %dma_wait3A_2051 = arith.constant 0 : i32
      %dma_wait3A_2052 = tpu.memref_slice %arg6[%arg1, %dma_wait3A_2050, %dma_wait3A_2051] : memref<16x5x128xi32, #tpu.memory_space<hbm>> -> memref<1x5x128xi32, #tpu.memory_space<hbm>>
      %dma_wait3A_2053 = tpu.memref_squeeze %dma_wait3A_2052 : memref<1x5x128xi32, #tpu.memory_space<hbm>> -> memref<5x128xi32, #tpu.memory_space<hbm>>
      tpu.wait_dma2 semaphore(%run_scoped3A : memref<!tpu.dma_semaphore, #tpu.memory_space<semaphore_mem>>) src(%dma_wait3A_2053 : memref<5x128xi32, #tpu.memory_space<hbm>>) dst(%arg12 : memref<5x128xi32, #tpu.memory_space<vmem>>)
      tpu.yield
    }) : () -> ()
    %dma_wait3A = arith.constant 0 : i32
    %dma_wait3A_16 = tpu.memref_slice %arg19[%mul3A_4, %dma_wait3A] : memref<10112x128xf32, #tpu.memory_space<vmem_shared>> -> memref<632x128xf32, #tpu.memory_space<vmem_shared>>
    %dma_wait3A_17 = arith.constant 0 : i32
    %dma_wait3A_18 = tpu.memref_slice %arg7[%mul3A_2, %dma_wait3A_17] : memref<10112x128xf32, #tpu.memory_space<hbm>> -> memref<632x128xf32, #tpu.memory_space<hbm>>
    tpu.wait_dma2 semaphore(%arg21 : memref<!tpu.dma_semaphore, #tpu.memory_space<semaphore_mem>>) src(%dma_wait3A_18 : memref<632x128xf32, #tpu.memory_space<hbm>>) dst(%dma_wait3A_16 : memref<632x128xf32, #tpu.memory_space<vmem_shared>>)
    %dma_wait3A_19 = tpu.memref_slice %arg20[%mul3A_11] : memref<262272xi32, #tpu.memory_space<vmem_shared>> -> memref<16384xi32, #tpu.memory_space<vmem_shared>>
    %dma_wait3A_20 = tpu.memref_slice %arg2[%mul3A_9] : memref<262272xi32, #tpu.memory_space<hbm>> -> memref<16384xi32, #tpu.memory_space<hbm>>
    tpu.wait_dma2 semaphore(%arg21 : memref<!tpu.dma_semaphore, #tpu.memory_space<semaphore_mem>>) src(%dma_wait3A_20 : memref<16384xi32, #tpu.memory_space<hbm>>) dst(%dma_wait3A_19 : memref<16384xi32, #tpu.memory_space<vmem_shared>>)
    %barrier3A = arith.constant 0 : index
    tpu.barrier barrier_id(%barrier3A)
    %mul3A_21 = arith.constant 8640 : i32
    %mul3A_22 = arith.muli %add3A, %mul3A_21 : i32
    %iota3A = tpu.iota {dimensions = array<i32: 0>} : vector<16xi32>
    %mul3A_23 = arith.constant 640 : i32
    %mul3A_24 = arith.muli %arg1, %mul3A_23 : i32
    %add3A_25 = arith.constant 0 : i32
    %add3A_26 = arith.addi %mul3A_24, %add3A_25 : i32
    %add3A_27 = arith.constant 0 : i32
    %add3A_28 = arith.addi %add3A_26, %add3A_27 : i32
    %add3A_29 = vector.broadcast %add3A_28 : i32 to vector<16xi32>
    %add3A_30 = arith.addi %iota3A, %add3A_29 : vector<16xi32>
    %swap3A = arith.constant 0 : i32
    %swap3A_31 = arith.index_cast %swap3A : i32 to index
    %swap3A_32 = arith.constant 0 : index
    %swap3A_33 = tpu.vector_load %arg13[%swap3A_31, %swap3A_32] {strides = array<i32>} : memref<5x128xi32, #tpu.memory_space<vmem>>, vector<1x16xi32>,
    %swap3A_34 = vector.shape_cast %swap3A_33 : vector<1x16xi32> to vector<16xi32>
    %swap3A_35 = vector.shape_cast %add3A_30 : vector<16xi32> to vector<1x16xi32>
    tpu.vector_store %arg13[%swap3A_31, %swap3A_32], %swap3A_35 {strides = array<i32>} : memref<5x128xi32, #tpu.memory_space<vmem>>, vector<1x16xi32>,
    %mul3A_36 = arith.constant 640 : i32
    %mul3A_37 = arith.muli %arg1, %mul3A_36 : i32
    %add3A_38 = arith.constant 0 : i32
    %add3A_39 = arith.addi %mul3A_37, %add3A_38 : i32
    %add3A_40 = arith.constant 16 : i32
    %add3A_41 = arith.addi %add3A_39, %add3A_40 : i32
    %add3A_42 = vector.broadcast %add3A_41 : i32 to vector<16xi32>
    %add3A_43 = arith.addi %iota3A, %add3A_42 : vector<16xi32>
    %swap3A_44 = arith.constant 0 : i32
    %swap3A_45 = arith.index_cast %swap3A_44 : i32 to index
    %swap3A_46 = arith.constant 16 : index
    %swap3A_47 = tpu.vector_load %arg13[%swap3A_45, %swap3A_46] {strides = array<i32>} : memref<5x128xi32, #tpu.memory_space<vmem>>, vector<1x16xi32>,
    %swap3A_48 = vector.shape_cast %swap3A_47 : vector<1x16xi32> to vector<16xi32>
    %swap3A_49 = vector.shape_cast %add3A_43 : vector<16xi32> to vector<1x16xi32>
    tpu.vector_store %arg13[%swap3A_45, %swap3A_46], %swap3A_49 {strides = array<i32>} : memref<5x128xi32, #tpu.memory_space<vmem>>, vector<1x16xi32>,
    %mul3A_50 = arith.constant 640 : i32
    %mul3A_51 = arith.muli %arg1, %mul3A_50 : i32
    %add3A_52 = arith.constant 0 : i32
    %add3A_53 = arith.addi %mul3A_51, %add3A_52 : i32
    %add3A_54 = arith.constant 32 : i32
    %add3A_55 = arith.addi %add3A_53, %add3A_54 : i32
    %add3A_56 = vector.broadcast %add3A_55 : i32 to vector<16xi32>
    %add3A_57 = arith.addi %iota3A, %add3A_56 : vector<16xi32>
    %swap3A_58 = arith.constant 0 : i32
    %swap3A_59 = arith.index_cast %swap3A_58 : i32 to index
    %swap3A_60 = arith.constant 32 : index
    %swap3A_61 = tpu.vector_load %arg13[%swap3A_59, %swap3A_60] {strides = array<i32>} : memref<5x128xi32, #tpu.memory_space<vmem>>, vector<1x16xi32>,
    %swap3A_62 = vector.shape_cast %swap3A_61 : vector<1x16xi32> to vector<16xi32>
    %swap3A_63 = vector.shape_cast %add3A_57 : vector<16xi32> to vector<1x16xi32>
    tpu.vector_store %arg13[%swap3A_59, %swap3A_60], %swap3A_63 {strides = array<i32>} : memref<5x128xi32, #tpu.memory_space<vmem>>, vector<1x16xi32>,
    %mul3A_64 = arith.constant 640 : i32
    %mul3A_65 = arith.muli %arg1, %mul3A_64 : i32
    %add3A_66 = arith.constant 0 : i32
    %add3A_67 = arith.addi %mul3A_65, %add3A_66 : i32
    %add3A_68 = arith.constant 48 : i32
    %add3A_69 = arith.addi %add3A_67, %add3A_68 : i32
    %add3A_70 = vector.broadcast %add3A_69 : i32 to vector<16xi32>
    %add3A_71 = arith.addi %iota3A, %add3A_70 : vector<16xi32>
    %swap3A_72 = arith.constant 0 : i32
    %swap3A_73 = arith.index_cast %swap3A_72 : i32 to index
    %swap3A_74 = arith.constant 48 : index
    %swap3A_75 = tpu.vector_load %arg13[%swap3A_73, %swap3A_74] {strides = array<i32>} : memref<5x128xi32, #tpu.memory_space<vmem>>, vector<1x16xi32>,
    %swap3A_76 = vector.shape_cast %swap3A_75 : vector<1x16xi32> to vector<16xi32>
    %swap3A_77 = vector.shape_cast %add3A_71 : vector<16xi32> to vector<1x16xi32>
    tpu.vector_store %arg13[%swap3A_73, %swap3A_74], %swap3A_77 {strides = array<i32>} : memref<5x128xi32, #tpu.memory_space<vmem>>, vector<1x16xi32>,
    %mul3A_78 = arith.constant 640 : i32
    %mul3A_79 = arith.muli %arg1, %mul3A_78 : i32
    %add3A_80 = arith.constant 0 : i32
    %add3A_81 = arith.addi %mul3A_79, %add3A_80 : i32
    %add3A_82 = arith.constant 64 : i32
    %add3A_83 = arith.addi %add3A_81, %add3A_82 : i32
    %add3A_84 = vector.broadcast %add3A_83 : i32 to vector<16xi32>
    %add3A_85 = arith.addi %iota3A, %add3A_84 : vector<16xi32>
    %swap3A_86 = arith.constant 0 : i32
    %swap3A_87 = arith.index_cast %swap3A_86 : i32 to index
    %swap3A_88 = arith.constant 64 : index
    %swap3A_89 = tpu.vector_load %arg13[%swap3A_87, %swap3A_88] {strides = array<i32>} : memref<5x128xi32, #tpu.memory_space<vmem>>, vector<1x16xi32>,
    %swap3A_90 = vector.shape_cast %swap3A_89 : vector<1x16xi32> to vector<16xi32>
    %swap3A_91 = vector.shape_cast %add3A_85 : vector<16xi32> to vector<1x16xi32>
    tpu.vector_store %arg13[%swap3A_87, %swap3A_88], %swap3A_91 {strides = array<i32>} : memref<5x128xi32, #tpu.memory_space<vmem>>, vector<1x16xi32>,
    %mul3A_92 = arith.constant 640 : i32
    %mul3A_93 = arith.muli %arg1, %mul3A_92 : i32
    %add3A_94 = arith.constant 0 : i32
    %add3A_95 = arith.addi %mul3A_93, %add3A_94 : i32
    %add3A_96 = arith.constant 80 : i32
    %add3A_97 = arith.addi %add3A_95, %add3A_96 : i32
    %add3A_98 = vector.broadcast %add3A_97 : i32 to vector<16xi32>
    %add3A_99 = arith.addi %iota3A, %add3A_98 : vector<16xi32>
    %swap3A_100 = arith.constant 0 : i32
    %swap3A_101 = arith.index_cast %swap3A_100 : i32 to index
    %swap3A_102 = arith.constant 80 : index
    %swap3A_103 = tpu.vector_load %arg13[%swap3A_101, %swap3A_102] {strides = array<i32>} : memref<5x128xi32, #tpu.memory_space<vmem>>, vector<1x16xi32>,
    %swap3A_104 = vector.shape_cast %swap3A_103 : vector<1x16xi32> to vector<16xi32>
    %swap3A_105 = vector.shape_cast %add3A_99 : vector<16xi32> to vector<1x16xi32>
    tpu.vector_store %arg13[%swap3A_101, %swap3A_102], %swap3A_105 {strides = array<i32>} : memref<5x128xi32, #tpu.memory_space<vmem>>, vector<1x16xi32>,
    %mul3A_106 = arith.constant 640 : i32
    %mul3A_107 = arith.muli %arg1, %mul3A_106 : i32
    %add3A_108 = arith.constant 0 : i32
    %add3A_109 = arith.addi %mul3A_107, %add3A_108 : i32
    %add3A_110 = arith.constant 96 : i32
    %add3A_111 = arith.addi %add3A_109, %add3A_110 : i32
    %add3A_112 = vector.broadcast %add3A_111 : i32 to vector<16xi32>
    %add3A_113 = arith.addi %iota3A, %add3A_112 : vector<16xi32>
    %swap3A_114 = arith.constant 0 : i32
    %swap3A_115 = arith.index_cast %swap3A_114 : i32 to index
    %swap3A_116 = arith.constant 96 : index
    %swap3A_117 = tpu.vector_load %arg13[%swap3A_115, %swap3A_116] {strides = array<i32>} : memref<5x128xi32, #tpu.memory_space<vmem>>, vector<1x16xi32>,
    %swap3A_118 = vector.shape_cast %swap3A_117 : vector<1x16xi32> to vector<16xi32>
    %swap3A_119 = vector.shape_cast %add3A_113 : vector<16xi32> to vector<1x16xi32>
    tpu.vector_store %arg13[%swap3A_115, %swap3A_116], %swap3A_119 {strides = array<i32>} : memref<5x128xi32, #tpu.memory_space<vmem>>, vector<1x16xi32>,
    %mul3A_120 = arith.constant 640 : i32
    %mul3A_121 = arith.muli %arg1, %mul3A_120 : i32
    %add3A_122 = arith.constant 0 : i32
    %add3A_123 = arith.addi %mul3A_121, %add3A_122 : i32
    %add3A_124 = arith.constant 112 : i32
    %add3A_125 = arith.addi %add3A_123, %add3A_124 : i32
    %add3A_126 = vector.broadcast %add3A_125 : i32 to vector<16xi32>
    %add3A_127 = arith.addi %iota3A, %add3A_126 : vector<16xi32>
    %swap3A_128 = arith.constant 0 : i32
    %swap3A_129 = arith.index_cast %swap3A_128 : i32 to index
    %swap3A_130 = arith.constant 112 : index
    %swap3A_131 = tpu.vector_load %arg13[%swap3A_129, %swap3A_130] {strides = array<i32>} : memref<5x128xi32, #tpu.memory_space<vmem>>, vector<1x16xi32>,
    %swap3A_132 = vector.shape_cast %swap3A_131 : vector<1x16xi32> to vector<16xi32>
    %swap3A_133 = vector.shape_cast %add3A_127 : vector<16xi32> to vector<1x16xi32>
    tpu.vector_store %arg13[%swap3A_129, %swap3A_130], %swap3A_133 {strides = array<i32>} : memref<5x128xi32, #tpu.memory_space<vmem>>, vector<1x16xi32>,
    %mul3A_134 = arith.constant 640 : i32
    %mul3A_135 = arith.muli %arg1, %mul3A_134 : i32
    %add3A_136 = arith.constant 128 : i32
    %add3A_137 = arith.addi %mul3A_135, %add3A_136 : i32
    %add3A_138 = arith.constant 0 : i32
    %add3A_139 = arith.addi %add3A_137, %add3A_138 : i32
    %add3A_140 = vector.broadcast %add3A_139 : i32 to vector<16xi32>
    %add3A_141 = arith.addi %iota3A, %add3A_140 : vector<16xi32>
    %swap3A_142 = arith.constant 1 : i32
    %swap3A_143 = arith.index_cast %swap3A_142 : i32 to index
    %swap3A_144 = arith.constant 0 : index
    %swap3A_145 = tpu.vector_load %arg13[%swap3A_143, %swap3A_144] {strides = array<i32>} : memref<5x128xi32, #tpu.memory_space<vmem>>, vector<1x16xi32>,
    %swap3A_146 = vector.shape_cast %swap3A_145 : vector<1x16xi32> to vector<16xi32>
    %swap3A_147 = vector.shape_cast %add3A_141 : vector<16xi32> to vector<1x16xi32>
    tpu.vector_store %arg13[%swap3A_143, %swap3A_144], %swap3A_147 {strides = array<i32>} : memref<5x128xi32, #tpu.memory_space<vmem>>, vector<1x16xi32>,
    %mul3A_148 = arith.constant 640 : i32
    %mul3A_149 = arith.muli %arg1, %mul3A_148 : i32
    %add3A_150 = arith.constant 128 : i32
    %add3A_151 = arith.addi %mul3A_149, %add3A_150 : i32
    %add3A_152 = arith.constant 16 : i32
    %add3A_153 = arith.addi %add3A_151, %add3A_152 : i32
    %add3A_154 = vector.broadcast %add3A_153 : i32 to vector<16xi32>
    %add3A_155 = arith.addi %iota3A, %add3A_154 : vector<16xi32>
    %swap3A_156 = arith.constant 1 : i32
    %swap3A_157 = arith.index_cast %swap3A_156 : i32 to index
    %swap3A_158 = arith.constant 16 : index
    %swap3A_159 = tpu.vector_load %arg13[%swap3A_157, %swap3A_158] {strides = array<i32>} : memref<5x128xi32, #tpu.memory_space<vmem>>, vector<1x16xi32>,
    %swap3A_160 = vector.shape_cast %swap3A_159 : vector<1x16xi32> to vector<16xi32>
    %swap3A_161 = vector.shape_cast %add3A_155 : vector<16xi32> to vector<1x16xi32>
    tpu.vector_store %arg13[%swap3A_157, %swap3A_158], %swap3A_161 {strides = array<i32>} : memref<5x128xi32, #tpu.memory_space<vmem>>, vector<1x16xi32>,
    %mul3A_162 = arith.constant 640 : i32
    %mul3A_163 = arith.muli %arg1, %mul3A_162 : i32
    %add3A_164 = arith.constant 128 : i32
    %add3A_165 = arith.addi %mul3A_163, %add3A_164 : i32
    %add3A_166 = arith.constant 32 : i32
    %add3A_167 = arith.addi %add3A_165, %add3A_166 : i32
    %add3A_168 = vector.broadcast %add3A_167 : i32 to vector<16xi32>
    %add3A_169 = arith.addi %iota3A, %add3A_168 : vector<16xi32>
    %swap3A_170 = arith.constant 1 : i32
    %swap3A_171 = arith.index_cast %swap3A_170 : i32 to index
    %swap3A_172 = arith.constant 32 : index
    %swap3A_173 = tpu.vector_load %arg13[%swap3A_171, %swap3A_172] {strides = array<i32>} : memref<5x128xi32, #tpu.memory_space<vmem>>, vector<1x16xi32>,
    %swap3A_174 = vector.shape_cast %swap3A_173 : vector<1x16xi32> to vector<16xi32>
    %swap3A_175 = vector.shape_cast %add3A_169 : vector<16xi32> to vector<1x16xi32>
    tpu.vector_store %arg13[%swap3A_171, %swap3A_172], %swap3A_175 {strides = array<i32>} : memref<5x128xi32, #tpu.memory_space<vmem>>, vector<1x16xi32>,
    %mul3A_176 = arith.constant 640 : i32
    %mul3A_177 = arith.muli %arg1, %mul3A_176 : i32
    %add3A_178 = arith.constant 128 : i32
    %add3A_179 = arith.addi %mul3A_177, %add3A_178 : i32
    %add3A_180 = arith.constant 48 : i32
    %add3A_181 = arith.addi %add3A_179, %add3A_180 : i32
    %add3A_182 = vector.broadcast %add3A_181 : i32 to vector<16xi32>
    %add3A_183 = arith.addi %iota3A, %add3A_182 : vector<16xi32>
    %swap3A_184 = arith.constant 1 : i32
    %swap3A_185 = arith.index_cast %swap3A_184 : i32 to index
    %swap3A_186 = arith.constant 48 : index
    %swap3A_187 = tpu.vector_load %arg13[%swap3A_185, %swap3A_186] {strides = array<i32>} : memref<5x128xi32, #tpu.memory_space<vmem>>, vector<1x16xi32>,
    %swap3A_188 = vector.shape_cast %swap3A_187 : vector<1x16xi32> to vector<16xi32>
    %swap3A_189 = vector.shape_cast %add3A_183 : vector<16xi32> to vector<1x16xi32>
    tpu.vector_store %arg13[%swap3A_185, %swap3A_186], %swap3A_189 {strides = array<i32>} : memref<5x128xi32, #tpu.memory_space<vmem>>, vector<1x16xi32>,
    %mul3A_190 = arith.constant 640 : i32
    %mul3A_191 = arith.muli %arg1, %mul3A_190 : i32
    %add3A_192 = arith.constant 128 : i32
    %add3A_193 = arith.addi %mul3A_191, %add3A_192 : i32
    %add3A_194 = arith.constant 64 : i32
    %add3A_195 = arith.addi %add3A_193, %add3A_194 : i32
    %add3A_196 = vector.broadcast %add3A_195 : i32 to vector<16xi32>
    %add3A_197 = arith.addi %iota3A, %add3A_196 : vector<16xi32>
    %swap3A_198 = arith.constant 1 : i32
    %swap3A_199 = arith.index_cast %swap3A_198 : i32 to index
    %swap3A_200 = arith.constant 64 : index
    %swap3A_201 = tpu.vector_load %arg13[%swap3A_199, %swap3A_200] {strides = array<i32>} : memref<5x128xi32, #tpu.memory_space<vmem>>, vector<1x16xi32>,
    %swap3A_202 = vector.shape_cast %swap3A_201 : vector<1x16xi32> to vector<16xi32>
    %swap3A_203 = vector.shape_cast %add3A_197 : vector<16xi32> to vector<1x16xi32>
    tpu.vector_store %arg13[%swap3A_199, %swap3A_200], %swap3A_203 {strides = array<i32>} : memref<5x128xi32, #tpu.memory_space<vmem>>, vector<1x16xi32>,
    %mul3A_204 = arith.constant 640 : i32
    %mul3A_205 = arith.muli %arg1, %mul3A_204 : i32
    %add3A_206 = arith.constant 128 : i32
    %add3A_207 = arith.addi %mul3A_205, %add3A_206 : i32
    %add3A_208 = arith.constant 80 : i32
    %add3A_209 = arith.addi %add3A_207, %add3A_208 : i32
    %add3A_210 = vector.broadcast %add3A_209 : i32 to vector<16xi32>
    %add3A_211 = arith.addi %iota3A, %add3A_210 : vector<16xi32>
    %swap3A_212 = arith.constant 1 : i32
    %swap3A_213 = arith.index_cast %swap3A_212 : i32 to index
    %swap3A_214 = arith.constant 80 : index
    %swap3A_215 = tpu.vector_load %arg13[%swap3A_213, %swap3A_214] {strides = array<i32>} : memref<5x128xi32, #tpu.memory_space<vmem>>, vector<1x16xi32>,
    %swap3A_216 = vector.shape_cast %swap3A_215 : vector<1x16xi32> to vector<16xi32>
    %swap3A_217 = vector.shape_cast %add3A_211 : vector<16xi32> to vector<1x16xi32>
    tpu.vector_store %arg13[%swap3A_213, %swap3A_214], %swap3A_217 {strides = array<i32>} : memref<5x128xi32, #tpu.memory_space<vmem>>, vector<1x16xi32>,
    %mul3A_218 = arith.constant 640 : i32
    %mul3A_219 = arith.muli %arg1, %mul3A_218 : i32
    %add3A_220 = arith.constant 128 : i32
    %add3A_221 = arith.addi %mul3A_219, %add3A_220 : i32
    %add3A_222 = arith.constant 96 : i32
    %add3A_223 = arith.addi %add3A_221, %add3A_222 : i32
    %add3A_224 = vector.broadcast %add3A_223 : i32 to vector<16xi32>
    %add3A_225 = arith.addi %iota3A, %add3A_224 : vector<16xi32>
    %swap3A_226 = arith.constant 1 : i32
    %swap3A_227 = arith.index_cast %swap3A_226 : i32 to index
    %swap3A_228 = arith.constant 96 : index
    %swap3A_229 = tpu.vector_load %arg13[%swap3A_227, %swap3A_228] {strides = array<i32>} : memref<5x128xi32, #tpu.memory_space<vmem>>, vector<1x16xi32>,
    %swap3A_230 = vector.shape_cast %swap3A_229 : vector<1x16xi32> to vector<16xi32>
    %swap3A_231 = vector.shape_cast %add3A_225 : vector<16xi32> to vector<1x16xi32>
    tpu.vector_store %arg13[%swap3A_227, %swap3A_228], %swap3A_231 {strides = array<i32>} : memref<5x128xi32, #tpu.memory_space<vmem>>, vector<1x16xi32>,
    %mul3A_232 = arith.constant 640 : i32
    %mul3A_233 = arith.muli %arg1, %mul3A_232 : i32
    %add3A_234 = arith.constant 128 : i32
    %add3A_235 = arith.addi %mul3A_233, %add3A_234 : i32
    %add3A_236 = arith.constant 112 : i32
    %add3A_237 = arith.addi %add3A_235, %add3A_236 : i32
    %add3A_238 = vector.broadcast %add3A_237 : i32 to vector<16xi32>
    %add3A_239 = arith.addi %iota3A, %add3A_238 : vector<16xi32>
    %swap3A_240 = arith.constant 1 : i32
    %swap3A_241 = arith.index_cast %swap3A_240 : i32 to index
    %swap3A_242 = arith.constant 112 : index
    %swap3A_243 = tpu.vector_load %arg13[%swap3A_241, %swap3A_242] {strides = array<i32>} : memref<5x128xi32, #tpu.memory_space<vmem>>, vector<1x16xi32>,
    %swap3A_244 = vector.shape_cast %swap3A_243 : vector<1x16xi32> to vector<16xi32>
    %swap3A_245 = vector.shape_cast %add3A_239 : vector<16xi32> to vector<1x16xi32>
    tpu.vector_store %arg13[%swap3A_241, %swap3A_242], %swap3A_245 {strides = array<i32>} : memref<5x128xi32, #tpu.memory_space<vmem>>, vector<1x16xi32>,
    %mul3A_246 = arith.constant 640 : i32
    %mul3A_247 = arith.muli %arg1, %mul3A_246 : i32
    %add3A_248 = arith.constant 256 : i32
    %add3A_249 = arith.addi %mul3A_247, %add3A_248 : i32
    %add3A_250 = arith.constant 0 : i32
    %add3A_251 = arith.addi %add3A_249, %add3A_250 : i32
    %add3A_252 = vector.broadcast %add3A_251 : i32 to vector<16xi32>
    %add3A_253 = arith.addi %iota3A, %add3A_252 : vector<16xi32>
    %swap3A_254 = arith.constant 2 : i32
    %swap3A_255 = arith.index_cast %swap3A_254 : i32 to index
    %swap3A_256 = arith.constant 0 : index
    %swap3A_257 = tpu.vector_load %arg13[%swap3A_255, %swap3A_256] {strides = array<i32>} : memref<5x128xi32, #tpu.memory_space<vmem>>, vector<1x16xi32>,
    %swap3A_258 = vector.shape_cast %swap3A_257 : vector<1x16xi32> to vector<16xi32>
    %swap3A_259 = vector.shape_cast %add3A_253 : vector<16xi32> to vector<1x16xi32>
    tpu.vector_store %arg13[%swap3A_255, %swap3A_256], %swap3A_259 {strides = array<i32>} : memref<5x128xi32, #tpu.memory_space<vmem>>, vector<1x16xi32>,
    %mul3A_260 = arith.constant 640 : i32
    %mul3A_261 = arith.muli %arg1, %mul3A_260 : i32
    %add3A_262 = arith.constant 256 : i32
    %add3A_263 = arith.addi %mul3A_261, %add3A_262 : i32
    %add3A_264 = arith.constant 16 : i32
    %add3A_265 = arith.addi %add3A_263, %add3A_264 : i32
    %add3A_266 = vector.broadcast %add3A_265 : i32 to vector<16xi32>
    %add3A_267 = arith.addi %iota3A, %add3A_266 : vector<16xi32>
    %swap3A_268 = arith.constant 2 : i32
    %swap3A_269 = arith.index_cast %swap3A_268 : i32 to index
    %swap3A_270 = arith.constant 16 : index
    %swap3A_271 = tpu.vector_load %arg13[%swap3A_269, %swap3A_270] {strides = array<i32>} : memref<5x128xi32, #tpu.memory_space<vmem>>, vector<1x16xi32>,
    %swap3A_272 = vector.shape_cast %swap3A_271 : vector<1x16xi32> to vector<16xi32>
    %swap3A_273 = vector.shape_cast %add3A_267 : vector<16xi32> to vector<1x16xi32>
    tpu.vector_store %arg13[%swap3A_269, %swap3A_270], %swap3A_273 {strides = array<i32>} : memref<5x128xi32, #tpu.memory_space<vmem>>, vector<1x16xi32>,
    %mul3A_274 = arith.constant 640 : i32
    %mul3A_275 = arith.muli %arg1, %mul3A_274 : i32
    %add3A_276 = arith.constant 256 : i32
    %add3A_277 = arith.addi %mul3A_275, %add3A_276 : i32
    %add3A_278 = arith.constant 32 : i32
    %add3A_279 = arith.addi %add3A_277, %add3A_278 : i32
    %add3A_280 = vector.broadcast %add3A_279 : i32 to vector<16xi32>
    %add3A_281 = arith.addi %iota3A, %add3A_280 : vector<16xi32>
    %swap3A_282 = arith.constant 2 : i32
    %swap3A_283 = arith.index_cast %swap3A_282 : i32 to index
    %swap3A_284 = arith.constant 32 : index
    %swap3A_285 = tpu.vector_load %arg13[%swap3A_283, %swap3A_284] {strides = array<i32>} : memref<5x128xi32, #tpu.memory_space<vmem>>, vector<1x16xi32>,
    %swap3A_286 = vector.shape_cast %swap3A_285 : vector<1x16xi32> to vector<16xi32>
    %swap3A_287 = vector.shape_cast %add3A_281 : vector<16xi32> to vector<1x16xi32>
    tpu.vector_store %arg13[%swap3A_283, %swap3A_284], %swap3A_287 {strides = array<i32>} : memref<5x128xi32, #tpu.memory_space<vmem>>, vector<1x16xi32>,
    %mul3A_288 = arith.constant 640 : i32
    %mul3A_289 = arith.muli %arg1, %mul3A_288 : i32
    %add3A_290 = arith.constant 256 : i32
    %add3A_291 = arith.addi %mul3A_289, %add3A_290 : i32
    %add3A_292 = arith.constant 48 : i32
    %add3A_293 = arith.addi %add3A_291, %add3A_292 : i32
    %add3A_294 = vector.broadcast %add3A_293 : i32 to vector<16xi32>
    %add3A_295 = arith.addi %iota3A, %add3A_294 : vector<16xi32>
    %swap3A_296 = arith.constant 2 : i32
    %swap3A_297 = arith.index_cast %swap3A_296 : i32 to index
    %swap3A_298 = arith.constant 48 : index
    %swap3A_299 = tpu.vector_load %arg13[%swap3A_297, %swap3A_298] {strides = array<i32>} : memref<5x128xi32, #tpu.memory_space<vmem>>, vector<1x16xi32>,
    %swap3A_300 = vector.shape_cast %swap3A_299 : vector<1x16xi32> to vector<16xi32>
    %swap3A_301 = vector.shape_cast %add3A_295 : vector<16xi32> to vector<1x16xi32>
    tpu.vector_store %arg13[%swap3A_297, %swap3A_298], %swap3A_301 {strides = array<i32>} : memref<5x128xi32, #tpu.memory_space<vmem>>, vector<1x16xi32>,
    %mul3A_302 = arith.constant 640 : i32
    %mul3A_303 = arith.muli %arg1, %mul3A_302 : i32
    %add3A_304 = arith.constant 256 : i32
    %add3A_305 = arith.addi %mul3A_303, %add3A_304 : i32
    %add3A_306 = arith.constant 64 : i32
    %add3A_307 = arith.addi %add3A_305, %add3A_306 : i32
    %add3A_308 = vector.broadcast %add3A_307 : i32 to vector<16xi32>
    %add3A_309 = arith.addi %iota3A, %add3A_308 : vector<16xi32>
    %swap3A_310 = arith.constant 2 : i32
    %swap3A_311 = arith.index_cast %swap3A_310 : i32 to index
    %swap3A_312 = arith.constant 64 : index
    %swap3A_313 = tpu.vector_load %arg13[%swap3A_311, %swap3A_312] {strides = array<i32>} : memref<5x128xi32, #tpu.memory_space<vmem>>, vector<1x16xi32>,
    %swap3A_314 = vector.shape_cast %swap3A_313 : vector<1x16xi32> to vector<16xi32>
    %swap3A_315 = vector.shape_cast %add3A_309 : vector<16xi32> to vector<1x16xi32>
    tpu.vector_store %arg13[%swap3A_311, %swap3A_312], %swap3A_315 {strides = array<i32>} : memref<5x128xi32, #tpu.memory_space<vmem>>, vector<1x16xi32>,
    %mul3A_316 = arith.constant 640 : i32
    %mul3A_317 = arith.muli %arg1, %mul3A_316 : i32
    %add3A_318 = arith.constant 256 : i32
    %add3A_319 = arith.addi %mul3A_317, %add3A_318 : i32
    %add3A_320 = arith.constant 80 : i32
    %add3A_321 = arith.addi %add3A_319, %add3A_320 : i32
    %add3A_322 = vector.broadcast %add3A_321 : i32 to vector<16xi32>
    %add3A_323 = arith.addi %iota3A, %add3A_322 : vector<16xi32>
    %swap3A_324 = arith.constant 2 : i32
    %swap3A_325 = arith.index_cast %swap3A_324 : i32 to index
    %swap3A_326 = arith.constant 80 : index
    %swap3A_327 = tpu.vector_load %arg13[%swap3A_325, %swap3A_326] {strides = array<i32>} : memref<5x128xi32, #tpu.memory_space<vmem>>, vector<1x16xi32>,
    %swap3A_328 = vector.shape_cast %swap3A_327 : vector<1x16xi32> to vector<16xi32>
    %swap3A_329 = vector.shape_cast %add3A_323 : vector<16xi32> to vector<1x16xi32>
    tpu.vector_store %arg13[%swap3A_325, %swap3A_326], %swap3A_329 {strides = array<i32>} : memref<5x128xi32, #tpu.memory_space<vmem>>, vector<1x16xi32>,
    %mul3A_330 = arith.constant 640 : i32
    %mul3A_331 = arith.muli %arg1, %mul3A_330 : i32
    %add3A_332 = arith.constant 256 : i32
    %add3A_333 = arith.addi %mul3A_331, %add3A_332 : i32
    %add3A_334 = arith.constant 96 : i32
    %add3A_335 = arith.addi %add3A_333, %add3A_334 : i32
    %add3A_336 = vector.broadcast %add3A_335 : i32 to vector<16xi32>
    %add3A_337 = arith.addi %iota3A, %add3A_336 : vector<16xi32>
    %swap3A_338 = arith.constant 2 : i32
    %swap3A_339 = arith.index_cast %swap3A_338 : i32 to index
    %swap3A_340 = arith.constant 96 : index
    %swap3A_341 = tpu.vector_load %arg13[%swap3A_339, %swap3A_340] {strides = array<i32>} : memref<5x128xi32, #tpu.memory_space<vmem>>, vector<1x16xi32>,
    %swap3A_342 = vector.shape_cast %swap3A_341 : vector<1x16xi32> to vector<16xi32>
    %swap3A_343 = vector.shape_cast %add3A_337 : vector<16xi32> to vector<1x16xi32>
    tpu.vector_store %arg13[%swap3A_339, %swap3A_340], %swap3A_343 {strides = array<i32>} : memref<5x128xi32, #tpu.memory_space<vmem>>, vector<1x16xi32>,
    %mul3A_344 = arith.constant 640 : i32
    %mul3A_345 = arith.muli %arg1, %mul3A_344 : i32
    %add3A_346 = arith.constant 256 : i32
    %add3A_347 = arith.addi %mul3A_345, %add3A_346 : i32
    %add3A_348 = arith.constant 112 : i32
    %add3A_349 = arith.addi %add3A_347, %add3A_348 : i32
    %add3A_350 = vector.broadcast %add3A_349 : i32 to vector<16xi32>
    %add3A_351 = arith.addi %iota3A, %add3A_350 : vector<16xi32>
    %swap3A_352 = arith.constant 2 : i32
    %swap3A_353 = arith.index_cast %swap3A_352 : i32 to index
    %swap3A_354 = arith.constant 112 : index
    %swap3A_355 = tpu.vector_load %arg13[%swap3A_353, %swap3A_354] {strides = array<i32>} : memref<5x128xi32, #tpu.memory_space<vmem>>, vector<1x16xi32>,
    %swap3A_356 = vector.shape_cast %swap3A_355 : vector<1x16xi32> to vector<16xi32>
    %swap3A_357 = vector.shape_cast %add3A_351 : vector<16xi32> to vector<1x16xi32>
    tpu.vector_store %arg13[%swap3A_353, %swap3A_354], %swap3A_357 {strides = array<i32>} : memref<5x128xi32, #tpu.memory_space<vmem>>, vector<1x16xi32>,
    %mul3A_358 = arith.constant 640 : i32
    %mul3A_359 = arith.muli %arg1, %mul3A_358 : i32
    %add3A_360 = arith.constant 384 : i32
    %add3A_361 = arith.addi %mul3A_359, %add3A_360 : i32
    %add3A_362 = arith.constant 0 : i32
    %add3A_363 = arith.addi %add3A_361, %add3A_362 : i32
    %add3A_364 = vector.broadcast %add3A_363 : i32 to vector<16xi32>
    %add3A_365 = arith.addi %iota3A, %add3A_364 : vector<16xi32>
    %swap3A_366 = arith.constant 3 : i32
    %swap3A_367 = arith.index_cast %swap3A_366 : i32 to index
    %swap3A_368 = arith.constant 0 : index
    %swap3A_369 = tpu.vector_load %arg13[%swap3A_367, %swap3A_368] {strides = array<i32>} : memref<5x128xi32, #tpu.memory_space<vmem>>, vector<1x16xi32>,
    %swap3A_370 = vector.shape_cast %swap3A_369 : vector<1x16xi32> to vector<16xi32>
    %swap3A_371 = vector.shape_cast %add3A_365 : vector<16xi32> to vector<1x16xi32>
    tpu.vector_store %arg13[%swap3A_367, %swap3A_368], %swap3A_371 {strides = array<i32>} : memref<5x128xi32, #tpu.memory_space<vmem>>, vector<1x16xi32>,
    %mul3A_372 = arith.constant 640 : i32
    %mul3A_373 = arith.muli %arg1, %mul3A_372 : i32
    %add3A_374 = arith.constant 384 : i32
    %add3A_375 = arith.addi %mul3A_373, %add3A_374 : i32
    %add3A_376 = arith.constant 16 : i32
    %add3A_377 = arith.addi %add3A_375, %add3A_376 : i32
    %add3A_378 = vector.broadcast %add3A_377 : i32 to vector<16xi32>
    %add3A_379 = arith.addi %iota3A, %add3A_378 : vector<16xi32>
    %swap3A_380 = arith.constant 3 : i32
    %swap3A_381 = arith.index_cast %swap3A_380 : i32 to index
    %swap3A_382 = arith.constant 16 : index
    %swap3A_383 = tpu.vector_load %arg13[%swap3A_381, %swap3A_382] {strides = array<i32>} : memref<5x128xi32, #tpu.memory_space<vmem>>, vector<1x16xi32>,
    %swap3A_384 = vector.shape_cast %swap3A_383 : vector<1x16xi32> to vector<16xi32>
    %swap3A_385 = vector.shape_cast %add3A_379 : vector<16xi32> to vector<1x16xi32>
    tpu.vector_store %arg13[%swap3A_381, %swap3A_382], %swap3A_385 {strides = array<i32>} : memref<5x128xi32, #tpu.memory_space<vmem>>, vector<1x16xi32>,
    %mul3A_386 = arith.constant 640 : i32
    %mul3A_387 = arith.muli %arg1, %mul3A_386 : i32
    %add3A_388 = arith.constant 384 : i32
    %add3A_389 = arith.addi %mul3A_387, %add3A_388 : i32
    %add3A_390 = arith.constant 32 : i32
    %add3A_391 = arith.addi %add3A_389, %add3A_390 : i32
    %add3A_392 = vector.broadcast %add3A_391 : i32 to vector<16xi32>
    %add3A_393 = arith.addi %iota3A, %add3A_392 : vector<16xi32>
    %swap3A_394 = arith.constant 3 : i32
    %swap3A_395 = arith.index_cast %swap3A_394 : i32 to index
    %swap3A_396 = arith.constant 32 : index
    %swap3A_397 = tpu.vector_load %arg13[%swap3A_395, %swap3A_396] {strides = array<i32>} : memref<5x128xi32, #tpu.memory_space<vmem>>, vector<1x16xi32>,
    %swap3A_398 = vector.shape_cast %swap3A_397 : vector<1x16xi32> to vector<16xi32>
    %swap3A_399 = vector.shape_cast %add3A_393 : vector<16xi32> to vector<1x16xi32>
    tpu.vector_store %arg13[%swap3A_395, %swap3A_396], %swap3A_399 {strides = array<i32>} : memref<5x128xi32, #tpu.memory_space<vmem>>, vector<1x16xi32>,
    %mul3A_400 = arith.constant 640 : i32
    %mul3A_401 = arith.muli %arg1, %mul3A_400 : i32
    %add3A_402 = arith.constant 384 : i32
    %add3A_403 = arith.addi %mul3A_401, %add3A_402 : i32
    %add3A_404 = arith.constant 48 : i32
    %add3A_405 = arith.addi %add3A_403, %add3A_404 : i32
    %add3A_406 = vector.broadcast %add3A_405 : i32 to vector<16xi32>
    %add3A_407 = arith.addi %iota3A, %add3A_406 : vector<16xi32>
    %swap3A_408 = arith.constant 3 : i32
    %swap3A_409 = arith.index_cast %swap3A_408 : i32 to index
    %swap3A_410 = arith.constant 48 : index
    %swap3A_411 = tpu.vector_load %arg13[%swap3A_409, %swap3A_410] {strides = array<i32>} : memref<5x128xi32, #tpu.memory_space<vmem>>, vector<1x16xi32>,
    %swap3A_412 = vector.shape_cast %swap3A_411 : vector<1x16xi32> to vector<16xi32>
    %swap3A_413 = vector.shape_cast %add3A_407 : vector<16xi32> to vector<1x16xi32>
    tpu.vector_store %arg13[%swap3A_409, %swap3A_410], %swap3A_413 {strides = array<i32>} : memref<5x128xi32, #tpu.memory_space<vmem>>, vector<1x16xi32>,
    %mul3A_414 = arith.constant 640 : i32
    %mul3A_415 = arith.muli %arg1, %mul3A_414 : i32
    %add3A_416 = arith.constant 384 : i32
    %add3A_417 = arith.addi %mul3A_415, %add3A_416 : i32
    %add3A_418 = arith.constant 64 : i32
    %add3A_419 = arith.addi %add3A_417, %add3A_418 : i32
    %add3A_420 = vector.broadcast %add3A_419 : i32 to vector<16xi32>
    %add3A_421 = arith.addi %iota3A, %add3A_420 : vector<16xi32>
    %swap3A_422 = arith.constant 3 : i32
    %swap3A_423 = arith.index_cast %swap3A_422 : i32 to index
    %swap3A_424 = arith.constant 64 : index
    %swap3A_425 = tpu.vector_load %arg13[%swap3A_423, %swap3A_424] {strides = array<i32>} : memref<5x128xi32, #tpu.memory_space<vmem>>, vector<1x16xi32>,
    %swap3A_426 = vector.shape_cast %swap3A_425 : vector<1x16xi32> to vector<16xi32>
    %swap3A_427 = vector.shape_cast %add3A_421 : vector<16xi32> to vector<1x16xi32>
    tpu.vector_store %arg13[%swap3A_423, %swap3A_424], %swap3A_427 {strides = array<i32>} : memref<5x128xi32, #tpu.memory_space<vmem>>, vector<1x16xi32>,
    %mul3A_428 = arith.constant 640 : i32
    %mul3A_429 = arith.muli %arg1, %mul3A_428 : i32
    %add3A_430 = arith.constant 384 : i32
    %add3A_431 = arith.addi %mul3A_429, %add3A_430 : i32
    %add3A_432 = arith.constant 80 : i32
    %add3A_433 = arith.addi %add3A_431, %add3A_432 : i32
    %add3A_434 = vector.broadcast %add3A_433 : i32 to vector<16xi32>
    %add3A_435 = arith.addi %iota3A, %add3A_434 : vector<16xi32>
    %swap3A_436 = arith.constant 3 : i32
    %swap3A_437 = arith.index_cast %swap3A_436 : i32 to index
    %swap3A_438 = arith.constant 80 : index
    %swap3A_439 = tpu.vector_load %arg13[%swap3A_437, %swap3A_438] {strides = array<i32>} : memref<5x128xi32, #tpu.memory_space<vmem>>, vector<1x16xi32>,
    %swap3A_440 = vector.shape_cast %swap3A_439 : vector<1x16xi32> to vector<16xi32>
    %swap3A_441 = vector.shape_cast %add3A_435 : vector<16xi32> to vector<1x16xi32>
    tpu.vector_store %arg13[%swap3A_437, %swap3A_438], %swap3A_441 {strides = array<i32>} : memref<5x128xi32, #tpu.memory_space<vmem>>, vector<1x16xi32>,
    %mul3A_442 = arith.constant 640 : i32
    %mul3A_443 = arith.muli %arg1, %mul3A_442 : i32
    %add3A_444 = arith.constant 384 : i32
    %add3A_445 = arith.addi %mul3A_443, %add3A_444 : i32
    %add3A_446 = arith.constant 96 : i32
    %add3A_447 = arith.addi %add3A_445, %add3A_446 : i32
    %add3A_448 = vector.broadcast %add3A_447 : i32 to vector<16xi32>
    %add3A_449 = arith.addi %iota3A, %add3A_448 : vector<16xi32>
    %swap3A_450 = arith.constant 3 : i32
    %swap3A_451 = arith.index_cast %swap3A_450 : i32 to index
    %swap3A_452 = arith.constant 96 : index
    %swap3A_453 = tpu.vector_load %arg13[%swap3A_451, %swap3A_452] {strides = array<i32>} : memref<5x128xi32, #tpu.memory_space<vmem>>, vector<1x16xi32>,
    %swap3A_454 = vector.shape_cast %swap3A_453 : vector<1x16xi32> to vector<16xi32>
    %swap3A_455 = vector.shape_cast %add3A_449 : vector<16xi32> to vector<1x16xi32>
    tpu.vector_store %arg13[%swap3A_451, %swap3A_452], %swap3A_455 {strides = array<i32>} : memref<5x128xi32, #tpu.memory_space<vmem>>, vector<1x16xi32>,
    %mul3A_456 = arith.constant 640 : i32
    %mul3A_457 = arith.muli %arg1, %mul3A_456 : i32
    %add3A_458 = arith.constant 384 : i32
    %add3A_459 = arith.addi %mul3A_457, %add3A_458 : i32
    %add3A_460 = arith.constant 112 : i32
    %add3A_461 = arith.addi %add3A_459, %add3A_460 : i32
    %add3A_462 = vector.broadcast %add3A_461 : i32 to vector<16xi32>
    %add3A_463 = arith.addi %iota3A, %add3A_462 : vector<16xi32>
    %swap3A_464 = arith.constant 3 : i32
    %swap3A_465 = arith.index_cast %swap3A_464 : i32 to index
    %swap3A_466 = arith.constant 112 : index
    %swap3A_467 = tpu.vector_load %arg13[%swap3A_465, %swap3A_466] {strides = array<i32>} : memref<5x128xi32, #tpu.memory_space<vmem>>, vector<1x16xi32>,
    %swap3A_468 = vector.shape_cast %swap3A_467 : vector<1x16xi32> to vector<16xi32>
    %swap3A_469 = vector.shape_cast %add3A_463 : vector<16xi32> to vector<1x16xi32>
    tpu.vector_store %arg13[%swap3A_465, %swap3A_466], %swap3A_469 {strides = array<i32>} : memref<5x128xi32, #tpu.memory_space<vmem>>, vector<1x16xi32>,
    %mul3A_470 = arith.constant 640 : i32
    %mul3A_471 = arith.muli %arg1, %mul3A_470 : i32
    %add3A_472 = arith.constant 512 : i32
    %add3A_473 = arith.addi %mul3A_471, %add3A_472 : i32
    %add3A_474 = arith.constant 0 : i32
    %add3A_475 = arith.addi %add3A_473, %add3A_474 : i32
    %add3A_476 = vector.broadcast %add3A_475 : i32 to vector<16xi32>
    %add3A_477 = arith.addi %iota3A, %add3A_476 : vector<16xi32>
    %swap3A_478 = arith.constant 4 : i32
    %swap3A_479 = arith.index_cast %swap3A_478 : i32 to index
    %swap3A_480 = arith.constant 0 : index
    %swap3A_481 = tpu.vector_load %arg13[%swap3A_479, %swap3A_480] {strides = array<i32>} : memref<5x128xi32, #tpu.memory_space<vmem>>, vector<1x16xi32>,
    %swap3A_482 = vector.shape_cast %swap3A_481 : vector<1x16xi32> to vector<16xi32>
    %swap3A_483 = vector.shape_cast %add3A_477 : vector<16xi32> to vector<1x16xi32>
    tpu.vector_store %arg13[%swap3A_479, %swap3A_480], %swap3A_483 {strides = array<i32>} : memref<5x128xi32, #tpu.memory_space<vmem>>, vector<1x16xi32>,
    %mul3A_484 = arith.constant 640 : i32
    %mul3A_485 = arith.muli %arg1, %mul3A_484 : i32
    %add3A_486 = arith.constant 512 : i32
    %add3A_487 = arith.addi %mul3A_485, %add3A_486 : i32
    %add3A_488 = arith.constant 16 : i32
    %add3A_489 = arith.addi %add3A_487, %add3A_488 : i32
    %add3A_490 = vector.broadcast %add3A_489 : i32 to vector<16xi32>
    %add3A_491 = arith.addi %iota3A, %add3A_490 : vector<16xi32>
    %swap3A_492 = arith.constant 4 : i32
    %swap3A_493 = arith.index_cast %swap3A_492 : i32 to index
    %swap3A_494 = arith.constant 16 : index
    %swap3A_495 = tpu.vector_load %arg13[%swap3A_493, %swap3A_494] {strides = array<i32>} : memref<5x128xi32, #tpu.memory_space<vmem>>, vector<1x16xi32>,
    %swap3A_496 = vector.shape_cast %swap3A_495 : vector<1x16xi32> to vector<16xi32>
    %swap3A_497 = vector.shape_cast %add3A_491 : vector<16xi32> to vector<1x16xi32>
    tpu.vector_store %arg13[%swap3A_493, %swap3A_494], %swap3A_497 {strides = array<i32>} : memref<5x128xi32, #tpu.memory_space<vmem>>, vector<1x16xi32>,
    %mul3A_498 = arith.constant 640 : i32
    %mul3A_499 = arith.muli %arg1, %mul3A_498 : i32
    %add3A_500 = arith.constant 512 : i32
    %add3A_501 = arith.addi %mul3A_499, %add3A_500 : i32
    %add3A_502 = arith.constant 32 : i32
    %add3A_503 = arith.addi %add3A_501, %add3A_502 : i32
    %add3A_504 = vector.broadcast %add3A_503 : i32 to vector<16xi32>
    %add3A_505 = arith.addi %iota3A, %add3A_504 : vector<16xi32>
    %swap3A_506 = arith.constant 4 : i32
    %swap3A_507 = arith.index_cast %swap3A_506 : i32 to index
    %swap3A_508 = arith.constant 32 : index
    %swap3A_509 = tpu.vector_load %arg13[%swap3A_507, %swap3A_508] {strides = array<i32>} : memref<5x128xi32, #tpu.memory_space<vmem>>, vector<1x16xi32>,
    %swap3A_510 = vector.shape_cast %swap3A_509 : vector<1x16xi32> to vector<16xi32>
    %swap3A_511 = vector.shape_cast %add3A_505 : vector<16xi32> to vector<1x16xi32>
    tpu.vector_store %arg13[%swap3A_507, %swap3A_508], %swap3A_511 {strides = array<i32>} : memref<5x128xi32, #tpu.memory_space<vmem>>, vector<1x16xi32>,
    %mul3A_512 = arith.constant 640 : i32
    %mul3A_513 = arith.muli %arg1, %mul3A_512 : i32
    %add3A_514 = arith.constant 512 : i32
    %add3A_515 = arith.addi %mul3A_513, %add3A_514 : i32
    %add3A_516 = arith.constant 48 : i32
    %add3A_517 = arith.addi %add3A_515, %add3A_516 : i32
    %add3A_518 = vector.broadcast %add3A_517 : i32 to vector<16xi32>
    %add3A_519 = arith.addi %iota3A, %add3A_518 : vector<16xi32>
    %swap3A_520 = arith.constant 4 : i32
    %swap3A_521 = arith.index_cast %swap3A_520 : i32 to index
    %swap3A_522 = arith.constant 48 : index
    %swap3A_523 = tpu.vector_load %arg13[%swap3A_521, %swap3A_522] {strides = array<i32>} : memref<5x128xi32, #tpu.memory_space<vmem>>, vector<1x16xi32>,
    %swap3A_524 = vector.shape_cast %swap3A_523 : vector<1x16xi32> to vector<16xi32>
    %swap3A_525 = vector.shape_cast %add3A_519 : vector<16xi32> to vector<1x16xi32>
    tpu.vector_store %arg13[%swap3A_521, %swap3A_522], %swap3A_525 {strides = array<i32>} : memref<5x128xi32, #tpu.memory_space<vmem>>, vector<1x16xi32>,
    %mul3A_526 = arith.constant 640 : i32
    %mul3A_527 = arith.muli %arg1, %mul3A_526 : i32
    %add3A_528 = arith.constant 512 : i32
    %add3A_529 = arith.addi %mul3A_527, %add3A_528 : i32
    %add3A_530 = arith.constant 64 : i32
    %add3A_531 = arith.addi %add3A_529, %add3A_530 : i32
    %add3A_532 = vector.broadcast %add3A_531 : i32 to vector<16xi32>
    %add3A_533 = arith.addi %iota3A, %add3A_532 : vector<16xi32>
    %swap3A_534 = arith.constant 4 : i32
    %swap3A_535 = arith.index_cast %swap3A_534 : i32 to index
    %swap3A_536 = arith.constant 64 : index
    %swap3A_537 = tpu.vector_load %arg13[%swap3A_535, %swap3A_536] {strides = array<i32>} : memref<5x128xi32, #tpu.memory_space<vmem>>, vector<1x16xi32>,
    %swap3A_538 = vector.shape_cast %swap3A_537 : vector<1x16xi32> to vector<16xi32>
    %swap3A_539 = vector.shape_cast %add3A_533 : vector<16xi32> to vector<1x16xi32>
    tpu.vector_store %arg13[%swap3A_535, %swap3A_536], %swap3A_539 {strides = array<i32>} : memref<5x128xi32, #tpu.memory_space<vmem>>, vector<1x16xi32>,
    %mul3A_540 = arith.constant 640 : i32
    %mul3A_541 = arith.muli %arg1, %mul3A_540 : i32
    %add3A_542 = arith.constant 512 : i32
    %add3A_543 = arith.addi %mul3A_541, %add3A_542 : i32
    %add3A_544 = arith.constant 80 : i32
    %add3A_545 = arith.addi %add3A_543, %add3A_544 : i32
    %add3A_546 = vector.broadcast %add3A_545 : i32 to vector<16xi32>
    %add3A_547 = arith.addi %iota3A, %add3A_546 : vector<16xi32>
    %swap3A_548 = arith.constant 4 : i32
    %swap3A_549 = arith.index_cast %swap3A_548 : i32 to index
    %swap3A_550 = arith.constant 80 : index
    %swap3A_551 = tpu.vector_load %arg13[%swap3A_549, %swap3A_550] {strides = array<i32>} : memref<5x128xi32, #tpu.memory_space<vmem>>, vector<1x16xi32>,
    %swap3A_552 = vector.shape_cast %swap3A_551 : vector<1x16xi32> to vector<16xi32>
    %swap3A_553 = vector.shape_cast %add3A_547 : vector<16xi32> to vector<1x16xi32>
    tpu.vector_store %arg13[%swap3A_549, %swap3A_550], %swap3A_553 {strides = array<i32>} : memref<5x128xi32, #tpu.memory_space<vmem>>, vector<1x16xi32>,
    %mul3A_554 = arith.constant 640 : i32
    %mul3A_555 = arith.muli %arg1, %mul3A_554 : i32
    %add3A_556 = arith.constant 512 : i32
    %add3A_557 = arith.addi %mul3A_555, %add3A_556 : i32
    %add3A_558 = arith.constant 96 : i32
    %add3A_559 = arith.addi %add3A_557, %add3A_558 : i32
    %add3A_560 = vector.broadcast %add3A_559 : i32 to vector<16xi32>
    %add3A_561 = arith.addi %iota3A, %add3A_560 : vector<16xi32>
    %swap3A_562 = arith.constant 4 : i32
    %swap3A_563 = arith.index_cast %swap3A_562 : i32 to index
    %swap3A_564 = arith.constant 96 : index
    %swap3A_565 = tpu.vector_load %arg13[%swap3A_563, %swap3A_564] {strides = array<i32>} : memref<5x128xi32, #tpu.memory_space<vmem>>, vector<1x16xi32>,
    %swap3A_566 = vector.shape_cast %swap3A_565 : vector<1x16xi32> to vector<16xi32>
    %swap3A_567 = vector.shape_cast %add3A_561 : vector<16xi32> to vector<1x16xi32>
    tpu.vector_store %arg13[%swap3A_563, %swap3A_564], %swap3A_567 {strides = array<i32>} : memref<5x128xi32, #tpu.memory_space<vmem>>, vector<1x16xi32>,
    %mul3A_568 = arith.constant 640 : i32
    %mul3A_569 = arith.muli %arg1, %mul3A_568 : i32
    %add3A_570 = arith.constant 512 : i32
    %add3A_571 = arith.addi %mul3A_569, %add3A_570 : i32
    %add3A_572 = arith.constant 112 : i32
    %add3A_573 = arith.addi %add3A_571, %add3A_572 : i32
    %add3A_574 = vector.broadcast %add3A_573 : i32 to vector<16xi32>
    %add3A_575 = arith.addi %iota3A, %add3A_574 : vector<16xi32>
    %swap3A_576 = arith.constant 4 : i32
    %swap3A_577 = arith.index_cast %swap3A_576 : i32 to index
    %swap3A_578 = arith.constant 112 : index
    %swap3A_579 = tpu.vector_load %arg13[%swap3A_577, %swap3A_578] {strides = array<i32>} : memref<5x128xi32, #tpu.memory_space<vmem>>, vector<1x16xi32>,
    %swap3A_580 = vector.shape_cast %swap3A_579 : vector<1x16xi32> to vector<16xi32>
    %swap3A_581 = vector.shape_cast %add3A_575 : vector<16xi32> to vector<1x16xi32>
    tpu.vector_store %arg13[%swap3A_577, %swap3A_578], %swap3A_581 {strides = array<i32>} : memref<5x128xi32, #tpu.memory_space<vmem>>, vector<1x16xi32>,
    %dma_start3A_582 = arith.constant 0 : i32
    %dma_start3A_583 = arith.constant 0 : i32
    %dma_start3A_584 = arith.constant 0 : i32
    %dma_start3A_585 = tpu.memref_slice %arg13[%dma_start3A_582, %dma_start3A_584] : memref<5x128xi32, #tpu.memory_space<vmem>> -> memref<1x128xi32, #tpu.memory_space<vmem>>
    %dma_start3A_586 = tpu.memref_squeeze %dma_start3A_585 : memref<1x128xi32, #tpu.memory_space<vmem>> -> memref<128xi32, #tpu.memory_space<vmem>>
    %dma_start3A_587 = arith.constant 0 : i32
    %dma_start3A_588 = tpu.memref_slice %arg12[%dma_start3A_583, %dma_start3A_587] : memref<5x128xi32, #tpu.memory_space<vmem>> -> memref<1x128xi32, #tpu.memory_space<vmem>>
    %dma_start3A_589 = tpu.memref_squeeze %dma_start3A_588 : memref<1x128xi32, #tpu.memory_space<vmem>> -> memref<128xi32, #tpu.memory_space<vmem>>
    %dma_start3A_590 = arith.constant 0 : i32
    %dma_start3A_591 = tpu.memref_slice %arg20[%dma_start3A_590] : memref<262272xi32, #tpu.memory_space<vmem_shared>> -> memref<262272xi32, #tpu.memory_space<vmem_shared>>
    tpu.enqueue_indirect_dma source(%dma_start3A_586 : memref<128xi32, #tpu.memory_space<vmem>>) target(%dma_start3A_591 : memref<262272xi32, #tpu.memory_space<vmem_shared>>) offsets(%dma_start3A_589 : memref<128xi32, #tpu.memory_space<vmem>>) semaphore(%arg22 : memref<!tpu.dma_semaphore, #tpu.memory_space<semaphore_mem>>)
    %dma_start3A_592 = arith.constant 1 : i32
    %dma_start3A_593 = arith.constant 1 : i32
    %dma_start3A_594 = arith.constant 0 : i32
    %dma_start3A_595 = tpu.memref_slice %arg13[%dma_start3A_592, %dma_start3A_594] : memref<5x128xi32, #tpu.memory_space<vmem>> -> memref<1x128xi32, #tpu.memory_space<vmem>>
    %dma_start3A_596 = tpu.memref_squeeze %dma_start3A_595 : memref<1x128xi32, #tpu.memory_space<vmem>> -> memref<128xi32, #tpu.memory_space<vmem>>
    %dma_start3A_597 = arith.constant 0 : i32
    %dma_start3A_598 = tpu.memref_slice %arg12[%dma_start3A_593, %dma_start3A_597] : memref<5x128xi32, #tpu.memory_space<vmem>> -> memref<1x128xi32, #tpu.memory_space<vmem>>
    %dma_start3A_599 = tpu.memref_squeeze %dma_start3A_598 : memref<1x128xi32, #tpu.memory_space<vmem>> -> memref<128xi32, #tpu.memory_space<vmem>>
    %dma_start3A_600 = arith.constant 0 : i32
    %dma_start3A_601 = tpu.memref_slice %arg20[%dma_start3A_600] : memref<262272xi32, #tpu.memory_space<vmem_shared>> -> memref<262272xi32, #tpu.memory_space<vmem_shared>>
    tpu.enqueue_indirect_dma source(%dma_start3A_596 : memref<128xi32, #tpu.memory_space<vmem>>) target(%dma_start3A_601 : memref<262272xi32, #tpu.memory_space<vmem_shared>>) offsets(%dma_start3A_599 : memref<128xi32, #tpu.memory_space<vmem>>) semaphore(%arg22 : memref<!tpu.dma_semaphore, #tpu.memory_space<semaphore_mem>>)
    %dma_start3A_602 = arith.constant 2 : i32
    %dma_start3A_603 = arith.constant 2 : i32
    %dma_start3A_604 = arith.constant 0 : i32
    %dma_start3A_605 = tpu.memref_slice %arg13[%dma_start3A_602, %dma_start3A_604] : memref<5x128xi32, #tpu.memory_space<vmem>> -> memref<1x128xi32, #tpu.memory_space<vmem>>
    %dma_start3A_606 = tpu.memref_squeeze %dma_start3A_605 : memref<1x128xi32, #tpu.memory_space<vmem>> -> memref<128xi32, #tpu.memory_space<vmem>>
    %dma_start3A_607 = arith.constant 0 : i32
    %dma_start3A_608 = tpu.memref_slice %arg12[%dma_start3A_603, %dma_start3A_607] : memref<5x128xi32, #tpu.memory_space<vmem>> -> memref<1x128xi32, #tpu.memory_space<vmem>>
    %dma_start3A_609 = tpu.memref_squeeze %dma_start3A_608 : memref<1x128xi32, #tpu.memory_space<vmem>> -> memref<128xi32, #tpu.memory_space<vmem>>
    %dma_start3A_610 = arith.constant 0 : i32
    %dma_start3A_611 = tpu.memref_slice %arg20[%dma_start3A_610] : memref<262272xi32, #tpu.memory_space<vmem_shared>> -> memref<262272xi32, #tpu.memory_space<vmem_shared>>
    tpu.enqueue_indirect_dma source(%dma_start3A_606 : memref<128xi32, #tpu.memory_space<vmem>>) target(%dma_start3A_611 : memref<262272xi32, #tpu.memory_space<vmem_shared>>) offsets(%dma_start3A_609 : memref<128xi32, #tpu.memory_space<vmem>>) semaphore(%arg22 : memref<!tpu.dma_semaphore, #tpu.memory_space<semaphore_mem>>)
    %dma_start3A_612 = arith.constant 3 : i32
    %dma_start3A_613 = arith.constant 3 : i32
    %dma_start3A_614 = arith.constant 0 : i32
    %dma_start3A_615 = tpu.memref_slice %arg13[%dma_start3A_612, %dma_start3A_614] : memref<5x128xi32, #tpu.memory_space<vmem>> -> memref<1x128xi32, #tpu.memory_space<vmem>>
    %dma_start3A_616 = tpu.memref_squeeze %dma_start3A_615 : memref<1x128xi32, #tpu.memory_space<vmem>> -> memref<128xi32, #tpu.memory_space<vmem>>
    %dma_start3A_617 = arith.constant 0 : i32
    %dma_start3A_618 = tpu.memref_slice %arg12[%dma_start3A_613, %dma_start3A_617] : memref<5x128xi32, #tpu.memory_space<vmem>> -> memref<1x128xi32, #tpu.memory_space<vmem>>
    %dma_start3A_619 = tpu.memref_squeeze %dma_start3A_618 : memref<1x128xi32, #tpu.memory_space<vmem>> -> memref<128xi32, #tpu.memory_space<vmem>>
    %dma_start3A_620 = arith.constant 0 : i32
    %dma_start3A_621 = tpu.memref_slice %arg20[%dma_start3A_620] : memref<262272xi32, #tpu.memory_space<vmem_shared>> -> memref<262272xi32, #tpu.memory_space<vmem_shared>>
    tpu.enqueue_indirect_dma source(%dma_start3A_616 : memref<128xi32, #tpu.memory_space<vmem>>) target(%dma_start3A_621 : memref<262272xi32, #tpu.memory_space<vmem_shared>>) offsets(%dma_start3A_619 : memref<128xi32, #tpu.memory_space<vmem>>) semaphore(%arg22 : memref<!tpu.dma_semaphore, #tpu.memory_space<semaphore_mem>>)
    %dma_start3A_622 = arith.constant 4 : i32
    %dma_start3A_623 = arith.constant 4 : i32
    %dma_start3A_624 = arith.constant 0 : i32
    %dma_start3A_625 = tpu.memref_slice %arg13[%dma_start3A_622, %dma_start3A_624] : memref<5x128xi32, #tpu.memory_space<vmem>> -> memref<1x128xi32, #tpu.memory_space<vmem>>
    %dma_start3A_626 = tpu.memref_squeeze %dma_start3A_625 : memref<1x128xi32, #tpu.memory_space<vmem>> -> memref<128xi32, #tpu.memory_space<vmem>>
    %dma_start3A_627 = arith.constant 0 : i32
    %dma_start3A_628 = tpu.memref_slice %arg12[%dma_start3A_623, %dma_start3A_627] : memref<5x128xi32, #tpu.memory_space<vmem>> -> memref<1x128xi32, #tpu.memory_space<vmem>>
    %dma_start3A_629 = tpu.memref_squeeze %dma_start3A_628 : memref<1x128xi32, #tpu.memory_space<vmem>> -> memref<128xi32, #tpu.memory_space<vmem>>
    %dma_start3A_630 = arith.constant 0 : i32
    %dma_start3A_631 = tpu.memref_slice %arg20[%dma_start3A_630] : memref<262272xi32, #tpu.memory_space<vmem_shared>> -> memref<262272xi32, #tpu.memory_space<vmem_shared>>
    tpu.enqueue_indirect_dma source(%dma_start3A_626 : memref<128xi32, #tpu.memory_space<vmem>>) target(%dma_start3A_631 : memref<262272xi32, #tpu.memory_space<vmem_shared>>) offsets(%dma_start3A_629 : memref<128xi32, #tpu.memory_space<vmem>>) semaphore(%arg22 : memref<!tpu.dma_semaphore, #tpu.memory_space<semaphore_mem>>)
    %dma_wait3A_632 = arith.constant 0 : i32
    %dma_wait3A_633 = arith.constant 0 : i32
    %dma_wait3A_634 = arith.constant 0 : i32
    %dma_wait3A_635 = tpu.memref_slice %arg13[%dma_wait3A_632, %dma_wait3A_634] : memref<5x128xi32, #tpu.memory_space<vmem>> -> memref<1x128xi32, #tpu.memory_space<vmem>>
    %dma_wait3A_636 = tpu.memref_squeeze %dma_wait3A_635 : memref<1x128xi32, #tpu.memory_space<vmem>> -> memref<128xi32, #tpu.memory_space<vmem>>
    %dma_wait3A_637 = arith.constant 0 : i32
    %dma_wait3A_638 = tpu.memref_slice %arg12[%dma_wait3A_633, %dma_wait3A_637] : memref<5x128xi32, #tpu.memory_space<vmem>> -> memref<1x128xi32, #tpu.memory_space<vmem>>
    %dma_wait3A_639 = tpu.memref_squeeze %dma_wait3A_638 : memref<1x128xi32, #tpu.memory_space<vmem>> -> memref<128xi32, #tpu.memory_space<vmem>>
    %dma_wait3A_640 = arith.constant 0 : i32
    %dma_wait3A_641 = tpu.memref_slice %arg20[%dma_wait3A_640] : memref<262272xi32, #tpu.memory_space<vmem_shared>> -> memref<262272xi32, #tpu.memory_space<vmem_shared>>
    tpu.wait_indirect_dma semaphore(%arg22 : memref<!tpu.dma_semaphore, #tpu.memory_space<semaphore_mem>>) src(%dma_wait3A_636 : memref<128xi32, #tpu.memory_space<vmem>>) dst(%dma_wait3A_641 : memref<262272xi32, #tpu.memory_space<vmem_shared>>)
    %dma_wait3A_642 = arith.constant 1 : i32
    %dma_wait3A_643 = arith.constant 1 : i32
    %dma_wait3A_644 = arith.constant 0 : i32
    %dma_wait3A_645 = tpu.memref_slice %arg13[%dma_wait3A_642, %dma_wait3A_644] : memref<5x128xi32, #tpu.memory_space<vmem>> -> memref<1x128xi32, #tpu.memory_space<vmem>>
    %dma_wait3A_646 = tpu.memref_squeeze %dma_wait3A_645 : memref<1x128xi32, #tpu.memory_space<vmem>> -> memref<128xi32, #tpu.memory_space<vmem>>
    %dma_wait3A_647 = arith.constant 0 : i32
    %dma_wait3A_648 = tpu.memref_slice %arg12[%dma_wait3A_643, %dma_wait3A_647] : memref<5x128xi32, #tpu.memory_space<vmem>> -> memref<1x128xi32, #tpu.memory_space<vmem>>
    %dma_wait3A_649 = tpu.memref_squeeze %dma_wait3A_648 : memref<1x128xi32, #tpu.memory_space<vmem>> -> memref<128xi32, #tpu.memory_space<vmem>>
    %dma_wait3A_650 = arith.constant 0 : i32
    %dma_wait3A_651 = tpu.memref_slice %arg20[%dma_wait3A_650] : memref<262272xi32, #tpu.memory_space<vmem_shared>> -> memref<262272xi32, #tpu.memory_space<vmem_shared>>
    tpu.wait_indirect_dma semaphore(%arg22 : memref<!tpu.dma_semaphore, #tpu.memory_space<semaphore_mem>>) src(%dma_wait3A_646 : memref<128xi32, #tpu.memory_space<vmem>>) dst(%dma_wait3A_651 : memref<262272xi32, #tpu.memory_space<vmem_shared>>)
    %dma_wait3A_652 = arith.constant 2 : i32
    %dma_wait3A_653 = arith.constant 2 : i32
    %dma_wait3A_654 = arith.constant 0 : i32
    %dma_wait3A_655 = tpu.memref_slice %arg13[%dma_wait3A_652, %dma_wait3A_654] : memref<5x128xi32, #tpu.memory_space<vmem>> -> memref<1x128xi32, #tpu.memory_space<vmem>>
    %dma_wait3A_656 = tpu.memref_squeeze %dma_wait3A_655 : memref<1x128xi32, #tpu.memory_space<vmem>> -> memref<128xi32, #tpu.memory_space<vmem>>
    %dma_wait3A_657 = arith.constant 0 : i32
    %dma_wait3A_658 = tpu.memref_slice %arg12[%dma_wait3A_653, %dma_wait3A_657] : memref<5x128xi32, #tpu.memory_space<vmem>> -> memref<1x128xi32, #tpu.memory_space<vmem>>
    %dma_wait3A_659 = tpu.memref_squeeze %dma_wait3A_658 : memref<1x128xi32, #tpu.memory_space<vmem>> -> memref<128xi32, #tpu.memory_space<vmem>>
    %dma_wait3A_660 = arith.constant 0 : i32
    %dma_wait3A_661 = tpu.memref_slice %arg20[%dma_wait3A_660] : memref<262272xi32, #tpu.memory_space<vmem_shared>> -> memref<262272xi32, #tpu.memory_space<vmem_shared>>
    tpu.wait_indirect_dma semaphore(%arg22 : memref<!tpu.dma_semaphore, #tpu.memory_space<semaphore_mem>>) src(%dma_wait3A_656 : memref<128xi32, #tpu.memory_space<vmem>>) dst(%dma_wait3A_661 : memref<262272xi32, #tpu.memory_space<vmem_shared>>)
    %dma_wait3A_662 = arith.constant 3 : i32
    %dma_wait3A_663 = arith.constant 3 : i32
    %dma_wait3A_664 = arith.constant 0 : i32
    %dma_wait3A_665 = tpu.memref_slice %arg13[%dma_wait3A_662, %dma_wait3A_664] : memref<5x128xi32, #tpu.memory_space<vmem>> -> memref<1x128xi32, #tpu.memory_space<vmem>>
    %dma_wait3A_666 = tpu.memref_squeeze %dma_wait3A_665 : memref<1x128xi32, #tpu.memory_space<vmem>> -> memref<128xi32, #tpu.memory_space<vmem>>
    %dma_wait3A_667 = arith.constant 0 : i32
    %dma_wait3A_668 = tpu.memref_slice %arg12[%dma_wait3A_663, %dma_wait3A_667] : memref<5x128xi32, #tpu.memory_space<vmem>> -> memref<1x128xi32, #tpu.memory_space<vmem>>
    %dma_wait3A_669 = tpu.memref_squeeze %dma_wait3A_668 : memref<1x128xi32, #tpu.memory_space<vmem>> -> memref<128xi32, #tpu.memory_space<vmem>>
    %dma_wait3A_670 = arith.constant 0 : i32
    %dma_wait3A_671 = tpu.memref_slice %arg20[%dma_wait3A_670] : memref<262272xi32, #tpu.memory_space<vmem_shared>> -> memref<262272xi32, #tpu.memory_space<vmem_shared>>
    tpu.wait_indirect_dma semaphore(%arg22 : memref<!tpu.dma_semaphore, #tpu.memory_space<semaphore_mem>>) src(%dma_wait3A_666 : memref<128xi32, #tpu.memory_space<vmem>>) dst(%dma_wait3A_671 : memref<262272xi32, #tpu.memory_space<vmem_shared>>)
    %dma_wait3A_672 = arith.constant 4 : i32
    %dma_wait3A_673 = arith.constant 4 : i32
    %dma_wait3A_674 = arith.constant 0 : i32
    %dma_wait3A_675 = tpu.memref_slice %arg13[%dma_wait3A_672, %dma_wait3A_674] : memref<5x128xi32, #tpu.memory_space<vmem>> -> memref<1x128xi32, #tpu.memory_space<vmem>>
    %dma_wait3A_676 = tpu.memref_squeeze %dma_wait3A_675 : memref<1x128xi32, #tpu.memory_space<vmem>> -> memref<128xi32, #tpu.memory_space<vmem>>
    %dma_wait3A_677 = arith.constant 0 : i32
    %dma_wait3A_678 = tpu.memref_slice %arg12[%dma_wait3A_673, %dma_wait3A_677] : memref<5x128xi32, #tpu.memory_space<vmem>> -> memref<1x128xi32, #tpu.memory_space<vmem>>
    %dma_wait3A_679 = tpu.memref_squeeze %dma_wait3A_678 : memref<1x128xi32, #tpu.memory_space<vmem>> -> memref<128xi32, #tpu.memory_space<vmem>>
    %dma_wait3A_680 = arith.constant 0 : i32
    %dma_wait3A_681 = tpu.memref_slice %arg20[%dma_wait3A_680] : memref<262272xi32, #tpu.memory_space<vmem_shared>> -> memref<262272xi32, #tpu.memory_space<vmem_shared>>
    tpu.wait_indirect_dma semaphore(%arg22 : memref<!tpu.dma_semaphore, #tpu.memory_space<semaphore_mem>>) src(%dma_wait3A_676 : memref<128xi32, #tpu.memory_space<vmem>>) dst(%dma_wait3A_681 : memref<262272xi32, #tpu.memory_space<vmem_shared>>)
    %barrier3A_682 = arith.constant 0 : index
    tpu.barrier barrier_id(%barrier3A_682)
    %scan3A = arith.constant 0 : i32
    %scan3A_683 = arith.constant 0 : i32
    %scan3A_684 = arith.constant 4 : i32
    %scan3A_685 = arith.addi %scan3A_683, %scan3A_684 : i32
    %scan3A_686 = arith.constant 1 : i32
    scf.for %scan3A_2038 = %scan3A_683 to %scan3A_685 step %scan3A_686  : i32 {
      %dma_start3A_2039 = arith.constant 0 : i32
      %dma_start3A_2040 = arith.constant 0 : i32
      %dma_start3A_2041 = arith.constant 0 : i32
      %dma_start3A_2042 = tpu.memref_slice %arg14[%dma_start3A_2040, %dma_start3A_2041] : memref<5x128xi32, #tpu.memory_space<vmem>> -> memref<1x128xi32, #tpu.memory_space<vmem>>
      %dma_start3A_2043 = tpu.memref_squeeze %dma_start3A_2042 : memref<1x128xi32, #tpu.memory_space<vmem>> -> memref<128xi32, #tpu.memory_space<vmem>>
      %dma_start3A_2044 = arith.constant 0 : i32
      %dma_start3A_2045 = tpu.memref_slice %arg12[%dma_start3A_2039, %dma_start3A_2044] : memref<5x128xi32, #tpu.memory_space<vmem>> -> memref<1x128xi32, #tpu.memory_space<vmem>>
      %dma_start3A_2046 = tpu.memref_squeeze %dma_start3A_2045 : memref<1x128xi32, #tpu.memory_space<vmem>> -> memref<128xi32, #tpu.memory_space<vmem>>
      %dma_start3A_2047 = arith.constant 0 : i32
      %dma_start3A_2048 = tpu.memref_slice %arg20[%dma_start3A_2047] : memref<262272xi32, #tpu.memory_space<vmem_shared>> -> memref<262272xi32, #tpu.memory_space<vmem_shared>>
      tpu.enqueue_indirect_dma source(%dma_start3A_2048 : memref<262272xi32, #tpu.memory_space<vmem_shared>>) target(%dma_start3A_2043 : memref<128xi32, #tpu.memory_space<vmem>>) offsets(%dma_start3A_2046 : memref<128xi32, #tpu.memory_space<vmem>>) semaphore(%arg22 : memref<!tpu.dma_semaphore, #tpu.memory_space<semaphore_mem>>)
      %dma_start3A_2049 = arith.constant 1 : i32
      %dma_start3A_2050 = arith.constant 1 : i32
      %dma_start3A_2051 = arith.constant 0 : i32
      %dma_start3A_2052 = tpu.memref_slice %arg14[%dma_start3A_2050, %dma_start3A_2051] : memref<5x128xi32, #tpu.memory_space<vmem>> -> memref<1x128xi32, #tpu.memory_space<vmem>>
      %dma_start3A_2053 = tpu.memref_squeeze %dma_start3A_2052 : memref<1x128xi32, #tpu.memory_space<vmem>> -> memref<128xi32, #tpu.memory_space<vmem>>
      %dma_start3A_2054 = arith.constant 0 : i32
      %dma_start3A_2055 = tpu.memref_slice %arg12[%dma_start3A_2049, %dma_start3A_2054] : memref<5x128xi32, #tpu.memory_space<vmem>> -> memref<1x128xi32, #tpu.memory_space<vmem>>
      %dma_start3A_2056 = tpu.memref_squeeze %dma_start3A_2055 : memref<1x128xi32, #tpu.memory_space<vmem>> -> memref<128xi32, #tpu.memory_space<vmem>>
      %dma_start3A_2057 = arith.constant 0 : i32
      %dma_start3A_2058 = tpu.memref_slice %arg20[%dma_start3A_2057] : memref<262272xi32, #tpu.memory_space<vmem_shared>> -> memref<262272xi32, #tpu.memory_space<vmem_shared>>
      tpu.enqueue_indirect_dma source(%dma_start3A_2058 : memref<262272xi32, #tpu.memory_space<vmem_shared>>) target(%dma_start3A_2053 : memref<128xi32, #tpu.memory_space<vmem>>) offsets(%dma_start3A_2056 : memref<128xi32, #tpu.memory_space<vmem>>) semaphore(%arg22 : memref<!tpu.dma_semaphore, #tpu.memory_space<semaphore_mem>>)
      %dma_start3A_2059 = arith.constant 2 : i32
      %dma_start3A_2060 = arith.constant 2 : i32
      %dma_start3A_2061 = arith.constant 0 : i32
      %dma_start3A_2062 = tpu.memref_slice %arg14[%dma_start3A_2060, %dma_start3A_2061] : memref<5x128xi32, #tpu.memory_space<vmem>> -> memref<1x128xi32, #tpu.memory_space<vmem>>
      %dma_start3A_2063 = tpu.memref_squeeze %dma_start3A_2062 : memref<1x128xi32, #tpu.memory_space<vmem>> -> memref<128xi32, #tpu.memory_space<vmem>>
      %dma_start3A_2064 = arith.constant 0 : i32
      %dma_start3A_2065 = tpu.memref_slice %arg12[%dma_start3A_2059, %dma_start3A_2064] : memref<5x128xi32, #tpu.memory_space<vmem>> -> memref<1x128xi32, #tpu.memory_space<vmem>>
      %dma_start3A_2066 = tpu.memref_squeeze %dma_start3A_2065 : memref<1x128xi32, #tpu.memory_space<vmem>> -> memref<128xi32, #tpu.memory_space<vmem>>
      %dma_start3A_2067 = arith.constant 0 : i32
      %dma_start3A_2068 = tpu.memref_slice %arg20[%dma_start3A_2067] : memref<262272xi32, #tpu.memory_space<vmem_shared>> -> memref<262272xi32, #tpu.memory_space<vmem_shared>>
      tpu.enqueue_indirect_dma source(%dma_start3A_2068 : memref<262272xi32, #tpu.memory_space<vmem_shared>>) target(%dma_start3A_2063 : memref<128xi32, #tpu.memory_space<vmem>>) offsets(%dma_start3A_2066 : memref<128xi32, #tpu.memory_space<vmem>>) semaphore(%arg22 : memref<!tpu.dma_semaphore, #tpu.memory_space<semaphore_mem>>)
      %dma_start3A_2069 = arith.constant 3 : i32
      %dma_start3A_2070 = arith.constant 3 : i32
      %dma_start3A_2071 = arith.constant 0 : i32
      %dma_start3A_2072 = tpu.memref_slice %arg14[%dma_start3A_2070, %dma_start3A_2071] : memref<5x128xi32, #tpu.memory_space<vmem>> -> memref<1x128xi32, #tpu.memory_space<vmem>>
      %dma_start3A_2073 = tpu.memref_squeeze %dma_start3A_2072 : memref<1x128xi32, #tpu.memory_space<vmem>> -> memref<128xi32, #tpu.memory_space<vmem>>
      %dma_start3A_2074 = arith.constant 0 : i32
      %dma_start3A_2075 = tpu.memref_slice %arg12[%dma_start3A_2069, %dma_start3A_2074] : memref<5x128xi32, #tpu.memory_space<vmem>> -> memref<1x128xi32, #tpu.memory_space<vmem>>
      %dma_start3A_2076 = tpu.memref_squeeze %dma_start3A_2075 : memref<1x128xi32, #tpu.memory_space<vmem>> -> memref<128xi32, #tpu.memory_space<vmem>>
      %dma_start3A_2077 = arith.constant 0 : i32
      %dma_start3A_2078 = tpu.memref_slice %arg20[%dma_start3A_2077] : memref<262272xi32, #tpu.memory_space<vmem_shared>> -> memref<262272xi32, #tpu.memory_space<vmem_shared>>
      tpu.enqueue_indirect_dma source(%dma_start3A_2078 : memref<262272xi32, #tpu.memory_space<vmem_shared>>) target(%dma_start3A_2073 : memref<128xi32, #tpu.memory_space<vmem>>) offsets(%dma_start3A_2076 : memref<128xi32, #tpu.memory_space<vmem>>) semaphore(%arg22 : memref<!tpu.dma_semaphore, #tpu.memory_space<semaphore_mem>>)
      %dma_start3A_2079 = arith.constant 4 : i32
      %dma_start3A_2080 = arith.constant 4 : i32
      %dma_start3A_2081 = arith.constant 0 : i32
      %dma_start3A_2082 = tpu.memref_slice %arg14[%dma_start3A_2080, %dma_start3A_2081] : memref<5x128xi32, #tpu.memory_space<vmem>> -> memref<1x128xi32, #tpu.memory_space<vmem>>
      %dma_start3A_2083 = tpu.memref_squeeze %dma_start3A_2082 : memref<1x128xi32, #tpu.memory_space<vmem>> -> memref<128xi32, #tpu.memory_space<vmem>>
      %dma_start3A_2084 = arith.constant 0 : i32
      %dma_start3A_2085 = tpu.memref_slice %arg12[%dma_start3A_2079, %dma_start3A_2084] : memref<5x128xi32, #tpu.memory_space<vmem>> -> memref<1x128xi32, #tpu.memory_space<vmem>>
      %dma_start3A_2086 = tpu.memref_squeeze %dma_start3A_2085 : memref<1x128xi32, #tpu.memory_space<vmem>> -> memref<128xi32, #tpu.memory_space<vmem>>
      %dma_start3A_2087 = arith.constant 0 : i32
      %dma_start3A_2088 = tpu.memref_slice %arg20[%dma_start3A_2087] : memref<262272xi32, #tpu.memory_space<vmem_shared>> -> memref<262272xi32, #tpu.memory_space<vmem_shared>>
      tpu.enqueue_indirect_dma source(%dma_start3A_2088 : memref<262272xi32, #tpu.memory_space<vmem_shared>>) target(%dma_start3A_2083 : memref<128xi32, #tpu.memory_space<vmem>>) offsets(%dma_start3A_2086 : memref<128xi32, #tpu.memory_space<vmem>>) semaphore(%arg22 : memref<!tpu.dma_semaphore, #tpu.memory_space<semaphore_mem>>)
      %dma_wait3A_2089 = arith.constant 0 : i32
      %dma_wait3A_2090 = arith.constant 0 : i32
      %dma_wait3A_2091 = arith.constant 0 : i32
      %dma_wait3A_2092 = tpu.memref_slice %arg14[%dma_wait3A_2090, %dma_wait3A_2091] : memref<5x128xi32, #tpu.memory_space<vmem>> -> memref<1x128xi32, #tpu.memory_space<vmem>>
      %dma_wait3A_2093 = tpu.memref_squeeze %dma_wait3A_2092 : memref<1x128xi32, #tpu.memory_space<vmem>> -> memref<128xi32, #tpu.memory_space<vmem>>
      %dma_wait3A_2094 = arith.constant 0 : i32
      %dma_wait3A_2095 = tpu.memref_slice %arg12[%dma_wait3A_2089, %dma_wait3A_2094] : memref<5x128xi32, #tpu.memory_space<vmem>> -> memref<1x128xi32, #tpu.memory_space<vmem>>
      %dma_wait3A_2096 = tpu.memref_squeeze %dma_wait3A_2095 : memref<1x128xi32, #tpu.memory_space<vmem>> -> memref<128xi32, #tpu.memory_space<vmem>>
      %dma_wait3A_2097 = arith.constant 0 : i32
      %dma_wait3A_2098 = tpu.memref_slice %arg20[%dma_wait3A_2097] : memref<262272xi32, #tpu.memory_space<vmem_shared>> -> memref<262272xi32, #tpu.memory_space<vmem_shared>>
      tpu.wait_indirect_dma semaphore(%arg22 : memref<!tpu.dma_semaphore, #tpu.memory_space<semaphore_mem>>) src(%dma_wait3A_2098 : memref<262272xi32, #tpu.memory_space<vmem_shared>>) dst(%dma_wait3A_2093 : memref<128xi32, #tpu.memory_space<vmem>>)
      %dma_wait3A_2099 = arith.constant 1 : i32
      %dma_wait3A_2100 = arith.constant 1 : i32
      %dma_wait3A_2101 = arith.constant 0 : i32
      %dma_wait3A_2102 = tpu.memref_slice %arg14[%dma_wait3A_2100, %dma_wait3A_2101] : memref<5x128xi32, #tpu.memory_space<vmem>> -> memref<1x128xi32, #tpu.memory_space<vmem>>
      %dma_wait3A_2103 = tpu.memref_squeeze %dma_wait3A_2102 : memref<1x128xi32, #tpu.memory_space<vmem>> -> memref<128xi32, #tpu.memory_space<vmem>>
      %dma_wait3A_2104 = arith.constant 0 : i32
      %dma_wait3A_2105 = tpu.memref_slice %arg12[%dma_wait3A_2099, %dma_wait3A_2104] : memref<5x128xi32, #tpu.memory_space<vmem>> -> memref<1x128xi32, #tpu.memory_space<vmem>>
      %dma_wait3A_2106 = tpu.memref_squeeze %dma_wait3A_2105 : memref<1x128xi32, #tpu.memory_space<vmem>> -> memref<128xi32, #tpu.memory_space<vmem>>
      %dma_wait3A_2107 = arith.constant 0 : i32
      %dma_wait3A_2108 = tpu.memref_slice %arg20[%dma_wait3A_2107] : memref<262272xi32, #tpu.memory_space<vmem_shared>> -> memref<262272xi32, #tpu.memory_space<vmem_shared>>
      tpu.wait_indirect_dma semaphore(%arg22 : memref<!tpu.dma_semaphore, #tpu.memory_space<semaphore_mem>>) src(%dma_wait3A_2108 : memref<262272xi32, #tpu.memory_space<vmem_shared>>) dst(%dma_wait3A_2103 : memref<128xi32, #tpu.memory_space<vmem>>)
      %dma_wait3A_2109 = arith.constant 2 : i32
      %dma_wait3A_2110 = arith.constant 2 : i32
      %dma_wait3A_2111 = arith.constant 0 : i32
      %dma_wait3A_2112 = tpu.memref_slice %arg14[%dma_wait3A_2110, %dma_wait3A_2111] : memref<5x128xi32, #tpu.memory_space<vmem>> -> memref<1x128xi32, #tpu.memory_space<vmem>>
      %dma_wait3A_2113 = tpu.memref_squeeze %dma_wait3A_2112 : memref<1x128xi32, #tpu.memory_space<vmem>> -> memref<128xi32, #tpu.memory_space<vmem>>
      %dma_wait3A_2114 = arith.constant 0 : i32
      %dma_wait3A_2115 = tpu.memref_slice %arg12[%dma_wait3A_2109, %dma_wait3A_2114] : memref<5x128xi32, #tpu.memory_space<vmem>> -> memref<1x128xi32, #tpu.memory_space<vmem>>
      %dma_wait3A_2116 = tpu.memref_squeeze %dma_wait3A_2115 : memref<1x128xi32, #tpu.memory_space<vmem>> -> memref<128xi32, #tpu.memory_space<vmem>>
      %dma_wait3A_2117 = arith.constant 0 : i32
      %dma_wait3A_2118 = tpu.memref_slice %arg20[%dma_wait3A_2117] : memref<262272xi32, #tpu.memory_space<vmem_shared>> -> memref<262272xi32, #tpu.memory_space<vmem_shared>>
      tpu.wait_indirect_dma semaphore(%arg22 : memref<!tpu.dma_semaphore, #tpu.memory_space<semaphore_mem>>) src(%dma_wait3A_2118 : memref<262272xi32, #tpu.memory_space<vmem_shared>>) dst(%dma_wait3A_2113 : memref<128xi32, #tpu.memory_space<vmem>>)
      %dma_wait3A_2119 = arith.constant 3 : i32
      %dma_wait3A_2120 = arith.constant 3 : i32
      %dma_wait3A_2121 = arith.constant 0 : i32
      %dma_wait3A_2122 = tpu.memref_slice %arg14[%dma_wait3A_2120, %dma_wait3A_2121] : memref<5x128xi32, #tpu.memory_space<vmem>> -> memref<1x128xi32, #tpu.memory_space<vmem>>
      %dma_wait3A_2123 = tpu.memref_squeeze %dma_wait3A_2122 : memref<1x128xi32, #tpu.memory_space<vmem>> -> memref<128xi32, #tpu.memory_space<vmem>>
      %dma_wait3A_2124 = arith.constant 0 : i32
      %dma_wait3A_2125 = tpu.memref_slice %arg12[%dma_wait3A_2119, %dma_wait3A_2124] : memref<5x128xi32, #tpu.memory_space<vmem>> -> memref<1x128xi32, #tpu.memory_space<vmem>>
      %dma_wait3A_2126 = tpu.memref_squeeze %dma_wait3A_2125 : memref<1x128xi32, #tpu.memory_space<vmem>> -> memref<128xi32, #tpu.memory_space<vmem>>
      %dma_wait3A_2127 = arith.constant 0 : i32
      %dma_wait3A_2128 = tpu.memref_slice %arg20[%dma_wait3A_2127] : memref<262272xi32, #tpu.memory_space<vmem_shared>> -> memref<262272xi32, #tpu.memory_space<vmem_shared>>
      tpu.wait_indirect_dma semaphore(%arg22 : memref<!tpu.dma_semaphore, #tpu.memory_space<semaphore_mem>>) src(%dma_wait3A_2128 : memref<262272xi32, #tpu.memory_space<vmem_shared>>) dst(%dma_wait3A_2123 : memref<128xi32, #tpu.memory_space<vmem>>)
      %dma_wait3A_2129 = arith.constant 4 : i32
      %dma_wait3A_2130 = arith.constant 4 : i32
      %dma_wait3A_2131 = arith.constant 0 : i32
      %dma_wait3A_2132 = tpu.memref_slice %arg14[%dma_wait3A_2130, %dma_wait3A_2131] : memref<5x128xi32, #tpu.memory_space<vmem>> -> memref<1x128xi32, #tpu.memory_space<vmem>>
      %dma_wait3A_2133 = tpu.memref_squeeze %dma_wait3A_2132 : memref<1x128xi32, #tpu.memory_space<vmem>> -> memref<128xi32, #tpu.memory_space<vmem>>
      %dma_wait3A_2134 = arith.constant 0 : i32
      %dma_wait3A_2135 = tpu.memref_slice %arg12[%dma_wait3A_2129, %dma_wait3A_2134] : memref<5x128xi32, #tpu.memory_space<vmem>> -> memref<1x128xi32, #tpu.memory_space<vmem>>
      %dma_wait3A_2136 = tpu.memref_squeeze %dma_wait3A_2135 : memref<1x128xi32, #tpu.memory_space<vmem>> -> memref<128xi32, #tpu.memory_space<vmem>>
      %dma_wait3A_2137 = arith.constant 0 : i32
      %dma_wait3A_2138 = tpu.memref_slice %arg20[%dma_wait3A_2137] : memref<262272xi32, #tpu.memory_space<vmem_shared>> -> memref<262272xi32, #tpu.memory_space<vmem_shared>>
      tpu.wait_indirect_dma semaphore(%arg22 : memref<!tpu.dma_semaphore, #tpu.memory_space<semaphore_mem>>) src(%dma_wait3A_2138 : memref<262272xi32, #tpu.memory_space<vmem_shared>>) dst(%dma_wait3A_2133 : memref<128xi32, #tpu.memory_space<vmem>>)
      %get3A_2139 = arith.constant 0 : i32
      %get3A_2140 = arith.index_cast %get3A_2139 : i32 to index
      %get3A_2141 = arith.constant 0 : index
      %get3A_2142 = tpu.vector_load %arg14[%get3A_2140, %get3A_2141] {strides = array<i32>} : memref<5x128xi32, #tpu.memory_space<vmem>>, vector<1x16xi32>,
      %get3A_2143 = vector.shape_cast %get3A_2142 : vector<1x16xi32> to vector<16xi32>
      %get3A_2144 = arith.constant 0 : i32
      %get3A_2145 = arith.index_cast %get3A_2144 : i32 to index
      %get3A_2146 = arith.constant 0 : index
      %get3A_2147 = tpu.vector_load %arg13[%get3A_2145, %get3A_2146] {strides = array<i32>} : memref<5x128xi32, #tpu.memory_space<vmem>>, vector<1x16xi32>,
      %get3A_2148 = vector.shape_cast %get3A_2147 : vector<1x16xi32> to vector<16xi32>
      %get3A_2149 = arith.constant 0 : i32
      %get3A_2150 = arith.index_cast %get3A_2149 : i32 to index
      %get3A_2151 = arith.constant 0 : index
      %get3A_2152 = tpu.vector_load %arg12[%get3A_2150, %get3A_2151] {strides = array<i32>} : memref<5x128xi32, #tpu.memory_space<vmem>>, vector<1x16xi32>,
      %get3A_2153 = vector.shape_cast %get3A_2152 : vector<1x16xi32> to vector<16xi32>
      %lt3A_2154 = arith.cmpi slt, %get3A_2143, %get3A_2148 : vector<16xi32>
      %jit3A_2155 = arith.constant 262152 : i32
      %broadcast_in_dim3A_2156 = vector.broadcast %jit3A_2155 : i32 to vector<16xi32>
      %select_n3A_2157 = arith.select %lt3A_2154, %get3A_2153, %broadcast_in_dim3A_2156 : vector<16xi1>, vector<16xi32>
      %swap3A_2158 = arith.constant 0 : i32
      %swap3A_2159 = arith.index_cast %swap3A_2158 : i32 to index
      %swap3A_2160 = arith.constant 0 : index
      %swap3A_2161 = tpu.vector_load %arg14[%swap3A_2159, %swap3A_2160] {strides = array<i32>} : memref<5x128xi32, #tpu.memory_space<vmem>>, vector<1x16xi32>,
      %swap3A_2162 = vector.shape_cast %swap3A_2161 : vector<1x16xi32> to vector<16xi32>
      %swap3A_2163 = vector.shape_cast %select_n3A_2157 : vector<16xi32> to vector<1x16xi32>
      tpu.vector_store %arg14[%swap3A_2159, %swap3A_2160], %swap3A_2163 {strides = array<i32>} : memref<5x128xi32, #tpu.memory_space<vmem>>, vector<1x16xi32>,
      %get3A_2164 = arith.constant 0 : i32
      %get3A_2165 = arith.index_cast %get3A_2164 : i32 to index
      %get3A_2166 = arith.constant 16 : index
      %get3A_2167 = tpu.vector_load %arg14[%get3A_2165, %get3A_2166] {strides = array<i32>} : memref<5x128xi32, #tpu.memory_space<vmem>>, vector<1x16xi32>,
      %get3A_2168 = vector.shape_cast %get3A_2167 : vector<1x16xi32> to vector<16xi32>
      %get3A_2169 = arith.constant 0 : i32
      %get3A_2170 = arith.index_cast %get3A_2169 : i32 to index
      %get3A_2171 = arith.constant 16 : index
      %get3A_2172 = tpu.vector_load %arg13[%get3A_2170, %get3A_2171] {strides = array<i32>} : memref<5x128xi32, #tpu.memory_space<vmem>>, vector<1x16xi32>,
      %get3A_2173 = vector.shape_cast %get3A_2172 : vector<1x16xi32> to vector<16xi32>
      %get3A_2174 = arith.constant 0 : i32
      %get3A_2175 = arith.index_cast %get3A_2174 : i32 to index
      %get3A_2176 = arith.constant 16 : index
      %get3A_2177 = tpu.vector_load %arg12[%get3A_2175, %get3A_2176] {strides = array<i32>} : memref<5x128xi32, #tpu.memory_space<vmem>>, vector<1x16xi32>,
      %get3A_2178 = vector.shape_cast %get3A_2177 : vector<1x16xi32> to vector<16xi32>
      %lt3A_2179 = arith.cmpi slt, %get3A_2168, %get3A_2173 : vector<16xi32>
      %jit3A_2180 = arith.constant 262152 : i32
      %broadcast_in_dim3A_2181 = vector.broadcast %jit3A_2180 : i32 to vector<16xi32>
      %select_n3A_2182 = arith.select %lt3A_2179, %get3A_2178, %broadcast_in_dim3A_2181 : vector<16xi1>, vector<16xi32>
      %swap3A_2183 = arith.constant 0 : i32
      %swap3A_2184 = arith.index_cast %swap3A_2183 : i32 to index
      %swap3A_2185 = arith.constant 16 : index
      %swap3A_2186 = tpu.vector_load %arg14[%swap3A_2184, %swap3A_2185] {strides = array<i32>} : memref<5x128xi32, #tpu.memory_space<vmem>>, vector<1x16xi32>,
      %swap3A_2187 = vector.shape_cast %swap3A_2186 : vector<1x16xi32> to vector<16xi32>
      %swap3A_2188 = vector.shape_cast %select_n3A_2182 : vector<16xi32> to vector<1x16xi32>
      tpu.vector_store %arg14[%swap3A_2184, %swap3A_2185], %swap3A_2188 {strides = array<i32>} : memref<5x128xi32, #tpu.memory_space<vmem>>, vector<1x16xi32>,
      %get3A_2189 = arith.constant 0 : i32
      %get3A_2190 = arith.index_cast %get3A_2189 : i32 to index
      %get3A_2191 = arith.constant 32 : index
      %get3A_2192 = tpu.vector_load %arg14[%get3A_2190, %get3A_2191] {strides = array<i32>} : memref<5x128xi32, #tpu.memory_space<vmem>>, vector<1x16xi32>,
      %get3A_2193 = vector.shape_cast %get3A_2192 : vector<1x16xi32> to vector<16xi32>
      %get3A_2194 = arith.constant 0 : i32
      %get3A_2195 = arith.index_cast %get3A_2194 : i32 to index
      %get3A_2196 = arith.constant 32 : index
      %get3A_2197 = tpu.vector_load %arg13[%get3A_2195, %get3A_2196] {strides = array<i32>} : memref<5x128xi32, #tpu.memory_space<vmem>>, vector<1x16xi32>,
      %get3A_2198 = vector.shape_cast %get3A_2197 : vector<1x16xi32> to vector<16xi32>
      %get3A_2199 = arith.constant 0 : i32
      %get3A_2200 = arith.index_cast %get3A_2199 : i32 to index
      %get3A_2201 = arith.constant 32 : index
      %get3A_2202 = tpu.vector_load %arg12[%get3A_2200, %get3A_2201] {strides = array<i32>} : memref<5x128xi32, #tpu.memory_space<vmem>>, vector<1x16xi32>,
      %get3A_2203 = vector.shape_cast %get3A_2202 : vector<1x16xi32> to vector<16xi32>
      %lt3A_2204 = arith.cmpi slt, %get3A_2193, %get3A_2198 : vector<16xi32>
      %jit3A_2205 = arith.constant 262152 : i32
      %broadcast_in_dim3A_2206 = vector.broadcast %jit3A_2205 : i32 to vector<16xi32>
      %select_n3A_2207 = arith.select %lt3A_2204, %get3A_2203, %broadcast_in_dim3A_2206 : vector<16xi1>, vector<16xi32>
      %swap3A_2208 = arith.constant 0 : i32
      %swap3A_2209 = arith.index_cast %swap3A_2208 : i32 to index
      %swap3A_2210 = arith.constant 32 : index
      %swap3A_2211 = tpu.vector_load %arg14[%swap3A_2209, %swap3A_2210] {strides = array<i32>} : memref<5x128xi32, #tpu.memory_space<vmem>>, vector<1x16xi32>,
      %swap3A_2212 = vector.shape_cast %swap3A_2211 : vector<1x16xi32> to vector<16xi32>
      %swap3A_2213 = vector.shape_cast %select_n3A_2207 : vector<16xi32> to vector<1x16xi32>
      tpu.vector_store %arg14[%swap3A_2209, %swap3A_2210], %swap3A_2213 {strides = array<i32>} : memref<5x128xi32, #tpu.memory_space<vmem>>, vector<1x16xi32>,
      %get3A_2214 = arith.constant 0 : i32
      %get3A_2215 = arith.index_cast %get3A_2214 : i32 to index
      %get3A_2216 = arith.constant 48 : index
      %get3A_2217 = tpu.vector_load %arg14[%get3A_2215, %get3A_2216] {strides = array<i32>} : memref<5x128xi32, #tpu.memory_space<vmem>>, vector<1x16xi32>,
      %get3A_2218 = vector.shape_cast %get3A_2217 : vector<1x16xi32> to vector<16xi32>
      %get3A_2219 = arith.constant 0 : i32
      %get3A_2220 = arith.index_cast %get3A_2219 : i32 to index
      %get3A_2221 = arith.constant 48 : index
      %get3A_2222 = tpu.vector_load %arg13[%get3A_2220, %get3A_2221] {strides = array<i32>} : memref<5x128xi32, #tpu.memory_space<vmem>>, vector<1x16xi32>,
      %get3A_2223 = vector.shape_cast %get3A_2222 : vector<1x16xi32> to vector<16xi32>
      %get3A_2224 = arith.constant 0 : i32
      %get3A_2225 = arith.index_cast %get3A_2224 : i32 to index
      %get3A_2226 = arith.constant 48 : index
      %get3A_2227 = tpu.vector_load %arg12[%get3A_2225, %get3A_2226] {strides = array<i32>} : memref<5x128xi32, #tpu.memory_space<vmem>>, vector<1x16xi32>,
      %get3A_2228 = vector.shape_cast %get3A_2227 : vector<1x16xi32> to vector<16xi32>
      %lt3A_2229 = arith.cmpi slt, %get3A_2218, %get3A_2223 : vector<16xi32>
      %jit3A_2230 = arith.constant 262152 : i32
      %broadcast_in_dim3A_2231 = vector.broadcast %jit3A_2230 : i32 to vector<16xi32>
      %select_n3A_2232 = arith.select %lt3A_2229, %get3A_2228, %broadcast_in_dim3A_2231 : vector<16xi1>, vector<16xi32>
      %swap3A_2233 = arith.constant 0 : i32
      %swap3A_2234 = arith.index_cast %swap3A_2233 : i32 to index
      %swap3A_2235 = arith.constant 48 : index
      %swap3A_2236 = tpu.vector_load %arg14[%swap3A_2234, %swap3A_2235] {strides = array<i32>} : memref<5x128xi32, #tpu.memory_space<vmem>>, vector<1x16xi32>,
      %swap3A_2237 = vector.shape_cast %swap3A_2236 : vector<1x16xi32> to vector<16xi32>
      %swap3A_2238 = vector.shape_cast %select_n3A_2232 : vector<16xi32> to vector<1x16xi32>
      tpu.vector_store %arg14[%swap3A_2234, %swap3A_2235], %swap3A_2238 {strides = array<i32>} : memref<5x128xi32, #tpu.memory_space<vmem>>, vector<1x16xi32>,
      %get3A_2239 = arith.constant 0 : i32
      %get3A_2240 = arith.index_cast %get3A_2239 : i32 to index
      %get3A_2241 = arith.constant 64 : index
      %get3A_2242 = tpu.vector_load %arg14[%get3A_2240, %get3A_2241] {strides = array<i32>} : memref<5x128xi32, #tpu.memory_space<vmem>>, vector<1x16xi32>,
      %get3A_2243 = vector.shape_cast %get3A_2242 : vector<1x16xi32> to vector<16xi32>
      %get3A_2244 = arith.constant 0 : i32
      %get3A_2245 = arith.index_cast %get3A_2244 : i32 to index
      %get3A_2246 = arith.constant 64 : index
      %get3A_2247 = tpu.vector_load %arg13[%get3A_2245, %get3A_2246] {strides = array<i32>} : memref<5x128xi32, #tpu.memory_space<vmem>>, vector<1x16xi32>,
      %get3A_2248 = vector.shape_cast %get3A_2247 : vector<1x16xi32> to vector<16xi32>
      %get3A_2249 = arith.constant 0 : i32
      %get3A_2250 = arith.index_cast %get3A_2249 : i32 to index
      %get3A_2251 = arith.constant 64 : index
      %get3A_2252 = tpu.vector_load %arg12[%get3A_2250, %get3A_2251] {strides = array<i32>} : memref<5x128xi32, #tpu.memory_space<vmem>>, vector<1x16xi32>,
      %get3A_2253 = vector.shape_cast %get3A_2252 : vector<1x16xi32> to vector<16xi32>
      %lt3A_2254 = arith.cmpi slt, %get3A_2243, %get3A_2248 : vector<16xi32>
      %jit3A_2255 = arith.constant 262152 : i32
      %broadcast_in_dim3A_2256 = vector.broadcast %jit3A_2255 : i32 to vector<16xi32>
      %select_n3A_2257 = arith.select %lt3A_2254, %get3A_2253, %broadcast_in_dim3A_2256 : vector<16xi1>, vector<16xi32>
      %swap3A_2258 = arith.constant 0 : i32
      %swap3A_2259 = arith.index_cast %swap3A_2258 : i32 to index
      %swap3A_2260 = arith.constant 64 : index
      %swap3A_2261 = tpu.vector_load %arg14[%swap3A_2259, %swap3A_2260] {strides = array<i32>} : memref<5x128xi32, #tpu.memory_space<vmem>>, vector<1x16xi32>,
      %swap3A_2262 = vector.shape_cast %swap3A_2261 : vector<1x16xi32> to vector<16xi32>
      %swap3A_2263 = vector.shape_cast %select_n3A_2257 : vector<16xi32> to vector<1x16xi32>
      tpu.vector_store %arg14[%swap3A_2259, %swap3A_2260], %swap3A_2263 {strides = array<i32>} : memref<5x128xi32, #tpu.memory_space<vmem>>, vector<1x16xi32>,
      %get3A_2264 = arith.constant 0 : i32
      %get3A_2265 = arith.index_cast %get3A_2264 : i32 to index
      %get3A_2266 = arith.constant 80 : index
      %get3A_2267 = tpu.vector_load %arg14[%get3A_2265, %get3A_2266] {strides = array<i32>} : memref<5x128xi32, #tpu.memory_space<vmem>>, vector<1x16xi32>,
      %get3A_2268 = vector.shape_cast %get3A_2267 : vector<1x16xi32> to vector<16xi32>
      %get3A_2269 = arith.constant 0 : i32
      %get3A_2270 = arith.index_cast %get3A_2269 : i32 to index
      %get3A_2271 = arith.constant 80 : index
      %get3A_2272 = tpu.vector_load %arg13[%get3A_2270, %get3A_2271] {strides = array<i32>} : memref<5x128xi32, #tpu.memory_space<vmem>>, vector<1x16xi32>,
      %get3A_2273 = vector.shape_cast %get3A_2272 : vector<1x16xi32> to vector<16xi32>
      %get3A_2274 = arith.constant 0 : i32
      %get3A_2275 = arith.index_cast %get3A_2274 : i32 to index
      %get3A_2276 = arith.constant 80 : index
      %get3A_2277 = tpu.vector_load %arg12[%get3A_2275, %get3A_2276] {strides = array<i32>} : memref<5x128xi32, #tpu.memory_space<vmem>>, vector<1x16xi32>,
      %get3A_2278 = vector.shape_cast %get3A_2277 : vector<1x16xi32> to vector<16xi32>
      %lt3A_2279 = arith.cmpi slt, %get3A_2268, %get3A_2273 : vector<16xi32>
      %jit3A_2280 = arith.constant 262152 : i32
      %broadcast_in_dim3A_2281 = vector.broadcast %jit3A_2280 : i32 to vector<16xi32>
      %select_n3A_2282 = arith.select %lt3A_2279, %get3A_2278, %broadcast_in_dim3A_2281 : vector<16xi1>, vector<16xi32>
      %swap3A_2283 = arith.constant 0 : i32
      %swap3A_2284 = arith.index_cast %swap3A_2283 : i32 to index
      %swap3A_2285 = arith.constant 80 : index
      %swap3A_2286 = tpu.vector_load %arg14[%swap3A_2284, %swap3A_2285] {strides = array<i32>} : memref<5x128xi32, #tpu.memory_space<vmem>>, vector<1x16xi32>,
      %swap3A_2287 = vector.shape_cast %swap3A_2286 : vector<1x16xi32> to vector<16xi32>
      %swap3A_2288 = vector.shape_cast %select_n3A_2282 : vector<16xi32> to vector<1x16xi32>
      tpu.vector_store %arg14[%swap3A_2284, %swap3A_2285], %swap3A_2288 {strides = array<i32>} : memref<5x128xi32, #tpu.memory_space<vmem>>, vector<1x16xi32>,
      %get3A_2289 = arith.constant 0 : i32
      %get3A_2290 = arith.index_cast %get3A_2289 : i32 to index
      %get3A_2291 = arith.constant 96 : index
      %get3A_2292 = tpu.vector_load %arg14[%get3A_2290, %get3A_2291] {strides = array<i32>} : memref<5x128xi32, #tpu.memory_space<vmem>>, vector<1x16xi32>,
      %get3A_2293 = vector.shape_cast %get3A_2292 : vector<1x16xi32> to vector<16xi32>
      %get3A_2294 = arith.constant 0 : i32
      %get3A_2295 = arith.index_cast %get3A_2294 : i32 to index
      %get3A_2296 = arith.constant 96 : index
      %get3A_2297 = tpu.vector_load %arg13[%get3A_2295, %get3A_2296] {strides = array<i32>} : memref<5x128xi32, #tpu.memory_space<vmem>>, vector<1x16xi32>,
      %get3A_2298 = vector.shape_cast %get3A_2297 : vector<1x16xi32> to vector<16xi32>
      %get3A_2299 = arith.constant 0 : i32
      %get3A_2300 = arith.index_cast %get3A_2299 : i32 to index
      %get3A_2301 = arith.constant 96 : index
      %get3A_2302 = tpu.vector_load %arg12[%get3A_2300, %get3A_2301] {strides = array<i32>} : memref<5x128xi32, #tpu.memory_space<vmem>>, vector<1x16xi32>,
      %get3A_2303 = vector.shape_cast %get3A_2302 : vector<1x16xi32> to vector<16xi32>
      %lt3A_2304 = arith.cmpi slt, %get3A_2293, %get3A_2298 : vector<16xi32>
      %jit3A_2305 = arith.constant 262152 : i32
      %broadcast_in_dim3A_2306 = vector.broadcast %jit3A_2305 : i32 to vector<16xi32>
      %select_n3A_2307 = arith.select %lt3A_2304, %get3A_2303, %broadcast_in_dim3A_2306 : vector<16xi1>, vector<16xi32>
      %swap3A_2308 = arith.constant 0 : i32
      %swap3A_2309 = arith.index_cast %swap3A_2308 : i32 to index
      %swap3A_2310 = arith.constant 96 : index
      %swap3A_2311 = tpu.vector_load %arg14[%swap3A_2309, %swap3A_2310] {strides = array<i32>} : memref<5x128xi32, #tpu.memory_space<vmem>>, vector<1x16xi32>,
      %swap3A_2312 = vector.shape_cast %swap3A_2311 : vector<1x16xi32> to vector<16xi32>
      %swap3A_2313 = vector.shape_cast %select_n3A_2307 : vector<16xi32> to vector<1x16xi32>
      tpu.vector_store %arg14[%swap3A_2309, %swap3A_2310], %swap3A_2313 {strides = array<i32>} : memref<5x128xi32, #tpu.memory_space<vmem>>, vector<1x16xi32>,
      %get3A_2314 = arith.constant 0 : i32
      %get3A_2315 = arith.index_cast %get3A_2314 : i32 to index
      %get3A_2316 = arith.constant 112 : index
      %get3A_2317 = tpu.vector_load %arg14[%get3A_2315, %get3A_2316] {strides = array<i32>} : memref<5x128xi32, #tpu.memory_space<vmem>>, vector<1x16xi32>,
      %get3A_2318 = vector.shape_cast %get3A_2317 : vector<1x16xi32> to vector<16xi32>
      %get3A_2319 = arith.constant 0 : i32
      %get3A_2320 = arith.index_cast %get3A_2319 : i32 to index
      %get3A_2321 = arith.constant 112 : index
      %get3A_2322 = tpu.vector_load %arg13[%get3A_2320, %get3A_2321] {strides = array<i32>} : memref<5x128xi32, #tpu.memory_space<vmem>>, vector<1x16xi32>,
      %get3A_2323 = vector.shape_cast %get3A_2322 : vector<1x16xi32> to vector<16xi32>
      %get3A_2324 = arith.constant 0 : i32
      %get3A_2325 = arith.index_cast %get3A_2324 : i32 to index
      %get3A_2326 = arith.constant 112 : index
      %get3A_2327 = tpu.vector_load %arg12[%get3A_2325, %get3A_2326] {strides = array<i32>} : memref<5x128xi32, #tpu.memory_space<vmem>>, vector<1x16xi32>,
      %get3A_2328 = vector.shape_cast %get3A_2327 : vector<1x16xi32> to vector<16xi32>
      %lt3A_2329 = arith.cmpi slt, %get3A_2318, %get3A_2323 : vector<16xi32>
      %jit3A_2330 = arith.constant 262152 : i32
      %broadcast_in_dim3A_2331 = vector.broadcast %jit3A_2330 : i32 to vector<16xi32>
      %select_n3A_2332 = arith.select %lt3A_2329, %get3A_2328, %broadcast_in_dim3A_2331 : vector<16xi1>, vector<16xi32>
      %swap3A_2333 = arith.constant 0 : i32
      %swap3A_2334 = arith.index_cast %swap3A_2333 : i32 to index
      %swap3A_2335 = arith.constant 112 : index
      %swap3A_2336 = tpu.vector_load %arg14[%swap3A_2334, %swap3A_2335] {strides = array<i32>} : memref<5x128xi32, #tpu.memory_space<vmem>>, vector<1x16xi32>,
      %swap3A_2337 = vector.shape_cast %swap3A_2336 : vector<1x16xi32> to vector<16xi32>
      %swap3A_2338 = vector.shape_cast %select_n3A_2332 : vector<16xi32> to vector<1x16xi32>
      tpu.vector_store %arg14[%swap3A_2334, %swap3A_2335], %swap3A_2338 {strides = array<i32>} : memref<5x128xi32, #tpu.memory_space<vmem>>, vector<1x16xi32>,
      %get3A_2339 = arith.constant 1 : i32
      %get3A_2340 = arith.index_cast %get3A_2339 : i32 to index
      %get3A_2341 = arith.constant 0 : index
      %get3A_2342 = tpu.vector_load %arg14[%get3A_2340, %get3A_2341] {strides = array<i32>} : memref<5x128xi32, #tpu.memory_space<vmem>>, vector<1x16xi32>,
      %get3A_2343 = vector.shape_cast %get3A_2342 : vector<1x16xi32> to vector<16xi32>
      %get3A_2344 = arith.constant 1 : i32
      %get3A_2345 = arith.index_cast %get3A_2344 : i32 to index
      %get3A_2346 = arith.constant 0 : index
      %get3A_2347 = tpu.vector_load %arg13[%get3A_2345, %get3A_2346] {strides = array<i32>} : memref<5x128xi32, #tpu.memory_space<vmem>>, vector<1x16xi32>,
      %get3A_2348 = vector.shape_cast %get3A_2347 : vector<1x16xi32> to vector<16xi32>
      %get3A_2349 = arith.constant 1 : i32
      %get3A_2350 = arith.index_cast %get3A_2349 : i32 to index
      %get3A_2351 = arith.constant 0 : index
      %get3A_2352 = tpu.vector_load %arg12[%get3A_2350, %get3A_2351] {strides = array<i32>} : memref<5x128xi32, #tpu.memory_space<vmem>>, vector<1x16xi32>,
      %get3A_2353 = vector.shape_cast %get3A_2352 : vector<1x16xi32> to vector<16xi32>
      %lt3A_2354 = arith.cmpi slt, %get3A_2343, %get3A_2348 : vector<16xi32>
      %jit3A_2355 = arith.constant 262152 : i32
      %broadcast_in_dim3A_2356 = vector.broadcast %jit3A_2355 : i32 to vector<16xi32>
      %select_n3A_2357 = arith.select %lt3A_2354, %get3A_2353, %broadcast_in_dim3A_2356 : vector<16xi1>, vector<16xi32>
      %swap3A_2358 = arith.constant 1 : i32
      %swap3A_2359 = arith.index_cast %swap3A_2358 : i32 to index
      %swap3A_2360 = arith.constant 0 : index
      %swap3A_2361 = tpu.vector_load %arg14[%swap3A_2359, %swap3A_2360] {strides = array<i32>} : memref<5x128xi32, #tpu.memory_space<vmem>>, vector<1x16xi32>,
      %swap3A_2362 = vector.shape_cast %swap3A_2361 : vector<1x16xi32> to vector<16xi32>
      %swap3A_2363 = vector.shape_cast %select_n3A_2357 : vector<16xi32> to vector<1x16xi32>
      tpu.vector_store %arg14[%swap3A_2359, %swap3A_2360], %swap3A_2363 {strides = array<i32>} : memref<5x128xi32, #tpu.memory_space<vmem>>, vector<1x16xi32>,
      %get3A_2364 = arith.constant 1 : i32
      %get3A_2365 = arith.index_cast %get3A_2364 : i32 to index
      %get3A_2366 = arith.constant 16 : index
      %get3A_2367 = tpu.vector_load %arg14[%get3A_2365, %get3A_2366] {strides = array<i32>} : memref<5x128xi32, #tpu.memory_space<vmem>>, vector<1x16xi32>,
      %get3A_2368 = vector.shape_cast %get3A_2367 : vector<1x16xi32> to vector<16xi32>
      %get3A_2369 = arith.constant 1 : i32
      %get3A_2370 = arith.index_cast %get3A_2369 : i32 to index
      %get3A_2371 = arith.constant 16 : index
      %get3A_2372 = tpu.vector_load %arg13[%get3A_2370, %get3A_2371] {strides = array<i32>} : memref<5x128xi32, #tpu.memory_space<vmem>>, vector<1x16xi32>,
      %get3A_2373 = vector.shape_cast %get3A_2372 : vector<1x16xi32> to vector<16xi32>
      %get3A_2374 = arith.constant 1 : i32
      %get3A_2375 = arith.index_cast %get3A_2374 : i32 to index
      %get3A_2376 = arith.constant 16 : index
      %get3A_2377 = tpu.vector_load %arg12[%get3A_2375, %get3A_2376] {strides = array<i32>} : memref<5x128xi32, #tpu.memory_space<vmem>>, vector<1x16xi32>,
      %get3A_2378 = vector.shape_cast %get3A_2377 : vector<1x16xi32> to vector<16xi32>
      %lt3A_2379 = arith.cmpi slt, %get3A_2368, %get3A_2373 : vector<16xi32>
      %jit3A_2380 = arith.constant 262152 : i32
      %broadcast_in_dim3A_2381 = vector.broadcast %jit3A_2380 : i32 to vector<16xi32>
      %select_n3A_2382 = arith.select %lt3A_2379, %get3A_2378, %broadcast_in_dim3A_2381 : vector<16xi1>, vector<16xi32>
      %swap3A_2383 = arith.constant 1 : i32
      %swap3A_2384 = arith.index_cast %swap3A_2383 : i32 to index
      %swap3A_2385 = arith.constant 16 : index
      %swap3A_2386 = tpu.vector_load %arg14[%swap3A_2384, %swap3A_2385] {strides = array<i32>} : memref<5x128xi32, #tpu.memory_space<vmem>>, vector<1x16xi32>,
      %swap3A_2387 = vector.shape_cast %swap3A_2386 : vector<1x16xi32> to vector<16xi32>
      %swap3A_2388 = vector.shape_cast %select_n3A_2382 : vector<16xi32> to vector<1x16xi32>
      tpu.vector_store %arg14[%swap3A_2384, %swap3A_2385], %swap3A_2388 {strides = array<i32>} : memref<5x128xi32, #tpu.memory_space<vmem>>, vector<1x16xi32>,
      %get3A_2389 = arith.constant 1 : i32
      %get3A_2390 = arith.index_cast %get3A_2389 : i32 to index
      %get3A_2391 = arith.constant 32 : index
      %get3A_2392 = tpu.vector_load %arg14[%get3A_2390, %get3A_2391] {strides = array<i32>} : memref<5x128xi32, #tpu.memory_space<vmem>>, vector<1x16xi32>,
      %get3A_2393 = vector.shape_cast %get3A_2392 : vector<1x16xi32> to vector<16xi32>
      %get3A_2394 = arith.constant 1 : i32
      %get3A_2395 = arith.index_cast %get3A_2394 : i32 to index
      %get3A_2396 = arith.constant 32 : index
      %get3A_2397 = tpu.vector_load %arg13[%get3A_2395, %get3A_2396] {strides = array<i32>} : memref<5x128xi32, #tpu.memory_space<vmem>>, vector<1x16xi32>,
      %get3A_2398 = vector.shape_cast %get3A_2397 : vector<1x16xi32> to vector<16xi32>
      %get3A_2399 = arith.constant 1 : i32
      %get3A_2400 = arith.index_cast %get3A_2399 : i32 to index
      %get3A_2401 = arith.constant 32 : index
      %get3A_2402 = tpu.vector_load %arg12[%get3A_2400, %get3A_2401] {strides = array<i32>} : memref<5x128xi32, #tpu.memory_space<vmem>>, vector<1x16xi32>,
      %get3A_2403 = vector.shape_cast %get3A_2402 : vector<1x16xi32> to vector<16xi32>
      %lt3A_2404 = arith.cmpi slt, %get3A_2393, %get3A_2398 : vector<16xi32>
      %jit3A_2405 = arith.constant 262152 : i32
      %broadcast_in_dim3A_2406 = vector.broadcast %jit3A_2405 : i32 to vector<16xi32>
      %select_n3A_2407 = arith.select %lt3A_2404, %get3A_2403, %broadcast_in_dim3A_2406 : vector<16xi1>, vector<16xi32>
      %swap3A_2408 = arith.constant 1 : i32
      %swap3A_2409 = arith.index_cast %swap3A_2408 : i32 to index
      %swap3A_2410 = arith.constant 32 : index
      %swap3A_2411 = tpu.vector_load %arg14[%swap3A_2409, %swap3A_2410] {strides = array<i32>} : memref<5x128xi32, #tpu.memory_space<vmem>>, vector<1x16xi32>,
      %swap3A_2412 = vector.shape_cast %swap3A_2411 : vector<1x16xi32> to vector<16xi32>
      %swap3A_2413 = vector.shape_cast %select_n3A_2407 : vector<16xi32> to vector<1x16xi32>
      tpu.vector_store %arg14[%swap3A_2409, %swap3A_2410], %swap3A_2413 {strides = array<i32>} : memref<5x128xi32, #tpu.memory_space<vmem>>, vector<1x16xi32>,
      %get3A_2414 = arith.constant 1 : i32
      %get3A_2415 = arith.index_cast %get3A_2414 : i32 to index
      %get3A_2416 = arith.constant 48 : index
      %get3A_2417 = tpu.vector_load %arg14[%get3A_2415, %get3A_2416] {strides = array<i32>} : memref<5x128xi32, #tpu.memory_space<vmem>>, vector<1x16xi32>,
      %get3A_2418 = vector.shape_cast %get3A_2417 : vector<1x16xi32> to vector<16xi32>
      %get3A_2419 = arith.constant 1 : i32
      %get3A_2420 = arith.index_cast %get3A_2419 : i32 to index
      %get3A_2421 = arith.constant 48 : index
      %get3A_2422 = tpu.vector_load %arg13[%get3A_2420, %get3A_2421] {strides = array<i32>} : memref<5x128xi32, #tpu.memory_space<vmem>>, vector<1x16xi32>,
      %get3A_2423 = vector.shape_cast %get3A_2422 : vector<1x16xi32> to vector<16xi32>
      %get3A_2424 = arith.constant 1 : i32
      %get3A_2425 = arith.index_cast %get3A_2424 : i32 to index
      %get3A_2426 = arith.constant 48 : index
      %get3A_2427 = tpu.vector_load %arg12[%get3A_2425, %get3A_2426] {strides = array<i32>} : memref<5x128xi32, #tpu.memory_space<vmem>>, vector<1x16xi32>,
      %get3A_2428 = vector.shape_cast %get3A_2427 : vector<1x16xi32> to vector<16xi32>
      %lt3A_2429 = arith.cmpi slt, %get3A_2418, %get3A_2423 : vector<16xi32>
      %jit3A_2430 = arith.constant 262152 : i32
      %broadcast_in_dim3A_2431 = vector.broadcast %jit3A_2430 : i32 to vector<16xi32>
      %select_n3A_2432 = arith.select %lt3A_2429, %get3A_2428, %broadcast_in_dim3A_2431 : vector<16xi1>, vector<16xi32>
      %swap3A_2433 = arith.constant 1 : i32
      %swap3A_2434 = arith.index_cast %swap3A_2433 : i32 to index
      %swap3A_2435 = arith.constant 48 : index
      %swap3A_2436 = tpu.vector_load %arg14[%swap3A_2434, %swap3A_2435] {strides = array<i32>} : memref<5x128xi32, #tpu.memory_space<vmem>>, vector<1x16xi32>,
      %swap3A_2437 = vector.shape_cast %swap3A_2436 : vector<1x16xi32> to vector<16xi32>
      %swap3A_2438 = vector.shape_cast %select_n3A_2432 : vector<16xi32> to vector<1x16xi32>
      tpu.vector_store %arg14[%swap3A_2434, %swap3A_2435], %swap3A_2438 {strides = array<i32>} : memref<5x128xi32, #tpu.memory_space<vmem>>, vector<1x16xi32>,
      %get3A_2439 = arith.constant 1 : i32
      %get3A_2440 = arith.index_cast %get3A_2439 : i32 to index
      %get3A_2441 = arith.constant 64 : index
      %get3A_2442 = tpu.vector_load %arg14[%get3A_2440, %get3A_2441] {strides = array<i32>} : memref<5x128xi32, #tpu.memory_space<vmem>>, vector<1x16xi32>,
      %get3A_2443 = vector.shape_cast %get3A_2442 : vector<1x16xi32> to vector<16xi32>
      %get3A_2444 = arith.constant 1 : i32
      %get3A_2445 = arith.index_cast %get3A_2444 : i32 to index
      %get3A_2446 = arith.constant 64 : index
      %get3A_2447 = tpu.vector_load %arg13[%get3A_2445, %get3A_2446] {strides = array<i32>} : memref<5x128xi32, #tpu.memory_space<vmem>>, vector<1x16xi32>,
      %get3A_2448 = vector.shape_cast %get3A_2447 : vector<1x16xi32> to vector<16xi32>
      %get3A_2449 = arith.constant 1 : i32
      %get3A_2450 = arith.index_cast %get3A_2449 : i32 to index
      %get3A_2451 = arith.constant 64 : index
      %get3A_2452 = tpu.vector_load %arg12[%get3A_2450, %get3A_2451] {strides = array<i32>} : memref<5x128xi32, #tpu.memory_space<vmem>>, vector<1x16xi32>,
      %get3A_2453 = vector.shape_cast %get3A_2452 : vector<1x16xi32> to vector<16xi32>
      %lt3A_2454 = arith.cmpi slt, %get3A_2443, %get3A_2448 : vector<16xi32>
      %jit3A_2455 = arith.constant 262152 : i32
      %broadcast_in_dim3A_2456 = vector.broadcast %jit3A_2455 : i32 to vector<16xi32>
      %select_n3A_2457 = arith.select %lt3A_2454, %get3A_2453, %broadcast_in_dim3A_2456 : vector<16xi1>, vector<16xi32>
      %swap3A_2458 = arith.constant 1 : i32
      %swap3A_2459 = arith.index_cast %swap3A_2458 : i32 to index
      %swap3A_2460 = arith.constant 64 : index
      %swap3A_2461 = tpu.vector_load %arg14[%swap3A_2459, %swap3A_2460] {strides = array<i32>} : memref<5x128xi32, #tpu.memory_space<vmem>>, vector<1x16xi32>,
      %swap3A_2462 = vector.shape_cast %swap3A_2461 : vector<1x16xi32> to vector<16xi32>
      %swap3A_2463 = vector.shape_cast %select_n3A_2457 : vector<16xi32> to vector<1x16xi32>
      tpu.vector_store %arg14[%swap3A_2459, %swap3A_2460], %swap3A_2463 {strides = array<i32>} : memref<5x128xi32, #tpu.memory_space<vmem>>, vector<1x16xi32>,
      %get3A_2464 = arith.constant 1 : i32
      %get3A_2465 = arith.index_cast %get3A_2464 : i32 to index
      %get3A_2466 = arith.constant 80 : index
      %get3A_2467 = tpu.vector_load %arg14[%get3A_2465, %get3A_2466] {strides = array<i32>} : memref<5x128xi32, #tpu.memory_space<vmem>>, vector<1x16xi32>,
      %get3A_2468 = vector.shape_cast %get3A_2467 : vector<1x16xi32> to vector<16xi32>
      %get3A_2469 = arith.constant 1 : i32
      %get3A_2470 = arith.index_cast %get3A_2469 : i32 to index
      %get3A_2471 = arith.constant 80 : index
      %get3A_2472 = tpu.vector_load %arg13[%get3A_2470, %get3A_2471] {strides = array<i32>} : memref<5x128xi32, #tpu.memory_space<vmem>>, vector<1x16xi32>,
      %get3A_2473 = vector.shape_cast %get3A_2472 : vector<1x16xi32> to vector<16xi32>
      %get3A_2474 = arith.constant 1 : i32
      %get3A_2475 = arith.index_cast %get3A_2474 : i32 to index
      %get3A_2476 = arith.constant 80 : index
      %get3A_2477 = tpu.vector_load %arg12[%get3A_2475, %get3A_2476] {strides = array<i32>} : memref<5x128xi32, #tpu.memory_space<vmem>>, vector<1x16xi32>,
      %get3A_2478 = vector.shape_cast %get3A_2477 : vector<1x16xi32> to vector<16xi32>
      %lt3A_2479 = arith.cmpi slt, %get3A_2468, %get3A_2473 : vector<16xi32>
      %jit3A_2480 = arith.constant 262152 : i32
      %broadcast_in_dim3A_2481 = vector.broadcast %jit3A_2480 : i32 to vector<16xi32>
      %select_n3A_2482 = arith.select %lt3A_2479, %get3A_2478, %broadcast_in_dim3A_2481 : vector<16xi1>, vector<16xi32>
      %swap3A_2483 = arith.constant 1 : i32
      %swap3A_2484 = arith.index_cast %swap3A_2483 : i32 to index
      %swap3A_2485 = arith.constant 80 : index
      %swap3A_2486 = tpu.vector_load %arg14[%swap3A_2484, %swap3A_2485] {strides = array<i32>} : memref<5x128xi32, #tpu.memory_space<vmem>>, vector<1x16xi32>,
      %swap3A_2487 = vector.shape_cast %swap3A_2486 : vector<1x16xi32> to vector<16xi32>
      %swap3A_2488 = vector.shape_cast %select_n3A_2482 : vector<16xi32> to vector<1x16xi32>
      tpu.vector_store %arg14[%swap3A_2484, %swap3A_2485], %swap3A_2488 {strides = array<i32>} : memref<5x128xi32, #tpu.memory_space<vmem>>, vector<1x16xi32>,
      %get3A_2489 = arith.constant 1 : i32
      %get3A_2490 = arith.index_cast %get3A_2489 : i32 to index
      %get3A_2491 = arith.constant 96 : index
      %get3A_2492 = tpu.vector_load %arg14[%get3A_2490, %get3A_2491] {strides = array<i32>} : memref<5x128xi32, #tpu.memory_space<vmem>>, vector<1x16xi32>,
      %get3A_2493 = vector.shape_cast %get3A_2492 : vector<1x16xi32> to vector<16xi32>
      %get3A_2494 = arith.constant 1 : i32
      %get3A_2495 = arith.index_cast %get3A_2494 : i32 to index
      %get3A_2496 = arith.constant 96 : index
      %get3A_2497 = tpu.vector_load %arg13[%get3A_2495, %get3A_2496] {strides = array<i32>} : memref<5x128xi32, #tpu.memory_space<vmem>>, vector<1x16xi32>,
      %get3A_2498 = vector.shape_cast %get3A_2497 : vector<1x16xi32> to vector<16xi32>
      %get3A_2499 = arith.constant 1 : i32
      %get3A_2500 = arith.index_cast %get3A_2499 : i32 to index
      %get3A_2501 = arith.constant 96 : index
      %get3A_2502 = tpu.vector_load %arg12[%get3A_2500, %get3A_2501] {strides = array<i32>} : memref<5x128xi32, #tpu.memory_space<vmem>>, vector<1x16xi32>,
      %get3A_2503 = vector.shape_cast %get3A_2502 : vector<1x16xi32> to vector<16xi32>
      %lt3A_2504 = arith.cmpi slt, %get3A_2493, %get3A_2498 : vector<16xi32>
      %jit3A_2505 = arith.constant 262152 : i32
      %broadcast_in_dim3A_2506 = vector.broadcast %jit3A_2505 : i32 to vector<16xi32>
      %select_n3A_2507 = arith.select %lt3A_2504, %get3A_2503, %broadcast_in_dim3A_2506 : vector<16xi1>, vector<16xi32>
      %swap3A_2508 = arith.constant 1 : i32
      %swap3A_2509 = arith.index_cast %swap3A_2508 : i32 to index
      %swap3A_2510 = arith.constant 96 : index
      %swap3A_2511 = tpu.vector_load %arg14[%swap3A_2509, %swap3A_2510] {strides = array<i32>} : memref<5x128xi32, #tpu.memory_space<vmem>>, vector<1x16xi32>,
      %swap3A_2512 = vector.shape_cast %swap3A_2511 : vector<1x16xi32> to vector<16xi32>
      %swap3A_2513 = vector.shape_cast %select_n3A_2507 : vector<16xi32> to vector<1x16xi32>
      tpu.vector_store %arg14[%swap3A_2509, %swap3A_2510], %swap3A_2513 {strides = array<i32>} : memref<5x128xi32, #tpu.memory_space<vmem>>, vector<1x16xi32>,
      %get3A_2514 = arith.constant 1 : i32
      %get3A_2515 = arith.index_cast %get3A_2514 : i32 to index
      %get3A_2516 = arith.constant 112 : index
      %get3A_2517 = tpu.vector_load %arg14[%get3A_2515, %get3A_2516] {strides = array<i32>} : memref<5x128xi32, #tpu.memory_space<vmem>>, vector<1x16xi32>,
      %get3A_2518 = vector.shape_cast %get3A_2517 : vector<1x16xi32> to vector<16xi32>
      %get3A_2519 = arith.constant 1 : i32
      %get3A_2520 = arith.index_cast %get3A_2519 : i32 to index
      %get3A_2521 = arith.constant 112 : index
      %get3A_2522 = tpu.vector_load %arg13[%get3A_2520, %get3A_2521] {strides = array<i32>} : memref<5x128xi32, #tpu.memory_space<vmem>>, vector<1x16xi32>,
      %get3A_2523 = vector.shape_cast %get3A_2522 : vector<1x16xi32> to vector<16xi32>
      %get3A_2524 = arith.constant 1 : i32
      %get3A_2525 = arith.index_cast %get3A_2524 : i32 to index
      %get3A_2526 = arith.constant 112 : index
      %get3A_2527 = tpu.vector_load %arg12[%get3A_2525, %get3A_2526] {strides = array<i32>} : memref<5x128xi32, #tpu.memory_space<vmem>>, vector<1x16xi32>,
      %get3A_2528 = vector.shape_cast %get3A_2527 : vector<1x16xi32> to vector<16xi32>
      %lt3A_2529 = arith.cmpi slt, %get3A_2518, %get3A_2523 : vector<16xi32>
      %jit3A_2530 = arith.constant 262152 : i32
      %broadcast_in_dim3A_2531 = vector.broadcast %jit3A_2530 : i32 to vector<16xi32>
      %select_n3A_2532 = arith.select %lt3A_2529, %get3A_2528, %broadcast_in_dim3A_2531 : vector<16xi1>, vector<16xi32>
      %swap3A_2533 = arith.constant 1 : i32
      %swap3A_2534 = arith.index_cast %swap3A_2533 : i32 to index
      %swap3A_2535 = arith.constant 112 : index
      %swap3A_2536 = tpu.vector_load %arg14[%swap3A_2534, %swap3A_2535] {strides = array<i32>} : memref<5x128xi32, #tpu.memory_space<vmem>>, vector<1x16xi32>,
      %swap3A_2537 = vector.shape_cast %swap3A_2536 : vector<1x16xi32> to vector<16xi32>
      %swap3A_2538 = vector.shape_cast %select_n3A_2532 : vector<16xi32> to vector<1x16xi32>
      tpu.vector_store %arg14[%swap3A_2534, %swap3A_2535], %swap3A_2538 {strides = array<i32>} : memref<5x128xi32, #tpu.memory_space<vmem>>, vector<1x16xi32>,
      %get3A_2539 = arith.constant 2 : i32
      %get3A_2540 = arith.index_cast %get3A_2539 : i32 to index
      %get3A_2541 = arith.constant 0 : index
      %get3A_2542 = tpu.vector_load %arg14[%get3A_2540, %get3A_2541] {strides = array<i32>} : memref<5x128xi32, #tpu.memory_space<vmem>>, vector<1x16xi32>,
      %get3A_2543 = vector.shape_cast %get3A_2542 : vector<1x16xi32> to vector<16xi32>
      %get3A_2544 = arith.constant 2 : i32
      %get3A_2545 = arith.index_cast %get3A_2544 : i32 to index
      %get3A_2546 = arith.constant 0 : index
      %get3A_2547 = tpu.vector_load %arg13[%get3A_2545, %get3A_2546] {strides = array<i32>} : memref<5x128xi32, #tpu.memory_space<vmem>>, vector<1x16xi32>,
      %get3A_2548 = vector.shape_cast %get3A_2547 : vector<1x16xi32> to vector<16xi32>
      %get3A_2549 = arith.constant 2 : i32
      %get3A_2550 = arith.index_cast %get3A_2549 : i32 to index
      %get3A_2551 = arith.constant 0 : index
      %get3A_2552 = tpu.vector_load %arg12[%get3A_2550, %get3A_2551] {strides = array<i32>} : memref<5x128xi32, #tpu.memory_space<vmem>>, vector<1x16xi32>,
      %get3A_2553 = vector.shape_cast %get3A_2552 : vector<1x16xi32> to vector<16xi32>
      %lt3A_2554 = arith.cmpi slt, %get3A_2543, %get3A_2548 : vector<16xi32>
      %jit3A_2555 = arith.constant 262152 : i32
      %broadcast_in_dim3A_2556 = vector.broadcast %jit3A_2555 : i32 to vector<16xi32>
      %select_n3A_2557 = arith.select %lt3A_2554, %get3A_2553, %broadcast_in_dim3A_2556 : vector<16xi1>, vector<16xi32>
      %swap3A_2558 = arith.constant 2 : i32
      %swap3A_2559 = arith.index_cast %swap3A_2558 : i32 to index
      %swap3A_2560 = arith.constant 0 : index
      %swap3A_2561 = tpu.vector_load %arg14[%swap3A_2559, %swap3A_2560] {strides = array<i32>} : memref<5x128xi32, #tpu.memory_space<vmem>>, vector<1x16xi32>,
      %swap3A_2562 = vector.shape_cast %swap3A_2561 : vector<1x16xi32> to vector<16xi32>
      %swap3A_2563 = vector.shape_cast %select_n3A_2557 : vector<16xi32> to vector<1x16xi32>
      tpu.vector_store %arg14[%swap3A_2559, %swap3A_2560], %swap3A_2563 {strides = array<i32>} : memref<5x128xi32, #tpu.memory_space<vmem>>, vector<1x16xi32>,
      %get3A_2564 = arith.constant 2 : i32
      %get3A_2565 = arith.index_cast %get3A_2564 : i32 to index
      %get3A_2566 = arith.constant 16 : index
      %get3A_2567 = tpu.vector_load %arg14[%get3A_2565, %get3A_2566] {strides = array<i32>} : memref<5x128xi32, #tpu.memory_space<vmem>>, vector<1x16xi32>,
      %get3A_2568 = vector.shape_cast %get3A_2567 : vector<1x16xi32> to vector<16xi32>
      %get3A_2569 = arith.constant 2 : i32
      %get3A_2570 = arith.index_cast %get3A_2569 : i32 to index
      %get3A_2571 = arith.constant 16 : index
      %get3A_2572 = tpu.vector_load %arg13[%get3A_2570, %get3A_2571] {strides = array<i32>} : memref<5x128xi32, #tpu.memory_space<vmem>>, vector<1x16xi32>,
      %get3A_2573 = vector.shape_cast %get3A_2572 : vector<1x16xi32> to vector<16xi32>
      %get3A_2574 = arith.constant 2 : i32
      %get3A_2575 = arith.index_cast %get3A_2574 : i32 to index
      %get3A_2576 = arith.constant 16 : index
      %get3A_2577 = tpu.vector_load %arg12[%get3A_2575, %get3A_2576] {strides = array<i32>} : memref<5x128xi32, #tpu.memory_space<vmem>>, vector<1x16xi32>,
      %get3A_2578 = vector.shape_cast %get3A_2577 : vector<1x16xi32> to vector<16xi32>
      %lt3A_2579 = arith.cmpi slt, %get3A_2568, %get3A_2573 : vector<16xi32>
      %jit3A_2580 = arith.constant 262152 : i32
      %broadcast_in_dim3A_2581 = vector.broadcast %jit3A_2580 : i32 to vector<16xi32>
      %select_n3A_2582 = arith.select %lt3A_2579, %get3A_2578, %broadcast_in_dim3A_2581 : vector<16xi1>, vector<16xi32>
      %swap3A_2583 = arith.constant 2 : i32
      %swap3A_2584 = arith.index_cast %swap3A_2583 : i32 to index
      %swap3A_2585 = arith.constant 16 : index
      %swap3A_2586 = tpu.vector_load %arg14[%swap3A_2584, %swap3A_2585] {strides = array<i32>} : memref<5x128xi32, #tpu.memory_space<vmem>>, vector<1x16xi32>,
      %swap3A_2587 = vector.shape_cast %swap3A_2586 : vector<1x16xi32> to vector<16xi32>
      %swap3A_2588 = vector.shape_cast %select_n3A_2582 : vector<16xi32> to vector<1x16xi32>
      tpu.vector_store %arg14[%swap3A_2584, %swap3A_2585], %swap3A_2588 {strides = array<i32>} : memref<5x128xi32, #tpu.memory_space<vmem>>, vector<1x16xi32>,
      %get3A_2589 = arith.constant 2 : i32
      %get3A_2590 = arith.index_cast %get3A_2589 : i32 to index
      %get3A_2591 = arith.constant 32 : index
      %get3A_2592 = tpu.vector_load %arg14[%get3A_2590, %get3A_2591] {strides = array<i32>} : memref<5x128xi32, #tpu.memory_space<vmem>>, vector<1x16xi32>,
      %get3A_2593 = vector.shape_cast %get3A_2592 : vector<1x16xi32> to vector<16xi32>
      %get3A_2594 = arith.constant 2 : i32
      %get3A_2595 = arith.index_cast %get3A_2594 : i32 to index
      %get3A_2596 = arith.constant 32 : index
      %get3A_2597 = tpu.vector_load %arg13[%get3A_2595, %get3A_2596] {strides = array<i32>} : memref<5x128xi32, #tpu.memory_space<vmem>>, vector<1x16xi32>,
      %get3A_2598 = vector.shape_cast %get3A_2597 : vector<1x16xi32> to vector<16xi32>
      %get3A_2599 = arith.constant 2 : i32
      %get3A_2600 = arith.index_cast %get3A_2599 : i32 to index
      %get3A_2601 = arith.constant 32 : index
      %get3A_2602 = tpu.vector_load %arg12[%get3A_2600, %get3A_2601] {strides = array<i32>} : memref<5x128xi32, #tpu.memory_space<vmem>>, vector<1x16xi32>,
      %get3A_2603 = vector.shape_cast %get3A_2602 : vector<1x16xi32> to vector<16xi32>
      %lt3A_2604 = arith.cmpi slt, %get3A_2593, %get3A_2598 : vector<16xi32>
      %jit3A_2605 = arith.constant 262152 : i32
      %broadcast_in_dim3A_2606 = vector.broadcast %jit3A_2605 : i32 to vector<16xi32>
      %select_n3A_2607 = arith.select %lt3A_2604, %get3A_2603, %broadcast_in_dim3A_2606 : vector<16xi1>, vector<16xi32>
      %swap3A_2608 = arith.constant 2 : i32
      %swap3A_2609 = arith.index_cast %swap3A_2608 : i32 to index
      %swap3A_2610 = arith.constant 32 : index
      %swap3A_2611 = tpu.vector_load %arg14[%swap3A_2609, %swap3A_2610] {strides = array<i32>} : memref<5x128xi32, #tpu.memory_space<vmem>>, vector<1x16xi32>,
      %swap3A_2612 = vector.shape_cast %swap3A_2611 : vector<1x16xi32> to vector<16xi32>
      %swap3A_2613 = vector.shape_cast %select_n3A_2607 : vector<16xi32> to vector<1x16xi32>
      tpu.vector_store %arg14[%swap3A_2609, %swap3A_2610], %swap3A_2613 {strides = array<i32>} : memref<5x128xi32, #tpu.memory_space<vmem>>, vector<1x16xi32>,
      %get3A_2614 = arith.constant 2 : i32
      %get3A_2615 = arith.index_cast %get3A_2614 : i32 to index
      %get3A_2616 = arith.constant 48 : index
      %get3A_2617 = tpu.vector_load %arg14[%get3A_2615, %get3A_2616] {strides = array<i32>} : memref<5x128xi32, #tpu.memory_space<vmem>>, vector<1x16xi32>,
      %get3A_2618 = vector.shape_cast %get3A_2617 : vector<1x16xi32> to vector<16xi32>
      %get3A_2619 = arith.constant 2 : i32
      %get3A_2620 = arith.index_cast %get3A_2619 : i32 to index
      %get3A_2621 = arith.constant 48 : index
      %get3A_2622 = tpu.vector_load %arg13[%get3A_2620, %get3A_2621] {strides = array<i32>} : memref<5x128xi32, #tpu.memory_space<vmem>>, vector<1x16xi32>,
      %get3A_2623 = vector.shape_cast %get3A_2622 : vector<1x16xi32> to vector<16xi32>
      %get3A_2624 = arith.constant 2 : i32
      %get3A_2625 = arith.index_cast %get3A_2624 : i32 to index
      %get3A_2626 = arith.constant 48 : index
      %get3A_2627 = tpu.vector_load %arg12[%get3A_2625, %get3A_2626] {strides = array<i32>} : memref<5x128xi32, #tpu.memory_space<vmem>>, vector<1x16xi32>,
      %get3A_2628 = vector.shape_cast %get3A_2627 : vector<1x16xi32> to vector<16xi32>
      %lt3A_2629 = arith.cmpi slt, %get3A_2618, %get3A_2623 : vector<16xi32>
      %jit3A_2630 = arith.constant 262152 : i32
      %broadcast_in_dim3A_2631 = vector.broadcast %jit3A_2630 : i32 to vector<16xi32>
      %select_n3A_2632 = arith.select %lt3A_2629, %get3A_2628, %broadcast_in_dim3A_2631 : vector<16xi1>, vector<16xi32>
      %swap3A_2633 = arith.constant 2 : i32
      %swap3A_2634 = arith.index_cast %swap3A_2633 : i32 to index
      %swap3A_2635 = arith.constant 48 : index
      %swap3A_2636 = tpu.vector_load %arg14[%swap3A_2634, %swap3A_2635] {strides = array<i32>} : memref<5x128xi32, #tpu.memory_space<vmem>>, vector<1x16xi32>,
      %swap3A_2637 = vector.shape_cast %swap3A_2636 : vector<1x16xi32> to vector<16xi32>
      %swap3A_2638 = vector.shape_cast %select_n3A_2632 : vector<16xi32> to vector<1x16xi32>
      tpu.vector_store %arg14[%swap3A_2634, %swap3A_2635], %swap3A_2638 {strides = array<i32>} : memref<5x128xi32, #tpu.memory_space<vmem>>, vector<1x16xi32>,
      %get3A_2639 = arith.constant 2 : i32
      %get3A_2640 = arith.index_cast %get3A_2639 : i32 to index
      %get3A_2641 = arith.constant 64 : index
      %get3A_2642 = tpu.vector_load %arg14[%get3A_2640, %get3A_2641] {strides = array<i32>} : memref<5x128xi32, #tpu.memory_space<vmem>>, vector<1x16xi32>,
      %get3A_2643 = vector.shape_cast %get3A_2642 : vector<1x16xi32> to vector<16xi32>
      %get3A_2644 = arith.constant 2 : i32
      %get3A_2645 = arith.index_cast %get3A_2644 : i32 to index
      %get3A_2646 = arith.constant 64 : index
      %get3A_2647 = tpu.vector_load %arg13[%get3A_2645, %get3A_2646] {strides = array<i32>} : memref<5x128xi32, #tpu.memory_space<vmem>>, vector<1x16xi32>,
      %get3A_2648 = vector.shape_cast %get3A_2647 : vector<1x16xi32> to vector<16xi32>
      %get3A_2649 = arith.constant 2 : i32
      %get3A_2650 = arith.index_cast %get3A_2649 : i32 to index
      %get3A_2651 = arith.constant 64 : index
      %get3A_2652 = tpu.vector_load %arg12[%get3A_2650, %get3A_2651] {strides = array<i32>} : memref<5x128xi32, #tpu.memory_space<vmem>>, vector<1x16xi32>,
      %get3A_2653 = vector.shape_cast %get3A_2652 : vector<1x16xi32> to vector<16xi32>
      %lt3A_2654 = arith.cmpi slt, %get3A_2643, %get3A_2648 : vector<16xi32>
      %jit3A_2655 = arith.constant 262152 : i32
      %broadcast_in_dim3A_2656 = vector.broadcast %jit3A_2655 : i32 to vector<16xi32>
      %select_n3A_2657 = arith.select %lt3A_2654, %get3A_2653, %broadcast_in_dim3A_2656 : vector<16xi1>, vector<16xi32>
      %swap3A_2658 = arith.constant 2 : i32
      %swap3A_2659 = arith.index_cast %swap3A_2658 : i32 to index
      %swap3A_2660 = arith.constant 64 : index
      %swap3A_2661 = tpu.vector_load %arg14[%swap3A_2659, %swap3A_2660] {strides = array<i32>} : memref<5x128xi32, #tpu.memory_space<vmem>>, vector<1x16xi32>,
      %swap3A_2662 = vector.shape_cast %swap3A_2661 : vector<1x16xi32> to vector<16xi32>
      %swap3A_2663 = vector.shape_cast %select_n3A_2657 : vector<16xi32> to vector<1x16xi32>
      tpu.vector_store %arg14[%swap3A_2659, %swap3A_2660], %swap3A_2663 {strides = array<i32>} : memref<5x128xi32, #tpu.memory_space<vmem>>, vector<1x16xi32>,
      %get3A_2664 = arith.constant 2 : i32
      %get3A_2665 = arith.index_cast %get3A_2664 : i32 to index
      %get3A_2666 = arith.constant 80 : index
      %get3A_2667 = tpu.vector_load %arg14[%get3A_2665, %get3A_2666] {strides = array<i32>} : memref<5x128xi32, #tpu.memory_space<vmem>>, vector<1x16xi32>,
      %get3A_2668 = vector.shape_cast %get3A_2667 : vector<1x16xi32> to vector<16xi32>
      %get3A_2669 = arith.constant 2 : i32
      %get3A_2670 = arith.index_cast %get3A_2669 : i32 to index
      %get3A_2671 = arith.constant 80 : index
      %get3A_2672 = tpu.vector_load %arg13[%get3A_2670, %get3A_2671] {strides = array<i32>} : memref<5x128xi32, #tpu.memory_space<vmem>>, vector<1x16xi32>,
      %get3A_2673 = vector.shape_cast %get3A_2672 : vector<1x16xi32> to vector<16xi32>
      %get3A_2674 = arith.constant 2 : i32
      %get3A_2675 = arith.index_cast %get3A_2674 : i32 to index
      %get3A_2676 = arith.constant 80 : index
      %get3A_2677 = tpu.vector_load %arg12[%get3A_2675, %get3A_2676] {strides = array<i32>} : memref<5x128xi32, #tpu.memory_space<vmem>>, vector<1x16xi32>,
      %get3A_2678 = vector.shape_cast %get3A_2677 : vector<1x16xi32> to vector<16xi32>
      %lt3A_2679 = arith.cmpi slt, %get3A_2668, %get3A_2673 : vector<16xi32>
      %jit3A_2680 = arith.constant 262152 : i32
      %broadcast_in_dim3A_2681 = vector.broadcast %jit3A_2680 : i32 to vector<16xi32>
      %select_n3A_2682 = arith.select %lt3A_2679, %get3A_2678, %broadcast_in_dim3A_2681 : vector<16xi1>, vector<16xi32>
      %swap3A_2683 = arith.constant 2 : i32
      %swap3A_2684 = arith.index_cast %swap3A_2683 : i32 to index
      %swap3A_2685 = arith.constant 80 : index
      %swap3A_2686 = tpu.vector_load %arg14[%swap3A_2684, %swap3A_2685] {strides = array<i32>} : memref<5x128xi32, #tpu.memory_space<vmem>>, vector<1x16xi32>,
      %swap3A_2687 = vector.shape_cast %swap3A_2686 : vector<1x16xi32> to vector<16xi32>
      %swap3A_2688 = vector.shape_cast %select_n3A_2682 : vector<16xi32> to vector<1x16xi32>
      tpu.vector_store %arg14[%swap3A_2684, %swap3A_2685], %swap3A_2688 {strides = array<i32>} : memref<5x128xi32, #tpu.memory_space<vmem>>, vector<1x16xi32>,
      %get3A_2689 = arith.constant 2 : i32
      %get3A_2690 = arith.index_cast %get3A_2689 : i32 to index
      %get3A_2691 = arith.constant 96 : index
      %get3A_2692 = tpu.vector_load %arg14[%get3A_2690, %get3A_2691] {strides = array<i32>} : memref<5x128xi32, #tpu.memory_space<vmem>>, vector<1x16xi32>,
      %get3A_2693 = vector.shape_cast %get3A_2692 : vector<1x16xi32> to vector<16xi32>
      %get3A_2694 = arith.constant 2 : i32
      %get3A_2695 = arith.index_cast %get3A_2694 : i32 to index
      %get3A_2696 = arith.constant 96 : index
      %get3A_2697 = tpu.vector_load %arg13[%get3A_2695, %get3A_2696] {strides = array<i32>} : memref<5x128xi32, #tpu.memory_space<vmem>>, vector<1x16xi32>,
      %get3A_2698 = vector.shape_cast %get3A_2697 : vector<1x16xi32> to vector<16xi32>
      %get3A_2699 = arith.constant 2 : i32
      %get3A_2700 = arith.index_cast %get3A_2699 : i32 to index
      %get3A_2701 = arith.constant 96 : index
      %get3A_2702 = tpu.vector_load %arg12[%get3A_2700, %get3A_2701] {strides = array<i32>} : memref<5x128xi32, #tpu.memory_space<vmem>>, vector<1x16xi32>,
      %get3A_2703 = vector.shape_cast %get3A_2702 : vector<1x16xi32> to vector<16xi32>
      %lt3A_2704 = arith.cmpi slt, %get3A_2693, %get3A_2698 : vector<16xi32>
      %jit3A_2705 = arith.constant 262152 : i32
      %broadcast_in_dim3A_2706 = vector.broadcast %jit3A_2705 : i32 to vector<16xi32>
      %select_n3A_2707 = arith.select %lt3A_2704, %get3A_2703, %broadcast_in_dim3A_2706 : vector<16xi1>, vector<16xi32>
      %swap3A_2708 = arith.constant 2 : i32
      %swap3A_2709 = arith.index_cast %swap3A_2708 : i32 to index
      %swap3A_2710 = arith.constant 96 : index
      %swap3A_2711 = tpu.vector_load %arg14[%swap3A_2709, %swap3A_2710] {strides = array<i32>} : memref<5x128xi32, #tpu.memory_space<vmem>>, vector<1x16xi32>,
      %swap3A_2712 = vector.shape_cast %swap3A_2711 : vector<1x16xi32> to vector<16xi32>
      %swap3A_2713 = vector.shape_cast %select_n3A_2707 : vector<16xi32> to vector<1x16xi32>
      tpu.vector_store %arg14[%swap3A_2709, %swap3A_2710], %swap3A_2713 {strides = array<i32>} : memref<5x128xi32, #tpu.memory_space<vmem>>, vector<1x16xi32>,
      %get3A_2714 = arith.constant 2 : i32
      %get3A_2715 = arith.index_cast %get3A_2714 : i32 to index
      %get3A_2716 = arith.constant 112 : index
      %get3A_2717 = tpu.vector_load %arg14[%get3A_2715, %get3A_2716] {strides = array<i32>} : memref<5x128xi32, #tpu.memory_space<vmem>>, vector<1x16xi32>,
      %get3A_2718 = vector.shape_cast %get3A_2717 : vector<1x16xi32> to vector<16xi32>
      %get3A_2719 = arith.constant 2 : i32
      %get3A_2720 = arith.index_cast %get3A_2719 : i32 to index
      %get3A_2721 = arith.constant 112 : index
      %get3A_2722 = tpu.vector_load %arg13[%get3A_2720, %get3A_2721] {strides = array<i32>} : memref<5x128xi32, #tpu.memory_space<vmem>>, vector<1x16xi32>,
      %get3A_2723 = vector.shape_cast %get3A_2722 : vector<1x16xi32> to vector<16xi32>
      %get3A_2724 = arith.constant 2 : i32
      %get3A_2725 = arith.index_cast %get3A_2724 : i32 to index
      %get3A_2726 = arith.constant 112 : index
      %get3A_2727 = tpu.vector_load %arg12[%get3A_2725, %get3A_2726] {strides = array<i32>} : memref<5x128xi32, #tpu.memory_space<vmem>>, vector<1x16xi32>,
      %get3A_2728 = vector.shape_cast %get3A_2727 : vector<1x16xi32> to vector<16xi32>
      %lt3A_2729 = arith.cmpi slt, %get3A_2718, %get3A_2723 : vector<16xi32>
      %jit3A_2730 = arith.constant 262152 : i32
      %broadcast_in_dim3A_2731 = vector.broadcast %jit3A_2730 : i32 to vector<16xi32>
      %select_n3A_2732 = arith.select %lt3A_2729, %get3A_2728, %broadcast_in_dim3A_2731 : vector<16xi1>, vector<16xi32>
      %swap3A_2733 = arith.constant 2 : i32
      %swap3A_2734 = arith.index_cast %swap3A_2733 : i32 to index
      %swap3A_2735 = arith.constant 112 : index
      %swap3A_2736 = tpu.vector_load %arg14[%swap3A_2734, %swap3A_2735] {strides = array<i32>} : memref<5x128xi32, #tpu.memory_space<vmem>>, vector<1x16xi32>,
      %swap3A_2737 = vector.shape_cast %swap3A_2736 : vector<1x16xi32> to vector<16xi32>
      %swap3A_2738 = vector.shape_cast %select_n3A_2732 : vector<16xi32> to vector<1x16xi32>
      tpu.vector_store %arg14[%swap3A_2734, %swap3A_2735], %swap3A_2738 {strides = array<i32>} : memref<5x128xi32, #tpu.memory_space<vmem>>, vector<1x16xi32>,
      %get3A_2739 = arith.constant 3 : i32
      %get3A_2740 = arith.index_cast %get3A_2739 : i32 to index
      %get3A_2741 = arith.constant 0 : index
      %get3A_2742 = tpu.vector_load %arg14[%get3A_2740, %get3A_2741] {strides = array<i32>} : memref<5x128xi32, #tpu.memory_space<vmem>>, vector<1x16xi32>,
      %get3A_2743 = vector.shape_cast %get3A_2742 : vector<1x16xi32> to vector<16xi32>
      %get3A_2744 = arith.constant 3 : i32
      %get3A_2745 = arith.index_cast %get3A_2744 : i32 to index
      %get3A_2746 = arith.constant 0 : index
      %get3A_2747 = tpu.vector_load %arg13[%get3A_2745, %get3A_2746] {strides = array<i32>} : memref<5x128xi32, #tpu.memory_space<vmem>>, vector<1x16xi32>,
      %get3A_2748 = vector.shape_cast %get3A_2747 : vector<1x16xi32> to vector<16xi32>
      %get3A_2749 = arith.constant 3 : i32
      %get3A_2750 = arith.index_cast %get3A_2749 : i32 to index
      %get3A_2751 = arith.constant 0 : index
      %get3A_2752 = tpu.vector_load %arg12[%get3A_2750, %get3A_2751] {strides = array<i32>} : memref<5x128xi32, #tpu.memory_space<vmem>>, vector<1x16xi32>,
      %get3A_2753 = vector.shape_cast %get3A_2752 : vector<1x16xi32> to vector<16xi32>
      %lt3A_2754 = arith.cmpi slt, %get3A_2743, %get3A_2748 : vector<16xi32>
      %jit3A_2755 = arith.constant 262152 : i32
      %broadcast_in_dim3A_2756 = vector.broadcast %jit3A_2755 : i32 to vector<16xi32>
      %select_n3A_2757 = arith.select %lt3A_2754, %get3A_2753, %broadcast_in_dim3A_2756 : vector<16xi1>, vector<16xi32>
      %swap3A_2758 = arith.constant 3 : i32
      %swap3A_2759 = arith.index_cast %swap3A_2758 : i32 to index
      %swap3A_2760 = arith.constant 0 : index
      %swap3A_2761 = tpu.vector_load %arg14[%swap3A_2759, %swap3A_2760] {strides = array<i32>} : memref<5x128xi32, #tpu.memory_space<vmem>>, vector<1x16xi32>,
      %swap3A_2762 = vector.shape_cast %swap3A_2761 : vector<1x16xi32> to vector<16xi32>
      %swap3A_2763 = vector.shape_cast %select_n3A_2757 : vector<16xi32> to vector<1x16xi32>
      tpu.vector_store %arg14[%swap3A_2759, %swap3A_2760], %swap3A_2763 {strides = array<i32>} : memref<5x128xi32, #tpu.memory_space<vmem>>, vector<1x16xi32>,
      %get3A_2764 = arith.constant 3 : i32
      %get3A_2765 = arith.index_cast %get3A_2764 : i32 to index
      %get3A_2766 = arith.constant 16 : index
      %get3A_2767 = tpu.vector_load %arg14[%get3A_2765, %get3A_2766] {strides = array<i32>} : memref<5x128xi32, #tpu.memory_space<vmem>>, vector<1x16xi32>,
      %get3A_2768 = vector.shape_cast %get3A_2767 : vector<1x16xi32> to vector<16xi32>
      %get3A_2769 = arith.constant 3 : i32
      %get3A_2770 = arith.index_cast %get3A_2769 : i32 to index
      %get3A_2771 = arith.constant 16 : index
      %get3A_2772 = tpu.vector_load %arg13[%get3A_2770, %get3A_2771] {strides = array<i32>} : memref<5x128xi32, #tpu.memory_space<vmem>>, vector<1x16xi32>,
      %get3A_2773 = vector.shape_cast %get3A_2772 : vector<1x16xi32> to vector<16xi32>
      %get3A_2774 = arith.constant 3 : i32
      %get3A_2775 = arith.index_cast %get3A_2774 : i32 to index
      %get3A_2776 = arith.constant 16 : index
      %get3A_2777 = tpu.vector_load %arg12[%get3A_2775, %get3A_2776] {strides = array<i32>} : memref<5x128xi32, #tpu.memory_space<vmem>>, vector<1x16xi32>,
      %get3A_2778 = vector.shape_cast %get3A_2777 : vector<1x16xi32> to vector<16xi32>
      %lt3A_2779 = arith.cmpi slt, %get3A_2768, %get3A_2773 : vector<16xi32>
      %jit3A_2780 = arith.constant 262152 : i32
      %broadcast_in_dim3A_2781 = vector.broadcast %jit3A_2780 : i32 to vector<16xi32>
      %select_n3A_2782 = arith.select %lt3A_2779, %get3A_2778, %broadcast_in_dim3A_2781 : vector<16xi1>, vector<16xi32>
      %swap3A_2783 = arith.constant 3 : i32
      %swap3A_2784 = arith.index_cast %swap3A_2783 : i32 to index
      %swap3A_2785 = arith.constant 16 : index
      %swap3A_2786 = tpu.vector_load %arg14[%swap3A_2784, %swap3A_2785] {strides = array<i32>} : memref<5x128xi32, #tpu.memory_space<vmem>>, vector<1x16xi32>,
      %swap3A_2787 = vector.shape_cast %swap3A_2786 : vector<1x16xi32> to vector<16xi32>
      %swap3A_2788 = vector.shape_cast %select_n3A_2782 : vector<16xi32> to vector<1x16xi32>
      tpu.vector_store %arg14[%swap3A_2784, %swap3A_2785], %swap3A_2788 {strides = array<i32>} : memref<5x128xi32, #tpu.memory_space<vmem>>, vector<1x16xi32>,
      %get3A_2789 = arith.constant 3 : i32
      %get3A_2790 = arith.index_cast %get3A_2789 : i32 to index
      %get3A_2791 = arith.constant 32 : index
      %get3A_2792 = tpu.vector_load %arg14[%get3A_2790, %get3A_2791] {strides = array<i32>} : memref<5x128xi32, #tpu.memory_space<vmem>>, vector<1x16xi32>,
      %get3A_2793 = vector.shape_cast %get3A_2792 : vector<1x16xi32> to vector<16xi32>
      %get3A_2794 = arith.constant 3 : i32
      %get3A_2795 = arith.index_cast %get3A_2794 : i32 to index
      %get3A_2796 = arith.constant 32 : index
      %get3A_2797 = tpu.vector_load %arg13[%get3A_2795, %get3A_2796] {strides = array<i32>} : memref<5x128xi32, #tpu.memory_space<vmem>>, vector<1x16xi32>,
      %get3A_2798 = vector.shape_cast %get3A_2797 : vector<1x16xi32> to vector<16xi32>
      %get3A_2799 = arith.constant 3 : i32
      %get3A_2800 = arith.index_cast %get3A_2799 : i32 to index
      %get3A_2801 = arith.constant 32 : index
      %get3A_2802 = tpu.vector_load %arg12[%get3A_2800, %get3A_2801] {strides = array<i32>} : memref<5x128xi32, #tpu.memory_space<vmem>>, vector<1x16xi32>,
      %get3A_2803 = vector.shape_cast %get3A_2802 : vector<1x16xi32> to vector<16xi32>
      %lt3A_2804 = arith.cmpi slt, %get3A_2793, %get3A_2798 : vector<16xi32>
      %jit3A_2805 = arith.constant 262152 : i32
      %broadcast_in_dim3A_2806 = vector.broadcast %jit3A_2805 : i32 to vector<16xi32>
      %select_n3A_2807 = arith.select %lt3A_2804, %get3A_2803, %broadcast_in_dim3A_2806 : vector<16xi1>, vector<16xi32>
      %swap3A_2808 = arith.constant 3 : i32
      %swap3A_2809 = arith.index_cast %swap3A_2808 : i32 to index
      %swap3A_2810 = arith.constant 32 : index
      %swap3A_2811 = tpu.vector_load %arg14[%swap3A_2809, %swap3A_2810] {strides = array<i32>} : memref<5x128xi32, #tpu.memory_space<vmem>>, vector<1x16xi32>,
      %swap3A_2812 = vector.shape_cast %swap3A_2811 : vector<1x16xi32> to vector<16xi32>
      %swap3A_2813 = vector.shape_cast %select_n3A_2807 : vector<16xi32> to vector<1x16xi32>
      tpu.vector_store %arg14[%swap3A_2809, %swap3A_2810], %swap3A_2813 {strides = array<i32>} : memref<5x128xi32, #tpu.memory_space<vmem>>, vector<1x16xi32>,
      %get3A_2814 = arith.constant 3 : i32
      %get3A_2815 = arith.index_cast %get3A_2814 : i32 to index
      %get3A_2816 = arith.constant 48 : index
      %get3A_2817 = tpu.vector_load %arg14[%get3A_2815, %get3A_2816] {strides = array<i32>} : memref<5x128xi32, #tpu.memory_space<vmem>>, vector<1x16xi32>,
      %get3A_2818 = vector.shape_cast %get3A_2817 : vector<1x16xi32> to vector<16xi32>
      %get3A_2819 = arith.constant 3 : i32
      %get3A_2820 = arith.index_cast %get3A_2819 : i32 to index
      %get3A_2821 = arith.constant 48 : index
      %get3A_2822 = tpu.vector_load %arg13[%get3A_2820, %get3A_2821] {strides = array<i32>} : memref<5x128xi32, #tpu.memory_space<vmem>>, vector<1x16xi32>,
      %get3A_2823 = vector.shape_cast %get3A_2822 : vector<1x16xi32> to vector<16xi32>
      %get3A_2824 = arith.constant 3 : i32
      %get3A_2825 = arith.index_cast %get3A_2824 : i32 to index
      %get3A_2826 = arith.constant 48 : index
      %get3A_2827 = tpu.vector_load %arg12[%get3A_2825, %get3A_2826] {strides = array<i32>} : memref<5x128xi32, #tpu.memory_space<vmem>>, vector<1x16xi32>,
      %get3A_2828 = vector.shape_cast %get3A_2827 : vector<1x16xi32> to vector<16xi32>
      %lt3A_2829 = arith.cmpi slt, %get3A_2818, %get3A_2823 : vector<16xi32>
      %jit3A_2830 = arith.constant 262152 : i32
      %broadcast_in_dim3A_2831 = vector.broadcast %jit3A_2830 : i32 to vector<16xi32>
      %select_n3A_2832 = arith.select %lt3A_2829, %get3A_2828, %broadcast_in_dim3A_2831 : vector<16xi1>, vector<16xi32>
      %swap3A_2833 = arith.constant 3 : i32
      %swap3A_2834 = arith.index_cast %swap3A_2833 : i32 to index
      %swap3A_2835 = arith.constant 48 : index
      %swap3A_2836 = tpu.vector_load %arg14[%swap3A_2834, %swap3A_2835] {strides = array<i32>} : memref<5x128xi32, #tpu.memory_space<vmem>>, vector<1x16xi32>,
      %swap3A_2837 = vector.shape_cast %swap3A_2836 : vector<1x16xi32> to vector<16xi32>
      %swap3A_2838 = vector.shape_cast %select_n3A_2832 : vector<16xi32> to vector<1x16xi32>
      tpu.vector_store %arg14[%swap3A_2834, %swap3A_2835], %swap3A_2838 {strides = array<i32>} : memref<5x128xi32, #tpu.memory_space<vmem>>, vector<1x16xi32>,
      %get3A_2839 = arith.constant 3 : i32
      %get3A_2840 = arith.index_cast %get3A_2839 : i32 to index
      %get3A_2841 = arith.constant 64 : index
      %get3A_2842 = tpu.vector_load %arg14[%get3A_2840, %get3A_2841] {strides = array<i32>} : memref<5x128xi32, #tpu.memory_space<vmem>>, vector<1x16xi32>,
      %get3A_2843 = vector.shape_cast %get3A_2842 : vector<1x16xi32> to vector<16xi32>
      %get3A_2844 = arith.constant 3 : i32
      %get3A_2845 = arith.index_cast %get3A_2844 : i32 to index
      %get3A_2846 = arith.constant 64 : index
      %get3A_2847 = tpu.vector_load %arg13[%get3A_2845, %get3A_2846] {strides = array<i32>} : memref<5x128xi32, #tpu.memory_space<vmem>>, vector<1x16xi32>,
      %get3A_2848 = vector.shape_cast %get3A_2847 : vector<1x16xi32> to vector<16xi32>
      %get3A_2849 = arith.constant 3 : i32
      %get3A_2850 = arith.index_cast %get3A_2849 : i32 to index
      %get3A_2851 = arith.constant 64 : index
      %get3A_2852 = tpu.vector_load %arg12[%get3A_2850, %get3A_2851] {strides = array<i32>} : memref<5x128xi32, #tpu.memory_space<vmem>>, vector<1x16xi32>,
      %get3A_2853 = vector.shape_cast %get3A_2852 : vector<1x16xi32> to vector<16xi32>
      %lt3A_2854 = arith.cmpi slt, %get3A_2843, %get3A_2848 : vector<16xi32>
      %jit3A_2855 = arith.constant 262152 : i32
      %broadcast_in_dim3A_2856 = vector.broadcast %jit3A_2855 : i32 to vector<16xi32>
      %select_n3A_2857 = arith.select %lt3A_2854, %get3A_2853, %broadcast_in_dim3A_2856 : vector<16xi1>, vector<16xi32>
      %swap3A_2858 = arith.constant 3 : i32
      %swap3A_2859 = arith.index_cast %swap3A_2858 : i32 to index
      %swap3A_2860 = arith.constant 64 : index
      %swap3A_2861 = tpu.vector_load %arg14[%swap3A_2859, %swap3A_2860] {strides = array<i32>} : memref<5x128xi32, #tpu.memory_space<vmem>>, vector<1x16xi32>,
      %swap3A_2862 = vector.shape_cast %swap3A_2861 : vector<1x16xi32> to vector<16xi32>
      %swap3A_2863 = vector.shape_cast %select_n3A_2857 : vector<16xi32> to vector<1x16xi32>
      tpu.vector_store %arg14[%swap3A_2859, %swap3A_2860], %swap3A_2863 {strides = array<i32>} : memref<5x128xi32, #tpu.memory_space<vmem>>, vector<1x16xi32>,
      %get3A_2864 = arith.constant 3 : i32
      %get3A_2865 = arith.index_cast %get3A_2864 : i32 to index
      %get3A_2866 = arith.constant 80 : index
      %get3A_2867 = tpu.vector_load %arg14[%get3A_2865, %get3A_2866] {strides = array<i32>} : memref<5x128xi32, #tpu.memory_space<vmem>>, vector<1x16xi32>,
      %get3A_2868 = vector.shape_cast %get3A_2867 : vector<1x16xi32> to vector<16xi32>
      %get3A_2869 = arith.constant 3 : i32
      %get3A_2870 = arith.index_cast %get3A_2869 : i32 to index
      %get3A_2871 = arith.constant 80 : index
      %get3A_2872 = tpu.vector_load %arg13[%get3A_2870, %get3A_2871] {strides = array<i32>} : memref<5x128xi32, #tpu.memory_space<vmem>>, vector<1x16xi32>,
      %get3A_2873 = vector.shape_cast %get3A_2872 : vector<1x16xi32> to vector<16xi32>
      %get3A_2874 = arith.constant 3 : i32
      %get3A_2875 = arith.index_cast %get3A_2874 : i32 to index
      %get3A_2876 = arith.constant 80 : index
      %get3A_2877 = tpu.vector_load %arg12[%get3A_2875, %get3A_2876] {strides = array<i32>} : memref<5x128xi32, #tpu.memory_space<vmem>>, vector<1x16xi32>,
      %get3A_2878 = vector.shape_cast %get3A_2877 : vector<1x16xi32> to vector<16xi32>
      %lt3A_2879 = arith.cmpi slt, %get3A_2868, %get3A_2873 : vector<16xi32>
      %jit3A_2880 = arith.constant 262152 : i32
      %broadcast_in_dim3A_2881 = vector.broadcast %jit3A_2880 : i32 to vector<16xi32>
      %select_n3A_2882 = arith.select %lt3A_2879, %get3A_2878, %broadcast_in_dim3A_2881 : vector<16xi1>, vector<16xi32>
      %swap3A_2883 = arith.constant 3 : i32
      %swap3A_2884 = arith.index_cast %swap3A_2883 : i32 to index
      %swap3A_2885 = arith.constant 80 : index
      %swap3A_2886 = tpu.vector_load %arg14[%swap3A_2884, %swap3A_2885] {strides = array<i32>} : memref<5x128xi32, #tpu.memory_space<vmem>>, vector<1x16xi32>,
      %swap3A_2887 = vector.shape_cast %swap3A_2886 : vector<1x16xi32> to vector<16xi32>
      %swap3A_2888 = vector.shape_cast %select_n3A_2882 : vector<16xi32> to vector<1x16xi32>
      tpu.vector_store %arg14[%swap3A_2884, %swap3A_2885], %swap3A_2888 {strides = array<i32>} : memref<5x128xi32, #tpu.memory_space<vmem>>, vector<1x16xi32>,
      %get3A_2889 = arith.constant 3 : i32
      %get3A_2890 = arith.index_cast %get3A_2889 : i32 to index
      %get3A_2891 = arith.constant 96 : index
      %get3A_2892 = tpu.vector_load %arg14[%get3A_2890, %get3A_2891] {strides = array<i32>} : memref<5x128xi32, #tpu.memory_space<vmem>>, vector<1x16xi32>,
      %get3A_2893 = vector.shape_cast %get3A_2892 : vector<1x16xi32> to vector<16xi32>
      %get3A_2894 = arith.constant 3 : i32
      %get3A_2895 = arith.index_cast %get3A_2894 : i32 to index
      %get3A_2896 = arith.constant 96 : index
      %get3A_2897 = tpu.vector_load %arg13[%get3A_2895, %get3A_2896] {strides = array<i32>} : memref<5x128xi32, #tpu.memory_space<vmem>>, vector<1x16xi32>,
      %get3A_2898 = vector.shape_cast %get3A_2897 : vector<1x16xi32> to vector<16xi32>
      %get3A_2899 = arith.constant 3 : i32
      %get3A_2900 = arith.index_cast %get3A_2899 : i32 to index
      %get3A_2901 = arith.constant 96 : index
      %get3A_2902 = tpu.vector_load %arg12[%get3A_2900, %get3A_2901] {strides = array<i32>} : memref<5x128xi32, #tpu.memory_space<vmem>>, vector<1x16xi32>,
      %get3A_2903 = vector.shape_cast %get3A_2902 : vector<1x16xi32> to vector<16xi32>
      %lt3A_2904 = arith.cmpi slt, %get3A_2893, %get3A_2898 : vector<16xi32>
      %jit3A_2905 = arith.constant 262152 : i32
      %broadcast_in_dim3A_2906 = vector.broadcast %jit3A_2905 : i32 to vector<16xi32>
      %select_n3A_2907 = arith.select %lt3A_2904, %get3A_2903, %broadcast_in_dim3A_2906 : vector<16xi1>, vector<16xi32>
      %swap3A_2908 = arith.constant 3 : i32
      %swap3A_2909 = arith.index_cast %swap3A_2908 : i32 to index
      %swap3A_2910 = arith.constant 96 : index
      %swap3A_2911 = tpu.vector_load %arg14[%swap3A_2909, %swap3A_2910] {strides = array<i32>} : memref<5x128xi32, #tpu.memory_space<vmem>>, vector<1x16xi32>,
      %swap3A_2912 = vector.shape_cast %swap3A_2911 : vector<1x16xi32> to vector<16xi32>
      %swap3A_2913 = vector.shape_cast %select_n3A_2907 : vector<16xi32> to vector<1x16xi32>
      tpu.vector_store %arg14[%swap3A_2909, %swap3A_2910], %swap3A_2913 {strides = array<i32>} : memref<5x128xi32, #tpu.memory_space<vmem>>, vector<1x16xi32>,
      %get3A_2914 = arith.constant 3 : i32
      %get3A_2915 = arith.index_cast %get3A_2914 : i32 to index
      %get3A_2916 = arith.constant 112 : index
      %get3A_2917 = tpu.vector_load %arg14[%get3A_2915, %get3A_2916] {strides = array<i32>} : memref<5x128xi32, #tpu.memory_space<vmem>>, vector<1x16xi32>,
      %get3A_2918 = vector.shape_cast %get3A_2917 : vector<1x16xi32> to vector<16xi32>
      %get3A_2919 = arith.constant 3 : i32
      %get3A_2920 = arith.index_cast %get3A_2919 : i32 to index
      %get3A_2921 = arith.constant 112 : index
      %get3A_2922 = tpu.vector_load %arg13[%get3A_2920, %get3A_2921] {strides = array<i32>} : memref<5x128xi32, #tpu.memory_space<vmem>>, vector<1x16xi32>,
      %get3A_2923 = vector.shape_cast %get3A_2922 : vector<1x16xi32> to vector<16xi32>
      %get3A_2924 = arith.constant 3 : i32
      %get3A_2925 = arith.index_cast %get3A_2924 : i32 to index
      %get3A_2926 = arith.constant 112 : index
      %get3A_2927 = tpu.vector_load %arg12[%get3A_2925, %get3A_2926] {strides = array<i32>} : memref<5x128xi32, #tpu.memory_space<vmem>>, vector<1x16xi32>,
      %get3A_2928 = vector.shape_cast %get3A_2927 : vector<1x16xi32> to vector<16xi32>
      %lt3A_2929 = arith.cmpi slt, %get3A_2918, %get3A_2923 : vector<16xi32>
      %jit3A_2930 = arith.constant 262152 : i32
      %broadcast_in_dim3A_2931 = vector.broadcast %jit3A_2930 : i32 to vector<16xi32>
      %select_n3A_2932 = arith.select %lt3A_2929, %get3A_2928, %broadcast_in_dim3A_2931 : vector<16xi1>, vector<16xi32>
      %swap3A_2933 = arith.constant 3 : i32
      %swap3A_2934 = arith.index_cast %swap3A_2933 : i32 to index
      %swap3A_2935 = arith.constant 112 : index
      %swap3A_2936 = tpu.vector_load %arg14[%swap3A_2934, %swap3A_2935] {strides = array<i32>} : memref<5x128xi32, #tpu.memory_space<vmem>>, vector<1x16xi32>,
      %swap3A_2937 = vector.shape_cast %swap3A_2936 : vector<1x16xi32> to vector<16xi32>
      %swap3A_2938 = vector.shape_cast %select_n3A_2932 : vector<16xi32> to vector<1x16xi32>
      tpu.vector_store %arg14[%swap3A_2934, %swap3A_2935], %swap3A_2938 {strides = array<i32>} : memref<5x128xi32, #tpu.memory_space<vmem>>, vector<1x16xi32>,
      %get3A_2939 = arith.constant 4 : i32
      %get3A_2940 = arith.index_cast %get3A_2939 : i32 to index
      %get3A_2941 = arith.constant 0 : index
      %get3A_2942 = tpu.vector_load %arg14[%get3A_2940, %get3A_2941] {strides = array<i32>} : memref<5x128xi32, #tpu.memory_space<vmem>>, vector<1x16xi32>,
      %get3A_2943 = vector.shape_cast %get3A_2942 : vector<1x16xi32> to vector<16xi32>
      %get3A_2944 = arith.constant 4 : i32
      %get3A_2945 = arith.index_cast %get3A_2944 : i32 to index
      %get3A_2946 = arith.constant 0 : index
      %get3A_2947 = tpu.vector_load %arg13[%get3A_2945, %get3A_2946] {strides = array<i32>} : memref<5x128xi32, #tpu.memory_space<vmem>>, vector<1x16xi32>,
      %get3A_2948 = vector.shape_cast %get3A_2947 : vector<1x16xi32> to vector<16xi32>
      %get3A_2949 = arith.constant 4 : i32
      %get3A_2950 = arith.index_cast %get3A_2949 : i32 to index
      %get3A_2951 = arith.constant 0 : index
      %get3A_2952 = tpu.vector_load %arg12[%get3A_2950, %get3A_2951] {strides = array<i32>} : memref<5x128xi32, #tpu.memory_space<vmem>>, vector<1x16xi32>,
      %get3A_2953 = vector.shape_cast %get3A_2952 : vector<1x16xi32> to vector<16xi32>
      %lt3A_2954 = arith.cmpi slt, %get3A_2943, %get3A_2948 : vector<16xi32>
      %jit3A_2955 = arith.constant 262152 : i32
      %broadcast_in_dim3A_2956 = vector.broadcast %jit3A_2955 : i32 to vector<16xi32>
      %select_n3A_2957 = arith.select %lt3A_2954, %get3A_2953, %broadcast_in_dim3A_2956 : vector<16xi1>, vector<16xi32>
      %swap3A_2958 = arith.constant 4 : i32
      %swap3A_2959 = arith.index_cast %swap3A_2958 : i32 to index
      %swap3A_2960 = arith.constant 0 : index
      %swap3A_2961 = tpu.vector_load %arg14[%swap3A_2959, %swap3A_2960] {strides = array<i32>} : memref<5x128xi32, #tpu.memory_space<vmem>>, vector<1x16xi32>,
      %swap3A_2962 = vector.shape_cast %swap3A_2961 : vector<1x16xi32> to vector<16xi32>
      %swap3A_2963 = vector.shape_cast %select_n3A_2957 : vector<16xi32> to vector<1x16xi32>
      tpu.vector_store %arg14[%swap3A_2959, %swap3A_2960], %swap3A_2963 {strides = array<i32>} : memref<5x128xi32, #tpu.memory_space<vmem>>, vector<1x16xi32>,
      %get3A_2964 = arith.constant 4 : i32
      %get3A_2965 = arith.index_cast %get3A_2964 : i32 to index
      %get3A_2966 = arith.constant 16 : index
      %get3A_2967 = tpu.vector_load %arg14[%get3A_2965, %get3A_2966] {strides = array<i32>} : memref<5x128xi32, #tpu.memory_space<vmem>>, vector<1x16xi32>,
      %get3A_2968 = vector.shape_cast %get3A_2967 : vector<1x16xi32> to vector<16xi32>
      %get3A_2969 = arith.constant 4 : i32
      %get3A_2970 = arith.index_cast %get3A_2969 : i32 to index
      %get3A_2971 = arith.constant 16 : index
      %get3A_2972 = tpu.vector_load %arg13[%get3A_2970, %get3A_2971] {strides = array<i32>} : memref<5x128xi32, #tpu.memory_space<vmem>>, vector<1x16xi32>,
      %get3A_2973 = vector.shape_cast %get3A_2972 : vector<1x16xi32> to vector<16xi32>
      %get3A_2974 = arith.constant 4 : i32
      %get3A_2975 = arith.index_cast %get3A_2974 : i32 to index
      %get3A_2976 = arith.constant 16 : index
      %get3A_2977 = tpu.vector_load %arg12[%get3A_2975, %get3A_2976] {strides = array<i32>} : memref<5x128xi32, #tpu.memory_space<vmem>>, vector<1x16xi32>,
      %get3A_2978 = vector.shape_cast %get3A_2977 : vector<1x16xi32> to vector<16xi32>
      %lt3A_2979 = arith.cmpi slt, %get3A_2968, %get3A_2973 : vector<16xi32>
      %jit3A_2980 = arith.constant 262152 : i32
      %broadcast_in_dim3A_2981 = vector.broadcast %jit3A_2980 : i32 to vector<16xi32>
      %select_n3A_2982 = arith.select %lt3A_2979, %get3A_2978, %broadcast_in_dim3A_2981 : vector<16xi1>, vector<16xi32>
      %swap3A_2983 = arith.constant 4 : i32
      %swap3A_2984 = arith.index_cast %swap3A_2983 : i32 to index
      %swap3A_2985 = arith.constant 16 : index
      %swap3A_2986 = tpu.vector_load %arg14[%swap3A_2984, %swap3A_2985] {strides = array<i32>} : memref<5x128xi32, #tpu.memory_space<vmem>>, vector<1x16xi32>,
      %swap3A_2987 = vector.shape_cast %swap3A_2986 : vector<1x16xi32> to vector<16xi32>
      %swap3A_2988 = vector.shape_cast %select_n3A_2982 : vector<16xi32> to vector<1x16xi32>
      tpu.vector_store %arg14[%swap3A_2984, %swap3A_2985], %swap3A_2988 {strides = array<i32>} : memref<5x128xi32, #tpu.memory_space<vmem>>, vector<1x16xi32>,
      %get3A_2989 = arith.constant 4 : i32
      %get3A_2990 = arith.index_cast %get3A_2989 : i32 to index
      %get3A_2991 = arith.constant 32 : index
      %get3A_2992 = tpu.vector_load %arg14[%get3A_2990, %get3A_2991] {strides = array<i32>} : memref<5x128xi32, #tpu.memory_space<vmem>>, vector<1x16xi32>,
      %get3A_2993 = vector.shape_cast %get3A_2992 : vector<1x16xi32> to vector<16xi32>
      %get3A_2994 = arith.constant 4 : i32
      %get3A_2995 = arith.index_cast %get3A_2994 : i32 to index
      %get3A_2996 = arith.constant 32 : index
      %get3A_2997 = tpu.vector_load %arg13[%get3A_2995, %get3A_2996] {strides = array<i32>} : memref<5x128xi32, #tpu.memory_space<vmem>>, vector<1x16xi32>,
      %get3A_2998 = vector.shape_cast %get3A_2997 : vector<1x16xi32> to vector<16xi32>
      %get3A_2999 = arith.constant 4 : i32
      %get3A_3000 = arith.index_cast %get3A_2999 : i32 to index
      %get3A_3001 = arith.constant 32 : index
      %get3A_3002 = tpu.vector_load %arg12[%get3A_3000, %get3A_3001] {strides = array<i32>} : memref<5x128xi32, #tpu.memory_space<vmem>>, vector<1x16xi32>,
      %get3A_3003 = vector.shape_cast %get3A_3002 : vector<1x16xi32> to vector<16xi32>
      %lt3A_3004 = arith.cmpi slt, %get3A_2993, %get3A_2998 : vector<16xi32>
      %jit3A_3005 = arith.constant 262152 : i32
      %broadcast_in_dim3A_3006 = vector.broadcast %jit3A_3005 : i32 to vector<16xi32>
      %select_n3A_3007 = arith.select %lt3A_3004, %get3A_3003, %broadcast_in_dim3A_3006 : vector<16xi1>, vector<16xi32>
      %swap3A_3008 = arith.constant 4 : i32
      %swap3A_3009 = arith.index_cast %swap3A_3008 : i32 to index
      %swap3A_3010 = arith.constant 32 : index
      %swap3A_3011 = tpu.vector_load %arg14[%swap3A_3009, %swap3A_3010] {strides = array<i32>} : memref<5x128xi32, #tpu.memory_space<vmem>>, vector<1x16xi32>,
      %swap3A_3012 = vector.shape_cast %swap3A_3011 : vector<1x16xi32> to vector<16xi32>
      %swap3A_3013 = vector.shape_cast %select_n3A_3007 : vector<16xi32> to vector<1x16xi32>
      tpu.vector_store %arg14[%swap3A_3009, %swap3A_3010], %swap3A_3013 {strides = array<i32>} : memref<5x128xi32, #tpu.memory_space<vmem>>, vector<1x16xi32>,
      %get3A_3014 = arith.constant 4 : i32
      %get3A_3015 = arith.index_cast %get3A_3014 : i32 to index
      %get3A_3016 = arith.constant 48 : index
      %get3A_3017 = tpu.vector_load %arg14[%get3A_3015, %get3A_3016] {strides = array<i32>} : memref<5x128xi32, #tpu.memory_space<vmem>>, vector<1x16xi32>,
      %get3A_3018 = vector.shape_cast %get3A_3017 : vector<1x16xi32> to vector<16xi32>
      %get3A_3019 = arith.constant 4 : i32
      %get3A_3020 = arith.index_cast %get3A_3019 : i32 to index
      %get3A_3021 = arith.constant 48 : index
      %get3A_3022 = tpu.vector_load %arg13[%get3A_3020, %get3A_3021] {strides = array<i32>} : memref<5x128xi32, #tpu.memory_space<vmem>>, vector<1x16xi32>,
      %get3A_3023 = vector.shape_cast %get3A_3022 : vector<1x16xi32> to vector<16xi32>
      %get3A_3024 = arith.constant 4 : i32
      %get3A_3025 = arith.index_cast %get3A_3024 : i32 to index
      %get3A_3026 = arith.constant 48 : index
      %get3A_3027 = tpu.vector_load %arg12[%get3A_3025, %get3A_3026] {strides = array<i32>} : memref<5x128xi32, #tpu.memory_space<vmem>>, vector<1x16xi32>,
      %get3A_3028 = vector.shape_cast %get3A_3027 : vector<1x16xi32> to vector<16xi32>
      %lt3A_3029 = arith.cmpi slt, %get3A_3018, %get3A_3023 : vector<16xi32>
      %jit3A_3030 = arith.constant 262152 : i32
      %broadcast_in_dim3A_3031 = vector.broadcast %jit3A_3030 : i32 to vector<16xi32>
      %select_n3A_3032 = arith.select %lt3A_3029, %get3A_3028, %broadcast_in_dim3A_3031 : vector<16xi1>, vector<16xi32>
      %swap3A_3033 = arith.constant 4 : i32
      %swap3A_3034 = arith.index_cast %swap3A_3033 : i32 to index
      %swap3A_3035 = arith.constant 48 : index
      %swap3A_3036 = tpu.vector_load %arg14[%swap3A_3034, %swap3A_3035] {strides = array<i32>} : memref<5x128xi32, #tpu.memory_space<vmem>>, vector<1x16xi32>,
      %swap3A_3037 = vector.shape_cast %swap3A_3036 : vector<1x16xi32> to vector<16xi32>
      %swap3A_3038 = vector.shape_cast %select_n3A_3032 : vector<16xi32> to vector<1x16xi32>
      tpu.vector_store %arg14[%swap3A_3034, %swap3A_3035], %swap3A_3038 {strides = array<i32>} : memref<5x128xi32, #tpu.memory_space<vmem>>, vector<1x16xi32>,
      %get3A_3039 = arith.constant 4 : i32
      %get3A_3040 = arith.index_cast %get3A_3039 : i32 to index
      %get3A_3041 = arith.constant 64 : index
      %get3A_3042 = tpu.vector_load %arg14[%get3A_3040, %get3A_3041] {strides = array<i32>} : memref<5x128xi32, #tpu.memory_space<vmem>>, vector<1x16xi32>,
      %get3A_3043 = vector.shape_cast %get3A_3042 : vector<1x16xi32> to vector<16xi32>
      %get3A_3044 = arith.constant 4 : i32
      %get3A_3045 = arith.index_cast %get3A_3044 : i32 to index
      %get3A_3046 = arith.constant 64 : index
      %get3A_3047 = tpu.vector_load %arg13[%get3A_3045, %get3A_3046] {strides = array<i32>} : memref<5x128xi32, #tpu.memory_space<vmem>>, vector<1x16xi32>,
      %get3A_3048 = vector.shape_cast %get3A_3047 : vector<1x16xi32> to vector<16xi32>
      %get3A_3049 = arith.constant 4 : i32
      %get3A_3050 = arith.index_cast %get3A_3049 : i32 to index
      %get3A_3051 = arith.constant 64 : index
      %get3A_3052 = tpu.vector_load %arg12[%get3A_3050, %get3A_3051] {strides = array<i32>} : memref<5x128xi32, #tpu.memory_space<vmem>>, vector<1x16xi32>,
      %get3A_3053 = vector.shape_cast %get3A_3052 : vector<1x16xi32> to vector<16xi32>
      %lt3A_3054 = arith.cmpi slt, %get3A_3043, %get3A_3048 : vector<16xi32>
      %jit3A_3055 = arith.constant 262152 : i32
      %broadcast_in_dim3A_3056 = vector.broadcast %jit3A_3055 : i32 to vector<16xi32>
      %select_n3A_3057 = arith.select %lt3A_3054, %get3A_3053, %broadcast_in_dim3A_3056 : vector<16xi1>, vector<16xi32>
      %swap3A_3058 = arith.constant 4 : i32
      %swap3A_3059 = arith.index_cast %swap3A_3058 : i32 to index
      %swap3A_3060 = arith.constant 64 : index
      %swap3A_3061 = tpu.vector_load %arg14[%swap3A_3059, %swap3A_3060] {strides = array<i32>} : memref<5x128xi32, #tpu.memory_space<vmem>>, vector<1x16xi32>,
      %swap3A_3062 = vector.shape_cast %swap3A_3061 : vector<1x16xi32> to vector<16xi32>
      %swap3A_3063 = vector.shape_cast %select_n3A_3057 : vector<16xi32> to vector<1x16xi32>
      tpu.vector_store %arg14[%swap3A_3059, %swap3A_3060], %swap3A_3063 {strides = array<i32>} : memref<5x128xi32, #tpu.memory_space<vmem>>, vector<1x16xi32>,
      %get3A_3064 = arith.constant 4 : i32
      %get3A_3065 = arith.index_cast %get3A_3064 : i32 to index
      %get3A_3066 = arith.constant 80 : index
      %get3A_3067 = tpu.vector_load %arg14[%get3A_3065, %get3A_3066] {strides = array<i32>} : memref<5x128xi32, #tpu.memory_space<vmem>>, vector<1x16xi32>,
      %get3A_3068 = vector.shape_cast %get3A_3067 : vector<1x16xi32> to vector<16xi32>
      %get3A_3069 = arith.constant 4 : i32
      %get3A_3070 = arith.index_cast %get3A_3069 : i32 to index
      %get3A_3071 = arith.constant 80 : index
      %get3A_3072 = tpu.vector_load %arg13[%get3A_3070, %get3A_3071] {strides = array<i32>} : memref<5x128xi32, #tpu.memory_space<vmem>>, vector<1x16xi32>,
      %get3A_3073 = vector.shape_cast %get3A_3072 : vector<1x16xi32> to vector<16xi32>
      %get3A_3074 = arith.constant 4 : i32
      %get3A_3075 = arith.index_cast %get3A_3074 : i32 to index
      %get3A_3076 = arith.constant 80 : index
      %get3A_3077 = tpu.vector_load %arg12[%get3A_3075, %get3A_3076] {strides = array<i32>} : memref<5x128xi32, #tpu.memory_space<vmem>>, vector<1x16xi32>,
      %get3A_3078 = vector.shape_cast %get3A_3077 : vector<1x16xi32> to vector<16xi32>
      %lt3A_3079 = arith.cmpi slt, %get3A_3068, %get3A_3073 : vector<16xi32>
      %jit3A_3080 = arith.constant 262152 : i32
      %broadcast_in_dim3A_3081 = vector.broadcast %jit3A_3080 : i32 to vector<16xi32>
      %select_n3A_3082 = arith.select %lt3A_3079, %get3A_3078, %broadcast_in_dim3A_3081 : vector<16xi1>, vector<16xi32>
      %swap3A_3083 = arith.constant 4 : i32
      %swap3A_3084 = arith.index_cast %swap3A_3083 : i32 to index
      %swap3A_3085 = arith.constant 80 : index
      %swap3A_3086 = tpu.vector_load %arg14[%swap3A_3084, %swap3A_3085] {strides = array<i32>} : memref<5x128xi32, #tpu.memory_space<vmem>>, vector<1x16xi32>,
      %swap3A_3087 = vector.shape_cast %swap3A_3086 : vector<1x16xi32> to vector<16xi32>
      %swap3A_3088 = vector.shape_cast %select_n3A_3082 : vector<16xi32> to vector<1x16xi32>
      tpu.vector_store %arg14[%swap3A_3084, %swap3A_3085], %swap3A_3088 {strides = array<i32>} : memref<5x128xi32, #tpu.memory_space<vmem>>, vector<1x16xi32>,
      %get3A_3089 = arith.constant 4 : i32
      %get3A_3090 = arith.index_cast %get3A_3089 : i32 to index
      %get3A_3091 = arith.constant 96 : index
      %get3A_3092 = tpu.vector_load %arg14[%get3A_3090, %get3A_3091] {strides = array<i32>} : memref<5x128xi32, #tpu.memory_space<vmem>>, vector<1x16xi32>,
      %get3A_3093 = vector.shape_cast %get3A_3092 : vector<1x16xi32> to vector<16xi32>
      %get3A_3094 = arith.constant 4 : i32
      %get3A_3095 = arith.index_cast %get3A_3094 : i32 to index
      %get3A_3096 = arith.constant 96 : index
      %get3A_3097 = tpu.vector_load %arg13[%get3A_3095, %get3A_3096] {strides = array<i32>} : memref<5x128xi32, #tpu.memory_space<vmem>>, vector<1x16xi32>,
      %get3A_3098 = vector.shape_cast %get3A_3097 : vector<1x16xi32> to vector<16xi32>
      %get3A_3099 = arith.constant 4 : i32
      %get3A_3100 = arith.index_cast %get3A_3099 : i32 to index
      %get3A_3101 = arith.constant 96 : index
      %get3A_3102 = tpu.vector_load %arg12[%get3A_3100, %get3A_3101] {strides = array<i32>} : memref<5x128xi32, #tpu.memory_space<vmem>>, vector<1x16xi32>,
      %get3A_3103 = vector.shape_cast %get3A_3102 : vector<1x16xi32> to vector<16xi32>
      %lt3A_3104 = arith.cmpi slt, %get3A_3093, %get3A_3098 : vector<16xi32>
      %jit3A_3105 = arith.constant 262152 : i32
      %broadcast_in_dim3A_3106 = vector.broadcast %jit3A_3105 : i32 to vector<16xi32>
      %select_n3A_3107 = arith.select %lt3A_3104, %get3A_3103, %broadcast_in_dim3A_3106 : vector<16xi1>, vector<16xi32>
      %swap3A_3108 = arith.constant 4 : i32
      %swap3A_3109 = arith.index_cast %swap3A_3108 : i32 to index
      %swap3A_3110 = arith.constant 96 : index
      %swap3A_3111 = tpu.vector_load %arg14[%swap3A_3109, %swap3A_3110] {strides = array<i32>} : memref<5x128xi32, #tpu.memory_space<vmem>>, vector<1x16xi32>,
      %swap3A_3112 = vector.shape_cast %swap3A_3111 : vector<1x16xi32> to vector<16xi32>
      %swap3A_3113 = vector.shape_cast %select_n3A_3107 : vector<16xi32> to vector<1x16xi32>
      tpu.vector_store %arg14[%swap3A_3109, %swap3A_3110], %swap3A_3113 {strides = array<i32>} : memref<5x128xi32, #tpu.memory_space<vmem>>, vector<1x16xi32>,
      %get3A_3114 = arith.constant 4 : i32
      %get3A_3115 = arith.index_cast %get3A_3114 : i32 to index
      %get3A_3116 = arith.constant 112 : index
      %get3A_3117 = tpu.vector_load %arg14[%get3A_3115, %get3A_3116] {strides = array<i32>} : memref<5x128xi32, #tpu.memory_space<vmem>>, vector<1x16xi32>,
      %get3A_3118 = vector.shape_cast %get3A_3117 : vector<1x16xi32> to vector<16xi32>
      %get3A_3119 = arith.constant 4 : i32
      %get3A_3120 = arith.index_cast %get3A_3119 : i32 to index
      %get3A_3121 = arith.constant 112 : index
      %get3A_3122 = tpu.vector_load %arg13[%get3A_3120, %get3A_3121] {strides = array<i32>} : memref<5x128xi32, #tpu.memory_space<vmem>>, vector<1x16xi32>,
      %get3A_3123 = vector.shape_cast %get3A_3122 : vector<1x16xi32> to vector<16xi32>
      %get3A_3124 = arith.constant 4 : i32
      %get3A_3125 = arith.index_cast %get3A_3124 : i32 to index
      %get3A_3126 = arith.constant 112 : index
      %get3A_3127 = tpu.vector_load %arg12[%get3A_3125, %get3A_3126] {strides = array<i32>} : memref<5x128xi32, #tpu.memory_space<vmem>>, vector<1x16xi32>,
      %get3A_3128 = vector.shape_cast %get3A_3127 : vector<1x16xi32> to vector<16xi32>
      %lt3A_3129 = arith.cmpi slt, %get3A_3118, %get3A_3123 : vector<16xi32>
      %jit3A_3130 = arith.constant 262152 : i32
      %broadcast_in_dim3A_3131 = vector.broadcast %jit3A_3130 : i32 to vector<16xi32>
      %select_n3A_3132 = arith.select %lt3A_3129, %get3A_3128, %broadcast_in_dim3A_3131 : vector<16xi1>, vector<16xi32>
      %swap3A_3133 = arith.constant 4 : i32
      %swap3A_3134 = arith.index_cast %swap3A_3133 : i32 to index
      %swap3A_3135 = arith.constant 112 : index
      %swap3A_3136 = tpu.vector_load %arg14[%swap3A_3134, %swap3A_3135] {strides = array<i32>} : memref<5x128xi32, #tpu.memory_space<vmem>>, vector<1x16xi32>,
      %swap3A_3137 = vector.shape_cast %swap3A_3136 : vector<1x16xi32> to vector<16xi32>
      %swap3A_3138 = vector.shape_cast %select_n3A_3132 : vector<16xi32> to vector<1x16xi32>
      tpu.vector_store %arg14[%swap3A_3134, %swap3A_3135], %swap3A_3138 {strides = array<i32>} : memref<5x128xi32, #tpu.memory_space<vmem>>, vector<1x16xi32>,
      %dma_start3A_3139 = arith.constant 0 : i32
      %dma_start3A_3140 = arith.constant 0 : i32
      %dma_start3A_3141 = arith.constant 0 : i32
      %dma_start3A_3142 = tpu.memref_slice %arg13[%dma_start3A_3139, %dma_start3A_3141] : memref<5x128xi32, #tpu.memory_space<vmem>> -> memref<1x128xi32, #tpu.memory_space<vmem>>
      %dma_start3A_3143 = tpu.memref_squeeze %dma_start3A_3142 : memref<1x128xi32, #tpu.memory_space<vmem>> -> memref<128xi32, #tpu.memory_space<vmem>>
      %dma_start3A_3144 = arith.constant 0 : i32
      %dma_start3A_3145 = tpu.memref_slice %arg14[%dma_start3A_3140, %dma_start3A_3144] : memref<5x128xi32, #tpu.memory_space<vmem>> -> memref<1x128xi32, #tpu.memory_space<vmem>>
      %dma_start3A_3146 = tpu.memref_squeeze %dma_start3A_3145 : memref<1x128xi32, #tpu.memory_space<vmem>> -> memref<128xi32, #tpu.memory_space<vmem>>
      %dma_start3A_3147 = arith.constant 0 : i32
      %dma_start3A_3148 = tpu.memref_slice %arg20[%dma_start3A_3147] : memref<262272xi32, #tpu.memory_space<vmem_shared>> -> memref<262272xi32, #tpu.memory_space<vmem_shared>>
      tpu.enqueue_indirect_dma source(%dma_start3A_3143 : memref<128xi32, #tpu.memory_space<vmem>>) target(%dma_start3A_3148 : memref<262272xi32, #tpu.memory_space<vmem_shared>>) offsets(%dma_start3A_3146 : memref<128xi32, #tpu.memory_space<vmem>>) semaphore(%arg22 : memref<!tpu.dma_semaphore, #tpu.memory_space<semaphore_mem>>)
      %dma_start3A_3149 = arith.constant 1 : i32
      %dma_start3A_3150 = arith.constant 1 : i32
      %dma_start3A_3151 = arith.constant 0 : i32
      %dma_start3A_3152 = tpu.memref_slice %arg13[%dma_start3A_3149, %dma_start3A_3151] : memref<5x128xi32, #tpu.memory_space<vmem>> -> memref<1x128xi32, #tpu.memory_space<vmem>>
      %dma_start3A_3153 = tpu.memref_squeeze %dma_start3A_3152 : memref<1x128xi32, #tpu.memory_space<vmem>> -> memref<128xi32, #tpu.memory_space<vmem>>
      %dma_start3A_3154 = arith.constant 0 : i32
      %dma_start3A_3155 = tpu.memref_slice %arg14[%dma_start3A_3150, %dma_start3A_3154] : memref<5x128xi32, #tpu.memory_space<vmem>> -> memref<1x128xi32, #tpu.memory_space<vmem>>
      %dma_start3A_3156 = tpu.memref_squeeze %dma_start3A_3155 : memref<1x128xi32, #tpu.memory_space<vmem>> -> memref<128xi32, #tpu.memory_space<vmem>>
      %dma_start3A_3157 = arith.constant 0 : i32
      %dma_start3A_3158 = tpu.memref_slice %arg20[%dma_start3A_3157] : memref<262272xi32, #tpu.memory_space<vmem_shared>> -> memref<262272xi32, #tpu.memory_space<vmem_shared>>
      tpu.enqueue_indirect_dma source(%dma_start3A_3153 : memref<128xi32, #tpu.memory_space<vmem>>) target(%dma_start3A_3158 : memref<262272xi32, #tpu.memory_space<vmem_shared>>) offsets(%dma_start3A_3156 : memref<128xi32, #tpu.memory_space<vmem>>) semaphore(%arg22 : memref<!tpu.dma_semaphore, #tpu.memory_space<semaphore_mem>>)
      %dma_start3A_3159 = arith.constant 2 : i32
      %dma_start3A_3160 = arith.constant 2 : i32
      %dma_start3A_3161 = arith.constant 0 : i32
      %dma_start3A_3162 = tpu.memref_slice %arg13[%dma_start3A_3159, %dma_start3A_3161] : memref<5x128xi32, #tpu.memory_space<vmem>> -> memref<1x128xi32, #tpu.memory_space<vmem>>
      %dma_start3A_3163 = tpu.memref_squeeze %dma_start3A_3162 : memref<1x128xi32, #tpu.memory_space<vmem>> -> memref<128xi32, #tpu.memory_space<vmem>>
      %dma_start3A_3164 = arith.constant 0 : i32
      %dma_start3A_3165 = tpu.memref_slice %arg14[%dma_start3A_3160, %dma_start3A_3164] : memref<5x128xi32, #tpu.memory_space<vmem>> -> memref<1x128xi32, #tpu.memory_space<vmem>>
      %dma_start3A_3166 = tpu.memref_squeeze %dma_start3A_3165 : memref<1x128xi32, #tpu.memory_space<vmem>> -> memref<128xi32, #tpu.memory_space<vmem>>
      %dma_start3A_3167 = arith.constant 0 : i32
      %dma_start3A_3168 = tpu.memref_slice %arg20[%dma_start3A_3167] : memref<262272xi32, #tpu.memory_space<vmem_shared>> -> memref<262272xi32, #tpu.memory_space<vmem_shared>>
      tpu.enqueue_indirect_dma source(%dma_start3A_3163 : memref<128xi32, #tpu.memory_space<vmem>>) target(%dma_start3A_3168 : memref<262272xi32, #tpu.memory_space<vmem_shared>>) offsets(%dma_start3A_3166 : memref<128xi32, #tpu.memory_space<vmem>>) semaphore(%arg22 : memref<!tpu.dma_semaphore, #tpu.memory_space<semaphore_mem>>)
      %dma_start3A_3169 = arith.constant 3 : i32
      %dma_start3A_3170 = arith.constant 3 : i32
      %dma_start3A_3171 = arith.constant 0 : i32
      %dma_start3A_3172 = tpu.memref_slice %arg13[%dma_start3A_3169, %dma_start3A_3171] : memref<5x128xi32, #tpu.memory_space<vmem>> -> memref<1x128xi32, #tpu.memory_space<vmem>>
      %dma_start3A_3173 = tpu.memref_squeeze %dma_start3A_3172 : memref<1x128xi32, #tpu.memory_space<vmem>> -> memref<128xi32, #tpu.memory_space<vmem>>
      %dma_start3A_3174 = arith.constant 0 : i32
      %dma_start3A_3175 = tpu.memref_slice %arg14[%dma_start3A_3170, %dma_start3A_3174] : memref<5x128xi32, #tpu.memory_space<vmem>> -> memref<1x128xi32, #tpu.memory_space<vmem>>
      %dma_start3A_3176 = tpu.memref_squeeze %dma_start3A_3175 : memref<1x128xi32, #tpu.memory_space<vmem>> -> memref<128xi32, #tpu.memory_space<vmem>>
      %dma_start3A_3177 = arith.constant 0 : i32
      %dma_start3A_3178 = tpu.memref_slice %arg20[%dma_start3A_3177] : memref<262272xi32, #tpu.memory_space<vmem_shared>> -> memref<262272xi32, #tpu.memory_space<vmem_shared>>
      tpu.enqueue_indirect_dma source(%dma_start3A_3173 : memref<128xi32, #tpu.memory_space<vmem>>) target(%dma_start3A_3178 : memref<262272xi32, #tpu.memory_space<vmem_shared>>) offsets(%dma_start3A_3176 : memref<128xi32, #tpu.memory_space<vmem>>) semaphore(%arg22 : memref<!tpu.dma_semaphore, #tpu.memory_space<semaphore_mem>>)
      %dma_start3A_3179 = arith.constant 4 : i32
      %dma_start3A_3180 = arith.constant 4 : i32
      %dma_start3A_3181 = arith.constant 0 : i32
      %dma_start3A_3182 = tpu.memref_slice %arg13[%dma_start3A_3179, %dma_start3A_3181] : memref<5x128xi32, #tpu.memory_space<vmem>> -> memref<1x128xi32, #tpu.memory_space<vmem>>
      %dma_start3A_3183 = tpu.memref_squeeze %dma_start3A_3182 : memref<1x128xi32, #tpu.memory_space<vmem>> -> memref<128xi32, #tpu.memory_space<vmem>>
      %dma_start3A_3184 = arith.constant 0 : i32
      %dma_start3A_3185 = tpu.memref_slice %arg14[%dma_start3A_3180, %dma_start3A_3184] : memref<5x128xi32, #tpu.memory_space<vmem>> -> memref<1x128xi32, #tpu.memory_space<vmem>>
      %dma_start3A_3186 = tpu.memref_squeeze %dma_start3A_3185 : memref<1x128xi32, #tpu.memory_space<vmem>> -> memref<128xi32, #tpu.memory_space<vmem>>
      %dma_start3A_3187 = arith.constant 0 : i32
      %dma_start3A_3188 = tpu.memref_slice %arg20[%dma_start3A_3187] : memref<262272xi32, #tpu.memory_space<vmem_shared>> -> memref<262272xi32, #tpu.memory_space<vmem_shared>>
      tpu.enqueue_indirect_dma source(%dma_start3A_3183 : memref<128xi32, #tpu.memory_space<vmem>>) target(%dma_start3A_3188 : memref<262272xi32, #tpu.memory_space<vmem_shared>>) offsets(%dma_start3A_3186 : memref<128xi32, #tpu.memory_space<vmem>>) semaphore(%arg22 : memref<!tpu.dma_semaphore, #tpu.memory_space<semaphore_mem>>)
      %dma_wait3A_3189 = arith.constant 0 : i32
      %dma_wait3A_3190 = arith.constant 0 : i32
      %dma_wait3A_3191 = arith.constant 0 : i32
      %dma_wait3A_3192 = tpu.memref_slice %arg13[%dma_wait3A_3189, %dma_wait3A_3191] : memref<5x128xi32, #tpu.memory_space<vmem>> -> memref<1x128xi32, #tpu.memory_space<vmem>>
      %dma_wait3A_3193 = tpu.memref_squeeze %dma_wait3A_3192 : memref<1x128xi32, #tpu.memory_space<vmem>> -> memref<128xi32, #tpu.memory_space<vmem>>
      %dma_wait3A_3194 = arith.constant 0 : i32
      %dma_wait3A_3195 = tpu.memref_slice %arg14[%dma_wait3A_3190, %dma_wait3A_3194] : memref<5x128xi32, #tpu.memory_space<vmem>> -> memref<1x128xi32, #tpu.memory_space<vmem>>
      %dma_wait3A_3196 = tpu.memref_squeeze %dma_wait3A_3195 : memref<1x128xi32, #tpu.memory_space<vmem>> -> memref<128xi32, #tpu.memory_space<vmem>>
      %dma_wait3A_3197 = arith.constant 0 : i32
      %dma_wait3A_3198 = tpu.memref_slice %arg20[%dma_wait3A_3197] : memref<262272xi32, #tpu.memory_space<vmem_shared>> -> memref<262272xi32, #tpu.memory_space<vmem_shared>>
      tpu.wait_indirect_dma semaphore(%arg22 : memref<!tpu.dma_semaphore, #tpu.memory_space<semaphore_mem>>) src(%dma_wait3A_3193 : memref<128xi32, #tpu.memory_space<vmem>>) dst(%dma_wait3A_3198 : memref<262272xi32, #tpu.memory_space<vmem_shared>>)
      %dma_wait3A_3199 = arith.constant 1 : i32
      %dma_wait3A_3200 = arith.constant 1 : i32
      %dma_wait3A_3201 = arith.constant 0 : i32
      %dma_wait3A_3202 = tpu.memref_slice %arg13[%dma_wait3A_3199, %dma_wait3A_3201] : memref<5x128xi32, #tpu.memory_space<vmem>> -> memref<1x128xi32, #tpu.memory_space<vmem>>
      %dma_wait3A_3203 = tpu.memref_squeeze %dma_wait3A_3202 : memref<1x128xi32, #tpu.memory_space<vmem>> -> memref<128xi32, #tpu.memory_space<vmem>>
      %dma_wait3A_3204 = arith.constant 0 : i32
      %dma_wait3A_3205 = tpu.memref_slice %arg14[%dma_wait3A_3200, %dma_wait3A_3204] : memref<5x128xi32, #tpu.memory_space<vmem>> -> memref<1x128xi32, #tpu.memory_space<vmem>>
      %dma_wait3A_3206 = tpu.memref_squeeze %dma_wait3A_3205 : memref<1x128xi32, #tpu.memory_space<vmem>> -> memref<128xi32, #tpu.memory_space<vmem>>
      %dma_wait3A_3207 = arith.constant 0 : i32
      %dma_wait3A_3208 = tpu.memref_slice %arg20[%dma_wait3A_3207] : memref<262272xi32, #tpu.memory_space<vmem_shared>> -> memref<262272xi32, #tpu.memory_space<vmem_shared>>
      tpu.wait_indirect_dma semaphore(%arg22 : memref<!tpu.dma_semaphore, #tpu.memory_space<semaphore_mem>>) src(%dma_wait3A_3203 : memref<128xi32, #tpu.memory_space<vmem>>) dst(%dma_wait3A_3208 : memref<262272xi32, #tpu.memory_space<vmem_shared>>)
      %dma_wait3A_3209 = arith.constant 2 : i32
      %dma_wait3A_3210 = arith.constant 2 : i32
      %dma_wait3A_3211 = arith.constant 0 : i32
      %dma_wait3A_3212 = tpu.memref_slice %arg13[%dma_wait3A_3209, %dma_wait3A_3211] : memref<5x128xi32, #tpu.memory_space<vmem>> -> memref<1x128xi32, #tpu.memory_space<vmem>>
      %dma_wait3A_3213 = tpu.memref_squeeze %dma_wait3A_3212 : memref<1x128xi32, #tpu.memory_space<vmem>> -> memref<128xi32, #tpu.memory_space<vmem>>
      %dma_wait3A_3214 = arith.constant 0 : i32
      %dma_wait3A_3215 = tpu.memref_slice %arg14[%dma_wait3A_3210, %dma_wait3A_3214] : memref<5x128xi32, #tpu.memory_space<vmem>> -> memref<1x128xi32, #tpu.memory_space<vmem>>
      %dma_wait3A_3216 = tpu.memref_squeeze %dma_wait3A_3215 : memref<1x128xi32, #tpu.memory_space<vmem>> -> memref<128xi32, #tpu.memory_space<vmem>>
      %dma_wait3A_3217 = arith.constant 0 : i32
      %dma_wait3A_3218 = tpu.memref_slice %arg20[%dma_wait3A_3217] : memref<262272xi32, #tpu.memory_space<vmem_shared>> -> memref<262272xi32, #tpu.memory_space<vmem_shared>>
      tpu.wait_indirect_dma semaphore(%arg22 : memref<!tpu.dma_semaphore, #tpu.memory_space<semaphore_mem>>) src(%dma_wait3A_3213 : memref<128xi32, #tpu.memory_space<vmem>>) dst(%dma_wait3A_3218 : memref<262272xi32, #tpu.memory_space<vmem_shared>>)
      %dma_wait3A_3219 = arith.constant 3 : i32
      %dma_wait3A_3220 = arith.constant 3 : i32
      %dma_wait3A_3221 = arith.constant 0 : i32
      %dma_wait3A_3222 = tpu.memref_slice %arg13[%dma_wait3A_3219, %dma_wait3A_3221] : memref<5x128xi32, #tpu.memory_space<vmem>> -> memref<1x128xi32, #tpu.memory_space<vmem>>
      %dma_wait3A_3223 = tpu.memref_squeeze %dma_wait3A_3222 : memref<1x128xi32, #tpu.memory_space<vmem>> -> memref<128xi32, #tpu.memory_space<vmem>>
      %dma_wait3A_3224 = arith.constant 0 : i32
      %dma_wait3A_3225 = tpu.memref_slice %arg14[%dma_wait3A_3220, %dma_wait3A_3224] : memref<5x128xi32, #tpu.memory_space<vmem>> -> memref<1x128xi32, #tpu.memory_space<vmem>>
      %dma_wait3A_3226 = tpu.memref_squeeze %dma_wait3A_3225 : memref<1x128xi32, #tpu.memory_space<vmem>> -> memref<128xi32, #tpu.memory_space<vmem>>
      %dma_wait3A_3227 = arith.constant 0 : i32
      %dma_wait3A_3228 = tpu.memref_slice %arg20[%dma_wait3A_3227] : memref<262272xi32, #tpu.memory_space<vmem_shared>> -> memref<262272xi32, #tpu.memory_space<vmem_shared>>
      tpu.wait_indirect_dma semaphore(%arg22 : memref<!tpu.dma_semaphore, #tpu.memory_space<semaphore_mem>>) src(%dma_wait3A_3223 : memref<128xi32, #tpu.memory_space<vmem>>) dst(%dma_wait3A_3228 : memref<262272xi32, #tpu.memory_space<vmem_shared>>)
      %dma_wait3A_3229 = arith.constant 4 : i32
      %dma_wait3A_3230 = arith.constant 4 : i32
      %dma_wait3A_3231 = arith.constant 0 : i32
      %dma_wait3A_3232 = tpu.memref_slice %arg13[%dma_wait3A_3229, %dma_wait3A_3231] : memref<5x128xi32, #tpu.memory_space<vmem>> -> memref<1x128xi32, #tpu.memory_space<vmem>>
      %dma_wait3A_3233 = tpu.memref_squeeze %dma_wait3A_3232 : memref<1x128xi32, #tpu.memory_space<vmem>> -> memref<128xi32, #tpu.memory_space<vmem>>
      %dma_wait3A_3234 = arith.constant 0 : i32
      %dma_wait3A_3235 = tpu.memref_slice %arg14[%dma_wait3A_3230, %dma_wait3A_3234] : memref<5x128xi32, #tpu.memory_space<vmem>> -> memref<1x128xi32, #tpu.memory_space<vmem>>
      %dma_wait3A_3236 = tpu.memref_squeeze %dma_wait3A_3235 : memref<1x128xi32, #tpu.memory_space<vmem>> -> memref<128xi32, #tpu.memory_space<vmem>>
      %dma_wait3A_3237 = arith.constant 0 : i32
      %dma_wait3A_3238 = tpu.memref_slice %arg20[%dma_wait3A_3237] : memref<262272xi32, #tpu.memory_space<vmem_shared>> -> memref<262272xi32, #tpu.memory_space<vmem_shared>>
      tpu.wait_indirect_dma semaphore(%arg22 : memref<!tpu.dma_semaphore, #tpu.memory_space<semaphore_mem>>) src(%dma_wait3A_3233 : memref<128xi32, #tpu.memory_space<vmem>>) dst(%dma_wait3A_3238 : memref<262272xi32, #tpu.memory_space<vmem_shared>>)
      %barrier3A_3239 = arith.constant 0 : index
      tpu.barrier barrier_id(%barrier3A_3239)
    }
    %scan3A_687 = arith.constant 4 : i32
    %get3A = arith.constant 0 : index
    %get3A_688 = tpu.vector_load %arg9[%get3A] {strides = array<i32>} : memref<384xi32, #tpu.memory_space<vmem>>, vector<16xi32>,
    %get3A_689 = vector.shape_cast %get3A_688 : vector<16xi32> to vector<16xi32>
    %get3A_690 = arith.constant 0 : index
    %get3A_691 = tpu.vector_load %arg10[%get3A_690] {strides = array<i32>} : memref<384xi32, #tpu.memory_space<vmem>>, vector<16xi32>,
    %get3A_692 = vector.shape_cast %get3A_691 : vector<16xi32> to vector<16xi32>
    %get3A_693 = arith.constant 0 : index
    %get3A_694 = tpu.vector_load %arg11[%get3A_693] {strides = array<i32>} : memref<384xi32, #tpu.memory_space<vmem>>, vector<16xi32>,
    %get3A_695 = vector.shape_cast %get3A_694 : vector<16xi32> to vector<16xi32>
    %add3A_696 = arith.constant 0 : i32
    %add3A_697 = vector.broadcast %add3A_696 : i32 to vector<16xi32>
    %add3A_698 = arith.addi %iota3A, %add3A_697 : vector<16xi32>
    %mul3A_699 = arith.constant 155345 : i32
    %mul3A_700 = vector.broadcast %mul3A_699 : i32 to vector<16xi32>
    %mul3A_701 = arith.muli %add3A_698, %mul3A_700 : vector<16xi32>
    %shift_right_arithmetic3A = arith.constant 22 : i32
    %shift_right_arithmetic3A_702 = vector.broadcast %shift_right_arithmetic3A : i32 to vector<16xi32>
    %shift_right_arithmetic3A_703 = arith.shrsi %mul3A_701, %shift_right_arithmetic3A_702 : vector<16xi32>
    %mul3A_704 = arith.constant 27 : i32
    %mul3A_705 = vector.broadcast %mul3A_704 : i32 to vector<16xi32>
    %mul3A_706 = arith.muli %shift_right_arithmetic3A_703, %mul3A_705 : vector<16xi32>
    %sub3A = arith.subi %add3A_698, %mul3A_706 : vector<16xi32>
    %sub3A_707 = arith.constant 0 : i32
    %sub3A_708 = vector.broadcast %sub3A_707 : i32 to vector<16xi32>
    %sub3A_709 = arith.subi %shift_right_arithmetic3A_703, %sub3A_708 : vector<16xi32>
    %broadcast_in_dim3A = vector.shape_cast %sub3A_709 : vector<16xi32> to vector<16x1xi32>
    %gather3A = vector.shape_cast %broadcast_in_dim3A : vector<16x1xi32> to vector<16xi32>
    %gather3A_710 = tpu.dynamic_gather %get3A_689[%gather3A] in [0] : vector<16xi32>, vector<16xi32> -> vector<16xi32>
    %broadcast_in_dim3A_711 = vector.shape_cast %sub3A_709 : vector<16xi32> to vector<16x1xi32>
    %gather3A_712 = vector.shape_cast %broadcast_in_dim3A_711 : vector<16x1xi32> to vector<16xi32>
    %gather3A_713 = tpu.dynamic_gather %get3A_692[%gather3A_712] in [0] : vector<16xi32>, vector<16xi32> -> vector<16xi32>
    %broadcast_in_dim3A_714 = vector.shape_cast %sub3A_709 : vector<16xi32> to vector<16x1xi32>
    %gather3A_715 = vector.shape_cast %broadcast_in_dim3A_714 : vector<16x1xi32> to vector<16xi32>
    %gather3A_716 = tpu.dynamic_gather %get3A_695[%gather3A_715] in [0] : vector<16xi32>, vector<16xi32> -> vector<16xi32>
    %mul3A_717 = arith.constant 57 : i32
    %mul3A_718 = vector.broadcast %mul3A_717 : i32 to vector<16xi32>
    %mul3A_719 = arith.muli %sub3A, %mul3A_718 : vector<16xi32>
    %shift_right_arithmetic3A_720 = arith.constant 9 : i32
    %shift_right_arithmetic3A_721 = vector.broadcast %shift_right_arithmetic3A_720 : i32 to vector<16xi32>
    %shift_right_arithmetic3A_722 = arith.shrsi %mul3A_719, %shift_right_arithmetic3A_721 : vector<16xi32>
    %mul3A_723 = arith.constant 9 : i32
    %mul3A_724 = vector.broadcast %mul3A_723 : i32 to vector<16xi32>
    %mul3A_725 = arith.muli %shift_right_arithmetic3A_722, %mul3A_724 : vector<16xi32>
    %sub3A_726 = arith.subi %sub3A, %mul3A_725 : vector<16xi32>
    %mul3A_727 = arith.constant 11 : i32
    %mul3A_728 = vector.broadcast %mul3A_727 : i32 to vector<16xi32>
    %mul3A_729 = arith.muli %sub3A_726, %mul3A_728 : vector<16xi32>
    %shift_right_arithmetic3A_730 = arith.constant 5 : i32
    %shift_right_arithmetic3A_731 = vector.broadcast %shift_right_arithmetic3A_730 : i32 to vector<16xi32>
    %shift_right_arithmetic3A_732 = arith.shrsi %mul3A_729, %shift_right_arithmetic3A_731 : vector<16xi32>
    %sub3A_733 = arith.constant 1 : i32
    %sub3A_734 = vector.broadcast %sub3A_733 : i32 to vector<16xi32>
    %sub3A_735 = arith.subi %shift_right_arithmetic3A_722, %sub3A_734 : vector<16xi32>
    %sub3A_736 = arith.constant 1 : i32
    %sub3A_737 = vector.broadcast %sub3A_736 : i32 to vector<16xi32>
    %sub3A_738 = arith.subi %shift_right_arithmetic3A_732, %sub3A_737 : vector<16xi32>
    %mul3A_739 = arith.constant 3 : i32
    %mul3A_740 = vector.broadcast %mul3A_739 : i32 to vector<16xi32>
    %mul3A_741 = arith.muli %shift_right_arithmetic3A_732, %mul3A_740 : vector<16xi32>
    %sub3A_742 = arith.subi %sub3A_726, %mul3A_741 : vector<16xi32>
    %sub3A_743 = arith.constant 1 : i32
    %sub3A_744 = vector.broadcast %sub3A_743 : i32 to vector<16xi32>
    %sub3A_745 = arith.subi %sub3A_742, %sub3A_744 : vector<16xi32>
    %add3A_746 = arith.addi %gather3A_710, %sub3A_735 : vector<16xi32>
    %add3A_747 = arith.addi %gather3A_713, %sub3A_738 : vector<16xi32>
    %add3A_748 = arith.addi %gather3A_716, %sub3A_745 : vector<16xi32>
    %ge3A = arith.constant 0 : i32
    %ge3A_749 = vector.broadcast %ge3A : i32 to vector<16xi32>
    %ge3A_750 = arith.cmpi sge, %add3A_746, %ge3A_749 : vector<16xi32>
    %lt3A = arith.constant 64 : i32
    %lt3A_751 = vector.broadcast %lt3A : i32 to vector<16xi32>
    %lt3A_752 = arith.cmpi slt, %add3A_746, %lt3A_751 : vector<16xi32>
    %and3A = arith.andi %ge3A_750, %lt3A_752 : vector<16xi1>
    %ge3A_753 = arith.constant 0 : i32
    %ge3A_754 = vector.broadcast %ge3A_753 : i32 to vector<16xi32>
    %ge3A_755 = arith.cmpi sge, %add3A_747, %ge3A_754 : vector<16xi32>
    %and3A_756 = arith.andi %and3A, %ge3A_755 : vector<16xi1>
    %lt3A_757 = arith.constant 64 : i32
    %lt3A_758 = vector.broadcast %lt3A_757 : i32 to vector<16xi32>
    %lt3A_759 = arith.cmpi slt, %add3A_747, %lt3A_758 : vector<16xi32>
    %and3A_760 = arith.andi %and3A_756, %lt3A_759 : vector<16xi1>
    %ge3A_761 = arith.constant 0 : i32
    %ge3A_762 = vector.broadcast %ge3A_761 : i32 to vector<16xi32>
    %ge3A_763 = arith.cmpi sge, %add3A_748, %ge3A_762 : vector<16xi32>
    %and3A_764 = arith.andi %and3A_760, %ge3A_763 : vector<16xi1>
    %lt3A_765 = arith.constant 64 : i32
    %lt3A_766 = vector.broadcast %lt3A_765 : i32 to vector<16xi32>
    %lt3A_767 = arith.cmpi slt, %add3A_748, %lt3A_766 : vector<16xi32>
    %and3A_768 = arith.andi %and3A_764, %lt3A_767 : vector<16xi1>
    %mul3A_769 = arith.constant 4096 : i32
    %mul3A_770 = vector.broadcast %mul3A_769 : i32 to vector<16xi32>
    %mul3A_771 = arith.muli %add3A_746, %mul3A_770 : vector<16xi32>
    %mul3A_772 = arith.constant 64 : i32
    %mul3A_773 = vector.broadcast %mul3A_772 : i32 to vector<16xi32>
    %mul3A_774 = arith.muli %add3A_747, %mul3A_773 : vector<16xi32>
    %add3A_775 = arith.addi %mul3A_771, %mul3A_774 : vector<16xi32>
    %add3A_776 = arith.addi %add3A_775, %add3A_748 : vector<16xi32>
    %jit3A = arith.constant 262144 : i32
    %broadcast_in_dim3A_777 = vector.broadcast %jit3A : i32 to vector<16xi32>
    %select_n3A = arith.select %and3A_768, %add3A_776, %broadcast_in_dim3A_777 : vector<16xi1>, vector<16xi32>
    %swap3A_778 = arith.constant 0 : i32
    %swap3A_779 = arith.index_cast %swap3A_778 : i32 to index
    %swap3A_780 = arith.constant 0 : index
    %swap3A_781 = tpu.vector_load %arg15[%swap3A_779, %swap3A_780] {strides = array<i32>} : memref<2x96xi32, #tpu.memory_space<vmem>>, vector<1x16xi32>,
    %swap3A_782 = vector.shape_cast %swap3A_781 : vector<1x16xi32> to vector<16xi32>
    %swap3A_783 = vector.shape_cast %select_n3A : vector<16xi32> to vector<1x16xi32>
    tpu.vector_store %arg15[%swap3A_779, %swap3A_780], %swap3A_783 {strides = array<i32>} : memref<2x96xi32, #tpu.memory_space<vmem>>, vector<1x16xi32>,
    %add3A_784 = arith.constant 16 : i32
    %add3A_785 = vector.broadcast %add3A_784 : i32 to vector<16xi32>
    %add3A_786 = arith.addi %iota3A, %add3A_785 : vector<16xi32>
    %mul3A_787 = arith.constant 155345 : i32
    %mul3A_788 = vector.broadcast %mul3A_787 : i32 to vector<16xi32>
    %mul3A_789 = arith.muli %add3A_786, %mul3A_788 : vector<16xi32>
    %shift_right_arithmetic3A_790 = arith.constant 22 : i32
    %shift_right_arithmetic3A_791 = vector.broadcast %shift_right_arithmetic3A_790 : i32 to vector<16xi32>
    %shift_right_arithmetic3A_792 = arith.shrsi %mul3A_789, %shift_right_arithmetic3A_791 : vector<16xi32>
    %mul3A_793 = arith.constant 27 : i32
    %mul3A_794 = vector.broadcast %mul3A_793 : i32 to vector<16xi32>
    %mul3A_795 = arith.muli %shift_right_arithmetic3A_792, %mul3A_794 : vector<16xi32>
    %sub3A_796 = arith.subi %add3A_786, %mul3A_795 : vector<16xi32>
    %sub3A_797 = arith.constant 0 : i32
    %sub3A_798 = vector.broadcast %sub3A_797 : i32 to vector<16xi32>
    %sub3A_799 = arith.subi %shift_right_arithmetic3A_792, %sub3A_798 : vector<16xi32>
    %broadcast_in_dim3A_800 = vector.shape_cast %sub3A_799 : vector<16xi32> to vector<16x1xi32>
    %gather3A_801 = vector.shape_cast %broadcast_in_dim3A_800 : vector<16x1xi32> to vector<16xi32>
    %gather3A_802 = tpu.dynamic_gather %get3A_689[%gather3A_801] in [0] : vector<16xi32>, vector<16xi32> -> vector<16xi32>
    %broadcast_in_dim3A_803 = vector.shape_cast %sub3A_799 : vector<16xi32> to vector<16x1xi32>
    %gather3A_804 = vector.shape_cast %broadcast_in_dim3A_803 : vector<16x1xi32> to vector<16xi32>
    %gather3A_805 = tpu.dynamic_gather %get3A_692[%gather3A_804] in [0] : vector<16xi32>, vector<16xi32> -> vector<16xi32>
    %broadcast_in_dim3A_806 = vector.shape_cast %sub3A_799 : vector<16xi32> to vector<16x1xi32>
    %gather3A_807 = vector.shape_cast %broadcast_in_dim3A_806 : vector<16x1xi32> to vector<16xi32>
    %gather3A_808 = tpu.dynamic_gather %get3A_695[%gather3A_807] in [0] : vector<16xi32>, vector<16xi32> -> vector<16xi32>
    %mul3A_809 = arith.constant 57 : i32
    %mul3A_810 = vector.broadcast %mul3A_809 : i32 to vector<16xi32>
    %mul3A_811 = arith.muli %sub3A_796, %mul3A_810 : vector<16xi32>
    %shift_right_arithmetic3A_812 = arith.constant 9 : i32
    %shift_right_arithmetic3A_813 = vector.broadcast %shift_right_arithmetic3A_812 : i32 to vector<16xi32>
    %shift_right_arithmetic3A_814 = arith.shrsi %mul3A_811, %shift_right_arithmetic3A_813 : vector<16xi32>
    %mul3A_815 = arith.constant 9 : i32
    %mul3A_816 = vector.broadcast %mul3A_815 : i32 to vector<16xi32>
    %mul3A_817 = arith.muli %shift_right_arithmetic3A_814, %mul3A_816 : vector<16xi32>
    %sub3A_818 = arith.subi %sub3A_796, %mul3A_817 : vector<16xi32>
    %mul3A_819 = arith.constant 11 : i32
    %mul3A_820 = vector.broadcast %mul3A_819 : i32 to vector<16xi32>
    %mul3A_821 = arith.muli %sub3A_818, %mul3A_820 : vector<16xi32>
    %shift_right_arithmetic3A_822 = arith.constant 5 : i32
    %shift_right_arithmetic3A_823 = vector.broadcast %shift_right_arithmetic3A_822 : i32 to vector<16xi32>
    %shift_right_arithmetic3A_824 = arith.shrsi %mul3A_821, %shift_right_arithmetic3A_823 : vector<16xi32>
    %sub3A_825 = arith.constant 1 : i32
    %sub3A_826 = vector.broadcast %sub3A_825 : i32 to vector<16xi32>
    %sub3A_827 = arith.subi %shift_right_arithmetic3A_814, %sub3A_826 : vector<16xi32>
    %sub3A_828 = arith.constant 1 : i32
    %sub3A_829 = vector.broadcast %sub3A_828 : i32 to vector<16xi32>
    %sub3A_830 = arith.subi %shift_right_arithmetic3A_824, %sub3A_829 : vector<16xi32>
    %mul3A_831 = arith.constant 3 : i32
    %mul3A_832 = vector.broadcast %mul3A_831 : i32 to vector<16xi32>
    %mul3A_833 = arith.muli %shift_right_arithmetic3A_824, %mul3A_832 : vector<16xi32>
    %sub3A_834 = arith.subi %sub3A_818, %mul3A_833 : vector<16xi32>
    %sub3A_835 = arith.constant 1 : i32
    %sub3A_836 = vector.broadcast %sub3A_835 : i32 to vector<16xi32>
    %sub3A_837 = arith.subi %sub3A_834, %sub3A_836 : vector<16xi32>
    %add3A_838 = arith.addi %gather3A_802, %sub3A_827 : vector<16xi32>
    %add3A_839 = arith.addi %gather3A_805, %sub3A_830 : vector<16xi32>
    %add3A_840 = arith.addi %gather3A_808, %sub3A_837 : vector<16xi32>
    %ge3A_841 = arith.constant 0 : i32
    %ge3A_842 = vector.broadcast %ge3A_841 : i32 to vector<16xi32>
    %ge3A_843 = arith.cmpi sge, %add3A_838, %ge3A_842 : vector<16xi32>
    %lt3A_844 = arith.constant 64 : i32
    %lt3A_845 = vector.broadcast %lt3A_844 : i32 to vector<16xi32>
    %lt3A_846 = arith.cmpi slt, %add3A_838, %lt3A_845 : vector<16xi32>
    %and3A_847 = arith.andi %ge3A_843, %lt3A_846 : vector<16xi1>
    %ge3A_848 = arith.constant 0 : i32
    %ge3A_849 = vector.broadcast %ge3A_848 : i32 to vector<16xi32>
    %ge3A_850 = arith.cmpi sge, %add3A_839, %ge3A_849 : vector<16xi32>
    %and3A_851 = arith.andi %and3A_847, %ge3A_850 : vector<16xi1>
    %lt3A_852 = arith.constant 64 : i32
    %lt3A_853 = vector.broadcast %lt3A_852 : i32 to vector<16xi32>
    %lt3A_854 = arith.cmpi slt, %add3A_839, %lt3A_853 : vector<16xi32>
    %and3A_855 = arith.andi %and3A_851, %lt3A_854 : vector<16xi1>
    %ge3A_856 = arith.constant 0 : i32
    %ge3A_857 = vector.broadcast %ge3A_856 : i32 to vector<16xi32>
    %ge3A_858 = arith.cmpi sge, %add3A_840, %ge3A_857 : vector<16xi32>
    %and3A_859 = arith.andi %and3A_855, %ge3A_858 : vector<16xi1>
    %lt3A_860 = arith.constant 64 : i32
    %lt3A_861 = vector.broadcast %lt3A_860 : i32 to vector<16xi32>
    %lt3A_862 = arith.cmpi slt, %add3A_840, %lt3A_861 : vector<16xi32>
    %and3A_863 = arith.andi %and3A_859, %lt3A_862 : vector<16xi1>
    %mul3A_864 = arith.constant 4096 : i32
    %mul3A_865 = vector.broadcast %mul3A_864 : i32 to vector<16xi32>
    %mul3A_866 = arith.muli %add3A_838, %mul3A_865 : vector<16xi32>
    %mul3A_867 = arith.constant 64 : i32
    %mul3A_868 = vector.broadcast %mul3A_867 : i32 to vector<16xi32>
    %mul3A_869 = arith.muli %add3A_839, %mul3A_868 : vector<16xi32>
    %add3A_870 = arith.addi %mul3A_866, %mul3A_869 : vector<16xi32>
    %add3A_871 = arith.addi %add3A_870, %add3A_840 : vector<16xi32>
    %jit3A_872 = arith.constant 262144 : i32
    %broadcast_in_dim3A_873 = vector.broadcast %jit3A_872 : i32 to vector<16xi32>
    %select_n3A_874 = arith.select %and3A_863, %add3A_871, %broadcast_in_dim3A_873 : vector<16xi1>, vector<16xi32>
    %swap3A_875 = arith.constant 0 : i32
    %swap3A_876 = arith.index_cast %swap3A_875 : i32 to index
    %swap3A_877 = arith.constant 16 : index
    %swap3A_878 = tpu.vector_load %arg15[%swap3A_876, %swap3A_877] {strides = array<i32>} : memref<2x96xi32, #tpu.memory_space<vmem>>, vector<1x16xi32>,
    %swap3A_879 = vector.shape_cast %swap3A_878 : vector<1x16xi32> to vector<16xi32>
    %swap3A_880 = vector.shape_cast %select_n3A_874 : vector<16xi32> to vector<1x16xi32>
    tpu.vector_store %arg15[%swap3A_876, %swap3A_877], %swap3A_880 {strides = array<i32>} : memref<2x96xi32, #tpu.memory_space<vmem>>, vector<1x16xi32>,
    %add3A_881 = arith.constant 32 : i32
    %add3A_882 = vector.broadcast %add3A_881 : i32 to vector<16xi32>
    %add3A_883 = arith.addi %iota3A, %add3A_882 : vector<16xi32>
    %mul3A_884 = arith.constant 155345 : i32
    %mul3A_885 = vector.broadcast %mul3A_884 : i32 to vector<16xi32>
    %mul3A_886 = arith.muli %add3A_883, %mul3A_885 : vector<16xi32>
    %shift_right_arithmetic3A_887 = arith.constant 22 : i32
    %shift_right_arithmetic3A_888 = vector.broadcast %shift_right_arithmetic3A_887 : i32 to vector<16xi32>
    %shift_right_arithmetic3A_889 = arith.shrsi %mul3A_886, %shift_right_arithmetic3A_888 : vector<16xi32>
    %mul3A_890 = arith.constant 27 : i32
    %mul3A_891 = vector.broadcast %mul3A_890 : i32 to vector<16xi32>
    %mul3A_892 = arith.muli %shift_right_arithmetic3A_889, %mul3A_891 : vector<16xi32>
    %sub3A_893 = arith.subi %add3A_883, %mul3A_892 : vector<16xi32>
    %sub3A_894 = arith.constant 0 : i32
    %sub3A_895 = vector.broadcast %sub3A_894 : i32 to vector<16xi32>
    %sub3A_896 = arith.subi %shift_right_arithmetic3A_889, %sub3A_895 : vector<16xi32>
    %broadcast_in_dim3A_897 = vector.shape_cast %sub3A_896 : vector<16xi32> to vector<16x1xi32>
    %gather3A_898 = vector.shape_cast %broadcast_in_dim3A_897 : vector<16x1xi32> to vector<16xi32>
    %gather3A_899 = tpu.dynamic_gather %get3A_689[%gather3A_898] in [0] : vector<16xi32>, vector<16xi32> -> vector<16xi32>
    %broadcast_in_dim3A_900 = vector.shape_cast %sub3A_896 : vector<16xi32> to vector<16x1xi32>
    %gather3A_901 = vector.shape_cast %broadcast_in_dim3A_900 : vector<16x1xi32> to vector<16xi32>
    %gather3A_902 = tpu.dynamic_gather %get3A_692[%gather3A_901] in [0] : vector<16xi32>, vector<16xi32> -> vector<16xi32>
    %broadcast_in_dim3A_903 = vector.shape_cast %sub3A_896 : vector<16xi32> to vector<16x1xi32>
    %gather3A_904 = vector.shape_cast %broadcast_in_dim3A_903 : vector<16x1xi32> to vector<16xi32>
    %gather3A_905 = tpu.dynamic_gather %get3A_695[%gather3A_904] in [0] : vector<16xi32>, vector<16xi32> -> vector<16xi32>
    %mul3A_906 = arith.constant 57 : i32
    %mul3A_907 = vector.broadcast %mul3A_906 : i32 to vector<16xi32>
    %mul3A_908 = arith.muli %sub3A_893, %mul3A_907 : vector<16xi32>
    %shift_right_arithmetic3A_909 = arith.constant 9 : i32
    %shift_right_arithmetic3A_910 = vector.broadcast %shift_right_arithmetic3A_909 : i32 to vector<16xi32>
    %shift_right_arithmetic3A_911 = arith.shrsi %mul3A_908, %shift_right_arithmetic3A_910 : vector<16xi32>
    %mul3A_912 = arith.constant 9 : i32
    %mul3A_913 = vector.broadcast %mul3A_912 : i32 to vector<16xi32>
    %mul3A_914 = arith.muli %shift_right_arithmetic3A_911, %mul3A_913 : vector<16xi32>
    %sub3A_915 = arith.subi %sub3A_893, %mul3A_914 : vector<16xi32>
    %mul3A_916 = arith.constant 11 : i32
    %mul3A_917 = vector.broadcast %mul3A_916 : i32 to vector<16xi32>
    %mul3A_918 = arith.muli %sub3A_915, %mul3A_917 : vector<16xi32>
    %shift_right_arithmetic3A_919 = arith.constant 5 : i32
    %shift_right_arithmetic3A_920 = vector.broadcast %shift_right_arithmetic3A_919 : i32 to vector<16xi32>
    %shift_right_arithmetic3A_921 = arith.shrsi %mul3A_918, %shift_right_arithmetic3A_920 : vector<16xi32>
    %sub3A_922 = arith.constant 1 : i32
    %sub3A_923 = vector.broadcast %sub3A_922 : i32 to vector<16xi32>
    %sub3A_924 = arith.subi %shift_right_arithmetic3A_911, %sub3A_923 : vector<16xi32>
    %sub3A_925 = arith.constant 1 : i32
    %sub3A_926 = vector.broadcast %sub3A_925 : i32 to vector<16xi32>
    %sub3A_927 = arith.subi %shift_right_arithmetic3A_921, %sub3A_926 : vector<16xi32>
    %mul3A_928 = arith.constant 3 : i32
    %mul3A_929 = vector.broadcast %mul3A_928 : i32 to vector<16xi32>
    %mul3A_930 = arith.muli %shift_right_arithmetic3A_921, %mul3A_929 : vector<16xi32>
    %sub3A_931 = arith.subi %sub3A_915, %mul3A_930 : vector<16xi32>
    %sub3A_932 = arith.constant 1 : i32
    %sub3A_933 = vector.broadcast %sub3A_932 : i32 to vector<16xi32>
    %sub3A_934 = arith.subi %sub3A_931, %sub3A_933 : vector<16xi32>
    %add3A_935 = arith.addi %gather3A_899, %sub3A_924 : vector<16xi32>
    %add3A_936 = arith.addi %gather3A_902, %sub3A_927 : vector<16xi32>
    %add3A_937 = arith.addi %gather3A_905, %sub3A_934 : vector<16xi32>
    %ge3A_938 = arith.constant 0 : i32
    %ge3A_939 = vector.broadcast %ge3A_938 : i32 to vector<16xi32>
    %ge3A_940 = arith.cmpi sge, %add3A_935, %ge3A_939 : vector<16xi32>
    %lt3A_941 = arith.constant 64 : i32
    %lt3A_942 = vector.broadcast %lt3A_941 : i32 to vector<16xi32>
    %lt3A_943 = arith.cmpi slt, %add3A_935, %lt3A_942 : vector<16xi32>
    %and3A_944 = arith.andi %ge3A_940, %lt3A_943 : vector<16xi1>
    %ge3A_945 = arith.constant 0 : i32
    %ge3A_946 = vector.broadcast %ge3A_945 : i32 to vector<16xi32>
    %ge3A_947 = arith.cmpi sge, %add3A_936, %ge3A_946 : vector<16xi32>
    %and3A_948 = arith.andi %and3A_944, %ge3A_947 : vector<16xi1>
    %lt3A_949 = arith.constant 64 : i32
    %lt3A_950 = vector.broadcast %lt3A_949 : i32 to vector<16xi32>
    %lt3A_951 = arith.cmpi slt, %add3A_936, %lt3A_950 : vector<16xi32>
    %and3A_952 = arith.andi %and3A_948, %lt3A_951 : vector<16xi1>
    %ge3A_953 = arith.constant 0 : i32
    %ge3A_954 = vector.broadcast %ge3A_953 : i32 to vector<16xi32>
    %ge3A_955 = arith.cmpi sge, %add3A_937, %ge3A_954 : vector<16xi32>
    %and3A_956 = arith.andi %and3A_952, %ge3A_955 : vector<16xi1>
    %lt3A_957 = arith.constant 64 : i32
    %lt3A_958 = vector.broadcast %lt3A_957 : i32 to vector<16xi32>
    %lt3A_959 = arith.cmpi slt, %add3A_937, %lt3A_958 : vector<16xi32>
    %and3A_960 = arith.andi %and3A_956, %lt3A_959 : vector<16xi1>
    %mul3A_961 = arith.constant 4096 : i32
    %mul3A_962 = vector.broadcast %mul3A_961 : i32 to vector<16xi32>
    %mul3A_963 = arith.muli %add3A_935, %mul3A_962 : vector<16xi32>
    %mul3A_964 = arith.constant 64 : i32
    %mul3A_965 = vector.broadcast %mul3A_964 : i32 to vector<16xi32>
    %mul3A_966 = arith.muli %add3A_936, %mul3A_965 : vector<16xi32>
    %add3A_967 = arith.addi %mul3A_963, %mul3A_966 : vector<16xi32>
    %add3A_968 = arith.addi %add3A_967, %add3A_937 : vector<16xi32>
    %jit3A_969 = arith.constant 262144 : i32
    %broadcast_in_dim3A_970 = vector.broadcast %jit3A_969 : i32 to vector<16xi32>
    %select_n3A_971 = arith.select %and3A_960, %add3A_968, %broadcast_in_dim3A_970 : vector<16xi1>, vector<16xi32>
    %swap3A_972 = arith.constant 0 : i32
    %swap3A_973 = arith.index_cast %swap3A_972 : i32 to index
    %swap3A_974 = arith.constant 32 : index
    %swap3A_975 = tpu.vector_load %arg15[%swap3A_973, %swap3A_974] {strides = array<i32>} : memref<2x96xi32, #tpu.memory_space<vmem>>, vector<1x16xi32>,
    %swap3A_976 = vector.shape_cast %swap3A_975 : vector<1x16xi32> to vector<16xi32>
    %swap3A_977 = vector.shape_cast %select_n3A_971 : vector<16xi32> to vector<1x16xi32>
    tpu.vector_store %arg15[%swap3A_973, %swap3A_974], %swap3A_977 {strides = array<i32>} : memref<2x96xi32, #tpu.memory_space<vmem>>, vector<1x16xi32>,
    %add3A_978 = arith.constant 48 : i32
    %add3A_979 = vector.broadcast %add3A_978 : i32 to vector<16xi32>
    %add3A_980 = arith.addi %iota3A, %add3A_979 : vector<16xi32>
    %mul3A_981 = arith.constant 155345 : i32
    %mul3A_982 = vector.broadcast %mul3A_981 : i32 to vector<16xi32>
    %mul3A_983 = arith.muli %add3A_980, %mul3A_982 : vector<16xi32>
    %shift_right_arithmetic3A_984 = arith.constant 22 : i32
    %shift_right_arithmetic3A_985 = vector.broadcast %shift_right_arithmetic3A_984 : i32 to vector<16xi32>
    %shift_right_arithmetic3A_986 = arith.shrsi %mul3A_983, %shift_right_arithmetic3A_985 : vector<16xi32>
    %mul3A_987 = arith.constant 27 : i32
    %mul3A_988 = vector.broadcast %mul3A_987 : i32 to vector<16xi32>
    %mul3A_989 = arith.muli %shift_right_arithmetic3A_986, %mul3A_988 : vector<16xi32>
    %sub3A_990 = arith.subi %add3A_980, %mul3A_989 : vector<16xi32>
    %sub3A_991 = arith.constant 0 : i32
    %sub3A_992 = vector.broadcast %sub3A_991 : i32 to vector<16xi32>
    %sub3A_993 = arith.subi %shift_right_arithmetic3A_986, %sub3A_992 : vector<16xi32>
    %broadcast_in_dim3A_994 = vector.shape_cast %sub3A_993 : vector<16xi32> to vector<16x1xi32>
    %gather3A_995 = vector.shape_cast %broadcast_in_dim3A_994 : vector<16x1xi32> to vector<16xi32>
    %gather3A_996 = tpu.dynamic_gather %get3A_689[%gather3A_995] in [0] : vector<16xi32>, vector<16xi32> -> vector<16xi32>
    %broadcast_in_dim3A_997 = vector.shape_cast %sub3A_993 : vector<16xi32> to vector<16x1xi32>
    %gather3A_998 = vector.shape_cast %broadcast_in_dim3A_997 : vector<16x1xi32> to vector<16xi32>
    %gather3A_999 = tpu.dynamic_gather %get3A_692[%gather3A_998] in [0] : vector<16xi32>, vector<16xi32> -> vector<16xi32>
    %broadcast_in_dim3A_1000 = vector.shape_cast %sub3A_993 : vector<16xi32> to vector<16x1xi32>
    %gather3A_1001 = vector.shape_cast %broadcast_in_dim3A_1000 : vector<16x1xi32> to vector<16xi32>
    %gather3A_1002 = tpu.dynamic_gather %get3A_695[%gather3A_1001] in [0] : vector<16xi32>, vector<16xi32> -> vector<16xi32>
    %mul3A_1003 = arith.constant 57 : i32
    %mul3A_1004 = vector.broadcast %mul3A_1003 : i32 to vector<16xi32>
    %mul3A_1005 = arith.muli %sub3A_990, %mul3A_1004 : vector<16xi32>
    %shift_right_arithmetic3A_1006 = arith.constant 9 : i32
    %shift_right_arithmetic3A_1007 = vector.broadcast %shift_right_arithmetic3A_1006 : i32 to vector<16xi32>
    %shift_right_arithmetic3A_1008 = arith.shrsi %mul3A_1005, %shift_right_arithmetic3A_1007 : vector<16xi32>
    %mul3A_1009 = arith.constant 9 : i32
    %mul3A_1010 = vector.broadcast %mul3A_1009 : i32 to vector<16xi32>
    %mul3A_1011 = arith.muli %shift_right_arithmetic3A_1008, %mul3A_1010 : vector<16xi32>
    %sub3A_1012 = arith.subi %sub3A_990, %mul3A_1011 : vector<16xi32>
    %mul3A_1013 = arith.constant 11 : i32
    %mul3A_1014 = vector.broadcast %mul3A_1013 : i32 to vector<16xi32>
    %mul3A_1015 = arith.muli %sub3A_1012, %mul3A_1014 : vector<16xi32>
    %shift_right_arithmetic3A_1016 = arith.constant 5 : i32
    %shift_right_arithmetic3A_1017 = vector.broadcast %shift_right_arithmetic3A_1016 : i32 to vector<16xi32>
    %shift_right_arithmetic3A_1018 = arith.shrsi %mul3A_1015, %shift_right_arithmetic3A_1017 : vector<16xi32>
    %sub3A_1019 = arith.constant 1 : i32
    %sub3A_1020 = vector.broadcast %sub3A_1019 : i32 to vector<16xi32>
    %sub3A_1021 = arith.subi %shift_right_arithmetic3A_1008, %sub3A_1020 : vector<16xi32>
    %sub3A_1022 = arith.constant 1 : i32
    %sub3A_1023 = vector.broadcast %sub3A_1022 : i32 to vector<16xi32>
    %sub3A_1024 = arith.subi %shift_right_arithmetic3A_1018, %sub3A_1023 : vector<16xi32>
    %mul3A_1025 = arith.constant 3 : i32
    %mul3A_1026 = vector.broadcast %mul3A_1025 : i32 to vector<16xi32>
    %mul3A_1027 = arith.muli %shift_right_arithmetic3A_1018, %mul3A_1026 : vector<16xi32>
    %sub3A_1028 = arith.subi %sub3A_1012, %mul3A_1027 : vector<16xi32>
    %sub3A_1029 = arith.constant 1 : i32
    %sub3A_1030 = vector.broadcast %sub3A_1029 : i32 to vector<16xi32>
    %sub3A_1031 = arith.subi %sub3A_1028, %sub3A_1030 : vector<16xi32>
    %add3A_1032 = arith.addi %gather3A_996, %sub3A_1021 : vector<16xi32>
    %add3A_1033 = arith.addi %gather3A_999, %sub3A_1024 : vector<16xi32>
    %add3A_1034 = arith.addi %gather3A_1002, %sub3A_1031 : vector<16xi32>
    %ge3A_1035 = arith.constant 0 : i32
    %ge3A_1036 = vector.broadcast %ge3A_1035 : i32 to vector<16xi32>
    %ge3A_1037 = arith.cmpi sge, %add3A_1032, %ge3A_1036 : vector<16xi32>
    %lt3A_1038 = arith.constant 64 : i32
    %lt3A_1039 = vector.broadcast %lt3A_1038 : i32 to vector<16xi32>
    %lt3A_1040 = arith.cmpi slt, %add3A_1032, %lt3A_1039 : vector<16xi32>
    %and3A_1041 = arith.andi %ge3A_1037, %lt3A_1040 : vector<16xi1>
    %ge3A_1042 = arith.constant 0 : i32
    %ge3A_1043 = vector.broadcast %ge3A_1042 : i32 to vector<16xi32>
    %ge3A_1044 = arith.cmpi sge, %add3A_1033, %ge3A_1043 : vector<16xi32>
    %and3A_1045 = arith.andi %and3A_1041, %ge3A_1044 : vector<16xi1>
    %lt3A_1046 = arith.constant 64 : i32
    %lt3A_1047 = vector.broadcast %lt3A_1046 : i32 to vector<16xi32>
    %lt3A_1048 = arith.cmpi slt, %add3A_1033, %lt3A_1047 : vector<16xi32>
    %and3A_1049 = arith.andi %and3A_1045, %lt3A_1048 : vector<16xi1>
    %ge3A_1050 = arith.constant 0 : i32
    %ge3A_1051 = vector.broadcast %ge3A_1050 : i32 to vector<16xi32>
    %ge3A_1052 = arith.cmpi sge, %add3A_1034, %ge3A_1051 : vector<16xi32>
    %and3A_1053 = arith.andi %and3A_1049, %ge3A_1052 : vector<16xi1>
    %lt3A_1054 = arith.constant 64 : i32
    %lt3A_1055 = vector.broadcast %lt3A_1054 : i32 to vector<16xi32>
    %lt3A_1056 = arith.cmpi slt, %add3A_1034, %lt3A_1055 : vector<16xi32>
    %and3A_1057 = arith.andi %and3A_1053, %lt3A_1056 : vector<16xi1>
    %mul3A_1058 = arith.constant 4096 : i32
    %mul3A_1059 = vector.broadcast %mul3A_1058 : i32 to vector<16xi32>
    %mul3A_1060 = arith.muli %add3A_1032, %mul3A_1059 : vector<16xi32>
    %mul3A_1061 = arith.constant 64 : i32
    %mul3A_1062 = vector.broadcast %mul3A_1061 : i32 to vector<16xi32>
    %mul3A_1063 = arith.muli %add3A_1033, %mul3A_1062 : vector<16xi32>
    %add3A_1064 = arith.addi %mul3A_1060, %mul3A_1063 : vector<16xi32>
    %add3A_1065 = arith.addi %add3A_1064, %add3A_1034 : vector<16xi32>
    %jit3A_1066 = arith.constant 262144 : i32
    %broadcast_in_dim3A_1067 = vector.broadcast %jit3A_1066 : i32 to vector<16xi32>
    %select_n3A_1068 = arith.select %and3A_1057, %add3A_1065, %broadcast_in_dim3A_1067 : vector<16xi1>, vector<16xi32>
    %swap3A_1069 = arith.constant 0 : i32
    %swap3A_1070 = arith.index_cast %swap3A_1069 : i32 to index
    %swap3A_1071 = arith.constant 48 : index
    %swap3A_1072 = tpu.vector_load %arg15[%swap3A_1070, %swap3A_1071] {strides = array<i32>} : memref<2x96xi32, #tpu.memory_space<vmem>>, vector<1x16xi32>,
    %swap3A_1073 = vector.shape_cast %swap3A_1072 : vector<1x16xi32> to vector<16xi32>
    %swap3A_1074 = vector.shape_cast %select_n3A_1068 : vector<16xi32> to vector<1x16xi32>
    tpu.vector_store %arg15[%swap3A_1070, %swap3A_1071], %swap3A_1074 {strides = array<i32>} : memref<2x96xi32, #tpu.memory_space<vmem>>, vector<1x16xi32>,
    %add3A_1075 = arith.constant 64 : i32
    %add3A_1076 = vector.broadcast %add3A_1075 : i32 to vector<16xi32>
    %add3A_1077 = arith.addi %iota3A, %add3A_1076 : vector<16xi32>
    %mul3A_1078 = arith.constant 155345 : i32
    %mul3A_1079 = vector.broadcast %mul3A_1078 : i32 to vector<16xi32>
    %mul3A_1080 = arith.muli %add3A_1077, %mul3A_1079 : vector<16xi32>
    %shift_right_arithmetic3A_1081 = arith.constant 22 : i32
    %shift_right_arithmetic3A_1082 = vector.broadcast %shift_right_arithmetic3A_1081 : i32 to vector<16xi32>
    %shift_right_arithmetic3A_1083 = arith.shrsi %mul3A_1080, %shift_right_arithmetic3A_1082 : vector<16xi32>
    %mul3A_1084 = arith.constant 27 : i32
    %mul3A_1085 = vector.broadcast %mul3A_1084 : i32 to vector<16xi32>
    %mul3A_1086 = arith.muli %shift_right_arithmetic3A_1083, %mul3A_1085 : vector<16xi32>
    %sub3A_1087 = arith.subi %add3A_1077, %mul3A_1086 : vector<16xi32>
    %sub3A_1088 = arith.constant 0 : i32
    %sub3A_1089 = vector.broadcast %sub3A_1088 : i32 to vector<16xi32>
    %sub3A_1090 = arith.subi %shift_right_arithmetic3A_1083, %sub3A_1089 : vector<16xi32>
    %broadcast_in_dim3A_1091 = vector.shape_cast %sub3A_1090 : vector<16xi32> to vector<16x1xi32>
    %gather3A_1092 = vector.shape_cast %broadcast_in_dim3A_1091 : vector<16x1xi32> to vector<16xi32>
    %gather3A_1093 = tpu.dynamic_gather %get3A_689[%gather3A_1092] in [0] : vector<16xi32>, vector<16xi32> -> vector<16xi32>
    %broadcast_in_dim3A_1094 = vector.shape_cast %sub3A_1090 : vector<16xi32> to vector<16x1xi32>
    %gather3A_1095 = vector.shape_cast %broadcast_in_dim3A_1094 : vector<16x1xi32> to vector<16xi32>
    %gather3A_1096 = tpu.dynamic_gather %get3A_692[%gather3A_1095] in [0] : vector<16xi32>, vector<16xi32> -> vector<16xi32>
    %broadcast_in_dim3A_1097 = vector.shape_cast %sub3A_1090 : vector<16xi32> to vector<16x1xi32>
    %gather3A_1098 = vector.shape_cast %broadcast_in_dim3A_1097 : vector<16x1xi32> to vector<16xi32>
    %gather3A_1099 = tpu.dynamic_gather %get3A_695[%gather3A_1098] in [0] : vector<16xi32>, vector<16xi32> -> vector<16xi32>
    %mul3A_1100 = arith.constant 57 : i32
    %mul3A_1101 = vector.broadcast %mul3A_1100 : i32 to vector<16xi32>
    %mul3A_1102 = arith.muli %sub3A_1087, %mul3A_1101 : vector<16xi32>
    %shift_right_arithmetic3A_1103 = arith.constant 9 : i32
    %shift_right_arithmetic3A_1104 = vector.broadcast %shift_right_arithmetic3A_1103 : i32 to vector<16xi32>
    %shift_right_arithmetic3A_1105 = arith.shrsi %mul3A_1102, %shift_right_arithmetic3A_1104 : vector<16xi32>
    %mul3A_1106 = arith.constant 9 : i32
    %mul3A_1107 = vector.broadcast %mul3A_1106 : i32 to vector<16xi32>
    %mul3A_1108 = arith.muli %shift_right_arithmetic3A_1105, %mul3A_1107 : vector<16xi32>
    %sub3A_1109 = arith.subi %sub3A_1087, %mul3A_1108 : vector<16xi32>
    %mul3A_1110 = arith.constant 11 : i32
    %mul3A_1111 = vector.broadcast %mul3A_1110 : i32 to vector<16xi32>
    %mul3A_1112 = arith.muli %sub3A_1109, %mul3A_1111 : vector<16xi32>
    %shift_right_arithmetic3A_1113 = arith.constant 5 : i32
    %shift_right_arithmetic3A_1114 = vector.broadcast %shift_right_arithmetic3A_1113 : i32 to vector<16xi32>
    %shift_right_arithmetic3A_1115 = arith.shrsi %mul3A_1112, %shift_right_arithmetic3A_1114 : vector<16xi32>
    %sub3A_1116 = arith.constant 1 : i32
    %sub3A_1117 = vector.broadcast %sub3A_1116 : i32 to vector<16xi32>
    %sub3A_1118 = arith.subi %shift_right_arithmetic3A_1105, %sub3A_1117 : vector<16xi32>
    %sub3A_1119 = arith.constant 1 : i32
    %sub3A_1120 = vector.broadcast %sub3A_1119 : i32 to vector<16xi32>
    %sub3A_1121 = arith.subi %shift_right_arithmetic3A_1115, %sub3A_1120 : vector<16xi32>
    %mul3A_1122 = arith.constant 3 : i32
    %mul3A_1123 = vector.broadcast %mul3A_1122 : i32 to vector<16xi32>
    %mul3A_1124 = arith.muli %shift_right_arithmetic3A_1115, %mul3A_1123 : vector<16xi32>
    %sub3A_1125 = arith.subi %sub3A_1109, %mul3A_1124 : vector<16xi32>
    %sub3A_1126 = arith.constant 1 : i32
    %sub3A_1127 = vector.broadcast %sub3A_1126 : i32 to vector<16xi32>
    %sub3A_1128 = arith.subi %sub3A_1125, %sub3A_1127 : vector<16xi32>
    %add3A_1129 = arith.addi %gather3A_1093, %sub3A_1118 : vector<16xi32>
    %add3A_1130 = arith.addi %gather3A_1096, %sub3A_1121 : vector<16xi32>
    %add3A_1131 = arith.addi %gather3A_1099, %sub3A_1128 : vector<16xi32>
    %ge3A_1132 = arith.constant 0 : i32
    %ge3A_1133 = vector.broadcast %ge3A_1132 : i32 to vector<16xi32>
    %ge3A_1134 = arith.cmpi sge, %add3A_1129, %ge3A_1133 : vector<16xi32>
    %lt3A_1135 = arith.constant 64 : i32
    %lt3A_1136 = vector.broadcast %lt3A_1135 : i32 to vector<16xi32>
    %lt3A_1137 = arith.cmpi slt, %add3A_1129, %lt3A_1136 : vector<16xi32>
    %and3A_1138 = arith.andi %ge3A_1134, %lt3A_1137 : vector<16xi1>
    %ge3A_1139 = arith.constant 0 : i32
    %ge3A_1140 = vector.broadcast %ge3A_1139 : i32 to vector<16xi32>
    %ge3A_1141 = arith.cmpi sge, %add3A_1130, %ge3A_1140 : vector<16xi32>
    %and3A_1142 = arith.andi %and3A_1138, %ge3A_1141 : vector<16xi1>
    %lt3A_1143 = arith.constant 64 : i32
    %lt3A_1144 = vector.broadcast %lt3A_1143 : i32 to vector<16xi32>
    %lt3A_1145 = arith.cmpi slt, %add3A_1130, %lt3A_1144 : vector<16xi32>
    %and3A_1146 = arith.andi %and3A_1142, %lt3A_1145 : vector<16xi1>
    %ge3A_1147 = arith.constant 0 : i32
    %ge3A_1148 = vector.broadcast %ge3A_1147 : i32 to vector<16xi32>
    %ge3A_1149 = arith.cmpi sge, %add3A_1131, %ge3A_1148 : vector<16xi32>
    %and3A_1150 = arith.andi %and3A_1146, %ge3A_1149 : vector<16xi1>
    %lt3A_1151 = arith.constant 64 : i32
    %lt3A_1152 = vector.broadcast %lt3A_1151 : i32 to vector<16xi32>
    %lt3A_1153 = arith.cmpi slt, %add3A_1131, %lt3A_1152 : vector<16xi32>
    %and3A_1154 = arith.andi %and3A_1150, %lt3A_1153 : vector<16xi1>
    %mul3A_1155 = arith.constant 4096 : i32
    %mul3A_1156 = vector.broadcast %mul3A_1155 : i32 to vector<16xi32>
    %mul3A_1157 = arith.muli %add3A_1129, %mul3A_1156 : vector<16xi32>
    %mul3A_1158 = arith.constant 64 : i32
    %mul3A_1159 = vector.broadcast %mul3A_1158 : i32 to vector<16xi32>
    %mul3A_1160 = arith.muli %add3A_1130, %mul3A_1159 : vector<16xi32>
    %add3A_1161 = arith.addi %mul3A_1157, %mul3A_1160 : vector<16xi32>
    %add3A_1162 = arith.addi %add3A_1161, %add3A_1131 : vector<16xi32>
    %jit3A_1163 = arith.constant 262144 : i32
    %broadcast_in_dim3A_1164 = vector.broadcast %jit3A_1163 : i32 to vector<16xi32>
    %select_n3A_1165 = arith.select %and3A_1154, %add3A_1162, %broadcast_in_dim3A_1164 : vector<16xi1>, vector<16xi32>
    %swap3A_1166 = arith.constant 0 : i32
    %swap3A_1167 = arith.index_cast %swap3A_1166 : i32 to index
    %swap3A_1168 = arith.constant 64 : index
    %swap3A_1169 = tpu.vector_load %arg15[%swap3A_1167, %swap3A_1168] {strides = array<i32>} : memref<2x96xi32, #tpu.memory_space<vmem>>, vector<1x16xi32>,
    %swap3A_1170 = vector.shape_cast %swap3A_1169 : vector<1x16xi32> to vector<16xi32>
    %swap3A_1171 = vector.shape_cast %select_n3A_1165 : vector<16xi32> to vector<1x16xi32>
    tpu.vector_store %arg15[%swap3A_1167, %swap3A_1168], %swap3A_1171 {strides = array<i32>} : memref<2x96xi32, #tpu.memory_space<vmem>>, vector<1x16xi32>,
    %add3A_1172 = arith.constant 80 : i32
    %add3A_1173 = vector.broadcast %add3A_1172 : i32 to vector<16xi32>
    %add3A_1174 = arith.addi %iota3A, %add3A_1173 : vector<16xi32>
    %mul3A_1175 = arith.constant 155345 : i32
    %mul3A_1176 = vector.broadcast %mul3A_1175 : i32 to vector<16xi32>
    %mul3A_1177 = arith.muli %add3A_1174, %mul3A_1176 : vector<16xi32>
    %shift_right_arithmetic3A_1178 = arith.constant 22 : i32
    %shift_right_arithmetic3A_1179 = vector.broadcast %shift_right_arithmetic3A_1178 : i32 to vector<16xi32>
    %shift_right_arithmetic3A_1180 = arith.shrsi %mul3A_1177, %shift_right_arithmetic3A_1179 : vector<16xi32>
    %mul3A_1181 = arith.constant 27 : i32
    %mul3A_1182 = vector.broadcast %mul3A_1181 : i32 to vector<16xi32>
    %mul3A_1183 = arith.muli %shift_right_arithmetic3A_1180, %mul3A_1182 : vector<16xi32>
    %sub3A_1184 = arith.subi %add3A_1174, %mul3A_1183 : vector<16xi32>
    %sub3A_1185 = arith.constant 0 : i32
    %sub3A_1186 = vector.broadcast %sub3A_1185 : i32 to vector<16xi32>
    %sub3A_1187 = arith.subi %shift_right_arithmetic3A_1180, %sub3A_1186 : vector<16xi32>
    %broadcast_in_dim3A_1188 = vector.shape_cast %sub3A_1187 : vector<16xi32> to vector<16x1xi32>
    %gather3A_1189 = vector.shape_cast %broadcast_in_dim3A_1188 : vector<16x1xi32> to vector<16xi32>
    %gather3A_1190 = tpu.dynamic_gather %get3A_689[%gather3A_1189] in [0] : vector<16xi32>, vector<16xi32> -> vector<16xi32>
    %broadcast_in_dim3A_1191 = vector.shape_cast %sub3A_1187 : vector<16xi32> to vector<16x1xi32>
    %gather3A_1192 = vector.shape_cast %broadcast_in_dim3A_1191 : vector<16x1xi32> to vector<16xi32>
    %gather3A_1193 = tpu.dynamic_gather %get3A_692[%gather3A_1192] in [0] : vector<16xi32>, vector<16xi32> -> vector<16xi32>
    %broadcast_in_dim3A_1194 = vector.shape_cast %sub3A_1187 : vector<16xi32> to vector<16x1xi32>
    %gather3A_1195 = vector.shape_cast %broadcast_in_dim3A_1194 : vector<16x1xi32> to vector<16xi32>
    %gather3A_1196 = tpu.dynamic_gather %get3A_695[%gather3A_1195] in [0] : vector<16xi32>, vector<16xi32> -> vector<16xi32>
    %mul3A_1197 = arith.constant 57 : i32
    %mul3A_1198 = vector.broadcast %mul3A_1197 : i32 to vector<16xi32>
    %mul3A_1199 = arith.muli %sub3A_1184, %mul3A_1198 : vector<16xi32>
    %shift_right_arithmetic3A_1200 = arith.constant 9 : i32
    %shift_right_arithmetic3A_1201 = vector.broadcast %shift_right_arithmetic3A_1200 : i32 to vector<16xi32>
    %shift_right_arithmetic3A_1202 = arith.shrsi %mul3A_1199, %shift_right_arithmetic3A_1201 : vector<16xi32>
    %mul3A_1203 = arith.constant 9 : i32
    %mul3A_1204 = vector.broadcast %mul3A_1203 : i32 to vector<16xi32>
    %mul3A_1205 = arith.muli %shift_right_arithmetic3A_1202, %mul3A_1204 : vector<16xi32>
    %sub3A_1206 = arith.subi %sub3A_1184, %mul3A_1205 : vector<16xi32>
    %mul3A_1207 = arith.constant 11 : i32
    %mul3A_1208 = vector.broadcast %mul3A_1207 : i32 to vector<16xi32>
    %mul3A_1209 = arith.muli %sub3A_1206, %mul3A_1208 : vector<16xi32>
    %shift_right_arithmetic3A_1210 = arith.constant 5 : i32
    %shift_right_arithmetic3A_1211 = vector.broadcast %shift_right_arithmetic3A_1210 : i32 to vector<16xi32>
    %shift_right_arithmetic3A_1212 = arith.shrsi %mul3A_1209, %shift_right_arithmetic3A_1211 : vector<16xi32>
    %sub3A_1213 = arith.constant 1 : i32
    %sub3A_1214 = vector.broadcast %sub3A_1213 : i32 to vector<16xi32>
    %sub3A_1215 = arith.subi %shift_right_arithmetic3A_1202, %sub3A_1214 : vector<16xi32>
    %sub3A_1216 = arith.constant 1 : i32
    %sub3A_1217 = vector.broadcast %sub3A_1216 : i32 to vector<16xi32>
    %sub3A_1218 = arith.subi %shift_right_arithmetic3A_1212, %sub3A_1217 : vector<16xi32>
    %mul3A_1219 = arith.constant 3 : i32
    %mul3A_1220 = vector.broadcast %mul3A_1219 : i32 to vector<16xi32>
    %mul3A_1221 = arith.muli %shift_right_arithmetic3A_1212, %mul3A_1220 : vector<16xi32>
    %sub3A_1222 = arith.subi %sub3A_1206, %mul3A_1221 : vector<16xi32>
    %sub3A_1223 = arith.constant 1 : i32
    %sub3A_1224 = vector.broadcast %sub3A_1223 : i32 to vector<16xi32>
    %sub3A_1225 = arith.subi %sub3A_1222, %sub3A_1224 : vector<16xi32>
    %add3A_1226 = arith.addi %gather3A_1190, %sub3A_1215 : vector<16xi32>
    %add3A_1227 = arith.addi %gather3A_1193, %sub3A_1218 : vector<16xi32>
    %add3A_1228 = arith.addi %gather3A_1196, %sub3A_1225 : vector<16xi32>
    %ge3A_1229 = arith.constant 0 : i32
    %ge3A_1230 = vector.broadcast %ge3A_1229 : i32 to vector<16xi32>
    %ge3A_1231 = arith.cmpi sge, %add3A_1226, %ge3A_1230 : vector<16xi32>
    %lt3A_1232 = arith.constant 64 : i32
    %lt3A_1233 = vector.broadcast %lt3A_1232 : i32 to vector<16xi32>
    %lt3A_1234 = arith.cmpi slt, %add3A_1226, %lt3A_1233 : vector<16xi32>
    %and3A_1235 = arith.andi %ge3A_1231, %lt3A_1234 : vector<16xi1>
    %ge3A_1236 = arith.constant 0 : i32
    %ge3A_1237 = vector.broadcast %ge3A_1236 : i32 to vector<16xi32>
    %ge3A_1238 = arith.cmpi sge, %add3A_1227, %ge3A_1237 : vector<16xi32>
    %and3A_1239 = arith.andi %and3A_1235, %ge3A_1238 : vector<16xi1>
    %lt3A_1240 = arith.constant 64 : i32
    %lt3A_1241 = vector.broadcast %lt3A_1240 : i32 to vector<16xi32>
    %lt3A_1242 = arith.cmpi slt, %add3A_1227, %lt3A_1241 : vector<16xi32>
    %and3A_1243 = arith.andi %and3A_1239, %lt3A_1242 : vector<16xi1>
    %ge3A_1244 = arith.constant 0 : i32
    %ge3A_1245 = vector.broadcast %ge3A_1244 : i32 to vector<16xi32>
    %ge3A_1246 = arith.cmpi sge, %add3A_1228, %ge3A_1245 : vector<16xi32>
    %and3A_1247 = arith.andi %and3A_1243, %ge3A_1246 : vector<16xi1>
    %lt3A_1248 = arith.constant 64 : i32
    %lt3A_1249 = vector.broadcast %lt3A_1248 : i32 to vector<16xi32>
    %lt3A_1250 = arith.cmpi slt, %add3A_1228, %lt3A_1249 : vector<16xi32>
    %and3A_1251 = arith.andi %and3A_1247, %lt3A_1250 : vector<16xi1>
    %mul3A_1252 = arith.constant 4096 : i32
    %mul3A_1253 = vector.broadcast %mul3A_1252 : i32 to vector<16xi32>
    %mul3A_1254 = arith.muli %add3A_1226, %mul3A_1253 : vector<16xi32>
    %mul3A_1255 = arith.constant 64 : i32
    %mul3A_1256 = vector.broadcast %mul3A_1255 : i32 to vector<16xi32>
    %mul3A_1257 = arith.muli %add3A_1227, %mul3A_1256 : vector<16xi32>
    %add3A_1258 = arith.addi %mul3A_1254, %mul3A_1257 : vector<16xi32>
    %add3A_1259 = arith.addi %add3A_1258, %add3A_1228 : vector<16xi32>
    %jit3A_1260 = arith.constant 262144 : i32
    %broadcast_in_dim3A_1261 = vector.broadcast %jit3A_1260 : i32 to vector<16xi32>
    %select_n3A_1262 = arith.select %and3A_1251, %add3A_1259, %broadcast_in_dim3A_1261 : vector<16xi1>, vector<16xi32>
    %swap3A_1263 = arith.constant 0 : i32
    %swap3A_1264 = arith.index_cast %swap3A_1263 : i32 to index
    %swap3A_1265 = arith.constant 80 : index
    %swap3A_1266 = tpu.vector_load %arg15[%swap3A_1264, %swap3A_1265] {strides = array<i32>} : memref<2x96xi32, #tpu.memory_space<vmem>>, vector<1x16xi32>,
    %swap3A_1267 = vector.shape_cast %swap3A_1266 : vector<1x16xi32> to vector<16xi32>
    %swap3A_1268 = vector.shape_cast %select_n3A_1262 : vector<16xi32> to vector<1x16xi32>
    tpu.vector_store %arg15[%swap3A_1264, %swap3A_1265], %swap3A_1268 {strides = array<i32>} : memref<2x96xi32, #tpu.memory_space<vmem>>, vector<1x16xi32>,
    %dma_start3A_1269 = arith.constant 0 : i32
    %dma_start3A_1270 = arith.constant 0 : i32
    %dma_start3A_1271 = arith.constant 0 : i32
    %dma_start3A_1272 = arith.constant 0 : i32
    %dma_start3A_1273 = tpu.memref_slice %arg16[%dma_start3A_1270, %dma_start3A_1272] : memref<2x96xi32, #tpu.memory_space<vmem>> -> memref<1x96xi32, #tpu.memory_space<vmem>>
    %dma_start3A_1274 = tpu.memref_squeeze %dma_start3A_1273 : memref<1x96xi32, #tpu.memory_space<vmem>> -> memref<96xi32, #tpu.memory_space<vmem>>
    %dma_start3A_1275 = arith.constant 0 : i32
    %dma_start3A_1276 = tpu.memref_slice %arg15[%dma_start3A_1269, %dma_start3A_1275] : memref<2x96xi32, #tpu.memory_space<vmem>> -> memref<1x96xi32, #tpu.memory_space<vmem>>
    %dma_start3A_1277 = tpu.memref_squeeze %dma_start3A_1276 : memref<1x96xi32, #tpu.memory_space<vmem>> -> memref<96xi32, #tpu.memory_space<vmem>>
    %dma_start3A_1278 = arith.constant 0 : i32
    %dma_start3A_1279 = tpu.memref_slice %arg20[%dma_start3A_1278] : memref<262272xi32, #tpu.memory_space<vmem_shared>> -> memref<262272xi32, #tpu.memory_space<vmem_shared>>
    %dma_start3A_1280 = tpu.memref_slice %arg23[%dma_start3A_1271] : memref<2x!tpu.dma_semaphore, #tpu.memory_space<semaphore_mem>> -> memref<1x!tpu.dma_semaphore, #tpu.memory_space<semaphore_mem>>
    %dma_start3A_1281 = tpu.memref_squeeze %dma_start3A_1280 : memref<1x!tpu.dma_semaphore, #tpu.memory_space<semaphore_mem>> -> memref<!tpu.dma_semaphore, #tpu.memory_space<semaphore_mem>>
    tpu.enqueue_indirect_dma source(%dma_start3A_1279 : memref<262272xi32, #tpu.memory_space<vmem_shared>>) target(%dma_start3A_1274 : memref<96xi32, #tpu.memory_space<vmem>>) offsets(%dma_start3A_1277 : memref<96xi32, #tpu.memory_space<vmem>>) semaphore(%dma_start3A_1281 : memref<!tpu.dma_semaphore, #tpu.memory_space<semaphore_mem>>)
    %get3A_1282 = arith.constant 3 : index
    %get3A_1283 = tpu.vector_load %arg9[%get3A_1282] {strides = array<i32>} : memref<384xi32, #tpu.memory_space<vmem>>, vector<16xi32>,
    %get3A_1284 = vector.shape_cast %get3A_1283 : vector<16xi32> to vector<16xi32>
    %get3A_1285 = arith.constant 3 : index
    %get3A_1286 = tpu.vector_load %arg10[%get3A_1285] {strides = array<i32>} : memref<384xi32, #tpu.memory_space<vmem>>, vector<16xi32>,
    %get3A_1287 = vector.shape_cast %get3A_1286 : vector<16xi32> to vector<16xi32>
    %get3A_1288 = arith.constant 3 : index
    %get3A_1289 = tpu.vector_load %arg11[%get3A_1288] {strides = array<i32>} : memref<384xi32, #tpu.memory_space<vmem>>, vector<16xi32>,
    %get3A_1290 = vector.shape_cast %get3A_1289 : vector<16xi32> to vector<16xi32>
    %add3A_1291 = arith.constant 96 : i32
    %add3A_1292 = vector.broadcast %add3A_1291 : i32 to vector<16xi32>
    %add3A_1293 = arith.addi %iota3A, %add3A_1292 : vector<16xi32>
    %mul3A_1294 = arith.constant 155345 : i32
    %mul3A_1295 = vector.broadcast %mul3A_1294 : i32 to vector<16xi32>
    %mul3A_1296 = arith.muli %add3A_1293, %mul3A_1295 : vector<16xi32>
    %shift_right_arithmetic3A_1297 = arith.constant 22 : i32
    %shift_right_arithmetic3A_1298 = vector.broadcast %shift_right_arithmetic3A_1297 : i32 to vector<16xi32>
    %shift_right_arithmetic3A_1299 = arith.shrsi %mul3A_1296, %shift_right_arithmetic3A_1298 : vector<16xi32>
    %mul3A_1300 = arith.constant 27 : i32
    %mul3A_1301 = vector.broadcast %mul3A_1300 : i32 to vector<16xi32>
    %mul3A_1302 = arith.muli %shift_right_arithmetic3A_1299, %mul3A_1301 : vector<16xi32>
    %sub3A_1303 = arith.subi %add3A_1293, %mul3A_1302 : vector<16xi32>
    %sub3A_1304 = arith.constant 3 : i32
    %sub3A_1305 = vector.broadcast %sub3A_1304 : i32 to vector<16xi32>
    %sub3A_1306 = arith.subi %shift_right_arithmetic3A_1299, %sub3A_1305 : vector<16xi32>
    %broadcast_in_dim3A_1307 = vector.shape_cast %sub3A_1306 : vector<16xi32> to vector<16x1xi32>
    %gather3A_1308 = vector.shape_cast %broadcast_in_dim3A_1307 : vector<16x1xi32> to vector<16xi32>
    %gather3A_1309 = tpu.dynamic_gather %get3A_1284[%gather3A_1308] in [0] : vector<16xi32>, vector<16xi32> -> vector<16xi32>
    %broadcast_in_dim3A_1310 = vector.shape_cast %sub3A_1306 : vector<16xi32> to vector<16x1xi32>
    %gather3A_1311 = vector.shape_cast %broadcast_in_dim3A_1310 : vector<16x1xi32> to vector<16xi32>
    %gather3A_1312 = tpu.dynamic_gather %get3A_1287[%gather3A_1311] in [0] : vector<16xi32>, vector<16xi32> -> vector<16xi32>
    %broadcast_in_dim3A_1313 = vector.shape_cast %sub3A_1306 : vector<16xi32> to vector<16x1xi32>
    %gather3A_1314 = vector.shape_cast %broadcast_in_dim3A_1313 : vector<16x1xi32> to vector<16xi32>
    %gather3A_1315 = tpu.dynamic_gather %get3A_1290[%gather3A_1314] in [0] : vector<16xi32>, vector<16xi32> -> vector<16xi32>
    %mul3A_1316 = arith.constant 57 : i32
    %mul3A_1317 = vector.broadcast %mul3A_1316 : i32 to vector<16xi32>
    %mul3A_1318 = arith.muli %sub3A_1303, %mul3A_1317 : vector<16xi32>
    %shift_right_arithmetic3A_1319 = arith.constant 9 : i32
    %shift_right_arithmetic3A_1320 = vector.broadcast %shift_right_arithmetic3A_1319 : i32 to vector<16xi32>
    %shift_right_arithmetic3A_1321 = arith.shrsi %mul3A_1318, %shift_right_arithmetic3A_1320 : vector<16xi32>
    %mul3A_1322 = arith.constant 9 : i32
    %mul3A_1323 = vector.broadcast %mul3A_1322 : i32 to vector<16xi32>
    %mul3A_1324 = arith.muli %shift_right_arithmetic3A_1321, %mul3A_1323 : vector<16xi32>
    %sub3A_1325 = arith.subi %sub3A_1303, %mul3A_1324 : vector<16xi32>
    %mul3A_1326 = arith.constant 11 : i32
    %mul3A_1327 = vector.broadcast %mul3A_1326 : i32 to vector<16xi32>
    %mul3A_1328 = arith.muli %sub3A_1325, %mul3A_1327 : vector<16xi32>
    %shift_right_arithmetic3A_1329 = arith.constant 5 : i32
    %shift_right_arithmetic3A_1330 = vector.broadcast %shift_right_arithmetic3A_1329 : i32 to vector<16xi32>
    %shift_right_arithmetic3A_1331 = arith.shrsi %mul3A_1328, %shift_right_arithmetic3A_1330 : vector<16xi32>
    %sub3A_1332 = arith.constant 1 : i32
    %sub3A_1333 = vector.broadcast %sub3A_1332 : i32 to vector<16xi32>
    %sub3A_1334 = arith.subi %shift_right_arithmetic3A_1321, %sub3A_1333 : vector<16xi32>
    %sub3A_1335 = arith.constant 1 : i32
    %sub3A_1336 = vector.broadcast %sub3A_1335 : i32 to vector<16xi32>
    %sub3A_1337 = arith.subi %shift_right_arithmetic3A_1331, %sub3A_1336 : vector<16xi32>
    %mul3A_1338 = arith.constant 3 : i32
    %mul3A_1339 = vector.broadcast %mul3A_1338 : i32 to vector<16xi32>
    %mul3A_1340 = arith.muli %shift_right_arithmetic3A_1331, %mul3A_1339 : vector<16xi32>
    %sub3A_1341 = arith.subi %sub3A_1325, %mul3A_1340 : vector<16xi32>
    %sub3A_1342 = arith.constant 1 : i32
    %sub3A_1343 = vector.broadcast %sub3A_1342 : i32 to vector<16xi32>
    %sub3A_1344 = arith.subi %sub3A_1341, %sub3A_1343 : vector<16xi32>
    %add3A_1345 = arith.addi %gather3A_1309, %sub3A_1334 : vector<16xi32>
    %add3A_1346 = arith.addi %gather3A_1312, %sub3A_1337 : vector<16xi32>
    %add3A_1347 = arith.addi %gather3A_1315, %sub3A_1344 : vector<16xi32>
    %ge3A_1348 = arith.constant 0 : i32
    %ge3A_1349 = vector.broadcast %ge3A_1348 : i32 to vector<16xi32>
    %ge3A_1350 = arith.cmpi sge, %add3A_1345, %ge3A_1349 : vector<16xi32>
    %lt3A_1351 = arith.constant 64 : i32
    %lt3A_1352 = vector.broadcast %lt3A_1351 : i32 to vector<16xi32>
    %lt3A_1353 = arith.cmpi slt, %add3A_1345, %lt3A_1352 : vector<16xi32>
    %and3A_1354 = arith.andi %ge3A_1350, %lt3A_1353 : vector<16xi1>
    %ge3A_1355 = arith.constant 0 : i32
    %ge3A_1356 = vector.broadcast %ge3A_1355 : i32 to vector<16xi32>
    %ge3A_1357 = arith.cmpi sge, %add3A_1346, %ge3A_1356 : vector<16xi32>
    %and3A_1358 = arith.andi %and3A_1354, %ge3A_1357 : vector<16xi1>
    %lt3A_1359 = arith.constant 64 : i32
    %lt3A_1360 = vector.broadcast %lt3A_1359 : i32 to vector<16xi32>
    %lt3A_1361 = arith.cmpi slt, %add3A_1346, %lt3A_1360 : vector<16xi32>
    %and3A_1362 = arith.andi %and3A_1358, %lt3A_1361 : vector<16xi1>
    %ge3A_1363 = arith.constant 0 : i32
    %ge3A_1364 = vector.broadcast %ge3A_1363 : i32 to vector<16xi32>
    %ge3A_1365 = arith.cmpi sge, %add3A_1347, %ge3A_1364 : vector<16xi32>
    %and3A_1366 = arith.andi %and3A_1362, %ge3A_1365 : vector<16xi1>
    %lt3A_1367 = arith.constant 64 : i32
    %lt3A_1368 = vector.broadcast %lt3A_1367 : i32 to vector<16xi32>
    %lt3A_1369 = arith.cmpi slt, %add3A_1347, %lt3A_1368 : vector<16xi32>
    %and3A_1370 = arith.andi %and3A_1366, %lt3A_1369 : vector<16xi1>
    %mul3A_1371 = arith.constant 4096 : i32
    %mul3A_1372 = vector.broadcast %mul3A_1371 : i32 to vector<16xi32>
    %mul3A_1373 = arith.muli %add3A_1345, %mul3A_1372 : vector<16xi32>
    %mul3A_1374 = arith.constant 64 : i32
    %mul3A_1375 = vector.broadcast %mul3A_1374 : i32 to vector<16xi32>
    %mul3A_1376 = arith.muli %add3A_1346, %mul3A_1375 : vector<16xi32>
    %add3A_1377 = arith.addi %mul3A_1373, %mul3A_1376 : vector<16xi32>
    %add3A_1378 = arith.addi %add3A_1377, %add3A_1347 : vector<16xi32>
    %jit3A_1379 = arith.constant 262144 : i32
    %broadcast_in_dim3A_1380 = vector.broadcast %jit3A_1379 : i32 to vector<16xi32>
    %select_n3A_1381 = arith.select %and3A_1370, %add3A_1378, %broadcast_in_dim3A_1380 : vector<16xi1>, vector<16xi32>
    %swap3A_1382 = arith.constant 1 : i32
    %swap3A_1383 = arith.index_cast %swap3A_1382 : i32 to index
    %swap3A_1384 = arith.constant 0 : index
    %swap3A_1385 = tpu.vector_load %arg15[%swap3A_1383, %swap3A_1384] {strides = array<i32>} : memref<2x96xi32, #tpu.memory_space<vmem>>, vector<1x16xi32>,
    %swap3A_1386 = vector.shape_cast %swap3A_1385 : vector<1x16xi32> to vector<16xi32>
    %swap3A_1387 = vector.shape_cast %select_n3A_1381 : vector<16xi32> to vector<1x16xi32>
    tpu.vector_store %arg15[%swap3A_1383, %swap3A_1384], %swap3A_1387 {strides = array<i32>} : memref<2x96xi32, #tpu.memory_space<vmem>>, vector<1x16xi32>,
    %add3A_1388 = arith.constant 112 : i32
    %add3A_1389 = vector.broadcast %add3A_1388 : i32 to vector<16xi32>
    %add3A_1390 = arith.addi %iota3A, %add3A_1389 : vector<16xi32>
    %mul3A_1391 = arith.constant 155345 : i32
    %mul3A_1392 = vector.broadcast %mul3A_1391 : i32 to vector<16xi32>
    %mul3A_1393 = arith.muli %add3A_1390, %mul3A_1392 : vector<16xi32>
    %shift_right_arithmetic3A_1394 = arith.constant 22 : i32
    %shift_right_arithmetic3A_1395 = vector.broadcast %shift_right_arithmetic3A_1394 : i32 to vector<16xi32>
    %shift_right_arithmetic3A_1396 = arith.shrsi %mul3A_1393, %shift_right_arithmetic3A_1395 : vector<16xi32>
    %mul3A_1397 = arith.constant 27 : i32
    %mul3A_1398 = vector.broadcast %mul3A_1397 : i32 to vector<16xi32>
    %mul3A_1399 = arith.muli %shift_right_arithmetic3A_1396, %mul3A_1398 : vector<16xi32>
    %sub3A_1400 = arith.subi %add3A_1390, %mul3A_1399 : vector<16xi32>
    %sub3A_1401 = arith.constant 3 : i32
    %sub3A_1402 = vector.broadcast %sub3A_1401 : i32 to vector<16xi32>
    %sub3A_1403 = arith.subi %shift_right_arithmetic3A_1396, %sub3A_1402 : vector<16xi32>
    %broadcast_in_dim3A_1404 = vector.shape_cast %sub3A_1403 : vector<16xi32> to vector<16x1xi32>
    %gather3A_1405 = vector.shape_cast %broadcast_in_dim3A_1404 : vector<16x1xi32> to vector<16xi32>
    %gather3A_1406 = tpu.dynamic_gather %get3A_1284[%gather3A_1405] in [0] : vector<16xi32>, vector<16xi32> -> vector<16xi32>
    %broadcast_in_dim3A_1407 = vector.shape_cast %sub3A_1403 : vector<16xi32> to vector<16x1xi32>
    %gather3A_1408 = vector.shape_cast %broadcast_in_dim3A_1407 : vector<16x1xi32> to vector<16xi32>
    %gather3A_1409 = tpu.dynamic_gather %get3A_1287[%gather3A_1408] in [0] : vector<16xi32>, vector<16xi32> -> vector<16xi32>
    %broadcast_in_dim3A_1410 = vector.shape_cast %sub3A_1403 : vector<16xi32> to vector<16x1xi32>
    %gather3A_1411 = vector.shape_cast %broadcast_in_dim3A_1410 : vector<16x1xi32> to vector<16xi32>
    %gather3A_1412 = tpu.dynamic_gather %get3A_1290[%gather3A_1411] in [0] : vector<16xi32>, vector<16xi32> -> vector<16xi32>
    %mul3A_1413 = arith.constant 57 : i32
    %mul3A_1414 = vector.broadcast %mul3A_1413 : i32 to vector<16xi32>
    %mul3A_1415 = arith.muli %sub3A_1400, %mul3A_1414 : vector<16xi32>
    %shift_right_arithmetic3A_1416 = arith.constant 9 : i32
    %shift_right_arithmetic3A_1417 = vector.broadcast %shift_right_arithmetic3A_1416 : i32 to vector<16xi32>
    %shift_right_arithmetic3A_1418 = arith.shrsi %mul3A_1415, %shift_right_arithmetic3A_1417 : vector<16xi32>
    %mul3A_1419 = arith.constant 9 : i32
    %mul3A_1420 = vector.broadcast %mul3A_1419 : i32 to vector<16xi32>
    %mul3A_1421 = arith.muli %shift_right_arithmetic3A_1418, %mul3A_1420 : vector<16xi32>
    %sub3A_1422 = arith.subi %sub3A_1400, %mul3A_1421 : vector<16xi32>
    %mul3A_1423 = arith.constant 11 : i32
    %mul3A_1424 = vector.broadcast %mul3A_1423 : i32 to vector<16xi32>
    %mul3A_1425 = arith.muli %sub3A_1422, %mul3A_1424 : vector<16xi32>
    %shift_right_arithmetic3A_1426 = arith.constant 5 : i32
    %shift_right_arithmetic3A_1427 = vector.broadcast %shift_right_arithmetic3A_1426 : i32 to vector<16xi32>
    %shift_right_arithmetic3A_1428 = arith.shrsi %mul3A_1425, %shift_right_arithmetic3A_1427 : vector<16xi32>
    %sub3A_1429 = arith.constant 1 : i32
    %sub3A_1430 = vector.broadcast %sub3A_1429 : i32 to vector<16xi32>
    %sub3A_1431 = arith.subi %shift_right_arithmetic3A_1418, %sub3A_1430 : vector<16xi32>
    %sub3A_1432 = arith.constant 1 : i32
    %sub3A_1433 = vector.broadcast %sub3A_1432 : i32 to vector<16xi32>
    %sub3A_1434 = arith.subi %shift_right_arithmetic3A_1428, %sub3A_1433 : vector<16xi32>
    %mul3A_1435 = arith.constant 3 : i32
    %mul3A_1436 = vector.broadcast %mul3A_1435 : i32 to vector<16xi32>
    %mul3A_1437 = arith.muli %shift_right_arithmetic3A_1428, %mul3A_1436 : vector<16xi32>
    %sub3A_1438 = arith.subi %sub3A_1422, %mul3A_1437 : vector<16xi32>
    %sub3A_1439 = arith.constant 1 : i32
    %sub3A_1440 = vector.broadcast %sub3A_1439 : i32 to vector<16xi32>
    %sub3A_1441 = arith.subi %sub3A_1438, %sub3A_1440 : vector<16xi32>
    %add3A_1442 = arith.addi %gather3A_1406, %sub3A_1431 : vector<16xi32>
    %add3A_1443 = arith.addi %gather3A_1409, %sub3A_1434 : vector<16xi32>
    %add3A_1444 = arith.addi %gather3A_1412, %sub3A_1441 : vector<16xi32>
    %ge3A_1445 = arith.constant 0 : i32
    %ge3A_1446 = vector.broadcast %ge3A_1445 : i32 to vector<16xi32>
    %ge3A_1447 = arith.cmpi sge, %add3A_1442, %ge3A_1446 : vector<16xi32>
    %lt3A_1448 = arith.constant 64 : i32
    %lt3A_1449 = vector.broadcast %lt3A_1448 : i32 to vector<16xi32>
    %lt3A_1450 = arith.cmpi slt, %add3A_1442, %lt3A_1449 : vector<16xi32>
    %and3A_1451 = arith.andi %ge3A_1447, %lt3A_1450 : vector<16xi1>
    %ge3A_1452 = arith.constant 0 : i32
    %ge3A_1453 = vector.broadcast %ge3A_1452 : i32 to vector<16xi32>
    %ge3A_1454 = arith.cmpi sge, %add3A_1443, %ge3A_1453 : vector<16xi32>
    %and3A_1455 = arith.andi %and3A_1451, %ge3A_1454 : vector<16xi1>
    %lt3A_1456 = arith.constant 64 : i32
    %lt3A_1457 = vector.broadcast %lt3A_1456 : i32 to vector<16xi32>
    %lt3A_1458 = arith.cmpi slt, %add3A_1443, %lt3A_1457 : vector<16xi32>
    %and3A_1459 = arith.andi %and3A_1455, %lt3A_1458 : vector<16xi1>
    %ge3A_1460 = arith.constant 0 : i32
    %ge3A_1461 = vector.broadcast %ge3A_1460 : i32 to vector<16xi32>
    %ge3A_1462 = arith.cmpi sge, %add3A_1444, %ge3A_1461 : vector<16xi32>
    %and3A_1463 = arith.andi %and3A_1459, %ge3A_1462 : vector<16xi1>
    %lt3A_1464 = arith.constant 64 : i32
    %lt3A_1465 = vector.broadcast %lt3A_1464 : i32 to vector<16xi32>
    %lt3A_1466 = arith.cmpi slt, %add3A_1444, %lt3A_1465 : vector<16xi32>
    %and3A_1467 = arith.andi %and3A_1463, %lt3A_1466 : vector<16xi1>
    %mul3A_1468 = arith.constant 4096 : i32
    %mul3A_1469 = vector.broadcast %mul3A_1468 : i32 to vector<16xi32>
    %mul3A_1470 = arith.muli %add3A_1442, %mul3A_1469 : vector<16xi32>
    %mul3A_1471 = arith.constant 64 : i32
    %mul3A_1472 = vector.broadcast %mul3A_1471 : i32 to vector<16xi32>
    %mul3A_1473 = arith.muli %add3A_1443, %mul3A_1472 : vector<16xi32>
    %add3A_1474 = arith.addi %mul3A_1470, %mul3A_1473 : vector<16xi32>
    %add3A_1475 = arith.addi %add3A_1474, %add3A_1444 : vector<16xi32>
    %jit3A_1476 = arith.constant 262144 : i32
    %broadcast_in_dim3A_1477 = vector.broadcast %jit3A_1476 : i32 to vector<16xi32>
    %select_n3A_1478 = arith.select %and3A_1467, %add3A_1475, %broadcast_in_dim3A_1477 : vector<16xi1>, vector<16xi32>
    %swap3A_1479 = arith.constant 1 : i32
    %swap3A_1480 = arith.index_cast %swap3A_1479 : i32 to index
    %swap3A_1481 = arith.constant 16 : index
    %swap3A_1482 = tpu.vector_load %arg15[%swap3A_1480, %swap3A_1481] {strides = array<i32>} : memref<2x96xi32, #tpu.memory_space<vmem>>, vector<1x16xi32>,
    %swap3A_1483 = vector.shape_cast %swap3A_1482 : vector<1x16xi32> to vector<16xi32>
    %swap3A_1484 = vector.shape_cast %select_n3A_1478 : vector<16xi32> to vector<1x16xi32>
    tpu.vector_store %arg15[%swap3A_1480, %swap3A_1481], %swap3A_1484 {strides = array<i32>} : memref<2x96xi32, #tpu.memory_space<vmem>>, vector<1x16xi32>,
    %add3A_1485 = arith.constant 128 : i32
    %add3A_1486 = vector.broadcast %add3A_1485 : i32 to vector<16xi32>
    %add3A_1487 = arith.addi %iota3A, %add3A_1486 : vector<16xi32>
    %mul3A_1488 = arith.constant 155345 : i32
    %mul3A_1489 = vector.broadcast %mul3A_1488 : i32 to vector<16xi32>
    %mul3A_1490 = arith.muli %add3A_1487, %mul3A_1489 : vector<16xi32>
    %shift_right_arithmetic3A_1491 = arith.constant 22 : i32
    %shift_right_arithmetic3A_1492 = vector.broadcast %shift_right_arithmetic3A_1491 : i32 to vector<16xi32>
    %shift_right_arithmetic3A_1493 = arith.shrsi %mul3A_1490, %shift_right_arithmetic3A_1492 : vector<16xi32>
    %mul3A_1494 = arith.constant 27 : i32
    %mul3A_1495 = vector.broadcast %mul3A_1494 : i32 to vector<16xi32>
    %mul3A_1496 = arith.muli %shift_right_arithmetic3A_1493, %mul3A_1495 : vector<16xi32>
    %sub3A_1497 = arith.subi %add3A_1487, %mul3A_1496 : vector<16xi32>
    %sub3A_1498 = arith.constant 3 : i32
    %sub3A_1499 = vector.broadcast %sub3A_1498 : i32 to vector<16xi32>
    %sub3A_1500 = arith.subi %shift_right_arithmetic3A_1493, %sub3A_1499 : vector<16xi32>
    %broadcast_in_dim3A_1501 = vector.shape_cast %sub3A_1500 : vector<16xi32> to vector<16x1xi32>
    %gather3A_1502 = vector.shape_cast %broadcast_in_dim3A_1501 : vector<16x1xi32> to vector<16xi32>
    %gather3A_1503 = tpu.dynamic_gather %get3A_1284[%gather3A_1502] in [0] : vector<16xi32>, vector<16xi32> -> vector<16xi32>
    %broadcast_in_dim3A_1504 = vector.shape_cast %sub3A_1500 : vector<16xi32> to vector<16x1xi32>
    %gather3A_1505 = vector.shape_cast %broadcast_in_dim3A_1504 : vector<16x1xi32> to vector<16xi32>
    %gather3A_1506 = tpu.dynamic_gather %get3A_1287[%gather3A_1505] in [0] : vector<16xi32>, vector<16xi32> -> vector<16xi32>
    %broadcast_in_dim3A_1507 = vector.shape_cast %sub3A_1500 : vector<16xi32> to vector<16x1xi32>
    %gather3A_1508 = vector.shape_cast %broadcast_in_dim3A_1507 : vector<16x1xi32> to vector<16xi32>
    %gather3A_1509 = tpu.dynamic_gather %get3A_1290[%gather3A_1508] in [0] : vector<16xi32>, vector<16xi32> -> vector<16xi32>
    %mul3A_1510 = arith.constant 57 : i32
    %mul3A_1511 = vector.broadcast %mul3A_1510 : i32 to vector<16xi32>
    %mul3A_1512 = arith.muli %sub3A_1497, %mul3A_1511 : vector<16xi32>
    %shift_right_arithmetic3A_1513 = arith.constant 9 : i32
    %shift_right_arithmetic3A_1514 = vector.broadcast %shift_right_arithmetic3A_1513 : i32 to vector<16xi32>
    %shift_right_arithmetic3A_1515 = arith.shrsi %mul3A_1512, %shift_right_arithmetic3A_1514 : vector<16xi32>
    %mul3A_1516 = arith.constant 9 : i32
    %mul3A_1517 = vector.broadcast %mul3A_1516 : i32 to vector<16xi32>
    %mul3A_1518 = arith.muli %shift_right_arithmetic3A_1515, %mul3A_1517 : vector<16xi32>
    %sub3A_1519 = arith.subi %sub3A_1497, %mul3A_1518 : vector<16xi32>
    %mul3A_1520 = arith.constant 11 : i32
    %mul3A_1521 = vector.broadcast %mul3A_1520 : i32 to vector<16xi32>
    %mul3A_1522 = arith.muli %sub3A_1519, %mul3A_1521 : vector<16xi32>
    %shift_right_arithmetic3A_1523 = arith.constant 5 : i32
    %shift_right_arithmetic3A_1524 = vector.broadcast %shift_right_arithmetic3A_1523 : i32 to vector<16xi32>
    %shift_right_arithmetic3A_1525 = arith.shrsi %mul3A_1522, %shift_right_arithmetic3A_1524 : vector<16xi32>
    %sub3A_1526 = arith.constant 1 : i32
    %sub3A_1527 = vector.broadcast %sub3A_1526 : i32 to vector<16xi32>
    %sub3A_1528 = arith.subi %shift_right_arithmetic3A_1515, %sub3A_1527 : vector<16xi32>
    %sub3A_1529 = arith.constant 1 : i32
    %sub3A_1530 = vector.broadcast %sub3A_1529 : i32 to vector<16xi32>
    %sub3A_1531 = arith.subi %shift_right_arithmetic3A_1525, %sub3A_1530 : vector<16xi32>
    %mul3A_1532 = arith.constant 3 : i32
    %mul3A_1533 = vector.broadcast %mul3A_1532 : i32 to vector<16xi32>
    %mul3A_1534 = arith.muli %shift_right_arithmetic3A_1525, %mul3A_1533 : vector<16xi32>
    %sub3A_1535 = arith.subi %sub3A_1519, %mul3A_1534 : vector<16xi32>
    %sub3A_1536 = arith.constant 1 : i32
    %sub3A_1537 = vector.broadcast %sub3A_1536 : i32 to vector<16xi32>
    %sub3A_1538 = arith.subi %sub3A_1535, %sub3A_1537 : vector<16xi32>
    %add3A_1539 = arith.addi %gather3A_1503, %sub3A_1528 : vector<16xi32>
    %add3A_1540 = arith.addi %gather3A_1506, %sub3A_1531 : vector<16xi32>
    %add3A_1541 = arith.addi %gather3A_1509, %sub3A_1538 : vector<16xi32>
    %ge3A_1542 = arith.constant 0 : i32
    %ge3A_1543 = vector.broadcast %ge3A_1542 : i32 to vector<16xi32>
    %ge3A_1544 = arith.cmpi sge, %add3A_1539, %ge3A_1543 : vector<16xi32>
    %lt3A_1545 = arith.constant 64 : i32
    %lt3A_1546 = vector.broadcast %lt3A_1545 : i32 to vector<16xi32>
    %lt3A_1547 = arith.cmpi slt, %add3A_1539, %lt3A_1546 : vector<16xi32>
    %and3A_1548 = arith.andi %ge3A_1544, %lt3A_1547 : vector<16xi1>
    %ge3A_1549 = arith.constant 0 : i32
    %ge3A_1550 = vector.broadcast %ge3A_1549 : i32 to vector<16xi32>
    %ge3A_1551 = arith.cmpi sge, %add3A_1540, %ge3A_1550 : vector<16xi32>
    %and3A_1552 = arith.andi %and3A_1548, %ge3A_1551 : vector<16xi1>
    %lt3A_1553 = arith.constant 64 : i32
    %lt3A_1554 = vector.broadcast %lt3A_1553 : i32 to vector<16xi32>
    %lt3A_1555 = arith.cmpi slt, %add3A_1540, %lt3A_1554 : vector<16xi32>
    %and3A_1556 = arith.andi %and3A_1552, %lt3A_1555 : vector<16xi1>
    %ge3A_1557 = arith.constant 0 : i32
    %ge3A_1558 = vector.broadcast %ge3A_1557 : i32 to vector<16xi32>
    %ge3A_1559 = arith.cmpi sge, %add3A_1541, %ge3A_1558 : vector<16xi32>
    %and3A_1560 = arith.andi %and3A_1556, %ge3A_1559 : vector<16xi1>
    %lt3A_1561 = arith.constant 64 : i32
    %lt3A_1562 = vector.broadcast %lt3A_1561 : i32 to vector<16xi32>
    %lt3A_1563 = arith.cmpi slt, %add3A_1541, %lt3A_1562 : vector<16xi32>
    %and3A_1564 = arith.andi %and3A_1560, %lt3A_1563 : vector<16xi1>
    %mul3A_1565 = arith.constant 4096 : i32
    %mul3A_1566 = vector.broadcast %mul3A_1565 : i32 to vector<16xi32>
    %mul3A_1567 = arith.muli %add3A_1539, %mul3A_1566 : vector<16xi32>
    %mul3A_1568 = arith.constant 64 : i32
    %mul3A_1569 = vector.broadcast %mul3A_1568 : i32 to vector<16xi32>
    %mul3A_1570 = arith.muli %add3A_1540, %mul3A_1569 : vector<16xi32>
    %add3A_1571 = arith.addi %mul3A_1567, %mul3A_1570 : vector<16xi32>
    %add3A_1572 = arith.addi %add3A_1571, %add3A_1541 : vector<16xi32>
    %jit3A_1573 = arith.constant 262144 : i32
    %broadcast_in_dim3A_1574 = vector.broadcast %jit3A_1573 : i32 to vector<16xi32>
    %select_n3A_1575 = arith.select %and3A_1564, %add3A_1572, %broadcast_in_dim3A_1574 : vector<16xi1>, vector<16xi32>
    %swap3A_1576 = arith.constant 1 : i32
    %swap3A_1577 = arith.index_cast %swap3A_1576 : i32 to index
    %swap3A_1578 = arith.constant 32 : index
    %swap3A_1579 = tpu.vector_load %arg15[%swap3A_1577, %swap3A_1578] {strides = array<i32>} : memref<2x96xi32, #tpu.memory_space<vmem>>, vector<1x16xi32>,
    %swap3A_1580 = vector.shape_cast %swap3A_1579 : vector<1x16xi32> to vector<16xi32>
    %swap3A_1581 = vector.shape_cast %select_n3A_1575 : vector<16xi32> to vector<1x16xi32>
    tpu.vector_store %arg15[%swap3A_1577, %swap3A_1578], %swap3A_1581 {strides = array<i32>} : memref<2x96xi32, #tpu.memory_space<vmem>>, vector<1x16xi32>,
    %add3A_1582 = arith.constant 144 : i32
    %add3A_1583 = vector.broadcast %add3A_1582 : i32 to vector<16xi32>
    %add3A_1584 = arith.addi %iota3A, %add3A_1583 : vector<16xi32>
    %mul3A_1585 = arith.constant 155345 : i32
    %mul3A_1586 = vector.broadcast %mul3A_1585 : i32 to vector<16xi32>
    %mul3A_1587 = arith.muli %add3A_1584, %mul3A_1586 : vector<16xi32>
    %shift_right_arithmetic3A_1588 = arith.constant 22 : i32
    %shift_right_arithmetic3A_1589 = vector.broadcast %shift_right_arithmetic3A_1588 : i32 to vector<16xi32>
    %shift_right_arithmetic3A_1590 = arith.shrsi %mul3A_1587, %shift_right_arithmetic3A_1589 : vector<16xi32>
    %mul3A_1591 = arith.constant 27 : i32
    %mul3A_1592 = vector.broadcast %mul3A_1591 : i32 to vector<16xi32>
    %mul3A_1593 = arith.muli %shift_right_arithmetic3A_1590, %mul3A_1592 : vector<16xi32>
    %sub3A_1594 = arith.subi %add3A_1584, %mul3A_1593 : vector<16xi32>
    %sub3A_1595 = arith.constant 3 : i32
    %sub3A_1596 = vector.broadcast %sub3A_1595 : i32 to vector<16xi32>
    %sub3A_1597 = arith.subi %shift_right_arithmetic3A_1590, %sub3A_1596 : vector<16xi32>
    %broadcast_in_dim3A_1598 = vector.shape_cast %sub3A_1597 : vector<16xi32> to vector<16x1xi32>
    %gather3A_1599 = vector.shape_cast %broadcast_in_dim3A_1598 : vector<16x1xi32> to vector<16xi32>
    %gather3A_1600 = tpu.dynamic_gather %get3A_1284[%gather3A_1599] in [0] : vector<16xi32>, vector<16xi32> -> vector<16xi32>
    %broadcast_in_dim3A_1601 = vector.shape_cast %sub3A_1597 : vector<16xi32> to vector<16x1xi32>
    %gather3A_1602 = vector.shape_cast %broadcast_in_dim3A_1601 : vector<16x1xi32> to vector<16xi32>
    %gather3A_1603 = tpu.dynamic_gather %get3A_1287[%gather3A_1602] in [0] : vector<16xi32>, vector<16xi32> -> vector<16xi32>
    %broadcast_in_dim3A_1604 = vector.shape_cast %sub3A_1597 : vector<16xi32> to vector<16x1xi32>
    %gather3A_1605 = vector.shape_cast %broadcast_in_dim3A_1604 : vector<16x1xi32> to vector<16xi32>
    %gather3A_1606 = tpu.dynamic_gather %get3A_1290[%gather3A_1605] in [0] : vector<16xi32>, vector<16xi32> -> vector<16xi32>
    %mul3A_1607 = arith.constant 57 : i32
    %mul3A_1608 = vector.broadcast %mul3A_1607 : i32 to vector<16xi32>
    %mul3A_1609 = arith.muli %sub3A_1594, %mul3A_1608 : vector<16xi32>
    %shift_right_arithmetic3A_1610 = arith.constant 9 : i32
    %shift_right_arithmetic3A_1611 = vector.broadcast %shift_right_arithmetic3A_1610 : i32 to vector<16xi32>
    %shift_right_arithmetic3A_1612 = arith.shrsi %mul3A_1609, %shift_right_arithmetic3A_1611 : vector<16xi32>
    %mul3A_1613 = arith.constant 9 : i32
    %mul3A_1614 = vector.broadcast %mul3A_1613 : i32 to vector<16xi32>
    %mul3A_1615 = arith.muli %shift_right_arithmetic3A_1612, %mul3A_1614 : vector<16xi32>
    %sub3A_1616 = arith.subi %sub3A_1594, %mul3A_1615 : vector<16xi32>
    %mul3A_1617 = arith.constant 11 : i32
    %mul3A_1618 = vector.broadcast %mul3A_1617 : i32 to vector<16xi32>
    %mul3A_1619 = arith.muli %sub3A_1616, %mul3A_1618 : vector<16xi32>
    %shift_right_arithmetic3A_1620 = arith.constant 5 : i32
    %shift_right_arithmetic3A_1621 = vector.broadcast %shift_right_arithmetic3A_1620 : i32 to vector<16xi32>
    %shift_right_arithmetic3A_1622 = arith.shrsi %mul3A_1619, %shift_right_arithmetic3A_1621 : vector<16xi32>
    %sub3A_1623 = arith.constant 1 : i32
    %sub3A_1624 = vector.broadcast %sub3A_1623 : i32 to vector<16xi32>
    %sub3A_1625 = arith.subi %shift_right_arithmetic3A_1612, %sub3A_1624 : vector<16xi32>
    %sub3A_1626 = arith.constant 1 : i32
    %sub3A_1627 = vector.broadcast %sub3A_1626 : i32 to vector<16xi32>
    %sub3A_1628 = arith.subi %shift_right_arithmetic3A_1622, %sub3A_1627 : vector<16xi32>
    %mul3A_1629 = arith.constant 3 : i32
    %mul3A_1630 = vector.broadcast %mul3A_1629 : i32 to vector<16xi32>
    %mul3A_1631 = arith.muli %shift_right_arithmetic3A_1622, %mul3A_1630 : vector<16xi32>
    %sub3A_1632 = arith.subi %sub3A_1616, %mul3A_1631 : vector<16xi32>
    %sub3A_1633 = arith.constant 1 : i32
    %sub3A_1634 = vector.broadcast %sub3A_1633 : i32 to vector<16xi32>
    %sub3A_1635 = arith.subi %sub3A_1632, %sub3A_1634 : vector<16xi32>
    %add3A_1636 = arith.addi %gather3A_1600, %sub3A_1625 : vector<16xi32>
    %add3A_1637 = arith.addi %gather3A_1603, %sub3A_1628 : vector<16xi32>
    %add3A_1638 = arith.addi %gather3A_1606, %sub3A_1635 : vector<16xi32>
    %ge3A_1639 = arith.constant 0 : i32
    %ge3A_1640 = vector.broadcast %ge3A_1639 : i32 to vector<16xi32>
    %ge3A_1641 = arith.cmpi sge, %add3A_1636, %ge3A_1640 : vector<16xi32>
    %lt3A_1642 = arith.constant 64 : i32
    %lt3A_1643 = vector.broadcast %lt3A_1642 : i32 to vector<16xi32>
    %lt3A_1644 = arith.cmpi slt, %add3A_1636, %lt3A_1643 : vector<16xi32>
    %and3A_1645 = arith.andi %ge3A_1641, %lt3A_1644 : vector<16xi1>
    %ge3A_1646 = arith.constant 0 : i32
    %ge3A_1647 = vector.broadcast %ge3A_1646 : i32 to vector<16xi32>
    %ge3A_1648 = arith.cmpi sge, %add3A_1637, %ge3A_1647 : vector<16xi32>
    %and3A_1649 = arith.andi %and3A_1645, %ge3A_1648 : vector<16xi1>
    %lt3A_1650 = arith.constant 64 : i32
    %lt3A_1651 = vector.broadcast %lt3A_1650 : i32 to vector<16xi32>
    %lt3A_1652 = arith.cmpi slt, %add3A_1637, %lt3A_1651 : vector<16xi32>
    %and3A_1653 = arith.andi %and3A_1649, %lt3A_1652 : vector<16xi1>
    %ge3A_1654 = arith.constant 0 : i32
    %ge3A_1655 = vector.broadcast %ge3A_1654 : i32 to vector<16xi32>
    %ge3A_1656 = arith.cmpi sge, %add3A_1638, %ge3A_1655 : vector<16xi32>
    %and3A_1657 = arith.andi %and3A_1653, %ge3A_1656 : vector<16xi1>
    %lt3A_1658 = arith.constant 64 : i32
    %lt3A_1659 = vector.broadcast %lt3A_1658 : i32 to vector<16xi32>
    %lt3A_1660 = arith.cmpi slt, %add3A_1638, %lt3A_1659 : vector<16xi32>
    %and3A_1661 = arith.andi %and3A_1657, %lt3A_1660 : vector<16xi1>
    %mul3A_1662 = arith.constant 4096 : i32
    %mul3A_1663 = vector.broadcast %mul3A_1662 : i32 to vector<16xi32>
    %mul3A_1664 = arith.muli %add3A_1636, %mul3A_1663 : vector<16xi32>
    %mul3A_1665 = arith.constant 64 : i32
    %mul3A_1666 = vector.broadcast %mul3A_1665 : i32 to vector<16xi32>
    %mul3A_1667 = arith.muli %add3A_1637, %mul3A_1666 : vector<16xi32>
    %add3A_1668 = arith.addi %mul3A_1664, %mul3A_1667 : vector<16xi32>
    %add3A_1669 = arith.addi %add3A_1668, %add3A_1638 : vector<16xi32>
    %jit3A_1670 = arith.constant 262144 : i32
    %broadcast_in_dim3A_1671 = vector.broadcast %jit3A_1670 : i32 to vector<16xi32>
    %select_n3A_1672 = arith.select %and3A_1661, %add3A_1669, %broadcast_in_dim3A_1671 : vector<16xi1>, vector<16xi32>
    %swap3A_1673 = arith.constant 1 : i32
    %swap3A_1674 = arith.index_cast %swap3A_1673 : i32 to index
    %swap3A_1675 = arith.constant 48 : index
    %swap3A_1676 = tpu.vector_load %arg15[%swap3A_1674, %swap3A_1675] {strides = array<i32>} : memref<2x96xi32, #tpu.memory_space<vmem>>, vector<1x16xi32>,
    %swap3A_1677 = vector.shape_cast %swap3A_1676 : vector<1x16xi32> to vector<16xi32>
    %swap3A_1678 = vector.shape_cast %select_n3A_1672 : vector<16xi32> to vector<1x16xi32>
    tpu.vector_store %arg15[%swap3A_1674, %swap3A_1675], %swap3A_1678 {strides = array<i32>} : memref<2x96xi32, #tpu.memory_space<vmem>>, vector<1x16xi32>,
    %add3A_1679 = arith.constant 160 : i32
    %add3A_1680 = vector.broadcast %add3A_1679 : i32 to vector<16xi32>
    %add3A_1681 = arith.addi %iota3A, %add3A_1680 : vector<16xi32>
    %mul3A_1682 = arith.constant 155345 : i32
    %mul3A_1683 = vector.broadcast %mul3A_1682 : i32 to vector<16xi32>
    %mul3A_1684 = arith.muli %add3A_1681, %mul3A_1683 : vector<16xi32>
    %shift_right_arithmetic3A_1685 = arith.constant 22 : i32
    %shift_right_arithmetic3A_1686 = vector.broadcast %shift_right_arithmetic3A_1685 : i32 to vector<16xi32>
    %shift_right_arithmetic3A_1687 = arith.shrsi %mul3A_1684, %shift_right_arithmetic3A_1686 : vector<16xi32>
    %mul3A_1688 = arith.constant 27 : i32
    %mul3A_1689 = vector.broadcast %mul3A_1688 : i32 to vector<16xi32>
    %mul3A_1690 = arith.muli %shift_right_arithmetic3A_1687, %mul3A_1689 : vector<16xi32>
    %sub3A_1691 = arith.subi %add3A_1681, %mul3A_1690 : vector<16xi32>
    %sub3A_1692 = arith.constant 3 : i32
    %sub3A_1693 = vector.broadcast %sub3A_1692 : i32 to vector<16xi32>
    %sub3A_1694 = arith.subi %shift_right_arithmetic3A_1687, %sub3A_1693 : vector<16xi32>
    %broadcast_in_dim3A_1695 = vector.shape_cast %sub3A_1694 : vector<16xi32> to vector<16x1xi32>
    %gather3A_1696 = vector.shape_cast %broadcast_in_dim3A_1695 : vector<16x1xi32> to vector<16xi32>
    %gather3A_1697 = tpu.dynamic_gather %get3A_1284[%gather3A_1696] in [0] : vector<16xi32>, vector<16xi32> -> vector<16xi32>
    %broadcast_in_dim3A_1698 = vector.shape_cast %sub3A_1694 : vector<16xi32> to vector<16x1xi32>
    %gather3A_1699 = vector.shape_cast %broadcast_in_dim3A_1698 : vector<16x1xi32> to vector<16xi32>
    %gather3A_1700 = tpu.dynamic_gather %get3A_1287[%gather3A_1699] in [0] : vector<16xi32>, vector<16xi32> -> vector<16xi32>
    %broadcast_in_dim3A_1701 = vector.shape_cast %sub3A_1694 : vector<16xi32> to vector<16x1xi32>
    %gather3A_1702 = vector.shape_cast %broadcast_in_dim3A_1701 : vector<16x1xi32> to vector<16xi32>
    %gather3A_1703 = tpu.dynamic_gather %get3A_1290[%gather3A_1702] in [0] : vector<16xi32>, vector<16xi32> -> vector<16xi32>
    %mul3A_1704 = arith.constant 57 : i32
    %mul3A_1705 = vector.broadcast %mul3A_1704 : i32 to vector<16xi32>
    %mul3A_1706 = arith.muli %sub3A_1691, %mul3A_1705 : vector<16xi32>
    %shift_right_arithmetic3A_1707 = arith.constant 9 : i32
    %shift_right_arithmetic3A_1708 = vector.broadcast %shift_right_arithmetic3A_1707 : i32 to vector<16xi32>
    %shift_right_arithmetic3A_1709 = arith.shrsi %mul3A_1706, %shift_right_arithmetic3A_1708 : vector<16xi32>
    %mul3A_1710 = arith.constant 9 : i32
    %mul3A_1711 = vector.broadcast %mul3A_1710 : i32 to vector<16xi32>
    %mul3A_1712 = arith.muli %shift_right_arithmetic3A_1709, %mul3A_1711 : vector<16xi32>
    %sub3A_1713 = arith.subi %sub3A_1691, %mul3A_1712 : vector<16xi32>
    %mul3A_1714 = arith.constant 11 : i32
    %mul3A_1715 = vector.broadcast %mul3A_1714 : i32 to vector<16xi32>
    %mul3A_1716 = arith.muli %sub3A_1713, %mul3A_1715 : vector<16xi32>
    %shift_right_arithmetic3A_1717 = arith.constant 5 : i32
    %shift_right_arithmetic3A_1718 = vector.broadcast %shift_right_arithmetic3A_1717 : i32 to vector<16xi32>
    %shift_right_arithmetic3A_1719 = arith.shrsi %mul3A_1716, %shift_right_arithmetic3A_1718 : vector<16xi32>
    %sub3A_1720 = arith.constant 1 : i32
    %sub3A_1721 = vector.broadcast %sub3A_1720 : i32 to vector<16xi32>
    %sub3A_1722 = arith.subi %shift_right_arithmetic3A_1709, %sub3A_1721 : vector<16xi32>
    %sub3A_1723 = arith.constant 1 : i32
    %sub3A_1724 = vector.broadcast %sub3A_1723 : i32 to vector<16xi32>
    %sub3A_1725 = arith.subi %shift_right_arithmetic3A_1719, %sub3A_1724 : vector<16xi32>
    %mul3A_1726 = arith.constant 3 : i32
    %mul3A_1727 = vector.broadcast %mul3A_1726 : i32 to vector<16xi32>
    %mul3A_1728 = arith.muli %shift_right_arithmetic3A_1719, %mul3A_1727 : vector<16xi32>
    %sub3A_1729 = arith.subi %sub3A_1713, %mul3A_1728 : vector<16xi32>
    %sub3A_1730 = arith.constant 1 : i32
    %sub3A_1731 = vector.broadcast %sub3A_1730 : i32 to vector<16xi32>
    %sub3A_1732 = arith.subi %sub3A_1729, %sub3A_1731 : vector<16xi32>
    %add3A_1733 = arith.addi %gather3A_1697, %sub3A_1722 : vector<16xi32>
    %add3A_1734 = arith.addi %gather3A_1700, %sub3A_1725 : vector<16xi32>
    %add3A_1735 = arith.addi %gather3A_1703, %sub3A_1732 : vector<16xi32>
    %ge3A_1736 = arith.constant 0 : i32
    %ge3A_1737 = vector.broadcast %ge3A_1736 : i32 to vector<16xi32>
    %ge3A_1738 = arith.cmpi sge, %add3A_1733, %ge3A_1737 : vector<16xi32>
    %lt3A_1739 = arith.constant 64 : i32
    %lt3A_1740 = vector.broadcast %lt3A_1739 : i32 to vector<16xi32>
    %lt3A_1741 = arith.cmpi slt, %add3A_1733, %lt3A_1740 : vector<16xi32>
    %and3A_1742 = arith.andi %ge3A_1738, %lt3A_1741 : vector<16xi1>
    %ge3A_1743 = arith.constant 0 : i32
    %ge3A_1744 = vector.broadcast %ge3A_1743 : i32 to vector<16xi32>
    %ge3A_1745 = arith.cmpi sge, %add3A_1734, %ge3A_1744 : vector<16xi32>
    %and3A_1746 = arith.andi %and3A_1742, %ge3A_1745 : vector<16xi1>
    %lt3A_1747 = arith.constant 64 : i32
    %lt3A_1748 = vector.broadcast %lt3A_1747 : i32 to vector<16xi32>
    %lt3A_1749 = arith.cmpi slt, %add3A_1734, %lt3A_1748 : vector<16xi32>
    %and3A_1750 = arith.andi %and3A_1746, %lt3A_1749 : vector<16xi1>
    %ge3A_1751 = arith.constant 0 : i32
    %ge3A_1752 = vector.broadcast %ge3A_1751 : i32 to vector<16xi32>
    %ge3A_1753 = arith.cmpi sge, %add3A_1735, %ge3A_1752 : vector<16xi32>
    %and3A_1754 = arith.andi %and3A_1750, %ge3A_1753 : vector<16xi1>
    %lt3A_1755 = arith.constant 64 : i32
    %lt3A_1756 = vector.broadcast %lt3A_1755 : i32 to vector<16xi32>
    %lt3A_1757 = arith.cmpi slt, %add3A_1735, %lt3A_1756 : vector<16xi32>
    %and3A_1758 = arith.andi %and3A_1754, %lt3A_1757 : vector<16xi1>
    %mul3A_1759 = arith.constant 4096 : i32
    %mul3A_1760 = vector.broadcast %mul3A_1759 : i32 to vector<16xi32>
    %mul3A_1761 = arith.muli %add3A_1733, %mul3A_1760 : vector<16xi32>
    %mul3A_1762 = arith.constant 64 : i32
    %mul3A_1763 = vector.broadcast %mul3A_1762 : i32 to vector<16xi32>
    %mul3A_1764 = arith.muli %add3A_1734, %mul3A_1763 : vector<16xi32>
    %add3A_1765 = arith.addi %mul3A_1761, %mul3A_1764 : vector<16xi32>
    %add3A_1766 = arith.addi %add3A_1765, %add3A_1735 : vector<16xi32>
    %jit3A_1767 = arith.constant 262144 : i32
    %broadcast_in_dim3A_1768 = vector.broadcast %jit3A_1767 : i32 to vector<16xi32>
    %select_n3A_1769 = arith.select %and3A_1758, %add3A_1766, %broadcast_in_dim3A_1768 : vector<16xi1>, vector<16xi32>
    %swap3A_1770 = arith.constant 1 : i32
    %swap3A_1771 = arith.index_cast %swap3A_1770 : i32 to index
    %swap3A_1772 = arith.constant 64 : index
    %swap3A_1773 = tpu.vector_load %arg15[%swap3A_1771, %swap3A_1772] {strides = array<i32>} : memref<2x96xi32, #tpu.memory_space<vmem>>, vector<1x16xi32>,
    %swap3A_1774 = vector.shape_cast %swap3A_1773 : vector<1x16xi32> to vector<16xi32>
    %swap3A_1775 = vector.shape_cast %select_n3A_1769 : vector<16xi32> to vector<1x16xi32>
    tpu.vector_store %arg15[%swap3A_1771, %swap3A_1772], %swap3A_1775 {strides = array<i32>} : memref<2x96xi32, #tpu.memory_space<vmem>>, vector<1x16xi32>,
    %add3A_1776 = arith.constant 176 : i32
    %add3A_1777 = vector.broadcast %add3A_1776 : i32 to vector<16xi32>
    %add3A_1778 = arith.addi %iota3A, %add3A_1777 : vector<16xi32>
    %mul3A_1779 = arith.constant 155345 : i32
    %mul3A_1780 = vector.broadcast %mul3A_1779 : i32 to vector<16xi32>
    %mul3A_1781 = arith.muli %add3A_1778, %mul3A_1780 : vector<16xi32>
    %shift_right_arithmetic3A_1782 = arith.constant 22 : i32
    %shift_right_arithmetic3A_1783 = vector.broadcast %shift_right_arithmetic3A_1782 : i32 to vector<16xi32>
    %shift_right_arithmetic3A_1784 = arith.shrsi %mul3A_1781, %shift_right_arithmetic3A_1783 : vector<16xi32>
    %mul3A_1785 = arith.constant 27 : i32
    %mul3A_1786 = vector.broadcast %mul3A_1785 : i32 to vector<16xi32>
    %mul3A_1787 = arith.muli %shift_right_arithmetic3A_1784, %mul3A_1786 : vector<16xi32>
    %sub3A_1788 = arith.subi %add3A_1778, %mul3A_1787 : vector<16xi32>
    %sub3A_1789 = arith.constant 3 : i32
    %sub3A_1790 = vector.broadcast %sub3A_1789 : i32 to vector<16xi32>
    %sub3A_1791 = arith.subi %shift_right_arithmetic3A_1784, %sub3A_1790 : vector<16xi32>
    %broadcast_in_dim3A_1792 = vector.shape_cast %sub3A_1791 : vector<16xi32> to vector<16x1xi32>
    %gather3A_1793 = vector.shape_cast %broadcast_in_dim3A_1792 : vector<16x1xi32> to vector<16xi32>
    %gather3A_1794 = tpu.dynamic_gather %get3A_1284[%gather3A_1793] in [0] : vector<16xi32>, vector<16xi32> -> vector<16xi32>
    %broadcast_in_dim3A_1795 = vector.shape_cast %sub3A_1791 : vector<16xi32> to vector<16x1xi32>
    %gather3A_1796 = vector.shape_cast %broadcast_in_dim3A_1795 : vector<16x1xi32> to vector<16xi32>
    %gather3A_1797 = tpu.dynamic_gather %get3A_1287[%gather3A_1796] in [0] : vector<16xi32>, vector<16xi32> -> vector<16xi32>
    %broadcast_in_dim3A_1798 = vector.shape_cast %sub3A_1791 : vector<16xi32> to vector<16x1xi32>
    %gather3A_1799 = vector.shape_cast %broadcast_in_dim3A_1798 : vector<16x1xi32> to vector<16xi32>
    %gather3A_1800 = tpu.dynamic_gather %get3A_1290[%gather3A_1799] in [0] : vector<16xi32>, vector<16xi32> -> vector<16xi32>
    %mul3A_1801 = arith.constant 57 : i32
    %mul3A_1802 = vector.broadcast %mul3A_1801 : i32 to vector<16xi32>
    %mul3A_1803 = arith.muli %sub3A_1788, %mul3A_1802 : vector<16xi32>
    %shift_right_arithmetic3A_1804 = arith.constant 9 : i32
    %shift_right_arithmetic3A_1805 = vector.broadcast %shift_right_arithmetic3A_1804 : i32 to vector<16xi32>
    %shift_right_arithmetic3A_1806 = arith.shrsi %mul3A_1803, %shift_right_arithmetic3A_1805 : vector<16xi32>
    %mul3A_1807 = arith.constant 9 : i32
    %mul3A_1808 = vector.broadcast %mul3A_1807 : i32 to vector<16xi32>
    %mul3A_1809 = arith.muli %shift_right_arithmetic3A_1806, %mul3A_1808 : vector<16xi32>
    %sub3A_1810 = arith.subi %sub3A_1788, %mul3A_1809 : vector<16xi32>
    %mul3A_1811 = arith.constant 11 : i32
    %mul3A_1812 = vector.broadcast %mul3A_1811 : i32 to vector<16xi32>
    %mul3A_1813 = arith.muli %sub3A_1810, %mul3A_1812 : vector<16xi32>
    %shift_right_arithmetic3A_1814 = arith.constant 5 : i32
    %shift_right_arithmetic3A_1815 = vector.broadcast %shift_right_arithmetic3A_1814 : i32 to vector<16xi32>
    %shift_right_arithmetic3A_1816 = arith.shrsi %mul3A_1813, %shift_right_arithmetic3A_1815 : vector<16xi32>
    %sub3A_1817 = arith.constant 1 : i32
    %sub3A_1818 = vector.broadcast %sub3A_1817 : i32 to vector<16xi32>
    %sub3A_1819 = arith.subi %shift_right_arithmetic3A_1806, %sub3A_1818 : vector<16xi32>
    %sub3A_1820 = arith.constant 1 : i32
    %sub3A_1821 = vector.broadcast %sub3A_1820 : i32 to vector<16xi32>
    %sub3A_1822 = arith.subi %shift_right_arithmetic3A_1816, %sub3A_1821 : vector<16xi32>
    %mul3A_1823 = arith.constant 3 : i32
    %mul3A_1824 = vector.broadcast %mul3A_1823 : i32 to vector<16xi32>
    %mul3A_1825 = arith.muli %shift_right_arithmetic3A_1816, %mul3A_1824 : vector<16xi32>
    %sub3A_1826 = arith.subi %sub3A_1810, %mul3A_1825 : vector<16xi32>
    %sub3A_1827 = arith.constant 1 : i32
    %sub3A_1828 = vector.broadcast %sub3A_1827 : i32 to vector<16xi32>
    %sub3A_1829 = arith.subi %sub3A_1826, %sub3A_1828 : vector<16xi32>
    %add3A_1830 = arith.addi %gather3A_1794, %sub3A_1819 : vector<16xi32>
    %add3A_1831 = arith.addi %gather3A_1797, %sub3A_1822 : vector<16xi32>
    %add3A_1832 = arith.addi %gather3A_1800, %sub3A_1829 : vector<16xi32>
    %ge3A_1833 = arith.constant 0 : i32
    %ge3A_1834 = vector.broadcast %ge3A_1833 : i32 to vector<16xi32>
    %ge3A_1835 = arith.cmpi sge, %add3A_1830, %ge3A_1834 : vector<16xi32>
    %lt3A_1836 = arith.constant 64 : i32
    %lt3A_1837 = vector.broadcast %lt3A_1836 : i32 to vector<16xi32>
    %lt3A_1838 = arith.cmpi slt, %add3A_1830, %lt3A_1837 : vector<16xi32>
    %and3A_1839 = arith.andi %ge3A_1835, %lt3A_1838 : vector<16xi1>
    %ge3A_1840 = arith.constant 0 : i32
    %ge3A_1841 = vector.broadcast %ge3A_1840 : i32 to vector<16xi32>
    %ge3A_1842 = arith.cmpi sge, %add3A_1831, %ge3A_1841 : vector<16xi32>
    %and3A_1843 = arith.andi %and3A_1839, %ge3A_1842 : vector<16xi1>
    %lt3A_1844 = arith.constant 64 : i32
    %lt3A_1845 = vector.broadcast %lt3A_1844 : i32 to vector<16xi32>
    %lt3A_1846 = arith.cmpi slt, %add3A_1831, %lt3A_1845 : vector<16xi32>
    %and3A_1847 = arith.andi %and3A_1843, %lt3A_1846 : vector<16xi1>
    %ge3A_1848 = arith.constant 0 : i32
    %ge3A_1849 = vector.broadcast %ge3A_1848 : i32 to vector<16xi32>
    %ge3A_1850 = arith.cmpi sge, %add3A_1832, %ge3A_1849 : vector<16xi32>
    %and3A_1851 = arith.andi %and3A_1847, %ge3A_1850 : vector<16xi1>
    %lt3A_1852 = arith.constant 64 : i32
    %lt3A_1853 = vector.broadcast %lt3A_1852 : i32 to vector<16xi32>
    %lt3A_1854 = arith.cmpi slt, %add3A_1832, %lt3A_1853 : vector<16xi32>
    %and3A_1855 = arith.andi %and3A_1851, %lt3A_1854 : vector<16xi1>
    %mul3A_1856 = arith.constant 4096 : i32
    %mul3A_1857 = vector.broadcast %mul3A_1856 : i32 to vector<16xi32>
    %mul3A_1858 = arith.muli %add3A_1830, %mul3A_1857 : vector<16xi32>
    %mul3A_1859 = arith.constant 64 : i32
    %mul3A_1860 = vector.broadcast %mul3A_1859 : i32 to vector<16xi32>
    %mul3A_1861 = arith.muli %add3A_1831, %mul3A_1860 : vector<16xi32>
    %add3A_1862 = arith.addi %mul3A_1858, %mul3A_1861 : vector<16xi32>
    %add3A_1863 = arith.addi %add3A_1862, %add3A_1832 : vector<16xi32>
    %jit3A_1864 = arith.constant 262144 : i32
    %broadcast_in_dim3A_1865 = vector.broadcast %jit3A_1864 : i32 to vector<16xi32>
    %select_n3A_1866 = arith.select %and3A_1855, %add3A_1863, %broadcast_in_dim3A_1865 : vector<16xi1>, vector<16xi32>
    %swap3A_1867 = arith.constant 1 : i32
    %swap3A_1868 = arith.index_cast %swap3A_1867 : i32 to index
    %swap3A_1869 = arith.constant 80 : index
    %swap3A_1870 = tpu.vector_load %arg15[%swap3A_1868, %swap3A_1869] {strides = array<i32>} : memref<2x96xi32, #tpu.memory_space<vmem>>, vector<1x16xi32>,
    %swap3A_1871 = vector.shape_cast %swap3A_1870 : vector<1x16xi32> to vector<16xi32>
    %swap3A_1872 = vector.shape_cast %select_n3A_1866 : vector<16xi32> to vector<1x16xi32>
    tpu.vector_store %arg15[%swap3A_1868, %swap3A_1869], %swap3A_1872 {strides = array<i32>} : memref<2x96xi32, #tpu.memory_space<vmem>>, vector<1x16xi32>,
    %dma_start3A_1873 = arith.constant 1 : i32
    %dma_start3A_1874 = arith.constant 1 : i32
    %dma_start3A_1875 = arith.constant 1 : i32
    %dma_start3A_1876 = arith.constant 0 : i32
    %dma_start3A_1877 = tpu.memref_slice %arg16[%dma_start3A_1874, %dma_start3A_1876] : memref<2x96xi32, #tpu.memory_space<vmem>> -> memref<1x96xi32, #tpu.memory_space<vmem>>
    %dma_start3A_1878 = tpu.memref_squeeze %dma_start3A_1877 : memref<1x96xi32, #tpu.memory_space<vmem>> -> memref<96xi32, #tpu.memory_space<vmem>>
    %dma_start3A_1879 = arith.constant 0 : i32
    %dma_start3A_1880 = tpu.memref_slice %arg15[%dma_start3A_1873, %dma_start3A_1879] : memref<2x96xi32, #tpu.memory_space<vmem>> -> memref<1x96xi32, #tpu.memory_space<vmem>>
    %dma_start3A_1881 = tpu.memref_squeeze %dma_start3A_1880 : memref<1x96xi32, #tpu.memory_space<vmem>> -> memref<96xi32, #tpu.memory_space<vmem>>
    %dma_start3A_1882 = arith.constant 0 : i32
    %dma_start3A_1883 = tpu.memref_slice %arg20[%dma_start3A_1882] : memref<262272xi32, #tpu.memory_space<vmem_shared>> -> memref<262272xi32, #tpu.memory_space<vmem_shared>>
    %dma_start3A_1884 = tpu.memref_slice %arg23[%dma_start3A_1875] : memref<2x!tpu.dma_semaphore, #tpu.memory_space<semaphore_mem>> -> memref<1x!tpu.dma_semaphore, #tpu.memory_space<semaphore_mem>>
    %dma_start3A_1885 = tpu.memref_squeeze %dma_start3A_1884 : memref<1x!tpu.dma_semaphore, #tpu.memory_space<semaphore_mem>> -> memref<!tpu.dma_semaphore, #tpu.memory_space<semaphore_mem>>
    tpu.enqueue_indirect_dma source(%dma_start3A_1883 : memref<262272xi32, #tpu.memory_space<vmem_shared>>) target(%dma_start3A_1878 : memref<96xi32, #tpu.memory_space<vmem>>) offsets(%dma_start3A_1881 : memref<96xi32, #tpu.memory_space<vmem>>) semaphore(%dma_start3A_1885 : memref<!tpu.dma_semaphore, #tpu.memory_space<semaphore_mem>>)
    %dma_wait3A_1886 = arith.constant 0 : i32
    %dma_wait3A_1887 = arith.constant 0 : i32
    %dma_wait3A_1888 = arith.constant 0 : i32
    %dma_wait3A_1889 = arith.constant 0 : i32
    %dma_wait3A_1890 = tpu.memref_slice %arg16[%dma_wait3A_1887, %dma_wait3A_1889] : memref<2x96xi32, #tpu.memory_space<vmem>> -> memref<1x96xi32, #tpu.memory_space<vmem>>
    %dma_wait3A_1891 = tpu.memref_squeeze %dma_wait3A_1890 : memref<1x96xi32, #tpu.memory_space<vmem>> -> memref<96xi32, #tpu.memory_space<vmem>>
    %dma_wait3A_1892 = arith.constant 0 : i32
    %dma_wait3A_1893 = tpu.memref_slice %arg15[%dma_wait3A_1886, %dma_wait3A_1892] : memref<2x96xi32, #tpu.memory_space<vmem>> -> memref<1x96xi32, #tpu.memory_space<vmem>>
    %dma_wait3A_1894 = tpu.memref_squeeze %dma_wait3A_1893 : memref<1x96xi32, #tpu.memory_space<vmem>> -> memref<96xi32, #tpu.memory_space<vmem>>
    %dma_wait3A_1895 = arith.constant 0 : i32
    %dma_wait3A_1896 = tpu.memref_slice %arg20[%dma_wait3A_1895] : memref<262272xi32, #tpu.memory_space<vmem_shared>> -> memref<262272xi32, #tpu.memory_space<vmem_shared>>
    %dma_wait3A_1897 = tpu.memref_slice %arg23[%dma_wait3A_1888] : memref<2x!tpu.dma_semaphore, #tpu.memory_space<semaphore_mem>> -> memref<1x!tpu.dma_semaphore, #tpu.memory_space<semaphore_mem>>
    %dma_wait3A_1898 = tpu.memref_squeeze %dma_wait3A_1897 : memref<1x!tpu.dma_semaphore, #tpu.memory_space<semaphore_mem>> -> memref<!tpu.dma_semaphore, #tpu.memory_space<semaphore_mem>>
    tpu.wait_indirect_dma semaphore(%dma_wait3A_1898 : memref<!tpu.dma_semaphore, #tpu.memory_space<semaphore_mem>>) src(%dma_wait3A_1896 : memref<262272xi32, #tpu.memory_space<vmem_shared>>) dst(%dma_wait3A_1891 : memref<96xi32, #tpu.memory_space<vmem>>)
    %get3A_1899 = arith.constant 0 : i32
    %get3A_1900 = arith.index_cast %get3A_1899 : i32 to index
    %get3A_1901 = arith.constant 0 : index
    %get3A_1902 = tpu.vector_load %arg16[%get3A_1900, %get3A_1901] {strides = array<i32>} : memref<2x96xi32, #tpu.memory_space<vmem>>, vector<1x16xi32>,
    %get3A_1903 = vector.shape_cast %get3A_1902 : vector<1x16xi32> to vector<16xi32>
    %ge3A_1904 = arith.constant 0 : i32
    %ge3A_1905 = vector.broadcast %ge3A_1904 : i32 to vector<16xi32>
    %ge3A_1906 = arith.cmpi sge, %get3A_1903, %ge3A_1905 : vector<16xi32>
    %jit3A_1907 = arith.constant 10000 : i32
    %broadcast_in_dim3A_1908 = vector.broadcast %jit3A_1907 : i32 to vector<16xi32>
    %select_n3A_1909 = arith.select %ge3A_1906, %get3A_1903, %broadcast_in_dim3A_1908 : vector<16xi1>, vector<16xi32>
    %swap3A_1910 = arith.constant 0 : i32
    %swap3A_1911 = arith.index_cast %swap3A_1910 : i32 to index
    %swap3A_1912 = arith.constant 0 : index
    %swap3A_1913 = tpu.vector_load %arg17[%swap3A_1911, %swap3A_1912] {strides = array<i32>} : memref<2x96xi32, #tpu.memory_space<vmem>>, vector<1x16xi32>,
    %swap3A_1914 = vector.shape_cast %swap3A_1913 : vector<1x16xi32> to vector<16xi32>
    %swap3A_1915 = vector.shape_cast %select_n3A_1909 : vector<16xi32> to vector<1x16xi32>
    tpu.vector_store %arg17[%swap3A_1911, %swap3A_1912], %swap3A_1915 {strides = array<i32>} : memref<2x96xi32, #tpu.memory_space<vmem>>, vector<1x16xi32>,
    %get3A_1916 = arith.constant 0 : i32
    %get3A_1917 = arith.index_cast %get3A_1916 : i32 to index
    %get3A_1918 = arith.constant 16 : index
    %get3A_1919 = tpu.vector_load %arg16[%get3A_1917, %get3A_1918] {strides = array<i32>} : memref<2x96xi32, #tpu.memory_space<vmem>>, vector<1x16xi32>,
    %get3A_1920 = vector.shape_cast %get3A_1919 : vector<1x16xi32> to vector<16xi32>
    %ge3A_1921 = arith.constant 0 : i32
    %ge3A_1922 = vector.broadcast %ge3A_1921 : i32 to vector<16xi32>
    %ge3A_1923 = arith.cmpi sge, %get3A_1920, %ge3A_1922 : vector<16xi32>
    %jit3A_1924 = arith.constant 10000 : i32
    %broadcast_in_dim3A_1925 = vector.broadcast %jit3A_1924 : i32 to vector<16xi32>
    %select_n3A_1926 = arith.select %ge3A_1923, %get3A_1920, %broadcast_in_dim3A_1925 : vector<16xi1>, vector<16xi32>
    %swap3A_1927 = arith.constant 0 : i32
    %swap3A_1928 = arith.index_cast %swap3A_1927 : i32 to index
    %swap3A_1929 = arith.constant 16 : index
    %swap3A_1930 = tpu.vector_load %arg17[%swap3A_1928, %swap3A_1929] {strides = array<i32>} : memref<2x96xi32, #tpu.memory_space<vmem>>, vector<1x16xi32>,
    %swap3A_1931 = vector.shape_cast %swap3A_1930 : vector<1x16xi32> to vector<16xi32>
    %swap3A_1932 = vector.shape_cast %select_n3A_1926 : vector<16xi32> to vector<1x16xi32>
    tpu.vector_store %arg17[%swap3A_1928, %swap3A_1929], %swap3A_1932 {strides = array<i32>} : memref<2x96xi32, #tpu.memory_space<vmem>>, vector<1x16xi32>,
    %get3A_1933 = arith.constant 0 : i32
    %get3A_1934 = arith.index_cast %get3A_1933 : i32 to index
    %get3A_1935 = arith.constant 32 : index
    %get3A_1936 = tpu.vector_load %arg16[%get3A_1934, %get3A_1935] {strides = array<i32>} : memref<2x96xi32, #tpu.memory_space<vmem>>, vector<1x16xi32>,
    %get3A_1937 = vector.shape_cast %get3A_1936 : vector<1x16xi32> to vector<16xi32>
    %ge3A_1938 = arith.constant 0 : i32
    %ge3A_1939 = vector.broadcast %ge3A_1938 : i32 to vector<16xi32>
    %ge3A_1940 = arith.cmpi sge, %get3A_1937, %ge3A_1939 : vector<16xi32>
    %jit3A_1941 = arith.constant 10000 : i32
    %broadcast_in_dim3A_1942 = vector.broadcast %jit3A_1941 : i32 to vector<16xi32>
    %select_n3A_1943 = arith.select %ge3A_1940, %get3A_1937, %broadcast_in_dim3A_1942 : vector<16xi1>, vector<16xi32>
    %swap3A_1944 = arith.constant 0 : i32
    %swap3A_1945 = arith.index_cast %swap3A_1944 : i32 to index
    %swap3A_1946 = arith.constant 32 : index
    %swap3A_1947 = tpu.vector_load %arg17[%swap3A_1945, %swap3A_1946] {strides = array<i32>} : memref<2x96xi32, #tpu.memory_space<vmem>>, vector<1x16xi32>,
    %swap3A_1948 = vector.shape_cast %swap3A_1947 : vector<1x16xi32> to vector<16xi32>
    %swap3A_1949 = vector.shape_cast %select_n3A_1943 : vector<16xi32> to vector<1x16xi32>
    tpu.vector_store %arg17[%swap3A_1945, %swap3A_1946], %swap3A_1949 {strides = array<i32>} : memref<2x96xi32, #tpu.memory_space<vmem>>, vector<1x16xi32>,
    %get3A_1950 = arith.constant 0 : i32
    %get3A_1951 = arith.index_cast %get3A_1950 : i32 to index
    %get3A_1952 = arith.constant 48 : index
    %get3A_1953 = tpu.vector_load %arg16[%get3A_1951, %get3A_1952] {strides = array<i32>} : memref<2x96xi32, #tpu.memory_space<vmem>>, vector<1x16xi32>,
    %get3A_1954 = vector.shape_cast %get3A_1953 : vector<1x16xi32> to vector<16xi32>
    %ge3A_1955 = arith.constant 0 : i32
    %ge3A_1956 = vector.broadcast %ge3A_1955 : i32 to vector<16xi32>
    %ge3A_1957 = arith.cmpi sge, %get3A_1954, %ge3A_1956 : vector<16xi32>
    %jit3A_1958 = arith.constant 10000 : i32
    %broadcast_in_dim3A_1959 = vector.broadcast %jit3A_1958 : i32 to vector<16xi32>
    %select_n3A_1960 = arith.select %ge3A_1957, %get3A_1954, %broadcast_in_dim3A_1959 : vector<16xi1>, vector<16xi32>
    %swap3A_1961 = arith.constant 0 : i32
    %swap3A_1962 = arith.index_cast %swap3A_1961 : i32 to index
    %swap3A_1963 = arith.constant 48 : index
    %swap3A_1964 = tpu.vector_load %arg17[%swap3A_1962, %swap3A_1963] {strides = array<i32>} : memref<2x96xi32, #tpu.memory_space<vmem>>, vector<1x16xi32>,
    %swap3A_1965 = vector.shape_cast %swap3A_1964 : vector<1x16xi32> to vector<16xi32>
    %swap3A_1966 = vector.shape_cast %select_n3A_1960 : vector<16xi32> to vector<1x16xi32>
    tpu.vector_store %arg17[%swap3A_1962, %swap3A_1963], %swap3A_1966 {strides = array<i32>} : memref<2x96xi32, #tpu.memory_space<vmem>>, vector<1x16xi32>,
    %get3A_1967 = arith.constant 0 : i32
    %get3A_1968 = arith.index_cast %get3A_1967 : i32 to index
    %get3A_1969 = arith.constant 64 : index
    %get3A_1970 = tpu.vector_load %arg16[%get3A_1968, %get3A_1969] {strides = array<i32>} : memref<2x96xi32, #tpu.memory_space<vmem>>, vector<1x16xi32>,
    %get3A_1971 = vector.shape_cast %get3A_1970 : vector<1x16xi32> to vector<16xi32>
    %ge3A_1972 = arith.constant 0 : i32
    %ge3A_1973 = vector.broadcast %ge3A_1972 : i32 to vector<16xi32>
    %ge3A_1974 = arith.cmpi sge, %get3A_1971, %ge3A_1973 : vector<16xi32>
    %jit3A_1975 = arith.constant 10000 : i32
    %broadcast_in_dim3A_1976 = vector.broadcast %jit3A_1975 : i32 to vector<16xi32>
    %select_n3A_1977 = arith.select %ge3A_1974, %get3A_1971, %broadcast_in_dim3A_1976 : vector<16xi1>, vector<16xi32>
    %swap3A_1978 = arith.constant 0 : i32
    %swap3A_1979 = arith.index_cast %swap3A_1978 : i32 to index
    %swap3A_1980 = arith.constant 64 : index
    %swap3A_1981 = tpu.vector_load %arg17[%swap3A_1979, %swap3A_1980] {strides = array<i32>} : memref<2x96xi32, #tpu.memory_space<vmem>>, vector<1x16xi32>,
    %swap3A_1982 = vector.shape_cast %swap3A_1981 : vector<1x16xi32> to vector<16xi32>
    %swap3A_1983 = vector.shape_cast %select_n3A_1977 : vector<16xi32> to vector<1x16xi32>
    tpu.vector_store %arg17[%swap3A_1979, %swap3A_1980], %swap3A_1983 {strides = array<i32>} : memref<2x96xi32, #tpu.memory_space<vmem>>, vector<1x16xi32>,
    %get3A_1984 = arith.constant 0 : i32
    %get3A_1985 = arith.index_cast %get3A_1984 : i32 to index
    %get3A_1986 = arith.constant 80 : index
    %get3A_1987 = tpu.vector_load %arg16[%get3A_1985, %get3A_1986] {strides = array<i32>} : memref<2x96xi32, #tpu.memory_space<vmem>>, vector<1x16xi32>,
    %get3A_1988 = vector.shape_cast %get3A_1987 : vector<1x16xi32> to vector<16xi32>
    %ge3A_1989 = arith.constant 0 : i32
    %ge3A_1990 = vector.broadcast %ge3A_1989 : i32 to vector<16xi32>
    %ge3A_1991 = arith.cmpi sge, %get3A_1988, %ge3A_1990 : vector<16xi32>
    %jit3A_1992 = arith.constant 10000 : i32
    %broadcast_in_dim3A_1993 = vector.broadcast %jit3A_1992 : i32 to vector<16xi32>
    %select_n3A_1994 = arith.select %ge3A_1991, %get3A_1988, %broadcast_in_dim3A_1993 : vector<16xi1>, vector<16xi32>
    %swap3A_1995 = arith.constant 0 : i32
    %swap3A_1996 = arith.index_cast %swap3A_1995 : i32 to index
    %swap3A_1997 = arith.constant 80 : index
    %swap3A_1998 = tpu.vector_load %arg17[%swap3A_1996, %swap3A_1997] {strides = array<i32>} : memref<2x96xi32, #tpu.memory_space<vmem>>, vector<1x16xi32>,
    %swap3A_1999 = vector.shape_cast %swap3A_1998 : vector<1x16xi32> to vector<16xi32>
    %swap3A_2000 = vector.shape_cast %select_n3A_1994 : vector<16xi32> to vector<1x16xi32>
    tpu.vector_store %arg17[%swap3A_1996, %swap3A_1997], %swap3A_2000 {strides = array<i32>} : memref<2x96xi32, #tpu.memory_space<vmem>>, vector<1x16xi32>,
    %dma_start3A_2001 = arith.constant 0 : i32
    %dma_start3A_2002 = arith.constant 0 : i32
    %dma_start3A_2003 = arith.constant 0 : i32
    %dma_start3A_2004 = arith.constant 0 : i32
    %dma_start3A_2005 = arith.constant 0 : i32
    %dma_start3A_2006 = tpu.memref_slice %arg18[%dma_start3A_2002, %dma_start3A_2004, %dma_start3A_2005] : memref<2x96x128xf32, #tpu.memory_space<vmem>> -> memref<1x96x128xf32, #tpu.memory_space<vmem>>
    %dma_start3A_2007 = tpu.memref_squeeze %dma_start3A_2006 : memref<1x96x128xf32, #tpu.memory_space<vmem>> -> memref<96x128xf32, #tpu.memory_space<vmem>>
    %dma_start3A_2008 = arith.constant 0 : i32
    %dma_start3A_2009 = tpu.memref_slice %arg17[%dma_start3A_2001, %dma_start3A_2008] : memref<2x96xi32, #tpu.memory_space<vmem>> -> memref<1x96xi32, #tpu.memory_space<vmem>>
    %dma_start3A_2010 = tpu.memref_squeeze %dma_start3A_2009 : memref<1x96xi32, #tpu.memory_space<vmem>> -> memref<96xi32, #tpu.memory_space<vmem>>
    %dma_start3A_2011 = arith.constant 0 : i32
    %dma_start3A_2012 = arith.constant 0 : i32
    %dma_start3A_2013 = tpu.memref_slice %arg19[%dma_start3A_2011, %dma_start3A_2012] : memref<10112x128xf32, #tpu.memory_space<vmem_shared>> -> memref<10112x128xf32, #tpu.memory_space<vmem_shared>>
    %dma_start3A_2014 = tpu.memref_slice %arg24[%dma_start3A_2003] : memref<2x!tpu.dma_semaphore, #tpu.memory_space<semaphore_mem>> -> memref<1x!tpu.dma_semaphore, #tpu.memory_space<semaphore_mem>>
    %dma_start3A_2015 = tpu.memref_squeeze %dma_start3A_2014 : memref<1x!tpu.dma_semaphore, #tpu.memory_space<semaphore_mem>> -> memref<!tpu.dma_semaphore, #tpu.memory_space<semaphore_mem>>
    tpu.enqueue_indirect_dma source(%dma_start3A_2013 : memref<10112x128xf32, #tpu.memory_space<vmem_shared>>) target(%dma_start3A_2007 : memref<96x128xf32, #tpu.memory_space<vmem>>) offsets(%dma_start3A_2010 : memref<96xi32, #tpu.memory_space<vmem>>) semaphore(%dma_start3A_2015 : memref<!tpu.dma_semaphore, #tpu.memory_space<semaphore_mem>>)
    %scan3A_2016 = arith.constant 0 : i32
    %scan3A_2017 = arith.constant 0 : i32
    %scan3A_2018 = arith.constant 45 : i32
    %scan3A_2019 = arith.addi %scan3A_2017, %scan3A_2018 : i32
    %scan3A_2020 = arith.constant 1 : i32
    scf.for %scan3A_2038 = %scan3A_2017 to %scan3A_2019 step %scan3A_2020  : i32 {
      %mul3A_2039 = arith.constant 2 : i32
      %mul3A_2040 = arith.muli %mul3A_2039, %scan3A_2038 : i32
      %add3A_2041 = arith.constant 1 : i32
      %add3A_2042 = arith.addi %mul3A_2040, %add3A_2041 : i32
      %add3A_2043 = arith.constant 2 : i32
      %add3A_2044 = arith.addi %mul3A_2040, %add3A_2043 : i32
      %lt3A_2045 = arith.constant 90 : i32
      %lt3A_2046 = arith.cmpi slt, %add3A_2044, %lt3A_2045 : i32
      %convert_element_type3A_2047 = arith.extui %lt3A_2046 : i1 to i32
      %cond3A_2048 = arith.constant 0 : i32
      %cond3A_2049 = arith.cmpi ne, %convert_element_type3A_2047, %cond3A_2048 : i32
      scf.if %cond3A_2049 {
        %add3A_2289 = arith.constant 2 : i32
        %add3A_2290 = arith.addi %mul3A_2040, %add3A_2289 : i32
        %mul3A_2291 = arith.constant 96 : i32
        %mul3A_2292 = arith.muli %add3A_2290, %mul3A_2291 : i32
        %mul3A_2293 = arith.constant 155345 : i32
        %mul3A_2294 = arith.muli %mul3A_2292, %mul3A_2293 : i32
        %shift_right_arithmetic3A_2295 = arith.constant 22 : i32
        %shift_right_arithmetic3A_2296 = arith.shrsi %mul3A_2294, %shift_right_arithmetic3A_2295 : i32
        %get3A_2297 = arith.index_cast %shift_right_arithmetic3A_2296 : i32 to index
        %get3A_2298 = tpu.vector_load %arg9[%get3A_2297] {strides = array<i32>} : memref<384xi32, #tpu.memory_space<vmem>>, vector<16xi32>,
        %get3A_2299 = vector.shape_cast %get3A_2298 : vector<16xi32> to vector<16xi32>
        %get3A_2300 = arith.index_cast %shift_right_arithmetic3A_2296 : i32 to index
        %get3A_2301 = tpu.vector_load %arg10[%get3A_2300] {strides = array<i32>} : memref<384xi32, #tpu.memory_space<vmem>>, vector<16xi32>,
        %get3A_2302 = vector.shape_cast %get3A_2301 : vector<16xi32> to vector<16xi32>
        %get3A_2303 = arith.index_cast %shift_right_arithmetic3A_2296 : i32 to index
        %get3A_2304 = tpu.vector_load %arg11[%get3A_2303] {strides = array<i32>} : memref<384xi32, #tpu.memory_space<vmem>>, vector<16xi32>,
        %get3A_2305 = vector.shape_cast %get3A_2304 : vector<16xi32> to vector<16xi32>
        %add3A_2306 = arith.constant 0 : i32
        %add3A_2307 = arith.addi %mul3A_2292, %add3A_2306 : i32
        %add3A_2308 = vector.broadcast %add3A_2307 : i32 to vector<16xi32>
        %add3A_2309 = arith.addi %iota3A, %add3A_2308 : vector<16xi32>
        %mul3A_2310 = arith.constant 155345 : i32
        %mul3A_2311 = vector.broadcast %mul3A_2310 : i32 to vector<16xi32>
        %mul3A_2312 = arith.muli %add3A_2309, %mul3A_2311 : vector<16xi32>
        %shift_right_arithmetic3A_2313 = arith.constant 22 : i32
        %shift_right_arithmetic3A_2314 = vector.broadcast %shift_right_arithmetic3A_2313 : i32 to vector<16xi32>
        %shift_right_arithmetic3A_2315 = arith.shrsi %mul3A_2312, %shift_right_arithmetic3A_2314 : vector<16xi32>
        %mul3A_2316 = arith.constant 27 : i32
        %mul3A_2317 = vector.broadcast %mul3A_2316 : i32 to vector<16xi32>
        %mul3A_2318 = arith.muli %shift_right_arithmetic3A_2315, %mul3A_2317 : vector<16xi32>
        %sub3A_2319 = arith.subi %add3A_2309, %mul3A_2318 : vector<16xi32>
        %sub3A_2320 = vector.broadcast %shift_right_arithmetic3A_2296 : i32 to vector<16xi32>
        %sub3A_2321 = arith.subi %shift_right_arithmetic3A_2315, %sub3A_2320 : vector<16xi32>
        %broadcast_in_dim3A_2322 = vector.shape_cast %sub3A_2321 : vector<16xi32> to vector<16x1xi32>
        %gather3A_2323 = vector.shape_cast %broadcast_in_dim3A_2322 : vector<16x1xi32> to vector<16xi32>
        %gather3A_2324 = tpu.dynamic_gather %get3A_2299[%gather3A_2323] in [0] : vector<16xi32>, vector<16xi32> -> vector<16xi32>
        %broadcast_in_dim3A_2325 = vector.shape_cast %sub3A_2321 : vector<16xi32> to vector<16x1xi32>
        %gather3A_2326 = vector.shape_cast %broadcast_in_dim3A_2325 : vector<16x1xi32> to vector<16xi32>
        %gather3A_2327 = tpu.dynamic_gather %get3A_2302[%gather3A_2326] in [0] : vector<16xi32>, vector<16xi32> -> vector<16xi32>
        %broadcast_in_dim3A_2328 = vector.shape_cast %sub3A_2321 : vector<16xi32> to vector<16x1xi32>
        %gather3A_2329 = vector.shape_cast %broadcast_in_dim3A_2328 : vector<16x1xi32> to vector<16xi32>
        %gather3A_2330 = tpu.dynamic_gather %get3A_2305[%gather3A_2329] in [0] : vector<16xi32>, vector<16xi32> -> vector<16xi32>
        %mul3A_2331 = arith.constant 57 : i32
        %mul3A_2332 = vector.broadcast %mul3A_2331 : i32 to vector<16xi32>
        %mul3A_2333 = arith.muli %sub3A_2319, %mul3A_2332 : vector<16xi32>
        %shift_right_arithmetic3A_2334 = arith.constant 9 : i32
        %shift_right_arithmetic3A_2335 = vector.broadcast %shift_right_arithmetic3A_2334 : i32 to vector<16xi32>
        %shift_right_arithmetic3A_2336 = arith.shrsi %mul3A_2333, %shift_right_arithmetic3A_2335 : vector<16xi32>
        %mul3A_2337 = arith.constant 9 : i32
        %mul3A_2338 = vector.broadcast %mul3A_2337 : i32 to vector<16xi32>
        %mul3A_2339 = arith.muli %shift_right_arithmetic3A_2336, %mul3A_2338 : vector<16xi32>
        %sub3A_2340 = arith.subi %sub3A_2319, %mul3A_2339 : vector<16xi32>
        %mul3A_2341 = arith.constant 11 : i32
        %mul3A_2342 = vector.broadcast %mul3A_2341 : i32 to vector<16xi32>
        %mul3A_2343 = arith.muli %sub3A_2340, %mul3A_2342 : vector<16xi32>
        %shift_right_arithmetic3A_2344 = arith.constant 5 : i32
        %shift_right_arithmetic3A_2345 = vector.broadcast %shift_right_arithmetic3A_2344 : i32 to vector<16xi32>
        %shift_right_arithmetic3A_2346 = arith.shrsi %mul3A_2343, %shift_right_arithmetic3A_2345 : vector<16xi32>
        %sub3A_2347 = arith.constant 1 : i32
        %sub3A_2348 = vector.broadcast %sub3A_2347 : i32 to vector<16xi32>
        %sub3A_2349 = arith.subi %shift_right_arithmetic3A_2336, %sub3A_2348 : vector<16xi32>
        %sub3A_2350 = arith.constant 1 : i32
        %sub3A_2351 = vector.broadcast %sub3A_2350 : i32 to vector<16xi32>
        %sub3A_2352 = arith.subi %shift_right_arithmetic3A_2346, %sub3A_2351 : vector<16xi32>
        %mul3A_2353 = arith.constant 3 : i32
        %mul3A_2354 = vector.broadcast %mul3A_2353 : i32 to vector<16xi32>
        %mul3A_2355 = arith.muli %shift_right_arithmetic3A_2346, %mul3A_2354 : vector<16xi32>
        %sub3A_2356 = arith.subi %sub3A_2340, %mul3A_2355 : vector<16xi32>
        %sub3A_2357 = arith.constant 1 : i32
        %sub3A_2358 = vector.broadcast %sub3A_2357 : i32 to vector<16xi32>
        %sub3A_2359 = arith.subi %sub3A_2356, %sub3A_2358 : vector<16xi32>
        %add3A_2360 = arith.addi %gather3A_2324, %sub3A_2349 : vector<16xi32>
        %add3A_2361 = arith.addi %gather3A_2327, %sub3A_2352 : vector<16xi32>
        %add3A_2362 = arith.addi %gather3A_2330, %sub3A_2359 : vector<16xi32>
        %ge3A_2363 = arith.constant 0 : i32
        %ge3A_2364 = vector.broadcast %ge3A_2363 : i32 to vector<16xi32>
        %ge3A_2365 = arith.cmpi sge, %add3A_2360, %ge3A_2364 : vector<16xi32>
        %lt3A_2366 = arith.constant 64 : i32
        %lt3A_2367 = vector.broadcast %lt3A_2366 : i32 to vector<16xi32>
        %lt3A_2368 = arith.cmpi slt, %add3A_2360, %lt3A_2367 : vector<16xi32>
        %and3A_2369 = arith.andi %ge3A_2365, %lt3A_2368 : vector<16xi1>
        %ge3A_2370 = arith.constant 0 : i32
        %ge3A_2371 = vector.broadcast %ge3A_2370 : i32 to vector<16xi32>
        %ge3A_2372 = arith.cmpi sge, %add3A_2361, %ge3A_2371 : vector<16xi32>
        %and3A_2373 = arith.andi %and3A_2369, %ge3A_2372 : vector<16xi1>
        %lt3A_2374 = arith.constant 64 : i32
        %lt3A_2375 = vector.broadcast %lt3A_2374 : i32 to vector<16xi32>
        %lt3A_2376 = arith.cmpi slt, %add3A_2361, %lt3A_2375 : vector<16xi32>
        %and3A_2377 = arith.andi %and3A_2373, %lt3A_2376 : vector<16xi1>
        %ge3A_2378 = arith.constant 0 : i32
        %ge3A_2379 = vector.broadcast %ge3A_2378 : i32 to vector<16xi32>
        %ge3A_2380 = arith.cmpi sge, %add3A_2362, %ge3A_2379 : vector<16xi32>
        %and3A_2381 = arith.andi %and3A_2377, %ge3A_2380 : vector<16xi1>
        %lt3A_2382 = arith.constant 64 : i32
        %lt3A_2383 = vector.broadcast %lt3A_2382 : i32 to vector<16xi32>
        %lt3A_2384 = arith.cmpi slt, %add3A_2362, %lt3A_2383 : vector<16xi32>
        %and3A_2385 = arith.andi %and3A_2381, %lt3A_2384 : vector<16xi1>
        %mul3A_2386 = arith.constant 4096 : i32
        %mul3A_2387 = vector.broadcast %mul3A_2386 : i32 to vector<16xi32>
        %mul3A_2388 = arith.muli %add3A_2360, %mul3A_2387 : vector<16xi32>
        %mul3A_2389 = arith.constant 64 : i32
        %mul3A_2390 = vector.broadcast %mul3A_2389 : i32 to vector<16xi32>
        %mul3A_2391 = arith.muli %add3A_2361, %mul3A_2390 : vector<16xi32>
        %add3A_2392 = arith.addi %mul3A_2388, %mul3A_2391 : vector<16xi32>
        %add3A_2393 = arith.addi %add3A_2392, %add3A_2362 : vector<16xi32>
        %jit3A_2394 = arith.constant 262144 : i32
        %broadcast_in_dim3A_2395 = vector.broadcast %jit3A_2394 : i32 to vector<16xi32>
        %select_n3A_2396 = arith.select %and3A_2385, %add3A_2393, %broadcast_in_dim3A_2395 : vector<16xi1>, vector<16xi32>
        %swap3A_2397 = arith.constant 0 : i32
        %swap3A_2398 = arith.index_cast %swap3A_2397 : i32 to index
        %swap3A_2399 = arith.constant 0 : index
        %swap3A_2400 = tpu.vector_load %arg15[%swap3A_2398, %swap3A_2399] {strides = array<i32>} : memref<2x96xi32, #tpu.memory_space<vmem>>, vector<1x16xi32>,
        %swap3A_2401 = vector.shape_cast %swap3A_2400 : vector<1x16xi32> to vector<16xi32>
        %swap3A_2402 = vector.shape_cast %select_n3A_2396 : vector<16xi32> to vector<1x16xi32>
        tpu.vector_store %arg15[%swap3A_2398, %swap3A_2399], %swap3A_2402 {strides = array<i32>} : memref<2x96xi32, #tpu.memory_space<vmem>>, vector<1x16xi32>,
        %add3A_2403 = arith.constant 16 : i32
        %add3A_2404 = arith.addi %mul3A_2292, %add3A_2403 : i32
        %add3A_2405 = vector.broadcast %add3A_2404 : i32 to vector<16xi32>
        %add3A_2406 = arith.addi %iota3A, %add3A_2405 : vector<16xi32>
        %mul3A_2407 = arith.constant 155345 : i32
        %mul3A_2408 = vector.broadcast %mul3A_2407 : i32 to vector<16xi32>
        %mul3A_2409 = arith.muli %add3A_2406, %mul3A_2408 : vector<16xi32>
        %shift_right_arithmetic3A_2410 = arith.constant 22 : i32
        %shift_right_arithmetic3A_2411 = vector.broadcast %shift_right_arithmetic3A_2410 : i32 to vector<16xi32>
        %shift_right_arithmetic3A_2412 = arith.shrsi %mul3A_2409, %shift_right_arithmetic3A_2411 : vector<16xi32>
        %mul3A_2413 = arith.constant 27 : i32
        %mul3A_2414 = vector.broadcast %mul3A_2413 : i32 to vector<16xi32>
        %mul3A_2415 = arith.muli %shift_right_arithmetic3A_2412, %mul3A_2414 : vector<16xi32>
        %sub3A_2416 = arith.subi %add3A_2406, %mul3A_2415 : vector<16xi32>
        %sub3A_2417 = vector.broadcast %shift_right_arithmetic3A_2296 : i32 to vector<16xi32>
        %sub3A_2418 = arith.subi %shift_right_arithmetic3A_2412, %sub3A_2417 : vector<16xi32>
        %broadcast_in_dim3A_2419 = vector.shape_cast %sub3A_2418 : vector<16xi32> to vector<16x1xi32>
        %gather3A_2420 = vector.shape_cast %broadcast_in_dim3A_2419 : vector<16x1xi32> to vector<16xi32>
        %gather3A_2421 = tpu.dynamic_gather %get3A_2299[%gather3A_2420] in [0] : vector<16xi32>, vector<16xi32> -> vector<16xi32>
        %broadcast_in_dim3A_2422 = vector.shape_cast %sub3A_2418 : vector<16xi32> to vector<16x1xi32>
        %gather3A_2423 = vector.shape_cast %broadcast_in_dim3A_2422 : vector<16x1xi32> to vector<16xi32>
        %gather3A_2424 = tpu.dynamic_gather %get3A_2302[%gather3A_2423] in [0] : vector<16xi32>, vector<16xi32> -> vector<16xi32>
        %broadcast_in_dim3A_2425 = vector.shape_cast %sub3A_2418 : vector<16xi32> to vector<16x1xi32>
        %gather3A_2426 = vector.shape_cast %broadcast_in_dim3A_2425 : vector<16x1xi32> to vector<16xi32>
        %gather3A_2427 = tpu.dynamic_gather %get3A_2305[%gather3A_2426] in [0] : vector<16xi32>, vector<16xi32> -> vector<16xi32>
        %mul3A_2428 = arith.constant 57 : i32
        %mul3A_2429 = vector.broadcast %mul3A_2428 : i32 to vector<16xi32>
        %mul3A_2430 = arith.muli %sub3A_2416, %mul3A_2429 : vector<16xi32>
        %shift_right_arithmetic3A_2431 = arith.constant 9 : i32
        %shift_right_arithmetic3A_2432 = vector.broadcast %shift_right_arithmetic3A_2431 : i32 to vector<16xi32>
        %shift_right_arithmetic3A_2433 = arith.shrsi %mul3A_2430, %shift_right_arithmetic3A_2432 : vector<16xi32>
        %mul3A_2434 = arith.constant 9 : i32
        %mul3A_2435 = vector.broadcast %mul3A_2434 : i32 to vector<16xi32>
        %mul3A_2436 = arith.muli %shift_right_arithmetic3A_2433, %mul3A_2435 : vector<16xi32>
        %sub3A_2437 = arith.subi %sub3A_2416, %mul3A_2436 : vector<16xi32>
        %mul3A_2438 = arith.constant 11 : i32
        %mul3A_2439 = vector.broadcast %mul3A_2438 : i32 to vector<16xi32>
        %mul3A_2440 = arith.muli %sub3A_2437, %mul3A_2439 : vector<16xi32>
        %shift_right_arithmetic3A_2441 = arith.constant 5 : i32
        %shift_right_arithmetic3A_2442 = vector.broadcast %shift_right_arithmetic3A_2441 : i32 to vector<16xi32>
        %shift_right_arithmetic3A_2443 = arith.shrsi %mul3A_2440, %shift_right_arithmetic3A_2442 : vector<16xi32>
        %sub3A_2444 = arith.constant 1 : i32
        %sub3A_2445 = vector.broadcast %sub3A_2444 : i32 to vector<16xi32>
        %sub3A_2446 = arith.subi %shift_right_arithmetic3A_2433, %sub3A_2445 : vector<16xi32>
        %sub3A_2447 = arith.constant 1 : i32
        %sub3A_2448 = vector.broadcast %sub3A_2447 : i32 to vector<16xi32>
        %sub3A_2449 = arith.subi %shift_right_arithmetic3A_2443, %sub3A_2448 : vector<16xi32>
        %mul3A_2450 = arith.constant 3 : i32
        %mul3A_2451 = vector.broadcast %mul3A_2450 : i32 to vector<16xi32>
        %mul3A_2452 = arith.muli %shift_right_arithmetic3A_2443, %mul3A_2451 : vector<16xi32>
        %sub3A_2453 = arith.subi %sub3A_2437, %mul3A_2452 : vector<16xi32>
        %sub3A_2454 = arith.constant 1 : i32
        %sub3A_2455 = vector.broadcast %sub3A_2454 : i32 to vector<16xi32>
        %sub3A_2456 = arith.subi %sub3A_2453, %sub3A_2455 : vector<16xi32>
        %add3A_2457 = arith.addi %gather3A_2421, %sub3A_2446 : vector<16xi32>
        %add3A_2458 = arith.addi %gather3A_2424, %sub3A_2449 : vector<16xi32>
        %add3A_2459 = arith.addi %gather3A_2427, %sub3A_2456 : vector<16xi32>
        %ge3A_2460 = arith.constant 0 : i32
        %ge3A_2461 = vector.broadcast %ge3A_2460 : i32 to vector<16xi32>
        %ge3A_2462 = arith.cmpi sge, %add3A_2457, %ge3A_2461 : vector<16xi32>
        %lt3A_2463 = arith.constant 64 : i32
        %lt3A_2464 = vector.broadcast %lt3A_2463 : i32 to vector<16xi32>
        %lt3A_2465 = arith.cmpi slt, %add3A_2457, %lt3A_2464 : vector<16xi32>
        %and3A_2466 = arith.andi %ge3A_2462, %lt3A_2465 : vector<16xi1>
        %ge3A_2467 = arith.constant 0 : i32
        %ge3A_2468 = vector.broadcast %ge3A_2467 : i32 to vector<16xi32>
        %ge3A_2469 = arith.cmpi sge, %add3A_2458, %ge3A_2468 : vector<16xi32>
        %and3A_2470 = arith.andi %and3A_2466, %ge3A_2469 : vector<16xi1>
        %lt3A_2471 = arith.constant 64 : i32
        %lt3A_2472 = vector.broadcast %lt3A_2471 : i32 to vector<16xi32>
        %lt3A_2473 = arith.cmpi slt, %add3A_2458, %lt3A_2472 : vector<16xi32>
        %and3A_2474 = arith.andi %and3A_2470, %lt3A_2473 : vector<16xi1>
        %ge3A_2475 = arith.constant 0 : i32
        %ge3A_2476 = vector.broadcast %ge3A_2475 : i32 to vector<16xi32>
        %ge3A_2477 = arith.cmpi sge, %add3A_2459, %ge3A_2476 : vector<16xi32>
        %and3A_2478 = arith.andi %and3A_2474, %ge3A_2477 : vector<16xi1>
        %lt3A_2479 = arith.constant 64 : i32
        %lt3A_2480 = vector.broadcast %lt3A_2479 : i32 to vector<16xi32>
        %lt3A_2481 = arith.cmpi slt, %add3A_2459, %lt3A_2480 : vector<16xi32>
        %and3A_2482 = arith.andi %and3A_2478, %lt3A_2481 : vector<16xi1>
        %mul3A_2483 = arith.constant 4096 : i32
        %mul3A_2484 = vector.broadcast %mul3A_2483 : i32 to vector<16xi32>
        %mul3A_2485 = arith.muli %add3A_2457, %mul3A_2484 : vector<16xi32>
        %mul3A_2486 = arith.constant 64 : i32
        %mul3A_2487 = vector.broadcast %mul3A_2486 : i32 to vector<16xi32>
        %mul3A_2488 = arith.muli %add3A_2458, %mul3A_2487 : vector<16xi32>
        %add3A_2489 = arith.addi %mul3A_2485, %mul3A_2488 : vector<16xi32>
        %add3A_2490 = arith.addi %add3A_2489, %add3A_2459 : vector<16xi32>
        %jit3A_2491 = arith.constant 262144 : i32
        %broadcast_in_dim3A_2492 = vector.broadcast %jit3A_2491 : i32 to vector<16xi32>
        %select_n3A_2493 = arith.select %and3A_2482, %add3A_2490, %broadcast_in_dim3A_2492 : vector<16xi1>, vector<16xi32>
        %swap3A_2494 = arith.constant 0 : i32
        %swap3A_2495 = arith.index_cast %swap3A_2494 : i32 to index
        %swap3A_2496 = arith.constant 16 : index
        %swap3A_2497 = tpu.vector_load %arg15[%swap3A_2495, %swap3A_2496] {strides = array<i32>} : memref<2x96xi32, #tpu.memory_space<vmem>>, vector<1x16xi32>,
        %swap3A_2498 = vector.shape_cast %swap3A_2497 : vector<1x16xi32> to vector<16xi32>
        %swap3A_2499 = vector.shape_cast %select_n3A_2493 : vector<16xi32> to vector<1x16xi32>
        tpu.vector_store %arg15[%swap3A_2495, %swap3A_2496], %swap3A_2499 {strides = array<i32>} : memref<2x96xi32, #tpu.memory_space<vmem>>, vector<1x16xi32>,
        %add3A_2500 = arith.constant 32 : i32
        %add3A_2501 = arith.addi %mul3A_2292, %add3A_2500 : i32
        %add3A_2502 = vector.broadcast %add3A_2501 : i32 to vector<16xi32>
        %add3A_2503 = arith.addi %iota3A, %add3A_2502 : vector<16xi32>
        %mul3A_2504 = arith.constant 155345 : i32
        %mul3A_2505 = vector.broadcast %mul3A_2504 : i32 to vector<16xi32>
        %mul3A_2506 = arith.muli %add3A_2503, %mul3A_2505 : vector<16xi32>
        %shift_right_arithmetic3A_2507 = arith.constant 22 : i32
        %shift_right_arithmetic3A_2508 = vector.broadcast %shift_right_arithmetic3A_2507 : i32 to vector<16xi32>
        %shift_right_arithmetic3A_2509 = arith.shrsi %mul3A_2506, %shift_right_arithmetic3A_2508 : vector<16xi32>
        %mul3A_2510 = arith.constant 27 : i32
        %mul3A_2511 = vector.broadcast %mul3A_2510 : i32 to vector<16xi32>
        %mul3A_2512 = arith.muli %shift_right_arithmetic3A_2509, %mul3A_2511 : vector<16xi32>
        %sub3A_2513 = arith.subi %add3A_2503, %mul3A_2512 : vector<16xi32>
        %sub3A_2514 = vector.broadcast %shift_right_arithmetic3A_2296 : i32 to vector<16xi32>
        %sub3A_2515 = arith.subi %shift_right_arithmetic3A_2509, %sub3A_2514 : vector<16xi32>
        %broadcast_in_dim3A_2516 = vector.shape_cast %sub3A_2515 : vector<16xi32> to vector<16x1xi32>
        %gather3A_2517 = vector.shape_cast %broadcast_in_dim3A_2516 : vector<16x1xi32> to vector<16xi32>
        %gather3A_2518 = tpu.dynamic_gather %get3A_2299[%gather3A_2517] in [0] : vector<16xi32>, vector<16xi32> -> vector<16xi32>
        %broadcast_in_dim3A_2519 = vector.shape_cast %sub3A_2515 : vector<16xi32> to vector<16x1xi32>
        %gather3A_2520 = vector.shape_cast %broadcast_in_dim3A_2519 : vector<16x1xi32> to vector<16xi32>
        %gather3A_2521 = tpu.dynamic_gather %get3A_2302[%gather3A_2520] in [0] : vector<16xi32>, vector<16xi32> -> vector<16xi32>
        %broadcast_in_dim3A_2522 = vector.shape_cast %sub3A_2515 : vector<16xi32> to vector<16x1xi32>
        %gather3A_2523 = vector.shape_cast %broadcast_in_dim3A_2522 : vector<16x1xi32> to vector<16xi32>
        %gather3A_2524 = tpu.dynamic_gather %get3A_2305[%gather3A_2523] in [0] : vector<16xi32>, vector<16xi32> -> vector<16xi32>
        %mul3A_2525 = arith.constant 57 : i32
        %mul3A_2526 = vector.broadcast %mul3A_2525 : i32 to vector<16xi32>
        %mul3A_2527 = arith.muli %sub3A_2513, %mul3A_2526 : vector<16xi32>
        %shift_right_arithmetic3A_2528 = arith.constant 9 : i32
        %shift_right_arithmetic3A_2529 = vector.broadcast %shift_right_arithmetic3A_2528 : i32 to vector<16xi32>
        %shift_right_arithmetic3A_2530 = arith.shrsi %mul3A_2527, %shift_right_arithmetic3A_2529 : vector<16xi32>
        %mul3A_2531 = arith.constant 9 : i32
        %mul3A_2532 = vector.broadcast %mul3A_2531 : i32 to vector<16xi32>
        %mul3A_2533 = arith.muli %shift_right_arithmetic3A_2530, %mul3A_2532 : vector<16xi32>
        %sub3A_2534 = arith.subi %sub3A_2513, %mul3A_2533 : vector<16xi32>
        %mul3A_2535 = arith.constant 11 : i32
        %mul3A_2536 = vector.broadcast %mul3A_2535 : i32 to vector<16xi32>
        %mul3A_2537 = arith.muli %sub3A_2534, %mul3A_2536 : vector<16xi32>
        %shift_right_arithmetic3A_2538 = arith.constant 5 : i32
        %shift_right_arithmetic3A_2539 = vector.broadcast %shift_right_arithmetic3A_2538 : i32 to vector<16xi32>
        %shift_right_arithmetic3A_2540 = arith.shrsi %mul3A_2537, %shift_right_arithmetic3A_2539 : vector<16xi32>
        %sub3A_2541 = arith.constant 1 : i32
        %sub3A_2542 = vector.broadcast %sub3A_2541 : i32 to vector<16xi32>
        %sub3A_2543 = arith.subi %shift_right_arithmetic3A_2530, %sub3A_2542 : vector<16xi32>
        %sub3A_2544 = arith.constant 1 : i32
        %sub3A_2545 = vector.broadcast %sub3A_2544 : i32 to vector<16xi32>
        %sub3A_2546 = arith.subi %shift_right_arithmetic3A_2540, %sub3A_2545 : vector<16xi32>
        %mul3A_2547 = arith.constant 3 : i32
        %mul3A_2548 = vector.broadcast %mul3A_2547 : i32 to vector<16xi32>
        %mul3A_2549 = arith.muli %shift_right_arithmetic3A_2540, %mul3A_2548 : vector<16xi32>
        %sub3A_2550 = arith.subi %sub3A_2534, %mul3A_2549 : vector<16xi32>
        %sub3A_2551 = arith.constant 1 : i32
        %sub3A_2552 = vector.broadcast %sub3A_2551 : i32 to vector<16xi32>
        %sub3A_2553 = arith.subi %sub3A_2550, %sub3A_2552 : vector<16xi32>
        %add3A_2554 = arith.addi %gather3A_2518, %sub3A_2543 : vector<16xi32>
        %add3A_2555 = arith.addi %gather3A_2521, %sub3A_2546 : vector<16xi32>
        %add3A_2556 = arith.addi %gather3A_2524, %sub3A_2553 : vector<16xi32>
        %ge3A_2557 = arith.constant 0 : i32
        %ge3A_2558 = vector.broadcast %ge3A_2557 : i32 to vector<16xi32>
        %ge3A_2559 = arith.cmpi sge, %add3A_2554, %ge3A_2558 : vector<16xi32>
        %lt3A_2560 = arith.constant 64 : i32
        %lt3A_2561 = vector.broadcast %lt3A_2560 : i32 to vector<16xi32>
        %lt3A_2562 = arith.cmpi slt, %add3A_2554, %lt3A_2561 : vector<16xi32>
        %and3A_2563 = arith.andi %ge3A_2559, %lt3A_2562 : vector<16xi1>
        %ge3A_2564 = arith.constant 0 : i32
        %ge3A_2565 = vector.broadcast %ge3A_2564 : i32 to vector<16xi32>
        %ge3A_2566 = arith.cmpi sge, %add3A_2555, %ge3A_2565 : vector<16xi32>
        %and3A_2567 = arith.andi %and3A_2563, %ge3A_2566 : vector<16xi1>
        %lt3A_2568 = arith.constant 64 : i32
        %lt3A_2569 = vector.broadcast %lt3A_2568 : i32 to vector<16xi32>
        %lt3A_2570 = arith.cmpi slt, %add3A_2555, %lt3A_2569 : vector<16xi32>
        %and3A_2571 = arith.andi %and3A_2567, %lt3A_2570 : vector<16xi1>
        %ge3A_2572 = arith.constant 0 : i32
        %ge3A_2573 = vector.broadcast %ge3A_2572 : i32 to vector<16xi32>
        %ge3A_2574 = arith.cmpi sge, %add3A_2556, %ge3A_2573 : vector<16xi32>
        %and3A_2575 = arith.andi %and3A_2571, %ge3A_2574 : vector<16xi1>
        %lt3A_2576 = arith.constant 64 : i32
        %lt3A_2577 = vector.broadcast %lt3A_2576 : i32 to vector<16xi32>
        %lt3A_2578 = arith.cmpi slt, %add3A_2556, %lt3A_2577 : vector<16xi32>
        %and3A_2579 = arith.andi %and3A_2575, %lt3A_2578 : vector<16xi1>
        %mul3A_2580 = arith.constant 4096 : i32
        %mul3A_2581 = vector.broadcast %mul3A_2580 : i32 to vector<16xi32>
        %mul3A_2582 = arith.muli %add3A_2554, %mul3A_2581 : vector<16xi32>
        %mul3A_2583 = arith.constant 64 : i32
        %mul3A_2584 = vector.broadcast %mul3A_2583 : i32 to vector<16xi32>
        %mul3A_2585 = arith.muli %add3A_2555, %mul3A_2584 : vector<16xi32>
        %add3A_2586 = arith.addi %mul3A_2582, %mul3A_2585 : vector<16xi32>
        %add3A_2587 = arith.addi %add3A_2586, %add3A_2556 : vector<16xi32>
        %jit3A_2588 = arith.constant 262144 : i32
        %broadcast_in_dim3A_2589 = vector.broadcast %jit3A_2588 : i32 to vector<16xi32>
        %select_n3A_2590 = arith.select %and3A_2579, %add3A_2587, %broadcast_in_dim3A_2589 : vector<16xi1>, vector<16xi32>
        %swap3A_2591 = arith.constant 0 : i32
        %swap3A_2592 = arith.index_cast %swap3A_2591 : i32 to index
        %swap3A_2593 = arith.constant 32 : index
        %swap3A_2594 = tpu.vector_load %arg15[%swap3A_2592, %swap3A_2593] {strides = array<i32>} : memref<2x96xi32, #tpu.memory_space<vmem>>, vector<1x16xi32>,
        %swap3A_2595 = vector.shape_cast %swap3A_2594 : vector<1x16xi32> to vector<16xi32>
        %swap3A_2596 = vector.shape_cast %select_n3A_2590 : vector<16xi32> to vector<1x16xi32>
        tpu.vector_store %arg15[%swap3A_2592, %swap3A_2593], %swap3A_2596 {strides = array<i32>} : memref<2x96xi32, #tpu.memory_space<vmem>>, vector<1x16xi32>,
        %add3A_2597 = arith.constant 48 : i32
        %add3A_2598 = arith.addi %mul3A_2292, %add3A_2597 : i32
        %add3A_2599 = vector.broadcast %add3A_2598 : i32 to vector<16xi32>
        %add3A_2600 = arith.addi %iota3A, %add3A_2599 : vector<16xi32>
        %mul3A_2601 = arith.constant 155345 : i32
        %mul3A_2602 = vector.broadcast %mul3A_2601 : i32 to vector<16xi32>
        %mul3A_2603 = arith.muli %add3A_2600, %mul3A_2602 : vector<16xi32>
        %shift_right_arithmetic3A_2604 = arith.constant 22 : i32
        %shift_right_arithmetic3A_2605 = vector.broadcast %shift_right_arithmetic3A_2604 : i32 to vector<16xi32>
        %shift_right_arithmetic3A_2606 = arith.shrsi %mul3A_2603, %shift_right_arithmetic3A_2605 : vector<16xi32>
        %mul3A_2607 = arith.constant 27 : i32
        %mul3A_2608 = vector.broadcast %mul3A_2607 : i32 to vector<16xi32>
        %mul3A_2609 = arith.muli %shift_right_arithmetic3A_2606, %mul3A_2608 : vector<16xi32>
        %sub3A_2610 = arith.subi %add3A_2600, %mul3A_2609 : vector<16xi32>
        %sub3A_2611 = vector.broadcast %shift_right_arithmetic3A_2296 : i32 to vector<16xi32>
        %sub3A_2612 = arith.subi %shift_right_arithmetic3A_2606, %sub3A_2611 : vector<16xi32>
        %broadcast_in_dim3A_2613 = vector.shape_cast %sub3A_2612 : vector<16xi32> to vector<16x1xi32>
        %gather3A_2614 = vector.shape_cast %broadcast_in_dim3A_2613 : vector<16x1xi32> to vector<16xi32>
        %gather3A_2615 = tpu.dynamic_gather %get3A_2299[%gather3A_2614] in [0] : vector<16xi32>, vector<16xi32> -> vector<16xi32>
        %broadcast_in_dim3A_2616 = vector.shape_cast %sub3A_2612 : vector<16xi32> to vector<16x1xi32>
        %gather3A_2617 = vector.shape_cast %broadcast_in_dim3A_2616 : vector<16x1xi32> to vector<16xi32>
        %gather3A_2618 = tpu.dynamic_gather %get3A_2302[%gather3A_2617] in [0] : vector<16xi32>, vector<16xi32> -> vector<16xi32>
        %broadcast_in_dim3A_2619 = vector.shape_cast %sub3A_2612 : vector<16xi32> to vector<16x1xi32>
        %gather3A_2620 = vector.shape_cast %broadcast_in_dim3A_2619 : vector<16x1xi32> to vector<16xi32>
        %gather3A_2621 = tpu.dynamic_gather %get3A_2305[%gather3A_2620] in [0] : vector<16xi32>, vector<16xi32> -> vector<16xi32>
        %mul3A_2622 = arith.constant 57 : i32
        %mul3A_2623 = vector.broadcast %mul3A_2622 : i32 to vector<16xi32>
        %mul3A_2624 = arith.muli %sub3A_2610, %mul3A_2623 : vector<16xi32>
        %shift_right_arithmetic3A_2625 = arith.constant 9 : i32
        %shift_right_arithmetic3A_2626 = vector.broadcast %shift_right_arithmetic3A_2625 : i32 to vector<16xi32>
        %shift_right_arithmetic3A_2627 = arith.shrsi %mul3A_2624, %shift_right_arithmetic3A_2626 : vector<16xi32>
        %mul3A_2628 = arith.constant 9 : i32
        %mul3A_2629 = vector.broadcast %mul3A_2628 : i32 to vector<16xi32>
        %mul3A_2630 = arith.muli %shift_right_arithmetic3A_2627, %mul3A_2629 : vector<16xi32>
        %sub3A_2631 = arith.subi %sub3A_2610, %mul3A_2630 : vector<16xi32>
        %mul3A_2632 = arith.constant 11 : i32
        %mul3A_2633 = vector.broadcast %mul3A_2632 : i32 to vector<16xi32>
        %mul3A_2634 = arith.muli %sub3A_2631, %mul3A_2633 : vector<16xi32>
        %shift_right_arithmetic3A_2635 = arith.constant 5 : i32
        %shift_right_arithmetic3A_2636 = vector.broadcast %shift_right_arithmetic3A_2635 : i32 to vector<16xi32>
        %shift_right_arithmetic3A_2637 = arith.shrsi %mul3A_2634, %shift_right_arithmetic3A_2636 : vector<16xi32>
        %sub3A_2638 = arith.constant 1 : i32
        %sub3A_2639 = vector.broadcast %sub3A_2638 : i32 to vector<16xi32>
        %sub3A_2640 = arith.subi %shift_right_arithmetic3A_2627, %sub3A_2639 : vector<16xi32>
        %sub3A_2641 = arith.constant 1 : i32
        %sub3A_2642 = vector.broadcast %sub3A_2641 : i32 to vector<16xi32>
        %sub3A_2643 = arith.subi %shift_right_arithmetic3A_2637, %sub3A_2642 : vector<16xi32>
        %mul3A_2644 = arith.constant 3 : i32
        %mul3A_2645 = vector.broadcast %mul3A_2644 : i32 to vector<16xi32>
        %mul3A_2646 = arith.muli %shift_right_arithmetic3A_2637, %mul3A_2645 : vector<16xi32>
        %sub3A_2647 = arith.subi %sub3A_2631, %mul3A_2646 : vector<16xi32>
        %sub3A_2648 = arith.constant 1 : i32
        %sub3A_2649 = vector.broadcast %sub3A_2648 : i32 to vector<16xi32>
        %sub3A_2650 = arith.subi %sub3A_2647, %sub3A_2649 : vector<16xi32>
        %add3A_2651 = arith.addi %gather3A_2615, %sub3A_2640 : vector<16xi32>
        %add3A_2652 = arith.addi %gather3A_2618, %sub3A_2643 : vector<16xi32>
        %add3A_2653 = arith.addi %gather3A_2621, %sub3A_2650 : vector<16xi32>
        %ge3A_2654 = arith.constant 0 : i32
        %ge3A_2655 = vector.broadcast %ge3A_2654 : i32 to vector<16xi32>
        %ge3A_2656 = arith.cmpi sge, %add3A_2651, %ge3A_2655 : vector<16xi32>
        %lt3A_2657 = arith.constant 64 : i32
        %lt3A_2658 = vector.broadcast %lt3A_2657 : i32 to vector<16xi32>
        %lt3A_2659 = arith.cmpi slt, %add3A_2651, %lt3A_2658 : vector<16xi32>
        %and3A_2660 = arith.andi %ge3A_2656, %lt3A_2659 : vector<16xi1>
        %ge3A_2661 = arith.constant 0 : i32
        %ge3A_2662 = vector.broadcast %ge3A_2661 : i32 to vector<16xi32>
        %ge3A_2663 = arith.cmpi sge, %add3A_2652, %ge3A_2662 : vector<16xi32>
        %and3A_2664 = arith.andi %and3A_2660, %ge3A_2663 : vector<16xi1>
        %lt3A_2665 = arith.constant 64 : i32
        %lt3A_2666 = vector.broadcast %lt3A_2665 : i32 to vector<16xi32>
        %lt3A_2667 = arith.cmpi slt, %add3A_2652, %lt3A_2666 : vector<16xi32>
        %and3A_2668 = arith.andi %and3A_2664, %lt3A_2667 : vector<16xi1>
        %ge3A_2669 = arith.constant 0 : i32
        %ge3A_2670 = vector.broadcast %ge3A_2669 : i32 to vector<16xi32>
        %ge3A_2671 = arith.cmpi sge, %add3A_2653, %ge3A_2670 : vector<16xi32>
        %and3A_2672 = arith.andi %and3A_2668, %ge3A_2671 : vector<16xi1>
        %lt3A_2673 = arith.constant 64 : i32
        %lt3A_2674 = vector.broadcast %lt3A_2673 : i32 to vector<16xi32>
        %lt3A_2675 = arith.cmpi slt, %add3A_2653, %lt3A_2674 : vector<16xi32>
        %and3A_2676 = arith.andi %and3A_2672, %lt3A_2675 : vector<16xi1>
        %mul3A_2677 = arith.constant 4096 : i32
        %mul3A_2678 = vector.broadcast %mul3A_2677 : i32 to vector<16xi32>
        %mul3A_2679 = arith.muli %add3A_2651, %mul3A_2678 : vector<16xi32>
        %mul3A_2680 = arith.constant 64 : i32
        %mul3A_2681 = vector.broadcast %mul3A_2680 : i32 to vector<16xi32>
        %mul3A_2682 = arith.muli %add3A_2652, %mul3A_2681 : vector<16xi32>
        %add3A_2683 = arith.addi %mul3A_2679, %mul3A_2682 : vector<16xi32>
        %add3A_2684 = arith.addi %add3A_2683, %add3A_2653 : vector<16xi32>
        %jit3A_2685 = arith.constant 262144 : i32
        %broadcast_in_dim3A_2686 = vector.broadcast %jit3A_2685 : i32 to vector<16xi32>
        %select_n3A_2687 = arith.select %and3A_2676, %add3A_2684, %broadcast_in_dim3A_2686 : vector<16xi1>, vector<16xi32>
        %swap3A_2688 = arith.constant 0 : i32
        %swap3A_2689 = arith.index_cast %swap3A_2688 : i32 to index
        %swap3A_2690 = arith.constant 48 : index
        %swap3A_2691 = tpu.vector_load %arg15[%swap3A_2689, %swap3A_2690] {strides = array<i32>} : memref<2x96xi32, #tpu.memory_space<vmem>>, vector<1x16xi32>,
        %swap3A_2692 = vector.shape_cast %swap3A_2691 : vector<1x16xi32> to vector<16xi32>
        %swap3A_2693 = vector.shape_cast %select_n3A_2687 : vector<16xi32> to vector<1x16xi32>
        tpu.vector_store %arg15[%swap3A_2689, %swap3A_2690], %swap3A_2693 {strides = array<i32>} : memref<2x96xi32, #tpu.memory_space<vmem>>, vector<1x16xi32>,
        %add3A_2694 = arith.constant 64 : i32
        %add3A_2695 = arith.addi %mul3A_2292, %add3A_2694 : i32
        %add3A_2696 = vector.broadcast %add3A_2695 : i32 to vector<16xi32>
        %add3A_2697 = arith.addi %iota3A, %add3A_2696 : vector<16xi32>
        %mul3A_2698 = arith.constant 155345 : i32
        %mul3A_2699 = vector.broadcast %mul3A_2698 : i32 to vector<16xi32>
        %mul3A_2700 = arith.muli %add3A_2697, %mul3A_2699 : vector<16xi32>
        %shift_right_arithmetic3A_2701 = arith.constant 22 : i32
        %shift_right_arithmetic3A_2702 = vector.broadcast %shift_right_arithmetic3A_2701 : i32 to vector<16xi32>
        %shift_right_arithmetic3A_2703 = arith.shrsi %mul3A_2700, %shift_right_arithmetic3A_2702 : vector<16xi32>
        %mul3A_2704 = arith.constant 27 : i32
        %mul3A_2705 = vector.broadcast %mul3A_2704 : i32 to vector<16xi32>
        %mul3A_2706 = arith.muli %shift_right_arithmetic3A_2703, %mul3A_2705 : vector<16xi32>
        %sub3A_2707 = arith.subi %add3A_2697, %mul3A_2706 : vector<16xi32>
        %sub3A_2708 = vector.broadcast %shift_right_arithmetic3A_2296 : i32 to vector<16xi32>
        %sub3A_2709 = arith.subi %shift_right_arithmetic3A_2703, %sub3A_2708 : vector<16xi32>
        %broadcast_in_dim3A_2710 = vector.shape_cast %sub3A_2709 : vector<16xi32> to vector<16x1xi32>
        %gather3A_2711 = vector.shape_cast %broadcast_in_dim3A_2710 : vector<16x1xi32> to vector<16xi32>
        %gather3A_2712 = tpu.dynamic_gather %get3A_2299[%gather3A_2711] in [0] : vector<16xi32>, vector<16xi32> -> vector<16xi32>
        %broadcast_in_dim3A_2713 = vector.shape_cast %sub3A_2709 : vector<16xi32> to vector<16x1xi32>
        %gather3A_2714 = vector.shape_cast %broadcast_in_dim3A_2713 : vector<16x1xi32> to vector<16xi32>
        %gather3A_2715 = tpu.dynamic_gather %get3A_2302[%gather3A_2714] in [0] : vector<16xi32>, vector<16xi32> -> vector<16xi32>
        %broadcast_in_dim3A_2716 = vector.shape_cast %sub3A_2709 : vector<16xi32> to vector<16x1xi32>
        %gather3A_2717 = vector.shape_cast %broadcast_in_dim3A_2716 : vector<16x1xi32> to vector<16xi32>
        %gather3A_2718 = tpu.dynamic_gather %get3A_2305[%gather3A_2717] in [0] : vector<16xi32>, vector<16xi32> -> vector<16xi32>
        %mul3A_2719 = arith.constant 57 : i32
        %mul3A_2720 = vector.broadcast %mul3A_2719 : i32 to vector<16xi32>
        %mul3A_2721 = arith.muli %sub3A_2707, %mul3A_2720 : vector<16xi32>
        %shift_right_arithmetic3A_2722 = arith.constant 9 : i32
        %shift_right_arithmetic3A_2723 = vector.broadcast %shift_right_arithmetic3A_2722 : i32 to vector<16xi32>
        %shift_right_arithmetic3A_2724 = arith.shrsi %mul3A_2721, %shift_right_arithmetic3A_2723 : vector<16xi32>
        %mul3A_2725 = arith.constant 9 : i32
        %mul3A_2726 = vector.broadcast %mul3A_2725 : i32 to vector<16xi32>
        %mul3A_2727 = arith.muli %shift_right_arithmetic3A_2724, %mul3A_2726 : vector<16xi32>
        %sub3A_2728 = arith.subi %sub3A_2707, %mul3A_2727 : vector<16xi32>
        %mul3A_2729 = arith.constant 11 : i32
        %mul3A_2730 = vector.broadcast %mul3A_2729 : i32 to vector<16xi32>
        %mul3A_2731 = arith.muli %sub3A_2728, %mul3A_2730 : vector<16xi32>
        %shift_right_arithmetic3A_2732 = arith.constant 5 : i32
        %shift_right_arithmetic3A_2733 = vector.broadcast %shift_right_arithmetic3A_2732 : i32 to vector<16xi32>
        %shift_right_arithmetic3A_2734 = arith.shrsi %mul3A_2731, %shift_right_arithmetic3A_2733 : vector<16xi32>
        %sub3A_2735 = arith.constant 1 : i32
        %sub3A_2736 = vector.broadcast %sub3A_2735 : i32 to vector<16xi32>
        %sub3A_2737 = arith.subi %shift_right_arithmetic3A_2724, %sub3A_2736 : vector<16xi32>
        %sub3A_2738 = arith.constant 1 : i32
        %sub3A_2739 = vector.broadcast %sub3A_2738 : i32 to vector<16xi32>
        %sub3A_2740 = arith.subi %shift_right_arithmetic3A_2734, %sub3A_2739 : vector<16xi32>
        %mul3A_2741 = arith.constant 3 : i32
        %mul3A_2742 = vector.broadcast %mul3A_2741 : i32 to vector<16xi32>
        %mul3A_2743 = arith.muli %shift_right_arithmetic3A_2734, %mul3A_2742 : vector<16xi32>
        %sub3A_2744 = arith.subi %sub3A_2728, %mul3A_2743 : vector<16xi32>
        %sub3A_2745 = arith.constant 1 : i32
        %sub3A_2746 = vector.broadcast %sub3A_2745 : i32 to vector<16xi32>
        %sub3A_2747 = arith.subi %sub3A_2744, %sub3A_2746 : vector<16xi32>
        %add3A_2748 = arith.addi %gather3A_2712, %sub3A_2737 : vector<16xi32>
        %add3A_2749 = arith.addi %gather3A_2715, %sub3A_2740 : vector<16xi32>
        %add3A_2750 = arith.addi %gather3A_2718, %sub3A_2747 : vector<16xi32>
        %ge3A_2751 = arith.constant 0 : i32
        %ge3A_2752 = vector.broadcast %ge3A_2751 : i32 to vector<16xi32>
        %ge3A_2753 = arith.cmpi sge, %add3A_2748, %ge3A_2752 : vector<16xi32>
        %lt3A_2754 = arith.constant 64 : i32
        %lt3A_2755 = vector.broadcast %lt3A_2754 : i32 to vector<16xi32>
        %lt3A_2756 = arith.cmpi slt, %add3A_2748, %lt3A_2755 : vector<16xi32>
        %and3A_2757 = arith.andi %ge3A_2753, %lt3A_2756 : vector<16xi1>
        %ge3A_2758 = arith.constant 0 : i32
        %ge3A_2759 = vector.broadcast %ge3A_2758 : i32 to vector<16xi32>
        %ge3A_2760 = arith.cmpi sge, %add3A_2749, %ge3A_2759 : vector<16xi32>
        %and3A_2761 = arith.andi %and3A_2757, %ge3A_2760 : vector<16xi1>
        %lt3A_2762 = arith.constant 64 : i32
        %lt3A_2763 = vector.broadcast %lt3A_2762 : i32 to vector<16xi32>
        %lt3A_2764 = arith.cmpi slt, %add3A_2749, %lt3A_2763 : vector<16xi32>
        %and3A_2765 = arith.andi %and3A_2761, %lt3A_2764 : vector<16xi1>
        %ge3A_2766 = arith.constant 0 : i32
        %ge3A_2767 = vector.broadcast %ge3A_2766 : i32 to vector<16xi32>
        %ge3A_2768 = arith.cmpi sge, %add3A_2750, %ge3A_2767 : vector<16xi32>
        %and3A_2769 = arith.andi %and3A_2765, %ge3A_2768 : vector<16xi1>
        %lt3A_2770 = arith.constant 64 : i32
        %lt3A_2771 = vector.broadcast %lt3A_2770 : i32 to vector<16xi32>
        %lt3A_2772 = arith.cmpi slt, %add3A_2750, %lt3A_2771 : vector<16xi32>
        %and3A_2773 = arith.andi %and3A_2769, %lt3A_2772 : vector<16xi1>
        %mul3A_2774 = arith.constant 4096 : i32
        %mul3A_2775 = vector.broadcast %mul3A_2774 : i32 to vector<16xi32>
        %mul3A_2776 = arith.muli %add3A_2748, %mul3A_2775 : vector<16xi32>
        %mul3A_2777 = arith.constant 64 : i32
        %mul3A_2778 = vector.broadcast %mul3A_2777 : i32 to vector<16xi32>
        %mul3A_2779 = arith.muli %add3A_2749, %mul3A_2778 : vector<16xi32>
        %add3A_2780 = arith.addi %mul3A_2776, %mul3A_2779 : vector<16xi32>
        %add3A_2781 = arith.addi %add3A_2780, %add3A_2750 : vector<16xi32>
        %jit3A_2782 = arith.constant 262144 : i32
        %broadcast_in_dim3A_2783 = vector.broadcast %jit3A_2782 : i32 to vector<16xi32>
        %select_n3A_2784 = arith.select %and3A_2773, %add3A_2781, %broadcast_in_dim3A_2783 : vector<16xi1>, vector<16xi32>
        %swap3A_2785 = arith.constant 0 : i32
        %swap3A_2786 = arith.index_cast %swap3A_2785 : i32 to index
        %swap3A_2787 = arith.constant 64 : index
        %swap3A_2788 = tpu.vector_load %arg15[%swap3A_2786, %swap3A_2787] {strides = array<i32>} : memref<2x96xi32, #tpu.memory_space<vmem>>, vector<1x16xi32>,
        %swap3A_2789 = vector.shape_cast %swap3A_2788 : vector<1x16xi32> to vector<16xi32>
        %swap3A_2790 = vector.shape_cast %select_n3A_2784 : vector<16xi32> to vector<1x16xi32>
        tpu.vector_store %arg15[%swap3A_2786, %swap3A_2787], %swap3A_2790 {strides = array<i32>} : memref<2x96xi32, #tpu.memory_space<vmem>>, vector<1x16xi32>,
        %add3A_2791 = arith.constant 80 : i32
        %add3A_2792 = arith.addi %mul3A_2292, %add3A_2791 : i32
        %add3A_2793 = vector.broadcast %add3A_2792 : i32 to vector<16xi32>
        %add3A_2794 = arith.addi %iota3A, %add3A_2793 : vector<16xi32>
        %mul3A_2795 = arith.constant 155345 : i32
        %mul3A_2796 = vector.broadcast %mul3A_2795 : i32 to vector<16xi32>
        %mul3A_2797 = arith.muli %add3A_2794, %mul3A_2796 : vector<16xi32>
        %shift_right_arithmetic3A_2798 = arith.constant 22 : i32
        %shift_right_arithmetic3A_2799 = vector.broadcast %shift_right_arithmetic3A_2798 : i32 to vector<16xi32>
        %shift_right_arithmetic3A_2800 = arith.shrsi %mul3A_2797, %shift_right_arithmetic3A_2799 : vector<16xi32>
        %mul3A_2801 = arith.constant 27 : i32
        %mul3A_2802 = vector.broadcast %mul3A_2801 : i32 to vector<16xi32>
        %mul3A_2803 = arith.muli %shift_right_arithmetic3A_2800, %mul3A_2802 : vector<16xi32>
        %sub3A_2804 = arith.subi %add3A_2794, %mul3A_2803 : vector<16xi32>
        %sub3A_2805 = vector.broadcast %shift_right_arithmetic3A_2296 : i32 to vector<16xi32>
        %sub3A_2806 = arith.subi %shift_right_arithmetic3A_2800, %sub3A_2805 : vector<16xi32>
        %broadcast_in_dim3A_2807 = vector.shape_cast %sub3A_2806 : vector<16xi32> to vector<16x1xi32>
        %gather3A_2808 = vector.shape_cast %broadcast_in_dim3A_2807 : vector<16x1xi32> to vector<16xi32>
        %gather3A_2809 = tpu.dynamic_gather %get3A_2299[%gather3A_2808] in [0] : vector<16xi32>, vector<16xi32> -> vector<16xi32>
        %broadcast_in_dim3A_2810 = vector.shape_cast %sub3A_2806 : vector<16xi32> to vector<16x1xi32>
        %gather3A_2811 = vector.shape_cast %broadcast_in_dim3A_2810 : vector<16x1xi32> to vector<16xi32>
        %gather3A_2812 = tpu.dynamic_gather %get3A_2302[%gather3A_2811] in [0] : vector<16xi32>, vector<16xi32> -> vector<16xi32>
        %broadcast_in_dim3A_2813 = vector.shape_cast %sub3A_2806 : vector<16xi32> to vector<16x1xi32>
        %gather3A_2814 = vector.shape_cast %broadcast_in_dim3A_2813 : vector<16x1xi32> to vector<16xi32>
        %gather3A_2815 = tpu.dynamic_gather %get3A_2305[%gather3A_2814] in [0] : vector<16xi32>, vector<16xi32> -> vector<16xi32>
        %mul3A_2816 = arith.constant 57 : i32
        %mul3A_2817 = vector.broadcast %mul3A_2816 : i32 to vector<16xi32>
        %mul3A_2818 = arith.muli %sub3A_2804, %mul3A_2817 : vector<16xi32>
        %shift_right_arithmetic3A_2819 = arith.constant 9 : i32
        %shift_right_arithmetic3A_2820 = vector.broadcast %shift_right_arithmetic3A_2819 : i32 to vector<16xi32>
        %shift_right_arithmetic3A_2821 = arith.shrsi %mul3A_2818, %shift_right_arithmetic3A_2820 : vector<16xi32>
        %mul3A_2822 = arith.constant 9 : i32
        %mul3A_2823 = vector.broadcast %mul3A_2822 : i32 to vector<16xi32>
        %mul3A_2824 = arith.muli %shift_right_arithmetic3A_2821, %mul3A_2823 : vector<16xi32>
        %sub3A_2825 = arith.subi %sub3A_2804, %mul3A_2824 : vector<16xi32>
        %mul3A_2826 = arith.constant 11 : i32
        %mul3A_2827 = vector.broadcast %mul3A_2826 : i32 to vector<16xi32>
        %mul3A_2828 = arith.muli %sub3A_2825, %mul3A_2827 : vector<16xi32>
        %shift_right_arithmetic3A_2829 = arith.constant 5 : i32
        %shift_right_arithmetic3A_2830 = vector.broadcast %shift_right_arithmetic3A_2829 : i32 to vector<16xi32>
        %shift_right_arithmetic3A_2831 = arith.shrsi %mul3A_2828, %shift_right_arithmetic3A_2830 : vector<16xi32>
        %sub3A_2832 = arith.constant 1 : i32
        %sub3A_2833 = vector.broadcast %sub3A_2832 : i32 to vector<16xi32>
        %sub3A_2834 = arith.subi %shift_right_arithmetic3A_2821, %sub3A_2833 : vector<16xi32>
        %sub3A_2835 = arith.constant 1 : i32
        %sub3A_2836 = vector.broadcast %sub3A_2835 : i32 to vector<16xi32>
        %sub3A_2837 = arith.subi %shift_right_arithmetic3A_2831, %sub3A_2836 : vector<16xi32>
        %mul3A_2838 = arith.constant 3 : i32
        %mul3A_2839 = vector.broadcast %mul3A_2838 : i32 to vector<16xi32>
        %mul3A_2840 = arith.muli %shift_right_arithmetic3A_2831, %mul3A_2839 : vector<16xi32>
        %sub3A_2841 = arith.subi %sub3A_2825, %mul3A_2840 : vector<16xi32>
        %sub3A_2842 = arith.constant 1 : i32
        %sub3A_2843 = vector.broadcast %sub3A_2842 : i32 to vector<16xi32>
        %sub3A_2844 = arith.subi %sub3A_2841, %sub3A_2843 : vector<16xi32>
        %add3A_2845 = arith.addi %gather3A_2809, %sub3A_2834 : vector<16xi32>
        %add3A_2846 = arith.addi %gather3A_2812, %sub3A_2837 : vector<16xi32>
        %add3A_2847 = arith.addi %gather3A_2815, %sub3A_2844 : vector<16xi32>
        %ge3A_2848 = arith.constant 0 : i32
        %ge3A_2849 = vector.broadcast %ge3A_2848 : i32 to vector<16xi32>
        %ge3A_2850 = arith.cmpi sge, %add3A_2845, %ge3A_2849 : vector<16xi32>
        %lt3A_2851 = arith.constant 64 : i32
        %lt3A_2852 = vector.broadcast %lt3A_2851 : i32 to vector<16xi32>
        %lt3A_2853 = arith.cmpi slt, %add3A_2845, %lt3A_2852 : vector<16xi32>
        %and3A_2854 = arith.andi %ge3A_2850, %lt3A_2853 : vector<16xi1>
        %ge3A_2855 = arith.constant 0 : i32
        %ge3A_2856 = vector.broadcast %ge3A_2855 : i32 to vector<16xi32>
        %ge3A_2857 = arith.cmpi sge, %add3A_2846, %ge3A_2856 : vector<16xi32>
        %and3A_2858 = arith.andi %and3A_2854, %ge3A_2857 : vector<16xi1>
        %lt3A_2859 = arith.constant 64 : i32
        %lt3A_2860 = vector.broadcast %lt3A_2859 : i32 to vector<16xi32>
        %lt3A_2861 = arith.cmpi slt, %add3A_2846, %lt3A_2860 : vector<16xi32>
        %and3A_2862 = arith.andi %and3A_2858, %lt3A_2861 : vector<16xi1>
        %ge3A_2863 = arith.constant 0 : i32
        %ge3A_2864 = vector.broadcast %ge3A_2863 : i32 to vector<16xi32>
        %ge3A_2865 = arith.cmpi sge, %add3A_2847, %ge3A_2864 : vector<16xi32>
        %and3A_2866 = arith.andi %and3A_2862, %ge3A_2865 : vector<16xi1>
        %lt3A_2867 = arith.constant 64 : i32
        %lt3A_2868 = vector.broadcast %lt3A_2867 : i32 to vector<16xi32>
        %lt3A_2869 = arith.cmpi slt, %add3A_2847, %lt3A_2868 : vector<16xi32>
        %and3A_2870 = arith.andi %and3A_2866, %lt3A_2869 : vector<16xi1>
        %mul3A_2871 = arith.constant 4096 : i32
        %mul3A_2872 = vector.broadcast %mul3A_2871 : i32 to vector<16xi32>
        %mul3A_2873 = arith.muli %add3A_2845, %mul3A_2872 : vector<16xi32>
        %mul3A_2874 = arith.constant 64 : i32
        %mul3A_2875 = vector.broadcast %mul3A_2874 : i32 to vector<16xi32>
        %mul3A_2876 = arith.muli %add3A_2846, %mul3A_2875 : vector<16xi32>
        %add3A_2877 = arith.addi %mul3A_2873, %mul3A_2876 : vector<16xi32>
        %add3A_2878 = arith.addi %add3A_2877, %add3A_2847 : vector<16xi32>
        %jit3A_2879 = arith.constant 262144 : i32
        %broadcast_in_dim3A_2880 = vector.broadcast %jit3A_2879 : i32 to vector<16xi32>
        %select_n3A_2881 = arith.select %and3A_2870, %add3A_2878, %broadcast_in_dim3A_2880 : vector<16xi1>, vector<16xi32>
        %swap3A_2882 = arith.constant 0 : i32
        %swap3A_2883 = arith.index_cast %swap3A_2882 : i32 to index
        %swap3A_2884 = arith.constant 80 : index
        %swap3A_2885 = tpu.vector_load %arg15[%swap3A_2883, %swap3A_2884] {strides = array<i32>} : memref<2x96xi32, #tpu.memory_space<vmem>>, vector<1x16xi32>,
        %swap3A_2886 = vector.shape_cast %swap3A_2885 : vector<1x16xi32> to vector<16xi32>
        %swap3A_2887 = vector.shape_cast %select_n3A_2881 : vector<16xi32> to vector<1x16xi32>
        tpu.vector_store %arg15[%swap3A_2883, %swap3A_2884], %swap3A_2887 {strides = array<i32>} : memref<2x96xi32, #tpu.memory_space<vmem>>, vector<1x16xi32>,
        %dma_start3A_2888 = arith.constant 0 : i32
        %dma_start3A_2889 = arith.constant 0 : i32
        %dma_start3A_2890 = arith.constant 0 : i32
        %dma_start3A_2891 = arith.constant 0 : i32
        %dma_start3A_2892 = tpu.memref_slice %arg16[%dma_start3A_2889, %dma_start3A_2891] : memref<2x96xi32, #tpu.memory_space<vmem>> -> memref<1x96xi32, #tpu.memory_space<vmem>>
        %dma_start3A_2893 = tpu.memref_squeeze %dma_start3A_2892 : memref<1x96xi32, #tpu.memory_space<vmem>> -> memref<96xi32, #tpu.memory_space<vmem>>
        %dma_start3A_2894 = arith.constant 0 : i32
        %dma_start3A_2895 = tpu.memref_slice %arg15[%dma_start3A_2888, %dma_start3A_2894] : memref<2x96xi32, #tpu.memory_space<vmem>> -> memref<1x96xi32, #tpu.memory_space<vmem>>
        %dma_start3A_2896 = tpu.memref_squeeze %dma_start3A_2895 : memref<1x96xi32, #tpu.memory_space<vmem>> -> memref<96xi32, #tpu.memory_space<vmem>>
        %dma_start3A_2897 = arith.constant 0 : i32
        %dma_start3A_2898 = tpu.memref_slice %arg20[%dma_start3A_2897] : memref<262272xi32, #tpu.memory_space<vmem_shared>> -> memref<262272xi32, #tpu.memory_space<vmem_shared>>
        %dma_start3A_2899 = tpu.memref_slice %arg23[%dma_start3A_2890] : memref<2x!tpu.dma_semaphore, #tpu.memory_space<semaphore_mem>> -> memref<1x!tpu.dma_semaphore, #tpu.memory_space<semaphore_mem>>
        %dma_start3A_2900 = tpu.memref_squeeze %dma_start3A_2899 : memref<1x!tpu.dma_semaphore, #tpu.memory_space<semaphore_mem>> -> memref<!tpu.dma_semaphore, #tpu.memory_space<semaphore_mem>>
        tpu.enqueue_indirect_dma source(%dma_start3A_2898 : memref<262272xi32, #tpu.memory_space<vmem_shared>>) target(%dma_start3A_2893 : memref<96xi32, #tpu.memory_space<vmem>>) offsets(%dma_start3A_2896 : memref<96xi32, #tpu.memory_space<vmem>>) semaphore(%dma_start3A_2900 : memref<!tpu.dma_semaphore, #tpu.memory_space<semaphore_mem>>)
      } else {
      }
      %dma_wait3A_2050 = arith.constant 1 : i32
      %dma_wait3A_2051 = arith.constant 1 : i32
      %dma_wait3A_2052 = arith.constant 1 : i32
      %dma_wait3A_2053 = arith.constant 0 : i32
      %dma_wait3A_2054 = tpu.memref_slice %arg16[%dma_wait3A_2051, %dma_wait3A_2053] : memref<2x96xi32, #tpu.memory_space<vmem>> -> memref<1x96xi32, #tpu.memory_space<vmem>>
      %dma_wait3A_2055 = tpu.memref_squeeze %dma_wait3A_2054 : memref<1x96xi32, #tpu.memory_space<vmem>> -> memref<96xi32, #tpu.memory_space<vmem>>
      %dma_wait3A_2056 = arith.constant 0 : i32
      %dma_wait3A_2057 = tpu.memref_slice %arg15[%dma_wait3A_2050, %dma_wait3A_2056] : memref<2x96xi32, #tpu.memory_space<vmem>> -> memref<1x96xi32, #tpu.memory_space<vmem>>
      %dma_wait3A_2058 = tpu.memref_squeeze %dma_wait3A_2057 : memref<1x96xi32, #tpu.memory_space<vmem>> -> memref<96xi32, #tpu.memory_space<vmem>>
      %dma_wait3A_2059 = arith.constant 0 : i32
      %dma_wait3A_2060 = tpu.memref_slice %arg20[%dma_wait3A_2059] : memref<262272xi32, #tpu.memory_space<vmem_shared>> -> memref<262272xi32, #tpu.memory_space<vmem_shared>>
      %dma_wait3A_2061 = tpu.memref_slice %arg23[%dma_wait3A_2052] : memref<2x!tpu.dma_semaphore, #tpu.memory_space<semaphore_mem>> -> memref<1x!tpu.dma_semaphore, #tpu.memory_space<semaphore_mem>>
      %dma_wait3A_2062 = tpu.memref_squeeze %dma_wait3A_2061 : memref<1x!tpu.dma_semaphore, #tpu.memory_space<semaphore_mem>> -> memref<!tpu.dma_semaphore, #tpu.memory_space<semaphore_mem>>
      tpu.wait_indirect_dma semaphore(%dma_wait3A_2062 : memref<!tpu.dma_semaphore, #tpu.memory_space<semaphore_mem>>) src(%dma_wait3A_2060 : memref<262272xi32, #tpu.memory_space<vmem_shared>>) dst(%dma_wait3A_2055 : memref<96xi32, #tpu.memory_space<vmem>>)
      %get3A_2063 = arith.constant 1 : i32
      %get3A_2064 = arith.index_cast %get3A_2063 : i32 to index
      %get3A_2065 = arith.constant 0 : index
      %get3A_2066 = tpu.vector_load %arg16[%get3A_2064, %get3A_2065] {strides = array<i32>} : memref<2x96xi32, #tpu.memory_space<vmem>>, vector<1x16xi32>,
      %get3A_2067 = vector.shape_cast %get3A_2066 : vector<1x16xi32> to vector<16xi32>
      %ge3A_2068 = arith.constant 0 : i32
      %ge3A_2069 = vector.broadcast %ge3A_2068 : i32 to vector<16xi32>
      %ge3A_2070 = arith.cmpi sge, %get3A_2067, %ge3A_2069 : vector<16xi32>
      %jit3A_2071 = arith.constant 10000 : i32
      %broadcast_in_dim3A_2072 = vector.broadcast %jit3A_2071 : i32 to vector<16xi32>
      %select_n3A_2073 = arith.select %ge3A_2070, %get3A_2067, %broadcast_in_dim3A_2072 : vector<16xi1>, vector<16xi32>
      %swap3A_2074 = arith.constant 1 : i32
      %swap3A_2075 = arith.index_cast %swap3A_2074 : i32 to index
      %swap3A_2076 = arith.constant 0 : index
      %swap3A_2077 = tpu.vector_load %arg17[%swap3A_2075, %swap3A_2076] {strides = array<i32>} : memref<2x96xi32, #tpu.memory_space<vmem>>, vector<1x16xi32>,
      %swap3A_2078 = vector.shape_cast %swap3A_2077 : vector<1x16xi32> to vector<16xi32>
      %swap3A_2079 = vector.shape_cast %select_n3A_2073 : vector<16xi32> to vector<1x16xi32>
      tpu.vector_store %arg17[%swap3A_2075, %swap3A_2076], %swap3A_2079 {strides = array<i32>} : memref<2x96xi32, #tpu.memory_space<vmem>>, vector<1x16xi32>,
      %get3A_2080 = arith.constant 1 : i32
      %get3A_2081 = arith.index_cast %get3A_2080 : i32 to index
      %get3A_2082 = arith.constant 16 : index
      %get3A_2083 = tpu.vector_load %arg16[%get3A_2081, %get3A_2082] {strides = array<i32>} : memref<2x96xi32, #tpu.memory_space<vmem>>, vector<1x16xi32>,
      %get3A_2084 = vector.shape_cast %get3A_2083 : vector<1x16xi32> to vector<16xi32>
      %ge3A_2085 = arith.constant 0 : i32
      %ge3A_2086 = vector.broadcast %ge3A_2085 : i32 to vector<16xi32>
      %ge3A_2087 = arith.cmpi sge, %get3A_2084, %ge3A_2086 : vector<16xi32>
      %jit3A_2088 = arith.constant 10000 : i32
      %broadcast_in_dim3A_2089 = vector.broadcast %jit3A_2088 : i32 to vector<16xi32>
      %select_n3A_2090 = arith.select %ge3A_2087, %get3A_2084, %broadcast_in_dim3A_2089 : vector<16xi1>, vector<16xi32>
      %swap3A_2091 = arith.constant 1 : i32
      %swap3A_2092 = arith.index_cast %swap3A_2091 : i32 to index
      %swap3A_2093 = arith.constant 16 : index
      %swap3A_2094 = tpu.vector_load %arg17[%swap3A_2092, %swap3A_2093] {strides = array<i32>} : memref<2x96xi32, #tpu.memory_space<vmem>>, vector<1x16xi32>,
      %swap3A_2095 = vector.shape_cast %swap3A_2094 : vector<1x16xi32> to vector<16xi32>
      %swap3A_2096 = vector.shape_cast %select_n3A_2090 : vector<16xi32> to vector<1x16xi32>
      tpu.vector_store %arg17[%swap3A_2092, %swap3A_2093], %swap3A_2096 {strides = array<i32>} : memref<2x96xi32, #tpu.memory_space<vmem>>, vector<1x16xi32>,
      %get3A_2097 = arith.constant 1 : i32
      %get3A_2098 = arith.index_cast %get3A_2097 : i32 to index
      %get3A_2099 = arith.constant 32 : index
      %get3A_2100 = tpu.vector_load %arg16[%get3A_2098, %get3A_2099] {strides = array<i32>} : memref<2x96xi32, #tpu.memory_space<vmem>>, vector<1x16xi32>,
      %get3A_2101 = vector.shape_cast %get3A_2100 : vector<1x16xi32> to vector<16xi32>
      %ge3A_2102 = arith.constant 0 : i32
      %ge3A_2103 = vector.broadcast %ge3A_2102 : i32 to vector<16xi32>
      %ge3A_2104 = arith.cmpi sge, %get3A_2101, %ge3A_2103 : vector<16xi32>
      %jit3A_2105 = arith.constant 10000 : i32
      %broadcast_in_dim3A_2106 = vector.broadcast %jit3A_2105 : i32 to vector<16xi32>
      %select_n3A_2107 = arith.select %ge3A_2104, %get3A_2101, %broadcast_in_dim3A_2106 : vector<16xi1>, vector<16xi32>
      %swap3A_2108 = arith.constant 1 : i32
      %swap3A_2109 = arith.index_cast %swap3A_2108 : i32 to index
      %swap3A_2110 = arith.constant 32 : index
      %swap3A_2111 = tpu.vector_load %arg17[%swap3A_2109, %swap3A_2110] {strides = array<i32>} : memref<2x96xi32, #tpu.memory_space<vmem>>, vector<1x16xi32>,
      %swap3A_2112 = vector.shape_cast %swap3A_2111 : vector<1x16xi32> to vector<16xi32>
      %swap3A_2113 = vector.shape_cast %select_n3A_2107 : vector<16xi32> to vector<1x16xi32>
      tpu.vector_store %arg17[%swap3A_2109, %swap3A_2110], %swap3A_2113 {strides = array<i32>} : memref<2x96xi32, #tpu.memory_space<vmem>>, vector<1x16xi32>,
      %get3A_2114 = arith.constant 1 : i32
      %get3A_2115 = arith.index_cast %get3A_2114 : i32 to index
      %get3A_2116 = arith.constant 48 : index
      %get3A_2117 = tpu.vector_load %arg16[%get3A_2115, %get3A_2116] {strides = array<i32>} : memref<2x96xi32, #tpu.memory_space<vmem>>, vector<1x16xi32>,
      %get3A_2118 = vector.shape_cast %get3A_2117 : vector<1x16xi32> to vector<16xi32>
      %ge3A_2119 = arith.constant 0 : i32
      %ge3A_2120 = vector.broadcast %ge3A_2119 : i32 to vector<16xi32>
      %ge3A_2121 = arith.cmpi sge, %get3A_2118, %ge3A_2120 : vector<16xi32>
      %jit3A_2122 = arith.constant 10000 : i32
      %broadcast_in_dim3A_2123 = vector.broadcast %jit3A_2122 : i32 to vector<16xi32>
      %select_n3A_2124 = arith.select %ge3A_2121, %get3A_2118, %broadcast_in_dim3A_2123 : vector<16xi1>, vector<16xi32>
      %swap3A_2125 = arith.constant 1 : i32
      %swap3A_2126 = arith.index_cast %swap3A_2125 : i32 to index
      %swap3A_2127 = arith.constant 48 : index
      %swap3A_2128 = tpu.vector_load %arg17[%swap3A_2126, %swap3A_2127] {strides = array<i32>} : memref<2x96xi32, #tpu.memory_space<vmem>>, vector<1x16xi32>,
      %swap3A_2129 = vector.shape_cast %swap3A_2128 : vector<1x16xi32> to vector<16xi32>
      %swap3A_2130 = vector.shape_cast %select_n3A_2124 : vector<16xi32> to vector<1x16xi32>
      tpu.vector_store %arg17[%swap3A_2126, %swap3A_2127], %swap3A_2130 {strides = array<i32>} : memref<2x96xi32, #tpu.memory_space<vmem>>, vector<1x16xi32>,
      %get3A_2131 = arith.constant 1 : i32
      %get3A_2132 = arith.index_cast %get3A_2131 : i32 to index
      %get3A_2133 = arith.constant 64 : index
      %get3A_2134 = tpu.vector_load %arg16[%get3A_2132, %get3A_2133] {strides = array<i32>} : memref<2x96xi32, #tpu.memory_space<vmem>>, vector<1x16xi32>,
      %get3A_2135 = vector.shape_cast %get3A_2134 : vector<1x16xi32> to vector<16xi32>
      %ge3A_2136 = arith.constant 0 : i32
      %ge3A_2137 = vector.broadcast %ge3A_2136 : i32 to vector<16xi32>
      %ge3A_2138 = arith.cmpi sge, %get3A_2135, %ge3A_2137 : vector<16xi32>
      %jit3A_2139 = arith.constant 10000 : i32
      %broadcast_in_dim3A_2140 = vector.broadcast %jit3A_2139 : i32 to vector<16xi32>
      %select_n3A_2141 = arith.select %ge3A_2138, %get3A_2135, %broadcast_in_dim3A_2140 : vector<16xi1>, vector<16xi32>
      %swap3A_2142 = arith.constant 1 : i32
      %swap3A_2143 = arith.index_cast %swap3A_2142 : i32 to index
      %swap3A_2144 = arith.constant 64 : index
      %swap3A_2145 = tpu.vector_load %arg17[%swap3A_2143, %swap3A_2144] {strides = array<i32>} : memref<2x96xi32, #tpu.memory_space<vmem>>, vector<1x16xi32>,
      %swap3A_2146 = vector.shape_cast %swap3A_2145 : vector<1x16xi32> to vector<16xi32>
      %swap3A_2147 = vector.shape_cast %select_n3A_2141 : vector<16xi32> to vector<1x16xi32>
      tpu.vector_store %arg17[%swap3A_2143, %swap3A_2144], %swap3A_2147 {strides = array<i32>} : memref<2x96xi32, #tpu.memory_space<vmem>>, vector<1x16xi32>,
      %get3A_2148 = arith.constant 1 : i32
      %get3A_2149 = arith.index_cast %get3A_2148 : i32 to index
      %get3A_2150 = arith.constant 80 : index
      %get3A_2151 = tpu.vector_load %arg16[%get3A_2149, %get3A_2150] {strides = array<i32>} : memref<2x96xi32, #tpu.memory_space<vmem>>, vector<1x16xi32>,
      %get3A_2152 = vector.shape_cast %get3A_2151 : vector<1x16xi32> to vector<16xi32>
      %ge3A_2153 = arith.constant 0 : i32
      %ge3A_2154 = vector.broadcast %ge3A_2153 : i32 to vector<16xi32>
      %ge3A_2155 = arith.cmpi sge, %get3A_2152, %ge3A_2154 : vector<16xi32>
      %jit3A_2156 = arith.constant 10000 : i32
      %broadcast_in_dim3A_2157 = vector.broadcast %jit3A_2156 : i32 to vector<16xi32>
      %select_n3A_2158 = arith.select %ge3A_2155, %get3A_2152, %broadcast_in_dim3A_2157 : vector<16xi1>, vector<16xi32>
      %swap3A_2159 = arith.constant 1 : i32
      %swap3A_2160 = arith.index_cast %swap3A_2159 : i32 to index
      %swap3A_2161 = arith.constant 80 : index
      %swap3A_2162 = tpu.vector_load %arg17[%swap3A_2160, %swap3A_2161] {strides = array<i32>} : memref<2x96xi32, #tpu.memory_space<vmem>>, vector<1x16xi32>,
      %swap3A_2163 = vector.shape_cast %swap3A_2162 : vector<1x16xi32> to vector<16xi32>
      %swap3A_2164 = vector.shape_cast %select_n3A_2158 : vector<16xi32> to vector<1x16xi32>
      tpu.vector_store %arg17[%swap3A_2160, %swap3A_2161], %swap3A_2164 {strides = array<i32>} : memref<2x96xi32, #tpu.memory_space<vmem>>, vector<1x16xi32>,
      %gt3A = arith.constant 0 : i32
      %gt3A_2165 = arith.cmpi sgt, %scan3A_2038, %gt3A : i32
      %convert_element_type3A_2166 = arith.extui %gt3A_2165 : i1 to i32
      %cond3A_2167 = arith.constant 0 : i32
      %cond3A_2168 = arith.cmpi ne, %convert_element_type3A_2166, %cond3A_2167 : i32
      scf.if %cond3A_2168 {
        %dma_wait3A_2289 = arith.constant 1 : i32
        %dma_wait3A_2290 = arith.constant 1 : i32
        %dma_wait3A_2291 = arith.constant 0 : i32
        %dma_wait3A_2292 = arith.constant 0 : i32
        %dma_wait3A_2293 = tpu.memref_slice %arg18[%dma_wait3A_2289, %dma_wait3A_2291, %dma_wait3A_2292] : memref<2x96x128xf32, #tpu.memory_space<vmem>> -> memref<1x96x128xf32, #tpu.memory_space<vmem>>
        %dma_wait3A_2294 = tpu.memref_squeeze %dma_wait3A_2293 : memref<1x96x128xf32, #tpu.memory_space<vmem>> -> memref<96x128xf32, #tpu.memory_space<vmem>>
        %dma_wait3A_2295 = arith.constant 0 : i32
        %dma_wait3A_2296 = tpu.memref_slice %arg8[%mul3A_22, %dma_wait3A_2295] : memref<276480x128xf32, #tpu.memory_space<hbm>> -> memref<96x128xf32, #tpu.memory_space<hbm>>
        %dma_wait3A_2297 = tpu.memref_slice %arg25[%dma_wait3A_2290] : memref<2x!tpu.dma_semaphore, #tpu.memory_space<semaphore_mem>> -> memref<1x!tpu.dma_semaphore, #tpu.memory_space<semaphore_mem>>
        %dma_wait3A_2298 = tpu.memref_squeeze %dma_wait3A_2297 : memref<1x!tpu.dma_semaphore, #tpu.memory_space<semaphore_mem>> -> memref<!tpu.dma_semaphore, #tpu.memory_space<semaphore_mem>>
        %dma_wait3A_2299 = arith.constant 0 : i32
        %dma_wait3A_2300 = tpu.memref_slice %arg8[%mul3A_22, %dma_wait3A_2299] : memref<276480x128xf32, #tpu.memory_space<hbm>> -> memref<96x128xf32, #tpu.memory_space<hbm>>
        %dma_wait3A_2301 = arith.constant 0 : i32
        %dma_wait3A_2302 = arith.constant 0 : i32
        %dma_wait3A_2303 = tpu.memref_slice %arg18[%dma_wait3A_2289, %dma_wait3A_2301, %dma_wait3A_2302] : memref<2x96x128xf32, #tpu.memory_space<vmem>> -> memref<1x96x128xf32, #tpu.memory_space<vmem>>
        %dma_wait3A_2304 = tpu.memref_squeeze %dma_wait3A_2303 : memref<1x96x128xf32, #tpu.memory_space<vmem>> -> memref<96x128xf32, #tpu.memory_space<vmem>>
        tpu.wait_dma2 semaphore(%dma_wait3A_2298 : memref<!tpu.dma_semaphore, #tpu.memory_space<semaphore_mem>>) src(%dma_wait3A_2304 : memref<96x128xf32, #tpu.memory_space<vmem>>) dst(%dma_wait3A_2300 : memref<96x128xf32, #tpu.memory_space<hbm>>)
      } else {
      }
      %dma_wait3A_2169 = arith.constant 0 : i32
      %dma_wait3A_2170 = arith.constant 0 : i32
      %dma_wait3A_2171 = arith.constant 0 : i32
      %dma_wait3A_2172 = arith.constant 0 : i32
      %dma_wait3A_2173 = arith.constant 0 : i32
      %dma_wait3A_2174 = tpu.memref_slice %arg18[%dma_wait3A_2170, %dma_wait3A_2172, %dma_wait3A_2173] : memref<2x96x128xf32, #tpu.memory_space<vmem>> -> memref<1x96x128xf32, #tpu.memory_space<vmem>>
      %dma_wait3A_2175 = tpu.memref_squeeze %dma_wait3A_2174 : memref<1x96x128xf32, #tpu.memory_space<vmem>> -> memref<96x128xf32, #tpu.memory_space<vmem>>
      %dma_wait3A_2176 = arith.constant 0 : i32
      %dma_wait3A_2177 = tpu.memref_slice %arg17[%dma_wait3A_2169, %dma_wait3A_2176] : memref<2x96xi32, #tpu.memory_space<vmem>> -> memref<1x96xi32, #tpu.memory_space<vmem>>
      %dma_wait3A_2178 = tpu.memref_squeeze %dma_wait3A_2177 : memref<1x96xi32, #tpu.memory_space<vmem>> -> memref<96xi32, #tpu.memory_space<vmem>>
      %dma_wait3A_2179 = arith.constant 0 : i32
      %dma_wait3A_2180 = arith.constant 0 : i32
      %dma_wait3A_2181 = tpu.memref_slice %arg19[%dma_wait3A_2179, %dma_wait3A_2180] : memref<10112x128xf32, #tpu.memory_space<vmem_shared>> -> memref<10112x128xf32, #tpu.memory_space<vmem_shared>>
      %dma_wait3A_2182 = tpu.memref_slice %arg24[%dma_wait3A_2171] : memref<2x!tpu.dma_semaphore, #tpu.memory_space<semaphore_mem>> -> memref<1x!tpu.dma_semaphore, #tpu.memory_space<semaphore_mem>>
      %dma_wait3A_2183 = tpu.memref_squeeze %dma_wait3A_2182 : memref<1x!tpu.dma_semaphore, #tpu.memory_space<semaphore_mem>> -> memref<!tpu.dma_semaphore, #tpu.memory_space<semaphore_mem>>
      tpu.wait_indirect_dma semaphore(%dma_wait3A_2183 : memref<!tpu.dma_semaphore, #tpu.memory_space<semaphore_mem>>) src(%dma_wait3A_2181 : memref<10112x128xf32, #tpu.memory_space<vmem_shared>>) dst(%dma_wait3A_2175 : memref<96x128xf32, #tpu.memory_space<vmem>>)
      %mul3A_2184 = arith.constant 96 : i32
      %mul3A_2185 = arith.muli %mul3A_2040, %mul3A_2184 : i32
      %add3A_2186 = arith.addi %mul3A_22, %mul3A_2185 : i32
      %dma_start3A_2187 = arith.constant 0 : i32
      %dma_start3A_2188 = arith.constant 0 : i32
      %dma_start3A_2189 = arith.constant 0 : i32
      %dma_start3A_2190 = arith.constant 0 : i32
      %dma_start3A_2191 = tpu.memref_slice %arg18[%dma_start3A_2187, %dma_start3A_2189, %dma_start3A_2190] : memref<2x96x128xf32, #tpu.memory_space<vmem>> -> memref<1x96x128xf32, #tpu.memory_space<vmem>>
      %dma_start3A_2192 = tpu.memref_squeeze %dma_start3A_2191 : memref<1x96x128xf32, #tpu.memory_space<vmem>> -> memref<96x128xf32, #tpu.memory_space<vmem>>
      %dma_start3A_2193 = arith.constant 0 : i32
      %dma_start3A_2194 = tpu.memref_slice %arg8[%add3A_2186, %dma_start3A_2193] : memref<276480x128xf32, #tpu.memory_space<hbm>> -> memref<96x128xf32, #tpu.memory_space<hbm>>
      %dma_start3A_2195 = tpu.memref_slice %arg25[%dma_start3A_2188] : memref<2x!tpu.dma_semaphore, #tpu.memory_space<semaphore_mem>> -> memref<1x!tpu.dma_semaphore, #tpu.memory_space<semaphore_mem>>
      %dma_start3A_2196 = tpu.memref_squeeze %dma_start3A_2195 : memref<1x!tpu.dma_semaphore, #tpu.memory_space<semaphore_mem>> -> memref<!tpu.dma_semaphore, #tpu.memory_space<semaphore_mem>>
      %dma_start3A_2197 = arith.constant 0 : i32
      %dma_start3A_2198 = tpu.memref_slice %arg8[%add3A_2186, %dma_start3A_2197] : memref<276480x128xf32, #tpu.memory_space<hbm>> -> memref<96x128xf32, #tpu.memory_space<hbm>>
      %dma_start3A_2199 = arith.constant 0 : i32
      %dma_start3A_2200 = arith.constant 0 : i32
      %dma_start3A_2201 = tpu.memref_slice %arg18[%dma_start3A_2187, %dma_start3A_2199, %dma_start3A_2200] : memref<2x96x128xf32, #tpu.memory_space<vmem>> -> memref<1x96x128xf32, #tpu.memory_space<vmem>>
      %dma_start3A_2202 = tpu.memref_squeeze %dma_start3A_2201 : memref<1x96x128xf32, #tpu.memory_space<vmem>> -> memref<96x128xf32, #tpu.memory_space<vmem>>
      tpu.enqueue_dma source(%dma_start3A_2202 : memref<96x128xf32, #tpu.memory_space<vmem>>) target(%dma_start3A_2198 : memref<96x128xf32, #tpu.memory_space<hbm>>) target_semaphore(%dma_start3A_2196 : memref<!tpu.dma_semaphore, #tpu.memory_space<semaphore_mem>>)
      %dma_start3A_2203 = arith.constant 1 : i32
      %dma_start3A_2204 = arith.constant 1 : i32
      %dma_start3A_2205 = arith.constant 1 : i32
      %dma_start3A_2206 = arith.constant 0 : i32
      %dma_start3A_2207 = arith.constant 0 : i32
      %dma_start3A_2208 = tpu.memref_slice %arg18[%dma_start3A_2204, %dma_start3A_2206, %dma_start3A_2207] : memref<2x96x128xf32, #tpu.memory_space<vmem>> -> memref<1x96x128xf32, #tpu.memory_space<vmem>>
      %dma_start3A_2209 = tpu.memref_squeeze %dma_start3A_2208 : memref<1x96x128xf32, #tpu.memory_space<vmem>> -> memref<96x128xf32, #tpu.memory_space<vmem>>
      %dma_start3A_2210 = arith.constant 0 : i32
      %dma_start3A_2211 = tpu.memref_slice %arg17[%dma_start3A_2203, %dma_start3A_2210] : memref<2x96xi32, #tpu.memory_space<vmem>> -> memref<1x96xi32, #tpu.memory_space<vmem>>
      %dma_start3A_2212 = tpu.memref_squeeze %dma_start3A_2211 : memref<1x96xi32, #tpu.memory_space<vmem>> -> memref<96xi32, #tpu.memory_space<vmem>>
      %dma_start3A_2213 = arith.constant 0 : i32
      %dma_start3A_2214 = arith.constant 0 : i32
      %dma_start3A_2215 = tpu.memref_slice %arg19[%dma_start3A_2213, %dma_start3A_2214] : memref<10112x128xf32, #tpu.memory_space<vmem_shared>> -> memref<10112x128xf32, #tpu.memory_space<vmem_shared>>
      %dma_start3A_2216 = tpu.memref_slice %arg24[%dma_start3A_2205] : memref<2x!tpu.dma_semaphore, #tpu.memory_space<semaphore_mem>> -> memref<1x!tpu.dma_semaphore, #tpu.memory_space<semaphore_mem>>
      %dma_start3A_2217 = tpu.memref_squeeze %dma_start3A_2216 : memref<1x!tpu.dma_semaphore, #tpu.memory_space<semaphore_mem>> -> memref<!tpu.dma_semaphore, #tpu.memory_space<semaphore_mem>>
      tpu.enqueue_indirect_dma source(%dma_start3A_2215 : memref<10112x128xf32, #tpu.memory_space<vmem_shared>>) target(%dma_start3A_2209 : memref<96x128xf32, #tpu.memory_space<vmem>>) offsets(%dma_start3A_2212 : memref<96xi32, #tpu.memory_space<vmem>>) semaphore(%dma_start3A_2217 : memref<!tpu.dma_semaphore, #tpu.memory_space<semaphore_mem>>)
      %add3A_2218 = arith.constant 2 : i32
      %add3A_2219 = arith.addi %add3A_2042, %add3A_2218 : i32
      %lt3A_2220 = arith.constant 90 : i32
      %lt3A_2221 = arith.cmpi slt, %add3A_2219, %lt3A_2220 : i32
      %convert_element_type3A_2222 = arith.extui %lt3A_2221 : i1 to i32
      %cond3A_2223 = arith.constant 0 : i32
      %cond3A_2224 = arith.cmpi ne, %convert_element_type3A_2222, %cond3A_2223 : i32
      scf.if %cond3A_2224 {
        %add3A_2289 = arith.constant 2 : i32
        %add3A_2290 = arith.addi %add3A_2042, %add3A_2289 : i32
        %mul3A_2291 = arith.constant 96 : i32
        %mul3A_2292 = arith.muli %add3A_2290, %mul3A_2291 : i32
        %mul3A_2293 = arith.constant 155345 : i32
        %mul3A_2294 = arith.muli %mul3A_2292, %mul3A_2293 : i32
        %shift_right_arithmetic3A_2295 = arith.constant 22 : i32
        %shift_right_arithmetic3A_2296 = arith.shrsi %mul3A_2294, %shift_right_arithmetic3A_2295 : i32
        %get3A_2297 = arith.index_cast %shift_right_arithmetic3A_2296 : i32 to index
        %get3A_2298 = tpu.vector_load %arg9[%get3A_2297] {strides = array<i32>} : memref<384xi32, #tpu.memory_space<vmem>>, vector<16xi32>,
        %get3A_2299 = vector.shape_cast %get3A_2298 : vector<16xi32> to vector<16xi32>
        %get3A_2300 = arith.index_cast %shift_right_arithmetic3A_2296 : i32 to index
        %get3A_2301 = tpu.vector_load %arg10[%get3A_2300] {strides = array<i32>} : memref<384xi32, #tpu.memory_space<vmem>>, vector<16xi32>,
        %get3A_2302 = vector.shape_cast %get3A_2301 : vector<16xi32> to vector<16xi32>
        %get3A_2303 = arith.index_cast %shift_right_arithmetic3A_2296 : i32 to index
        %get3A_2304 = tpu.vector_load %arg11[%get3A_2303] {strides = array<i32>} : memref<384xi32, #tpu.memory_space<vmem>>, vector<16xi32>,
        %get3A_2305 = vector.shape_cast %get3A_2304 : vector<16xi32> to vector<16xi32>
        %add3A_2306 = arith.constant 0 : i32
        %add3A_2307 = arith.addi %mul3A_2292, %add3A_2306 : i32
        %add3A_2308 = vector.broadcast %add3A_2307 : i32 to vector<16xi32>
        %add3A_2309 = arith.addi %iota3A, %add3A_2308 : vector<16xi32>
        %mul3A_2310 = arith.constant 155345 : i32
        %mul3A_2311 = vector.broadcast %mul3A_2310 : i32 to vector<16xi32>
        %mul3A_2312 = arith.muli %add3A_2309, %mul3A_2311 : vector<16xi32>
        %shift_right_arithmetic3A_2313 = arith.constant 22 : i32
        %shift_right_arithmetic3A_2314 = vector.broadcast %shift_right_arithmetic3A_2313 : i32 to vector<16xi32>
        %shift_right_arithmetic3A_2315 = arith.shrsi %mul3A_2312, %shift_right_arithmetic3A_2314 : vector<16xi32>
        %mul3A_2316 = arith.constant 27 : i32
        %mul3A_2317 = vector.broadcast %mul3A_2316 : i32 to vector<16xi32>
        %mul3A_2318 = arith.muli %shift_right_arithmetic3A_2315, %mul3A_2317 : vector<16xi32>
        %sub3A_2319 = arith.subi %add3A_2309, %mul3A_2318 : vector<16xi32>
        %sub3A_2320 = vector.broadcast %shift_right_arithmetic3A_2296 : i32 to vector<16xi32>
        %sub3A_2321 = arith.subi %shift_right_arithmetic3A_2315, %sub3A_2320 : vector<16xi32>
        %broadcast_in_dim3A_2322 = vector.shape_cast %sub3A_2321 : vector<16xi32> to vector<16x1xi32>
        %gather3A_2323 = vector.shape_cast %broadcast_in_dim3A_2322 : vector<16x1xi32> to vector<16xi32>
        %gather3A_2324 = tpu.dynamic_gather %get3A_2299[%gather3A_2323] in [0] : vector<16xi32>, vector<16xi32> -> vector<16xi32>
        %broadcast_in_dim3A_2325 = vector.shape_cast %sub3A_2321 : vector<16xi32> to vector<16x1xi32>
        %gather3A_2326 = vector.shape_cast %broadcast_in_dim3A_2325 : vector<16x1xi32> to vector<16xi32>
        %gather3A_2327 = tpu.dynamic_gather %get3A_2302[%gather3A_2326] in [0] : vector<16xi32>, vector<16xi32> -> vector<16xi32>
        %broadcast_in_dim3A_2328 = vector.shape_cast %sub3A_2321 : vector<16xi32> to vector<16x1xi32>
        %gather3A_2329 = vector.shape_cast %broadcast_in_dim3A_2328 : vector<16x1xi32> to vector<16xi32>
        %gather3A_2330 = tpu.dynamic_gather %get3A_2305[%gather3A_2329] in [0] : vector<16xi32>, vector<16xi32> -> vector<16xi32>
        %mul3A_2331 = arith.constant 57 : i32
        %mul3A_2332 = vector.broadcast %mul3A_2331 : i32 to vector<16xi32>
        %mul3A_2333 = arith.muli %sub3A_2319, %mul3A_2332 : vector<16xi32>
        %shift_right_arithmetic3A_2334 = arith.constant 9 : i32
        %shift_right_arithmetic3A_2335 = vector.broadcast %shift_right_arithmetic3A_2334 : i32 to vector<16xi32>
        %shift_right_arithmetic3A_2336 = arith.shrsi %mul3A_2333, %shift_right_arithmetic3A_2335 : vector<16xi32>
        %mul3A_2337 = arith.constant 9 : i32
        %mul3A_2338 = vector.broadcast %mul3A_2337 : i32 to vector<16xi32>
        %mul3A_2339 = arith.muli %shift_right_arithmetic3A_2336, %mul3A_2338 : vector<16xi32>
        %sub3A_2340 = arith.subi %sub3A_2319, %mul3A_2339 : vector<16xi32>
        %mul3A_2341 = arith.constant 11 : i32
        %mul3A_2342 = vector.broadcast %mul3A_2341 : i32 to vector<16xi32>
        %mul3A_2343 = arith.muli %sub3A_2340, %mul3A_2342 : vector<16xi32>
        %shift_right_arithmetic3A_2344 = arith.constant 5 : i32
        %shift_right_arithmetic3A_2345 = vector.broadcast %shift_right_arithmetic3A_2344 : i32 to vector<16xi32>
        %shift_right_arithmetic3A_2346 = arith.shrsi %mul3A_2343, %shift_right_arithmetic3A_2345 : vector<16xi32>
        %sub3A_2347 = arith.constant 1 : i32
        %sub3A_2348 = vector.broadcast %sub3A_2347 : i32 to vector<16xi32>
        %sub3A_2349 = arith.subi %shift_right_arithmetic3A_2336, %sub3A_2348 : vector<16xi32>
        %sub3A_2350 = arith.constant 1 : i32
        %sub3A_2351 = vector.broadcast %sub3A_2350 : i32 to vector<16xi32>
        %sub3A_2352 = arith.subi %shift_right_arithmetic3A_2346, %sub3A_2351 : vector<16xi32>
        %mul3A_2353 = arith.constant 3 : i32
        %mul3A_2354 = vector.broadcast %mul3A_2353 : i32 to vector<16xi32>
        %mul3A_2355 = arith.muli %shift_right_arithmetic3A_2346, %mul3A_2354 : vector<16xi32>
        %sub3A_2356 = arith.subi %sub3A_2340, %mul3A_2355 : vector<16xi32>
        %sub3A_2357 = arith.constant 1 : i32
        %sub3A_2358 = vector.broadcast %sub3A_2357 : i32 to vector<16xi32>
        %sub3A_2359 = arith.subi %sub3A_2356, %sub3A_2358 : vector<16xi32>
        %add3A_2360 = arith.addi %gather3A_2324, %sub3A_2349 : vector<16xi32>
        %add3A_2361 = arith.addi %gather3A_2327, %sub3A_2352 : vector<16xi32>
        %add3A_2362 = arith.addi %gather3A_2330, %sub3A_2359 : vector<16xi32>
        %ge3A_2363 = arith.constant 0 : i32
        %ge3A_2364 = vector.broadcast %ge3A_2363 : i32 to vector<16xi32>
        %ge3A_2365 = arith.cmpi sge, %add3A_2360, %ge3A_2364 : vector<16xi32>
        %lt3A_2366 = arith.constant 64 : i32
        %lt3A_2367 = vector.broadcast %lt3A_2366 : i32 to vector<16xi32>
        %lt3A_2368 = arith.cmpi slt, %add3A_2360, %lt3A_2367 : vector<16xi32>
        %and3A_2369 = arith.andi %ge3A_2365, %lt3A_2368 : vector<16xi1>
        %ge3A_2370 = arith.constant 0 : i32
        %ge3A_2371 = vector.broadcast %ge3A_2370 : i32 to vector<16xi32>
        %ge3A_2372 = arith.cmpi sge, %add3A_2361, %ge3A_2371 : vector<16xi32>
        %and3A_2373 = arith.andi %and3A_2369, %ge3A_2372 : vector<16xi1>
        %lt3A_2374 = arith.constant 64 : i32
        %lt3A_2375 = vector.broadcast %lt3A_2374 : i32 to vector<16xi32>
        %lt3A_2376 = arith.cmpi slt, %add3A_2361, %lt3A_2375 : vector<16xi32>
        %and3A_2377 = arith.andi %and3A_2373, %lt3A_2376 : vector<16xi1>
        %ge3A_2378 = arith.constant 0 : i32
        %ge3A_2379 = vector.broadcast %ge3A_2378 : i32 to vector<16xi32>
        %ge3A_2380 = arith.cmpi sge, %add3A_2362, %ge3A_2379 : vector<16xi32>
        %and3A_2381 = arith.andi %and3A_2377, %ge3A_2380 : vector<16xi1>
        %lt3A_2382 = arith.constant 64 : i32
        %lt3A_2383 = vector.broadcast %lt3A_2382 : i32 to vector<16xi32>
        %lt3A_2384 = arith.cmpi slt, %add3A_2362, %lt3A_2383 : vector<16xi32>
        %and3A_2385 = arith.andi %and3A_2381, %lt3A_2384 : vector<16xi1>
        %mul3A_2386 = arith.constant 4096 : i32
        %mul3A_2387 = vector.broadcast %mul3A_2386 : i32 to vector<16xi32>
        %mul3A_2388 = arith.muli %add3A_2360, %mul3A_2387 : vector<16xi32>
        %mul3A_2389 = arith.constant 64 : i32
        %mul3A_2390 = vector.broadcast %mul3A_2389 : i32 to vector<16xi32>
        %mul3A_2391 = arith.muli %add3A_2361, %mul3A_2390 : vector<16xi32>
        %add3A_2392 = arith.addi %mul3A_2388, %mul3A_2391 : vector<16xi32>
        %add3A_2393 = arith.addi %add3A_2392, %add3A_2362 : vector<16xi32>
        %jit3A_2394 = arith.constant 262144 : i32
        %broadcast_in_dim3A_2395 = vector.broadcast %jit3A_2394 : i32 to vector<16xi32>
        %select_n3A_2396 = arith.select %and3A_2385, %add3A_2393, %broadcast_in_dim3A_2395 : vector<16xi1>, vector<16xi32>
        %swap3A_2397 = arith.constant 1 : i32
        %swap3A_2398 = arith.index_cast %swap3A_2397 : i32 to index
        %swap3A_2399 = arith.constant 0 : index
        %swap3A_2400 = tpu.vector_load %arg15[%swap3A_2398, %swap3A_2399] {strides = array<i32>} : memref<2x96xi32, #tpu.memory_space<vmem>>, vector<1x16xi32>,
        %swap3A_2401 = vector.shape_cast %swap3A_2400 : vector<1x16xi32> to vector<16xi32>
        %swap3A_2402 = vector.shape_cast %select_n3A_2396 : vector<16xi32> to vector<1x16xi32>
        tpu.vector_store %arg15[%swap3A_2398, %swap3A_2399], %swap3A_2402 {strides = array<i32>} : memref<2x96xi32, #tpu.memory_space<vmem>>, vector<1x16xi32>,
        %add3A_2403 = arith.constant 16 : i32
        %add3A_2404 = arith.addi %mul3A_2292, %add3A_2403 : i32
        %add3A_2405 = vector.broadcast %add3A_2404 : i32 to vector<16xi32>
        %add3A_2406 = arith.addi %iota3A, %add3A_2405 : vector<16xi32>
        %mul3A_2407 = arith.constant 155345 : i32
        %mul3A_2408 = vector.broadcast %mul3A_2407 : i32 to vector<16xi32>
        %mul3A_2409 = arith.muli %add3A_2406, %mul3A_2408 : vector<16xi32>
        %shift_right_arithmetic3A_2410 = arith.constant 22 : i32
        %shift_right_arithmetic3A_2411 = vector.broadcast %shift_right_arithmetic3A_2410 : i32 to vector<16xi32>
        %shift_right_arithmetic3A_2412 = arith.shrsi %mul3A_2409, %shift_right_arithmetic3A_2411 : vector<16xi32>
        %mul3A_2413 = arith.constant 27 : i32
        %mul3A_2414 = vector.broadcast %mul3A_2413 : i32 to vector<16xi32>
        %mul3A_2415 = arith.muli %shift_right_arithmetic3A_2412, %mul3A_2414 : vector<16xi32>
        %sub3A_2416 = arith.subi %add3A_2406, %mul3A_2415 : vector<16xi32>
        %sub3A_2417 = vector.broadcast %shift_right_arithmetic3A_2296 : i32 to vector<16xi32>
        %sub3A_2418 = arith.subi %shift_right_arithmetic3A_2412, %sub3A_2417 : vector<16xi32>
        %broadcast_in_dim3A_2419 = vector.shape_cast %sub3A_2418 : vector<16xi32> to vector<16x1xi32>
        %gather3A_2420 = vector.shape_cast %broadcast_in_dim3A_2419 : vector<16x1xi32> to vector<16xi32>
        %gather3A_2421 = tpu.dynamic_gather %get3A_2299[%gather3A_2420] in [0] : vector<16xi32>, vector<16xi32> -> vector<16xi32>
        %broadcast_in_dim3A_2422 = vector.shape_cast %sub3A_2418 : vector<16xi32> to vector<16x1xi32>
        %gather3A_2423 = vector.shape_cast %broadcast_in_dim3A_2422 : vector<16x1xi32> to vector<16xi32>
        %gather3A_2424 = tpu.dynamic_gather %get3A_2302[%gather3A_2423] in [0] : vector<16xi32>, vector<16xi32> -> vector<16xi32>
        %broadcast_in_dim3A_2425 = vector.shape_cast %sub3A_2418 : vector<16xi32> to vector<16x1xi32>
        %gather3A_2426 = vector.shape_cast %broadcast_in_dim3A_2425 : vector<16x1xi32> to vector<16xi32>
        %gather3A_2427 = tpu.dynamic_gather %get3A_2305[%gather3A_2426] in [0] : vector<16xi32>, vector<16xi32> -> vector<16xi32>
        %mul3A_2428 = arith.constant 57 : i32
        %mul3A_2429 = vector.broadcast %mul3A_2428 : i32 to vector<16xi32>
        %mul3A_2430 = arith.muli %sub3A_2416, %mul3A_2429 : vector<16xi32>
        %shift_right_arithmetic3A_2431 = arith.constant 9 : i32
        %shift_right_arithmetic3A_2432 = vector.broadcast %shift_right_arithmetic3A_2431 : i32 to vector<16xi32>
        %shift_right_arithmetic3A_2433 = arith.shrsi %mul3A_2430, %shift_right_arithmetic3A_2432 : vector<16xi32>
        %mul3A_2434 = arith.constant 9 : i32
        %mul3A_2435 = vector.broadcast %mul3A_2434 : i32 to vector<16xi32>
        %mul3A_2436 = arith.muli %shift_right_arithmetic3A_2433, %mul3A_2435 : vector<16xi32>
        %sub3A_2437 = arith.subi %sub3A_2416, %mul3A_2436 : vector<16xi32>
        %mul3A_2438 = arith.constant 11 : i32
        %mul3A_2439 = vector.broadcast %mul3A_2438 : i32 to vector<16xi32>
        %mul3A_2440 = arith.muli %sub3A_2437, %mul3A_2439 : vector<16xi32>
        %shift_right_arithmetic3A_2441 = arith.constant 5 : i32
        %shift_right_arithmetic3A_2442 = vector.broadcast %shift_right_arithmetic3A_2441 : i32 to vector<16xi32>
        %shift_right_arithmetic3A_2443 = arith.shrsi %mul3A_2440, %shift_right_arithmetic3A_2442 : vector<16xi32>
        %sub3A_2444 = arith.constant 1 : i32
        %sub3A_2445 = vector.broadcast %sub3A_2444 : i32 to vector<16xi32>
        %sub3A_2446 = arith.subi %shift_right_arithmetic3A_2433, %sub3A_2445 : vector<16xi32>
        %sub3A_2447 = arith.constant 1 : i32
        %sub3A_2448 = vector.broadcast %sub3A_2447 : i32 to vector<16xi32>
        %sub3A_2449 = arith.subi %shift_right_arithmetic3A_2443, %sub3A_2448 : vector<16xi32>
        %mul3A_2450 = arith.constant 3 : i32
        %mul3A_2451 = vector.broadcast %mul3A_2450 : i32 to vector<16xi32>
        %mul3A_2452 = arith.muli %shift_right_arithmetic3A_2443, %mul3A_2451 : vector<16xi32>
        %sub3A_2453 = arith.subi %sub3A_2437, %mul3A_2452 : vector<16xi32>
        %sub3A_2454 = arith.constant 1 : i32
        %sub3A_2455 = vector.broadcast %sub3A_2454 : i32 to vector<16xi32>
        %sub3A_2456 = arith.subi %sub3A_2453, %sub3A_2455 : vector<16xi32>
        %add3A_2457 = arith.addi %gather3A_2421, %sub3A_2446 : vector<16xi32>
        %add3A_2458 = arith.addi %gather3A_2424, %sub3A_2449 : vector<16xi32>
        %add3A_2459 = arith.addi %gather3A_2427, %sub3A_2456 : vector<16xi32>
        %ge3A_2460 = arith.constant 0 : i32
        %ge3A_2461 = vector.broadcast %ge3A_2460 : i32 to vector<16xi32>
        %ge3A_2462 = arith.cmpi sge, %add3A_2457, %ge3A_2461 : vector<16xi32>
        %lt3A_2463 = arith.constant 64 : i32
        %lt3A_2464 = vector.broadcast %lt3A_2463 : i32 to vector<16xi32>
        %lt3A_2465 = arith.cmpi slt, %add3A_2457, %lt3A_2464 : vector<16xi32>
        %and3A_2466 = arith.andi %ge3A_2462, %lt3A_2465 : vector<16xi1>
        %ge3A_2467 = arith.constant 0 : i32
        %ge3A_2468 = vector.broadcast %ge3A_2467 : i32 to vector<16xi32>
        %ge3A_2469 = arith.cmpi sge, %add3A_2458, %ge3A_2468 : vector<16xi32>
        %and3A_2470 = arith.andi %and3A_2466, %ge3A_2469 : vector<16xi1>
        %lt3A_2471 = arith.constant 64 : i32
        %lt3A_2472 = vector.broadcast %lt3A_2471 : i32 to vector<16xi32>
        %lt3A_2473 = arith.cmpi slt, %add3A_2458, %lt3A_2472 : vector<16xi32>
        %and3A_2474 = arith.andi %and3A_2470, %lt3A_2473 : vector<16xi1>
        %ge3A_2475 = arith.constant 0 : i32
        %ge3A_2476 = vector.broadcast %ge3A_2475 : i32 to vector<16xi32>
        %ge3A_2477 = arith.cmpi sge, %add3A_2459, %ge3A_2476 : vector<16xi32>
        %and3A_2478 = arith.andi %and3A_2474, %ge3A_2477 : vector<16xi1>
        %lt3A_2479 = arith.constant 64 : i32
        %lt3A_2480 = vector.broadcast %lt3A_2479 : i32 to vector<16xi32>
        %lt3A_2481 = arith.cmpi slt, %add3A_2459, %lt3A_2480 : vector<16xi32>
        %and3A_2482 = arith.andi %and3A_2478, %lt3A_2481 : vector<16xi1>
        %mul3A_2483 = arith.constant 4096 : i32
        %mul3A_2484 = vector.broadcast %mul3A_2483 : i32 to vector<16xi32>
        %mul3A_2485 = arith.muli %add3A_2457, %mul3A_2484 : vector<16xi32>
        %mul3A_2486 = arith.constant 64 : i32
        %mul3A_2487 = vector.broadcast %mul3A_2486 : i32 to vector<16xi32>
        %mul3A_2488 = arith.muli %add3A_2458, %mul3A_2487 : vector<16xi32>
        %add3A_2489 = arith.addi %mul3A_2485, %mul3A_2488 : vector<16xi32>
        %add3A_2490 = arith.addi %add3A_2489, %add3A_2459 : vector<16xi32>
        %jit3A_2491 = arith.constant 262144 : i32
        %broadcast_in_dim3A_2492 = vector.broadcast %jit3A_2491 : i32 to vector<16xi32>
        %select_n3A_2493 = arith.select %and3A_2482, %add3A_2490, %broadcast_in_dim3A_2492 : vector<16xi1>, vector<16xi32>
        %swap3A_2494 = arith.constant 1 : i32
        %swap3A_2495 = arith.index_cast %swap3A_2494 : i32 to index
        %swap3A_2496 = arith.constant 16 : index
        %swap3A_2497 = tpu.vector_load %arg15[%swap3A_2495, %swap3A_2496] {strides = array<i32>} : memref<2x96xi32, #tpu.memory_space<vmem>>, vector<1x16xi32>,
        %swap3A_2498 = vector.shape_cast %swap3A_2497 : vector<1x16xi32> to vector<16xi32>
        %swap3A_2499 = vector.shape_cast %select_n3A_2493 : vector<16xi32> to vector<1x16xi32>
        tpu.vector_store %arg15[%swap3A_2495, %swap3A_2496], %swap3A_2499 {strides = array<i32>} : memref<2x96xi32, #tpu.memory_space<vmem>>, vector<1x16xi32>,
        %add3A_2500 = arith.constant 32 : i32
        %add3A_2501 = arith.addi %mul3A_2292, %add3A_2500 : i32
        %add3A_2502 = vector.broadcast %add3A_2501 : i32 to vector<16xi32>
        %add3A_2503 = arith.addi %iota3A, %add3A_2502 : vector<16xi32>
        %mul3A_2504 = arith.constant 155345 : i32
        %mul3A_2505 = vector.broadcast %mul3A_2504 : i32 to vector<16xi32>
        %mul3A_2506 = arith.muli %add3A_2503, %mul3A_2505 : vector<16xi32>
        %shift_right_arithmetic3A_2507 = arith.constant 22 : i32
        %shift_right_arithmetic3A_2508 = vector.broadcast %shift_right_arithmetic3A_2507 : i32 to vector<16xi32>
        %shift_right_arithmetic3A_2509 = arith.shrsi %mul3A_2506, %shift_right_arithmetic3A_2508 : vector<16xi32>
        %mul3A_2510 = arith.constant 27 : i32
        %mul3A_2511 = vector.broadcast %mul3A_2510 : i32 to vector<16xi32>
        %mul3A_2512 = arith.muli %shift_right_arithmetic3A_2509, %mul3A_2511 : vector<16xi32>
        %sub3A_2513 = arith.subi %add3A_2503, %mul3A_2512 : vector<16xi32>
        %sub3A_2514 = vector.broadcast %shift_right_arithmetic3A_2296 : i32 to vector<16xi32>
        %sub3A_2515 = arith.subi %shift_right_arithmetic3A_2509, %sub3A_2514 : vector<16xi32>
        %broadcast_in_dim3A_2516 = vector.shape_cast %sub3A_2515 : vector<16xi32> to vector<16x1xi32>
        %gather3A_2517 = vector.shape_cast %broadcast_in_dim3A_2516 : vector<16x1xi32> to vector<16xi32>
        %gather3A_2518 = tpu.dynamic_gather %get3A_2299[%gather3A_2517] in [0] : vector<16xi32>, vector<16xi32> -> vector<16xi32>
        %broadcast_in_dim3A_2519 = vector.shape_cast %sub3A_2515 : vector<16xi32> to vector<16x1xi32>
        %gather3A_2520 = vector.shape_cast %broadcast_in_dim3A_2519 : vector<16x1xi32> to vector<16xi32>
        %gather3A_2521 = tpu.dynamic_gather %get3A_2302[%gather3A_2520] in [0] : vector<16xi32>, vector<16xi32> -> vector<16xi32>
        %broadcast_in_dim3A_2522 = vector.shape_cast %sub3A_2515 : vector<16xi32> to vector<16x1xi32>
        %gather3A_2523 = vector.shape_cast %broadcast_in_dim3A_2522 : vector<16x1xi32> to vector<16xi32>
        %gather3A_2524 = tpu.dynamic_gather %get3A_2305[%gather3A_2523] in [0] : vector<16xi32>, vector<16xi32> -> vector<16xi32>
        %mul3A_2525 = arith.constant 57 : i32
        %mul3A_2526 = vector.broadcast %mul3A_2525 : i32 to vector<16xi32>
        %mul3A_2527 = arith.muli %sub3A_2513, %mul3A_2526 : vector<16xi32>
        %shift_right_arithmetic3A_2528 = arith.constant 9 : i32
        %shift_right_arithmetic3A_2529 = vector.broadcast %shift_right_arithmetic3A_2528 : i32 to vector<16xi32>
        %shift_right_arithmetic3A_2530 = arith.shrsi %mul3A_2527, %shift_right_arithmetic3A_2529 : vector<16xi32>
        %mul3A_2531 = arith.constant 9 : i32
        %mul3A_2532 = vector.broadcast %mul3A_2531 : i32 to vector<16xi32>
        %mul3A_2533 = arith.muli %shift_right_arithmetic3A_2530, %mul3A_2532 : vector<16xi32>
        %sub3A_2534 = arith.subi %sub3A_2513, %mul3A_2533 : vector<16xi32>
        %mul3A_2535 = arith.constant 11 : i32
        %mul3A_2536 = vector.broadcast %mul3A_2535 : i32 to vector<16xi32>
        %mul3A_2537 = arith.muli %sub3A_2534, %mul3A_2536 : vector<16xi32>
        %shift_right_arithmetic3A_2538 = arith.constant 5 : i32
        %shift_right_arithmetic3A_2539 = vector.broadcast %shift_right_arithmetic3A_2538 : i32 to vector<16xi32>
        %shift_right_arithmetic3A_2540 = arith.shrsi %mul3A_2537, %shift_right_arithmetic3A_2539 : vector<16xi32>
        %sub3A_2541 = arith.constant 1 : i32
        %sub3A_2542 = vector.broadcast %sub3A_2541 : i32 to vector<16xi32>
        %sub3A_2543 = arith.subi %shift_right_arithmetic3A_2530, %sub3A_2542 : vector<16xi32>
        %sub3A_2544 = arith.constant 1 : i32
        %sub3A_2545 = vector.broadcast %sub3A_2544 : i32 to vector<16xi32>
        %sub3A_2546 = arith.subi %shift_right_arithmetic3A_2540, %sub3A_2545 : vector<16xi32>
        %mul3A_2547 = arith.constant 3 : i32
        %mul3A_2548 = vector.broadcast %mul3A_2547 : i32 to vector<16xi32>
        %mul3A_2549 = arith.muli %shift_right_arithmetic3A_2540, %mul3A_2548 : vector<16xi32>
        %sub3A_2550 = arith.subi %sub3A_2534, %mul3A_2549 : vector<16xi32>
        %sub3A_2551 = arith.constant 1 : i32
        %sub3A_2552 = vector.broadcast %sub3A_2551 : i32 to vector<16xi32>
        %sub3A_2553 = arith.subi %sub3A_2550, %sub3A_2552 : vector<16xi32>
        %add3A_2554 = arith.addi %gather3A_2518, %sub3A_2543 : vector<16xi32>
        %add3A_2555 = arith.addi %gather3A_2521, %sub3A_2546 : vector<16xi32>
        %add3A_2556 = arith.addi %gather3A_2524, %sub3A_2553 : vector<16xi32>
        %ge3A_2557 = arith.constant 0 : i32
        %ge3A_2558 = vector.broadcast %ge3A_2557 : i32 to vector<16xi32>
        %ge3A_2559 = arith.cmpi sge, %add3A_2554, %ge3A_2558 : vector<16xi32>
        %lt3A_2560 = arith.constant 64 : i32
        %lt3A_2561 = vector.broadcast %lt3A_2560 : i32 to vector<16xi32>
        %lt3A_2562 = arith.cmpi slt, %add3A_2554, %lt3A_2561 : vector<16xi32>
        %and3A_2563 = arith.andi %ge3A_2559, %lt3A_2562 : vector<16xi1>
        %ge3A_2564 = arith.constant 0 : i32
        %ge3A_2565 = vector.broadcast %ge3A_2564 : i32 to vector<16xi32>
        %ge3A_2566 = arith.cmpi sge, %add3A_2555, %ge3A_2565 : vector<16xi32>
        %and3A_2567 = arith.andi %and3A_2563, %ge3A_2566 : vector<16xi1>
        %lt3A_2568 = arith.constant 64 : i32
        %lt3A_2569 = vector.broadcast %lt3A_2568 : i32 to vector<16xi32>
        %lt3A_2570 = arith.cmpi slt, %add3A_2555, %lt3A_2569 : vector<16xi32>
        %and3A_2571 = arith.andi %and3A_2567, %lt3A_2570 : vector<16xi1>
        %ge3A_2572 = arith.constant 0 : i32
        %ge3A_2573 = vector.broadcast %ge3A_2572 : i32 to vector<16xi32>
        %ge3A_2574 = arith.cmpi sge, %add3A_2556, %ge3A_2573 : vector<16xi32>
        %and3A_2575 = arith.andi %and3A_2571, %ge3A_2574 : vector<16xi1>
        %lt3A_2576 = arith.constant 64 : i32
        %lt3A_2577 = vector.broadcast %lt3A_2576 : i32 to vector<16xi32>
        %lt3A_2578 = arith.cmpi slt, %add3A_2556, %lt3A_2577 : vector<16xi32>
        %and3A_2579 = arith.andi %and3A_2575, %lt3A_2578 : vector<16xi1>
        %mul3A_2580 = arith.constant 4096 : i32
        %mul3A_2581 = vector.broadcast %mul3A_2580 : i32 to vector<16xi32>
        %mul3A_2582 = arith.muli %add3A_2554, %mul3A_2581 : vector<16xi32>
        %mul3A_2583 = arith.constant 64 : i32
        %mul3A_2584 = vector.broadcast %mul3A_2583 : i32 to vector<16xi32>
        %mul3A_2585 = arith.muli %add3A_2555, %mul3A_2584 : vector<16xi32>
        %add3A_2586 = arith.addi %mul3A_2582, %mul3A_2585 : vector<16xi32>
        %add3A_2587 = arith.addi %add3A_2586, %add3A_2556 : vector<16xi32>
        %jit3A_2588 = arith.constant 262144 : i32
        %broadcast_in_dim3A_2589 = vector.broadcast %jit3A_2588 : i32 to vector<16xi32>
        %select_n3A_2590 = arith.select %and3A_2579, %add3A_2587, %broadcast_in_dim3A_2589 : vector<16xi1>, vector<16xi32>
        %swap3A_2591 = arith.constant 1 : i32
        %swap3A_2592 = arith.index_cast %swap3A_2591 : i32 to index
        %swap3A_2593 = arith.constant 32 : index
        %swap3A_2594 = tpu.vector_load %arg15[%swap3A_2592, %swap3A_2593] {strides = array<i32>} : memref<2x96xi32, #tpu.memory_space<vmem>>, vector<1x16xi32>,
        %swap3A_2595 = vector.shape_cast %swap3A_2594 : vector<1x16xi32> to vector<16xi32>
        %swap3A_2596 = vector.shape_cast %select_n3A_2590 : vector<16xi32> to vector<1x16xi32>
        tpu.vector_store %arg15[%swap3A_2592, %swap3A_2593], %swap3A_2596 {strides = array<i32>} : memref<2x96xi32, #tpu.memory_space<vmem>>, vector<1x16xi32>,
        %add3A_2597 = arith.constant 48 : i32
        %add3A_2598 = arith.addi %mul3A_2292, %add3A_2597 : i32
        %add3A_2599 = vector.broadcast %add3A_2598 : i32 to vector<16xi32>
        %add3A_2600 = arith.addi %iota3A, %add3A_2599 : vector<16xi32>
        %mul3A_2601 = arith.constant 155345 : i32
        %mul3A_2602 = vector.broadcast %mul3A_2601 : i32 to vector<16xi32>
        %mul3A_2603 = arith.muli %add3A_2600, %mul3A_2602 : vector<16xi32>
        %shift_right_arithmetic3A_2604 = arith.constant 22 : i32
        %shift_right_arithmetic3A_2605 = vector.broadcast %shift_right_arithmetic3A_2604 : i32 to vector<16xi32>
        %shift_right_arithmetic3A_2606 = arith.shrsi %mul3A_2603, %shift_right_arithmetic3A_2605 : vector<16xi32>
        %mul3A_2607 = arith.constant 27 : i32
        %mul3A_2608 = vector.broadcast %mul3A_2607 : i32 to vector<16xi32>
        %mul3A_2609 = arith.muli %shift_right_arithmetic3A_2606, %mul3A_2608 : vector<16xi32>
        %sub3A_2610 = arith.subi %add3A_2600, %mul3A_2609 : vector<16xi32>
        %sub3A_2611 = vector.broadcast %shift_right_arithmetic3A_2296 : i32 to vector<16xi32>
        %sub3A_2612 = arith.subi %shift_right_arithmetic3A_2606, %sub3A_2611 : vector<16xi32>
        %broadcast_in_dim3A_2613 = vector.shape_cast %sub3A_2612 : vector<16xi32> to vector<16x1xi32>
        %gather3A_2614 = vector.shape_cast %broadcast_in_dim3A_2613 : vector<16x1xi32> to vector<16xi32>
        %gather3A_2615 = tpu.dynamic_gather %get3A_2299[%gather3A_2614] in [0] : vector<16xi32>, vector<16xi32> -> vector<16xi32>
        %broadcast_in_dim3A_2616 = vector.shape_cast %sub3A_2612 : vector<16xi32> to vector<16x1xi32>
        %gather3A_2617 = vector.shape_cast %broadcast_in_dim3A_2616 : vector<16x1xi32> to vector<16xi32>
        %gather3A_2618 = tpu.dynamic_gather %get3A_2302[%gather3A_2617] in [0] : vector<16xi32>, vector<16xi32> -> vector<16xi32>
        %broadcast_in_dim3A_2619 = vector.shape_cast %sub3A_2612 : vector<16xi32> to vector<16x1xi32>
        %gather3A_2620 = vector.shape_cast %broadcast_in_dim3A_2619 : vector<16x1xi32> to vector<16xi32>
        %gather3A_2621 = tpu.dynamic_gather %get3A_2305[%gather3A_2620] in [0] : vector<16xi32>, vector<16xi32> -> vector<16xi32>
        %mul3A_2622 = arith.constant 57 : i32
        %mul3A_2623 = vector.broadcast %mul3A_2622 : i32 to vector<16xi32>
        %mul3A_2624 = arith.muli %sub3A_2610, %mul3A_2623 : vector<16xi32>
        %shift_right_arithmetic3A_2625 = arith.constant 9 : i32
        %shift_right_arithmetic3A_2626 = vector.broadcast %shift_right_arithmetic3A_2625 : i32 to vector<16xi32>
        %shift_right_arithmetic3A_2627 = arith.shrsi %mul3A_2624, %shift_right_arithmetic3A_2626 : vector<16xi32>
        %mul3A_2628 = arith.constant 9 : i32
        %mul3A_2629 = vector.broadcast %mul3A_2628 : i32 to vector<16xi32>
        %mul3A_2630 = arith.muli %shift_right_arithmetic3A_2627, %mul3A_2629 : vector<16xi32>
        %sub3A_2631 = arith.subi %sub3A_2610, %mul3A_2630 : vector<16xi32>
        %mul3A_2632 = arith.constant 11 : i32
        %mul3A_2633 = vector.broadcast %mul3A_2632 : i32 to vector<16xi32>
        %mul3A_2634 = arith.muli %sub3A_2631, %mul3A_2633 : vector<16xi32>
        %shift_right_arithmetic3A_2635 = arith.constant 5 : i32
        %shift_right_arithmetic3A_2636 = vector.broadcast %shift_right_arithmetic3A_2635 : i32 to vector<16xi32>
        %shift_right_arithmetic3A_2637 = arith.shrsi %mul3A_2634, %shift_right_arithmetic3A_2636 : vector<16xi32>
        %sub3A_2638 = arith.constant 1 : i32
        %sub3A_2639 = vector.broadcast %sub3A_2638 : i32 to vector<16xi32>
        %sub3A_2640 = arith.subi %shift_right_arithmetic3A_2627, %sub3A_2639 : vector<16xi32>
        %sub3A_2641 = arith.constant 1 : i32
        %sub3A_2642 = vector.broadcast %sub3A_2641 : i32 to vector<16xi32>
        %sub3A_2643 = arith.subi %shift_right_arithmetic3A_2637, %sub3A_2642 : vector<16xi32>
        %mul3A_2644 = arith.constant 3 : i32
        %mul3A_2645 = vector.broadcast %mul3A_2644 : i32 to vector<16xi32>
        %mul3A_2646 = arith.muli %shift_right_arithmetic3A_2637, %mul3A_2645 : vector<16xi32>
        %sub3A_2647 = arith.subi %sub3A_2631, %mul3A_2646 : vector<16xi32>
        %sub3A_2648 = arith.constant 1 : i32
        %sub3A_2649 = vector.broadcast %sub3A_2648 : i32 to vector<16xi32>
        %sub3A_2650 = arith.subi %sub3A_2647, %sub3A_2649 : vector<16xi32>
        %add3A_2651 = arith.addi %gather3A_2615, %sub3A_2640 : vector<16xi32>
        %add3A_2652 = arith.addi %gather3A_2618, %sub3A_2643 : vector<16xi32>
        %add3A_2653 = arith.addi %gather3A_2621, %sub3A_2650 : vector<16xi32>
        %ge3A_2654 = arith.constant 0 : i32
        %ge3A_2655 = vector.broadcast %ge3A_2654 : i32 to vector<16xi32>
        %ge3A_2656 = arith.cmpi sge, %add3A_2651, %ge3A_2655 : vector<16xi32>
        %lt3A_2657 = arith.constant 64 : i32
        %lt3A_2658 = vector.broadcast %lt3A_2657 : i32 to vector<16xi32>
        %lt3A_2659 = arith.cmpi slt, %add3A_2651, %lt3A_2658 : vector<16xi32>
        %and3A_2660 = arith.andi %ge3A_2656, %lt3A_2659 : vector<16xi1>
        %ge3A_2661 = arith.constant 0 : i32
        %ge3A_2662 = vector.broadcast %ge3A_2661 : i32 to vector<16xi32>
        %ge3A_2663 = arith.cmpi sge, %add3A_2652, %ge3A_2662 : vector<16xi32>
        %and3A_2664 = arith.andi %and3A_2660, %ge3A_2663 : vector<16xi1>
        %lt3A_2665 = arith.constant 64 : i32
        %lt3A_2666 = vector.broadcast %lt3A_2665 : i32 to vector<16xi32>
        %lt3A_2667 = arith.cmpi slt, %add3A_2652, %lt3A_2666 : vector<16xi32>
        %and3A_2668 = arith.andi %and3A_2664, %lt3A_2667 : vector<16xi1>
        %ge3A_2669 = arith.constant 0 : i32
        %ge3A_2670 = vector.broadcast %ge3A_2669 : i32 to vector<16xi32>
        %ge3A_2671 = arith.cmpi sge, %add3A_2653, %ge3A_2670 : vector<16xi32>
        %and3A_2672 = arith.andi %and3A_2668, %ge3A_2671 : vector<16xi1>
        %lt3A_2673 = arith.constant 64 : i32
        %lt3A_2674 = vector.broadcast %lt3A_2673 : i32 to vector<16xi32>
        %lt3A_2675 = arith.cmpi slt, %add3A_2653, %lt3A_2674 : vector<16xi32>
        %and3A_2676 = arith.andi %and3A_2672, %lt3A_2675 : vector<16xi1>
        %mul3A_2677 = arith.constant 4096 : i32
        %mul3A_2678 = vector.broadcast %mul3A_2677 : i32 to vector<16xi32>
        %mul3A_2679 = arith.muli %add3A_2651, %mul3A_2678 : vector<16xi32>
        %mul3A_2680 = arith.constant 64 : i32
        %mul3A_2681 = vector.broadcast %mul3A_2680 : i32 to vector<16xi32>
        %mul3A_2682 = arith.muli %add3A_2652, %mul3A_2681 : vector<16xi32>
        %add3A_2683 = arith.addi %mul3A_2679, %mul3A_2682 : vector<16xi32>
        %add3A_2684 = arith.addi %add3A_2683, %add3A_2653 : vector<16xi32>
        %jit3A_2685 = arith.constant 262144 : i32
        %broadcast_in_dim3A_2686 = vector.broadcast %jit3A_2685 : i32 to vector<16xi32>
        %select_n3A_2687 = arith.select %and3A_2676, %add3A_2684, %broadcast_in_dim3A_2686 : vector<16xi1>, vector<16xi32>
        %swap3A_2688 = arith.constant 1 : i32
        %swap3A_2689 = arith.index_cast %swap3A_2688 : i32 to index
        %swap3A_2690 = arith.constant 48 : index
        %swap3A_2691 = tpu.vector_load %arg15[%swap3A_2689, %swap3A_2690] {strides = array<i32>} : memref<2x96xi32, #tpu.memory_space<vmem>>, vector<1x16xi32>,
        %swap3A_2692 = vector.shape_cast %swap3A_2691 : vector<1x16xi32> to vector<16xi32>
        %swap3A_2693 = vector.shape_cast %select_n3A_2687 : vector<16xi32> to vector<1x16xi32>
        tpu.vector_store %arg15[%swap3A_2689, %swap3A_2690], %swap3A_2693 {strides = array<i32>} : memref<2x96xi32, #tpu.memory_space<vmem>>, vector<1x16xi32>,
        %add3A_2694 = arith.constant 64 : i32
        %add3A_2695 = arith.addi %mul3A_2292, %add3A_2694 : i32
        %add3A_2696 = vector.broadcast %add3A_2695 : i32 to vector<16xi32>
        %add3A_2697 = arith.addi %iota3A, %add3A_2696 : vector<16xi32>
        %mul3A_2698 = arith.constant 155345 : i32
        %mul3A_2699 = vector.broadcast %mul3A_2698 : i32 to vector<16xi32>
        %mul3A_2700 = arith.muli %add3A_2697, %mul3A_2699 : vector<16xi32>
        %shift_right_arithmetic3A_2701 = arith.constant 22 : i32
        %shift_right_arithmetic3A_2702 = vector.broadcast %shift_right_arithmetic3A_2701 : i32 to vector<16xi32>
        %shift_right_arithmetic3A_2703 = arith.shrsi %mul3A_2700, %shift_right_arithmetic3A_2702 : vector<16xi32>
        %mul3A_2704 = arith.constant 27 : i32
        %mul3A_2705 = vector.broadcast %mul3A_2704 : i32 to vector<16xi32>
        %mul3A_2706 = arith.muli %shift_right_arithmetic3A_2703, %mul3A_2705 : vector<16xi32>
        %sub3A_2707 = arith.subi %add3A_2697, %mul3A_2706 : vector<16xi32>
        %sub3A_2708 = vector.broadcast %shift_right_arithmetic3A_2296 : i32 to vector<16xi32>
        %sub3A_2709 = arith.subi %shift_right_arithmetic3A_2703, %sub3A_2708 : vector<16xi32>
        %broadcast_in_dim3A_2710 = vector.shape_cast %sub3A_2709 : vector<16xi32> to vector<16x1xi32>
        %gather3A_2711 = vector.shape_cast %broadcast_in_dim3A_2710 : vector<16x1xi32> to vector<16xi32>
        %gather3A_2712 = tpu.dynamic_gather %get3A_2299[%gather3A_2711] in [0] : vector<16xi32>, vector<16xi32> -> vector<16xi32>
        %broadcast_in_dim3A_2713 = vector.shape_cast %sub3A_2709 : vector<16xi32> to vector<16x1xi32>
        %gather3A_2714 = vector.shape_cast %broadcast_in_dim3A_2713 : vector<16x1xi32> to vector<16xi32>
        %gather3A_2715 = tpu.dynamic_gather %get3A_2302[%gather3A_2714] in [0] : vector<16xi32>, vector<16xi32> -> vector<16xi32>
        %broadcast_in_dim3A_2716 = vector.shape_cast %sub3A_2709 : vector<16xi32> to vector<16x1xi32>
        %gather3A_2717 = vector.shape_cast %broadcast_in_dim3A_2716 : vector<16x1xi32> to vector<16xi32>
        %gather3A_2718 = tpu.dynamic_gather %get3A_2305[%gather3A_2717] in [0] : vector<16xi32>, vector<16xi32> -> vector<16xi32>
        %mul3A_2719 = arith.constant 57 : i32
        %mul3A_2720 = vector.broadcast %mul3A_2719 : i32 to vector<16xi32>
        %mul3A_2721 = arith.muli %sub3A_2707, %mul3A_2720 : vector<16xi32>
        %shift_right_arithmetic3A_2722 = arith.constant 9 : i32
        %shift_right_arithmetic3A_2723 = vector.broadcast %shift_right_arithmetic3A_2722 : i32 to vector<16xi32>
        %shift_right_arithmetic3A_2724 = arith.shrsi %mul3A_2721, %shift_right_arithmetic3A_2723 : vector<16xi32>
        %mul3A_2725 = arith.constant 9 : i32
        %mul3A_2726 = vector.broadcast %mul3A_2725 : i32 to vector<16xi32>
        %mul3A_2727 = arith.muli %shift_right_arithmetic3A_2724, %mul3A_2726 : vector<16xi32>
        %sub3A_2728 = arith.subi %sub3A_2707, %mul3A_2727 : vector<16xi32>
        %mul3A_2729 = arith.constant 11 : i32
        %mul3A_2730 = vector.broadcast %mul3A_2729 : i32 to vector<16xi32>
        %mul3A_2731 = arith.muli %sub3A_2728, %mul3A_2730 : vector<16xi32>
        %shift_right_arithmetic3A_2732 = arith.constant 5 : i32
        %shift_right_arithmetic3A_2733 = vector.broadcast %shift_right_arithmetic3A_2732 : i32 to vector<16xi32>
        %shift_right_arithmetic3A_2734 = arith.shrsi %mul3A_2731, %shift_right_arithmetic3A_2733 : vector<16xi32>
        %sub3A_2735 = arith.constant 1 : i32
        %sub3A_2736 = vector.broadcast %sub3A_2735 : i32 to vector<16xi32>
        %sub3A_2737 = arith.subi %shift_right_arithmetic3A_2724, %sub3A_2736 : vector<16xi32>
        %sub3A_2738 = arith.constant 1 : i32
        %sub3A_2739 = vector.broadcast %sub3A_2738 : i32 to vector<16xi32>
        %sub3A_2740 = arith.subi %shift_right_arithmetic3A_2734, %sub3A_2739 : vector<16xi32>
        %mul3A_2741 = arith.constant 3 : i32
        %mul3A_2742 = vector.broadcast %mul3A_2741 : i32 to vector<16xi32>
        %mul3A_2743 = arith.muli %shift_right_arithmetic3A_2734, %mul3A_2742 : vector<16xi32>
        %sub3A_2744 = arith.subi %sub3A_2728, %mul3A_2743 : vector<16xi32>
        %sub3A_2745 = arith.constant 1 : i32
        %sub3A_2746 = vector.broadcast %sub3A_2745 : i32 to vector<16xi32>
        %sub3A_2747 = arith.subi %sub3A_2744, %sub3A_2746 : vector<16xi32>
        %add3A_2748 = arith.addi %gather3A_2712, %sub3A_2737 : vector<16xi32>
        %add3A_2749 = arith.addi %gather3A_2715, %sub3A_2740 : vector<16xi32>
        %add3A_2750 = arith.addi %gather3A_2718, %sub3A_2747 : vector<16xi32>
        %ge3A_2751 = arith.constant 0 : i32
        %ge3A_2752 = vector.broadcast %ge3A_2751 : i32 to vector<16xi32>
        %ge3A_2753 = arith.cmpi sge, %add3A_2748, %ge3A_2752 : vector<16xi32>
        %lt3A_2754 = arith.constant 64 : i32
        %lt3A_2755 = vector.broadcast %lt3A_2754 : i32 to vector<16xi32>
        %lt3A_2756 = arith.cmpi slt, %add3A_2748, %lt3A_2755 : vector<16xi32>
        %and3A_2757 = arith.andi %ge3A_2753, %lt3A_2756 : vector<16xi1>
        %ge3A_2758 = arith.constant 0 : i32
        %ge3A_2759 = vector.broadcast %ge3A_2758 : i32 to vector<16xi32>
        %ge3A_2760 = arith.cmpi sge, %add3A_2749, %ge3A_2759 : vector<16xi32>
        %and3A_2761 = arith.andi %and3A_2757, %ge3A_2760 : vector<16xi1>
        %lt3A_2762 = arith.constant 64 : i32
        %lt3A_2763 = vector.broadcast %lt3A_2762 : i32 to vector<16xi32>
        %lt3A_2764 = arith.cmpi slt, %add3A_2749, %lt3A_2763 : vector<16xi32>
        %and3A_2765 = arith.andi %and3A_2761, %lt3A_2764 : vector<16xi1>
        %ge3A_2766 = arith.constant 0 : i32
        %ge3A_2767 = vector.broadcast %ge3A_2766 : i32 to vector<16xi32>
        %ge3A_2768 = arith.cmpi sge, %add3A_2750, %ge3A_2767 : vector<16xi32>
        %and3A_2769 = arith.andi %and3A_2765, %ge3A_2768 : vector<16xi1>
        %lt3A_2770 = arith.constant 64 : i32
        %lt3A_2771 = vector.broadcast %lt3A_2770 : i32 to vector<16xi32>
        %lt3A_2772 = arith.cmpi slt, %add3A_2750, %lt3A_2771 : vector<16xi32>
        %and3A_2773 = arith.andi %and3A_2769, %lt3A_2772 : vector<16xi1>
        %mul3A_2774 = arith.constant 4096 : i32
        %mul3A_2775 = vector.broadcast %mul3A_2774 : i32 to vector<16xi32>
        %mul3A_2776 = arith.muli %add3A_2748, %mul3A_2775 : vector<16xi32>
        %mul3A_2777 = arith.constant 64 : i32
        %mul3A_2778 = vector.broadcast %mul3A_2777 : i32 to vector<16xi32>
        %mul3A_2779 = arith.muli %add3A_2749, %mul3A_2778 : vector<16xi32>
        %add3A_2780 = arith.addi %mul3A_2776, %mul3A_2779 : vector<16xi32>
        %add3A_2781 = arith.addi %add3A_2780, %add3A_2750 : vector<16xi32>
        %jit3A_2782 = arith.constant 262144 : i32
        %broadcast_in_dim3A_2783 = vector.broadcast %jit3A_2782 : i32 to vector<16xi32>
        %select_n3A_2784 = arith.select %and3A_2773, %add3A_2781, %broadcast_in_dim3A_2783 : vector<16xi1>, vector<16xi32>
        %swap3A_2785 = arith.constant 1 : i32
        %swap3A_2786 = arith.index_cast %swap3A_2785 : i32 to index
        %swap3A_2787 = arith.constant 64 : index
        %swap3A_2788 = tpu.vector_load %arg15[%swap3A_2786, %swap3A_2787] {strides = array<i32>} : memref<2x96xi32, #tpu.memory_space<vmem>>, vector<1x16xi32>,
        %swap3A_2789 = vector.shape_cast %swap3A_2788 : vector<1x16xi32> to vector<16xi32>
        %swap3A_2790 = vector.shape_cast %select_n3A_2784 : vector<16xi32> to vector<1x16xi32>
        tpu.vector_store %arg15[%swap3A_2786, %swap3A_2787], %swap3A_2790 {strides = array<i32>} : memref<2x96xi32, #tpu.memory_space<vmem>>, vector<1x16xi32>,
        %add3A_2791 = arith.constant 80 : i32
        %add3A_2792 = arith.addi %mul3A_2292, %add3A_2791 : i32
        %add3A_2793 = vector.broadcast %add3A_2792 : i32 to vector<16xi32>
        %add3A_2794 = arith.addi %iota3A, %add3A_2793 : vector<16xi32>
        %mul3A_2795 = arith.constant 155345 : i32
        %mul3A_2796 = vector.broadcast %mul3A_2795 : i32 to vector<16xi32>
        %mul3A_2797 = arith.muli %add3A_2794, %mul3A_2796 : vector<16xi32>
        %shift_right_arithmetic3A_2798 = arith.constant 22 : i32
        %shift_right_arithmetic3A_2799 = vector.broadcast %shift_right_arithmetic3A_2798 : i32 to vector<16xi32>
        %shift_right_arithmetic3A_2800 = arith.shrsi %mul3A_2797, %shift_right_arithmetic3A_2799 : vector<16xi32>
        %mul3A_2801 = arith.constant 27 : i32
        %mul3A_2802 = vector.broadcast %mul3A_2801 : i32 to vector<16xi32>
        %mul3A_2803 = arith.muli %shift_right_arithmetic3A_2800, %mul3A_2802 : vector<16xi32>
        %sub3A_2804 = arith.subi %add3A_2794, %mul3A_2803 : vector<16xi32>
        %sub3A_2805 = vector.broadcast %shift_right_arithmetic3A_2296 : i32 to vector<16xi32>
        %sub3A_2806 = arith.subi %shift_right_arithmetic3A_2800, %sub3A_2805 : vector<16xi32>
        %broadcast_in_dim3A_2807 = vector.shape_cast %sub3A_2806 : vector<16xi32> to vector<16x1xi32>
        %gather3A_2808 = vector.shape_cast %broadcast_in_dim3A_2807 : vector<16x1xi32> to vector<16xi32>
        %gather3A_2809 = tpu.dynamic_gather %get3A_2299[%gather3A_2808] in [0] : vector<16xi32>, vector<16xi32> -> vector<16xi32>
        %broadcast_in_dim3A_2810 = vector.shape_cast %sub3A_2806 : vector<16xi32> to vector<16x1xi32>
        %gather3A_2811 = vector.shape_cast %broadcast_in_dim3A_2810 : vector<16x1xi32> to vector<16xi32>
        %gather3A_2812 = tpu.dynamic_gather %get3A_2302[%gather3A_2811] in [0] : vector<16xi32>, vector<16xi32> -> vector<16xi32>
        %broadcast_in_dim3A_2813 = vector.shape_cast %sub3A_2806 : vector<16xi32> to vector<16x1xi32>
        %gather3A_2814 = vector.shape_cast %broadcast_in_dim3A_2813 : vector<16x1xi32> to vector<16xi32>
        %gather3A_2815 = tpu.dynamic_gather %get3A_2305[%gather3A_2814] in [0] : vector<16xi32>, vector<16xi32> -> vector<16xi32>
        %mul3A_2816 = arith.constant 57 : i32
        %mul3A_2817 = vector.broadcast %mul3A_2816 : i32 to vector<16xi32>
        %mul3A_2818 = arith.muli %sub3A_2804, %mul3A_2817 : vector<16xi32>
        %shift_right_arithmetic3A_2819 = arith.constant 9 : i32
        %shift_right_arithmetic3A_2820 = vector.broadcast %shift_right_arithmetic3A_2819 : i32 to vector<16xi32>
        %shift_right_arithmetic3A_2821 = arith.shrsi %mul3A_2818, %shift_right_arithmetic3A_2820 : vector<16xi32>
        %mul3A_2822 = arith.constant 9 : i32
        %mul3A_2823 = vector.broadcast %mul3A_2822 : i32 to vector<16xi32>
        %mul3A_2824 = arith.muli %shift_right_arithmetic3A_2821, %mul3A_2823 : vector<16xi32>
        %sub3A_2825 = arith.subi %sub3A_2804, %mul3A_2824 : vector<16xi32>
        %mul3A_2826 = arith.constant 11 : i32
        %mul3A_2827 = vector.broadcast %mul3A_2826 : i32 to vector<16xi32>
        %mul3A_2828 = arith.muli %sub3A_2825, %mul3A_2827 : vector<16xi32>
        %shift_right_arithmetic3A_2829 = arith.constant 5 : i32
        %shift_right_arithmetic3A_2830 = vector.broadcast %shift_right_arithmetic3A_2829 : i32 to vector<16xi32>
        %shift_right_arithmetic3A_2831 = arith.shrsi %mul3A_2828, %shift_right_arithmetic3A_2830 : vector<16xi32>
        %sub3A_2832 = arith.constant 1 : i32
        %sub3A_2833 = vector.broadcast %sub3A_2832 : i32 to vector<16xi32>
        %sub3A_2834 = arith.subi %shift_right_arithmetic3A_2821, %sub3A_2833 : vector<16xi32>
        %sub3A_2835 = arith.constant 1 : i32
        %sub3A_2836 = vector.broadcast %sub3A_2835 : i32 to vector<16xi32>
        %sub3A_2837 = arith.subi %shift_right_arithmetic3A_2831, %sub3A_2836 : vector<16xi32>
        %mul3A_2838 = arith.constant 3 : i32
        %mul3A_2839 = vector.broadcast %mul3A_2838 : i32 to vector<16xi32>
        %mul3A_2840 = arith.muli %shift_right_arithmetic3A_2831, %mul3A_2839 : vector<16xi32>
        %sub3A_2841 = arith.subi %sub3A_2825, %mul3A_2840 : vector<16xi32>
        %sub3A_2842 = arith.constant 1 : i32
        %sub3A_2843 = vector.broadcast %sub3A_2842 : i32 to vector<16xi32>
        %sub3A_2844 = arith.subi %sub3A_2841, %sub3A_2843 : vector<16xi32>
        %add3A_2845 = arith.addi %gather3A_2809, %sub3A_2834 : vector<16xi32>
        %add3A_2846 = arith.addi %gather3A_2812, %sub3A_2837 : vector<16xi32>
        %add3A_2847 = arith.addi %gather3A_2815, %sub3A_2844 : vector<16xi32>
        %ge3A_2848 = arith.constant 0 : i32
        %ge3A_2849 = vector.broadcast %ge3A_2848 : i32 to vector<16xi32>
        %ge3A_2850 = arith.cmpi sge, %add3A_2845, %ge3A_2849 : vector<16xi32>
        %lt3A_2851 = arith.constant 64 : i32
        %lt3A_2852 = vector.broadcast %lt3A_2851 : i32 to vector<16xi32>
        %lt3A_2853 = arith.cmpi slt, %add3A_2845, %lt3A_2852 : vector<16xi32>
        %and3A_2854 = arith.andi %ge3A_2850, %lt3A_2853 : vector<16xi1>
        %ge3A_2855 = arith.constant 0 : i32
        %ge3A_2856 = vector.broadcast %ge3A_2855 : i32 to vector<16xi32>
        %ge3A_2857 = arith.cmpi sge, %add3A_2846, %ge3A_2856 : vector<16xi32>
        %and3A_2858 = arith.andi %and3A_2854, %ge3A_2857 : vector<16xi1>
        %lt3A_2859 = arith.constant 64 : i32
        %lt3A_2860 = vector.broadcast %lt3A_2859 : i32 to vector<16xi32>
        %lt3A_2861 = arith.cmpi slt, %add3A_2846, %lt3A_2860 : vector<16xi32>
        %and3A_2862 = arith.andi %and3A_2858, %lt3A_2861 : vector<16xi1>
        %ge3A_2863 = arith.constant 0 : i32
        %ge3A_2864 = vector.broadcast %ge3A_2863 : i32 to vector<16xi32>
        %ge3A_2865 = arith.cmpi sge, %add3A_2847, %ge3A_2864 : vector<16xi32>
        %and3A_2866 = arith.andi %and3A_2862, %ge3A_2865 : vector<16xi1>
        %lt3A_2867 = arith.constant 64 : i32
        %lt3A_2868 = vector.broadcast %lt3A_2867 : i32 to vector<16xi32>
        %lt3A_2869 = arith.cmpi slt, %add3A_2847, %lt3A_2868 : vector<16xi32>
        %and3A_2870 = arith.andi %and3A_2866, %lt3A_2869 : vector<16xi1>
        %mul3A_2871 = arith.constant 4096 : i32
        %mul3A_2872 = vector.broadcast %mul3A_2871 : i32 to vector<16xi32>
        %mul3A_2873 = arith.muli %add3A_2845, %mul3A_2872 : vector<16xi32>
        %mul3A_2874 = arith.constant 64 : i32
        %mul3A_2875 = vector.broadcast %mul3A_2874 : i32 to vector<16xi32>
        %mul3A_2876 = arith.muli %add3A_2846, %mul3A_2875 : vector<16xi32>
        %add3A_2877 = arith.addi %mul3A_2873, %mul3A_2876 : vector<16xi32>
        %add3A_2878 = arith.addi %add3A_2877, %add3A_2847 : vector<16xi32>
        %jit3A_2879 = arith.constant 262144 : i32
        %broadcast_in_dim3A_2880 = vector.broadcast %jit3A_2879 : i32 to vector<16xi32>
        %select_n3A_2881 = arith.select %and3A_2870, %add3A_2878, %broadcast_in_dim3A_2880 : vector<16xi1>, vector<16xi32>
        %swap3A_2882 = arith.constant 1 : i32
        %swap3A_2883 = arith.index_cast %swap3A_2882 : i32 to index
        %swap3A_2884 = arith.constant 80 : index
        %swap3A_2885 = tpu.vector_load %arg15[%swap3A_2883, %swap3A_2884] {strides = array<i32>} : memref<2x96xi32, #tpu.memory_space<vmem>>, vector<1x16xi32>,
        %swap3A_2886 = vector.shape_cast %swap3A_2885 : vector<1x16xi32> to vector<16xi32>
        %swap3A_2887 = vector.shape_cast %select_n3A_2881 : vector<16xi32> to vector<1x16xi32>
        tpu.vector_store %arg15[%swap3A_2883, %swap3A_2884], %swap3A_2887 {strides = array<i32>} : memref<2x96xi32, #tpu.memory_space<vmem>>, vector<1x16xi32>,
        %dma_start3A_2888 = arith.constant 1 : i32
        %dma_start3A_2889 = arith.constant 1 : i32
        %dma_start3A_2890 = arith.constant 1 : i32
        %dma_start3A_2891 = arith.constant 0 : i32
        %dma_start3A_2892 = tpu.memref_slice %arg16[%dma_start3A_2889, %dma_start3A_2891] : memref<2x96xi32, #tpu.memory_space<vmem>> -> memref<1x96xi32, #tpu.memory_space<vmem>>
        %dma_start3A_2893 = tpu.memref_squeeze %dma_start3A_2892 : memref<1x96xi32, #tpu.memory_space<vmem>> -> memref<96xi32, #tpu.memory_space<vmem>>
        %dma_start3A_2894 = arith.constant 0 : i32
        %dma_start3A_2895 = tpu.memref_slice %arg15[%dma_start3A_2888, %dma_start3A_2894] : memref<2x96xi32, #tpu.memory_space<vmem>> -> memref<1x96xi32, #tpu.memory_space<vmem>>
        %dma_start3A_2896 = tpu.memref_squeeze %dma_start3A_2895 : memref<1x96xi32, #tpu.memory_space<vmem>> -> memref<96xi32, #tpu.memory_space<vmem>>
        %dma_start3A_2897 = arith.constant 0 : i32
        %dma_start3A_2898 = tpu.memref_slice %arg20[%dma_start3A_2897] : memref<262272xi32, #tpu.memory_space<vmem_shared>> -> memref<262272xi32, #tpu.memory_space<vmem_shared>>
        %dma_start3A_2899 = tpu.memref_slice %arg23[%dma_start3A_2890] : memref<2x!tpu.dma_semaphore, #tpu.memory_space<semaphore_mem>> -> memref<1x!tpu.dma_semaphore, #tpu.memory_space<semaphore_mem>>
        %dma_start3A_2900 = tpu.memref_squeeze %dma_start3A_2899 : memref<1x!tpu.dma_semaphore, #tpu.memory_space<semaphore_mem>> -> memref<!tpu.dma_semaphore, #tpu.memory_space<semaphore_mem>>
        tpu.enqueue_indirect_dma source(%dma_start3A_2898 : memref<262272xi32, #tpu.memory_space<vmem_shared>>) target(%dma_start3A_2893 : memref<96xi32, #tpu.memory_space<vmem>>) offsets(%dma_start3A_2896 : memref<96xi32, #tpu.memory_space<vmem>>) semaphore(%dma_start3A_2900 : memref<!tpu.dma_semaphore, #tpu.memory_space<semaphore_mem>>)
      } else {
      }
      %add3A_2225 = arith.constant 1 : i32
      %add3A_2226 = arith.addi %add3A_2042, %add3A_2225 : i32
      %lt3A_2227 = arith.constant 90 : i32
      %lt3A_2228 = arith.cmpi slt, %add3A_2226, %lt3A_2227 : i32
      %convert_element_type3A_2229 = arith.extui %lt3A_2228 : i1 to i32
      %cond3A_2230 = arith.constant 0 : i32
      %cond3A_2231 = arith.cmpi ne, %convert_element_type3A_2229, %cond3A_2230 : i32
      scf.if %cond3A_2231 {
        %dma_wait3A_2289 = arith.constant 0 : i32
        %dma_wait3A_2290 = arith.constant 0 : i32
        %dma_wait3A_2291 = arith.constant 0 : i32
        %dma_wait3A_2292 = arith.constant 0 : i32
        %dma_wait3A_2293 = tpu.memref_slice %arg16[%dma_wait3A_2290, %dma_wait3A_2292] : memref<2x96xi32, #tpu.memory_space<vmem>> -> memref<1x96xi32, #tpu.memory_space<vmem>>
        %dma_wait3A_2294 = tpu.memref_squeeze %dma_wait3A_2293 : memref<1x96xi32, #tpu.memory_space<vmem>> -> memref<96xi32, #tpu.memory_space<vmem>>
        %dma_wait3A_2295 = arith.constant 0 : i32
        %dma_wait3A_2296 = tpu.memref_slice %arg15[%dma_wait3A_2289, %dma_wait3A_2295] : memref<2x96xi32, #tpu.memory_space<vmem>> -> memref<1x96xi32, #tpu.memory_space<vmem>>
        %dma_wait3A_2297 = tpu.memref_squeeze %dma_wait3A_2296 : memref<1x96xi32, #tpu.memory_space<vmem>> -> memref<96xi32, #tpu.memory_space<vmem>>
        %dma_wait3A_2298 = arith.constant 0 : i32
        %dma_wait3A_2299 = tpu.memref_slice %arg20[%dma_wait3A_2298] : memref<262272xi32, #tpu.memory_space<vmem_shared>> -> memref<262272xi32, #tpu.memory_space<vmem_shared>>
        %dma_wait3A_2300 = tpu.memref_slice %arg23[%dma_wait3A_2291] : memref<2x!tpu.dma_semaphore, #tpu.memory_space<semaphore_mem>> -> memref<1x!tpu.dma_semaphore, #tpu.memory_space<semaphore_mem>>
        %dma_wait3A_2301 = tpu.memref_squeeze %dma_wait3A_2300 : memref<1x!tpu.dma_semaphore, #tpu.memory_space<semaphore_mem>> -> memref<!tpu.dma_semaphore, #tpu.memory_space<semaphore_mem>>
        tpu.wait_indirect_dma semaphore(%dma_wait3A_2301 : memref<!tpu.dma_semaphore, #tpu.memory_space<semaphore_mem>>) src(%dma_wait3A_2299 : memref<262272xi32, #tpu.memory_space<vmem_shared>>) dst(%dma_wait3A_2294 : memref<96xi32, #tpu.memory_space<vmem>>)
        %get3A_2302 = arith.constant 0 : i32
        %get3A_2303 = arith.index_cast %get3A_2302 : i32 to index
        %get3A_2304 = arith.constant 0 : index
        %get3A_2305 = tpu.vector_load %arg16[%get3A_2303, %get3A_2304] {strides = array<i32>} : memref<2x96xi32, #tpu.memory_space<vmem>>, vector<1x16xi32>,
        %get3A_2306 = vector.shape_cast %get3A_2305 : vector<1x16xi32> to vector<16xi32>
        %ge3A_2307 = arith.constant 0 : i32
        %ge3A_2308 = vector.broadcast %ge3A_2307 : i32 to vector<16xi32>
        %ge3A_2309 = arith.cmpi sge, %get3A_2306, %ge3A_2308 : vector<16xi32>
        %jit3A_2310 = arith.constant 10000 : i32
        %broadcast_in_dim3A_2311 = vector.broadcast %jit3A_2310 : i32 to vector<16xi32>
        %select_n3A_2312 = arith.select %ge3A_2309, %get3A_2306, %broadcast_in_dim3A_2311 : vector<16xi1>, vector<16xi32>
        %swap3A_2313 = arith.constant 0 : i32
        %swap3A_2314 = arith.index_cast %swap3A_2313 : i32 to index
        %swap3A_2315 = arith.constant 0 : index
        %swap3A_2316 = tpu.vector_load %arg17[%swap3A_2314, %swap3A_2315] {strides = array<i32>} : memref<2x96xi32, #tpu.memory_space<vmem>>, vector<1x16xi32>,
        %swap3A_2317 = vector.shape_cast %swap3A_2316 : vector<1x16xi32> to vector<16xi32>
        %swap3A_2318 = vector.shape_cast %select_n3A_2312 : vector<16xi32> to vector<1x16xi32>
        tpu.vector_store %arg17[%swap3A_2314, %swap3A_2315], %swap3A_2318 {strides = array<i32>} : memref<2x96xi32, #tpu.memory_space<vmem>>, vector<1x16xi32>,
        %get3A_2319 = arith.constant 0 : i32
        %get3A_2320 = arith.index_cast %get3A_2319 : i32 to index
        %get3A_2321 = arith.constant 16 : index
        %get3A_2322 = tpu.vector_load %arg16[%get3A_2320, %get3A_2321] {strides = array<i32>} : memref<2x96xi32, #tpu.memory_space<vmem>>, vector<1x16xi32>,
        %get3A_2323 = vector.shape_cast %get3A_2322 : vector<1x16xi32> to vector<16xi32>
        %ge3A_2324 = arith.constant 0 : i32
        %ge3A_2325 = vector.broadcast %ge3A_2324 : i32 to vector<16xi32>
        %ge3A_2326 = arith.cmpi sge, %get3A_2323, %ge3A_2325 : vector<16xi32>
        %jit3A_2327 = arith.constant 10000 : i32
        %broadcast_in_dim3A_2328 = vector.broadcast %jit3A_2327 : i32 to vector<16xi32>
        %select_n3A_2329 = arith.select %ge3A_2326, %get3A_2323, %broadcast_in_dim3A_2328 : vector<16xi1>, vector<16xi32>
        %swap3A_2330 = arith.constant 0 : i32
        %swap3A_2331 = arith.index_cast %swap3A_2330 : i32 to index
        %swap3A_2332 = arith.constant 16 : index
        %swap3A_2333 = tpu.vector_load %arg17[%swap3A_2331, %swap3A_2332] {strides = array<i32>} : memref<2x96xi32, #tpu.memory_space<vmem>>, vector<1x16xi32>,
        %swap3A_2334 = vector.shape_cast %swap3A_2333 : vector<1x16xi32> to vector<16xi32>
        %swap3A_2335 = vector.shape_cast %select_n3A_2329 : vector<16xi32> to vector<1x16xi32>
        tpu.vector_store %arg17[%swap3A_2331, %swap3A_2332], %swap3A_2335 {strides = array<i32>} : memref<2x96xi32, #tpu.memory_space<vmem>>, vector<1x16xi32>,
        %get3A_2336 = arith.constant 0 : i32
        %get3A_2337 = arith.index_cast %get3A_2336 : i32 to index
        %get3A_2338 = arith.constant 32 : index
        %get3A_2339 = tpu.vector_load %arg16[%get3A_2337, %get3A_2338] {strides = array<i32>} : memref<2x96xi32, #tpu.memory_space<vmem>>, vector<1x16xi32>,
        %get3A_2340 = vector.shape_cast %get3A_2339 : vector<1x16xi32> to vector<16xi32>
        %ge3A_2341 = arith.constant 0 : i32
        %ge3A_2342 = vector.broadcast %ge3A_2341 : i32 to vector<16xi32>
        %ge3A_2343 = arith.cmpi sge, %get3A_2340, %ge3A_2342 : vector<16xi32>
        %jit3A_2344 = arith.constant 10000 : i32
        %broadcast_in_dim3A_2345 = vector.broadcast %jit3A_2344 : i32 to vector<16xi32>
        %select_n3A_2346 = arith.select %ge3A_2343, %get3A_2340, %broadcast_in_dim3A_2345 : vector<16xi1>, vector<16xi32>
        %swap3A_2347 = arith.constant 0 : i32
        %swap3A_2348 = arith.index_cast %swap3A_2347 : i32 to index
        %swap3A_2349 = arith.constant 32 : index
        %swap3A_2350 = tpu.vector_load %arg17[%swap3A_2348, %swap3A_2349] {strides = array<i32>} : memref<2x96xi32, #tpu.memory_space<vmem>>, vector<1x16xi32>,
        %swap3A_2351 = vector.shape_cast %swap3A_2350 : vector<1x16xi32> to vector<16xi32>
        %swap3A_2352 = vector.shape_cast %select_n3A_2346 : vector<16xi32> to vector<1x16xi32>
        tpu.vector_store %arg17[%swap3A_2348, %swap3A_2349], %swap3A_2352 {strides = array<i32>} : memref<2x96xi32, #tpu.memory_space<vmem>>, vector<1x16xi32>,
        %get3A_2353 = arith.constant 0 : i32
        %get3A_2354 = arith.index_cast %get3A_2353 : i32 to index
        %get3A_2355 = arith.constant 48 : index
        %get3A_2356 = tpu.vector_load %arg16[%get3A_2354, %get3A_2355] {strides = array<i32>} : memref<2x96xi32, #tpu.memory_space<vmem>>, vector<1x16xi32>,
        %get3A_2357 = vector.shape_cast %get3A_2356 : vector<1x16xi32> to vector<16xi32>
        %ge3A_2358 = arith.constant 0 : i32
        %ge3A_2359 = vector.broadcast %ge3A_2358 : i32 to vector<16xi32>
        %ge3A_2360 = arith.cmpi sge, %get3A_2357, %ge3A_2359 : vector<16xi32>
        %jit3A_2361 = arith.constant 10000 : i32
        %broadcast_in_dim3A_2362 = vector.broadcast %jit3A_2361 : i32 to vector<16xi32>
        %select_n3A_2363 = arith.select %ge3A_2360, %get3A_2357, %broadcast_in_dim3A_2362 : vector<16xi1>, vector<16xi32>
        %swap3A_2364 = arith.constant 0 : i32
        %swap3A_2365 = arith.index_cast %swap3A_2364 : i32 to index
        %swap3A_2366 = arith.constant 48 : index
        %swap3A_2367 = tpu.vector_load %arg17[%swap3A_2365, %swap3A_2366] {strides = array<i32>} : memref<2x96xi32, #tpu.memory_space<vmem>>, vector<1x16xi32>,
        %swap3A_2368 = vector.shape_cast %swap3A_2367 : vector<1x16xi32> to vector<16xi32>
        %swap3A_2369 = vector.shape_cast %select_n3A_2363 : vector<16xi32> to vector<1x16xi32>
        tpu.vector_store %arg17[%swap3A_2365, %swap3A_2366], %swap3A_2369 {strides = array<i32>} : memref<2x96xi32, #tpu.memory_space<vmem>>, vector<1x16xi32>,
        %get3A_2370 = arith.constant 0 : i32
        %get3A_2371 = arith.index_cast %get3A_2370 : i32 to index
        %get3A_2372 = arith.constant 64 : index
        %get3A_2373 = tpu.vector_load %arg16[%get3A_2371, %get3A_2372] {strides = array<i32>} : memref<2x96xi32, #tpu.memory_space<vmem>>, vector<1x16xi32>,
        %get3A_2374 = vector.shape_cast %get3A_2373 : vector<1x16xi32> to vector<16xi32>
        %ge3A_2375 = arith.constant 0 : i32
        %ge3A_2376 = vector.broadcast %ge3A_2375 : i32 to vector<16xi32>
        %ge3A_2377 = arith.cmpi sge, %get3A_2374, %ge3A_2376 : vector<16xi32>
        %jit3A_2378 = arith.constant 10000 : i32
        %broadcast_in_dim3A_2379 = vector.broadcast %jit3A_2378 : i32 to vector<16xi32>
        %select_n3A_2380 = arith.select %ge3A_2377, %get3A_2374, %broadcast_in_dim3A_2379 : vector<16xi1>, vector<16xi32>
        %swap3A_2381 = arith.constant 0 : i32
        %swap3A_2382 = arith.index_cast %swap3A_2381 : i32 to index
        %swap3A_2383 = arith.constant 64 : index
        %swap3A_2384 = tpu.vector_load %arg17[%swap3A_2382, %swap3A_2383] {strides = array<i32>} : memref<2x96xi32, #tpu.memory_space<vmem>>, vector<1x16xi32>,
        %swap3A_2385 = vector.shape_cast %swap3A_2384 : vector<1x16xi32> to vector<16xi32>
        %swap3A_2386 = vector.shape_cast %select_n3A_2380 : vector<16xi32> to vector<1x16xi32>
        tpu.vector_store %arg17[%swap3A_2382, %swap3A_2383], %swap3A_2386 {strides = array<i32>} : memref<2x96xi32, #tpu.memory_space<vmem>>, vector<1x16xi32>,
        %get3A_2387 = arith.constant 0 : i32
        %get3A_2388 = arith.index_cast %get3A_2387 : i32 to index
        %get3A_2389 = arith.constant 80 : index
        %get3A_2390 = tpu.vector_load %arg16[%get3A_2388, %get3A_2389] {strides = array<i32>} : memref<2x96xi32, #tpu.memory_space<vmem>>, vector<1x16xi32>,
        %get3A_2391 = vector.shape_cast %get3A_2390 : vector<1x16xi32> to vector<16xi32>
        %ge3A_2392 = arith.constant 0 : i32
        %ge3A_2393 = vector.broadcast %ge3A_2392 : i32 to vector<16xi32>
        %ge3A_2394 = arith.cmpi sge, %get3A_2391, %ge3A_2393 : vector<16xi32>
        %jit3A_2395 = arith.constant 10000 : i32
        %broadcast_in_dim3A_2396 = vector.broadcast %jit3A_2395 : i32 to vector<16xi32>
        %select_n3A_2397 = arith.select %ge3A_2394, %get3A_2391, %broadcast_in_dim3A_2396 : vector<16xi1>, vector<16xi32>
        %swap3A_2398 = arith.constant 0 : i32
        %swap3A_2399 = arith.index_cast %swap3A_2398 : i32 to index
        %swap3A_2400 = arith.constant 80 : index
        %swap3A_2401 = tpu.vector_load %arg17[%swap3A_2399, %swap3A_2400] {strides = array<i32>} : memref<2x96xi32, #tpu.memory_space<vmem>>, vector<1x16xi32>,
        %swap3A_2402 = vector.shape_cast %swap3A_2401 : vector<1x16xi32> to vector<16xi32>
        %swap3A_2403 = vector.shape_cast %select_n3A_2397 : vector<16xi32> to vector<1x16xi32>
        tpu.vector_store %arg17[%swap3A_2399, %swap3A_2400], %swap3A_2403 {strides = array<i32>} : memref<2x96xi32, #tpu.memory_space<vmem>>, vector<1x16xi32>,
      } else {
      }
      %dma_wait3A_2232 = arith.constant 0 : i32
      %dma_wait3A_2233 = arith.constant 0 : i32
      %dma_wait3A_2234 = arith.constant 0 : i32
      %dma_wait3A_2235 = arith.constant 0 : i32
      %dma_wait3A_2236 = tpu.memref_slice %arg18[%dma_wait3A_2232, %dma_wait3A_2234, %dma_wait3A_2235] : memref<2x96x128xf32, #tpu.memory_space<vmem>> -> memref<1x96x128xf32, #tpu.memory_space<vmem>>
      %dma_wait3A_2237 = tpu.memref_squeeze %dma_wait3A_2236 : memref<1x96x128xf32, #tpu.memory_space<vmem>> -> memref<96x128xf32, #tpu.memory_space<vmem>>
      %dma_wait3A_2238 = arith.constant 0 : i32
      %dma_wait3A_2239 = tpu.memref_slice %arg8[%mul3A_22, %dma_wait3A_2238] : memref<276480x128xf32, #tpu.memory_space<hbm>> -> memref<96x128xf32, #tpu.memory_space<hbm>>
      %dma_wait3A_2240 = tpu.memref_slice %arg25[%dma_wait3A_2233] : memref<2x!tpu.dma_semaphore, #tpu.memory_space<semaphore_mem>> -> memref<1x!tpu.dma_semaphore, #tpu.memory_space<semaphore_mem>>
      %dma_wait3A_2241 = tpu.memref_squeeze %dma_wait3A_2240 : memref<1x!tpu.dma_semaphore, #tpu.memory_space<semaphore_mem>> -> memref<!tpu.dma_semaphore, #tpu.memory_space<semaphore_mem>>
      %dma_wait3A_2242 = arith.constant 0 : i32
      %dma_wait3A_2243 = tpu.memref_slice %arg8[%mul3A_22, %dma_wait3A_2242] : memref<276480x128xf32, #tpu.memory_space<hbm>> -> memref<96x128xf32, #tpu.memory_space<hbm>>
      %dma_wait3A_2244 = arith.constant 0 : i32
      %dma_wait3A_2245 = arith.constant 0 : i32
      %dma_wait3A_2246 = tpu.memref_slice %arg18[%dma_wait3A_2232, %dma_wait3A_2244, %dma_wait3A_2245] : memref<2x96x128xf32, #tpu.memory_space<vmem>> -> memref<1x96x128xf32, #tpu.memory_space<vmem>>
      %dma_wait3A_2247 = tpu.memref_squeeze %dma_wait3A_2246 : memref<1x96x128xf32, #tpu.memory_space<vmem>> -> memref<96x128xf32, #tpu.memory_space<vmem>>
      tpu.wait_dma2 semaphore(%dma_wait3A_2241 : memref<!tpu.dma_semaphore, #tpu.memory_space<semaphore_mem>>) src(%dma_wait3A_2247 : memref<96x128xf32, #tpu.memory_space<vmem>>) dst(%dma_wait3A_2243 : memref<96x128xf32, #tpu.memory_space<hbm>>)
      %dma_wait3A_2248 = arith.constant 1 : i32
      %dma_wait3A_2249 = arith.constant 1 : i32
      %dma_wait3A_2250 = arith.constant 1 : i32
      %dma_wait3A_2251 = arith.constant 0 : i32
      %dma_wait3A_2252 = arith.constant 0 : i32
      %dma_wait3A_2253 = tpu.memref_slice %arg18[%dma_wait3A_2249, %dma_wait3A_2251, %dma_wait3A_2252] : memref<2x96x128xf32, #tpu.memory_space<vmem>> -> memref<1x96x128xf32, #tpu.memory_space<vmem>>
      %dma_wait3A_2254 = tpu.memref_squeeze %dma_wait3A_2253 : memref<1x96x128xf32, #tpu.memory_space<vmem>> -> memref<96x128xf32, #tpu.memory_space<vmem>>
      %dma_wait3A_2255 = arith.constant 0 : i32
      %dma_wait3A_2256 = tpu.memref_slice %arg17[%dma_wait3A_2248, %dma_wait3A_2255] : memref<2x96xi32, #tpu.memory_space<vmem>> -> memref<1x96xi32, #tpu.memory_space<vmem>>
      %dma_wait3A_2257 = tpu.memref_squeeze %dma_wait3A_2256 : memref<1x96xi32, #tpu.memory_space<vmem>> -> memref<96xi32, #tpu.memory_space<vmem>>
      %dma_wait3A_2258 = arith.constant 0 : i32
      %dma_wait3A_2259 = arith.constant 0 : i32
      %dma_wait3A_2260 = tpu.memref_slice %arg19[%dma_wait3A_2258, %dma_wait3A_2259] : memref<10112x128xf32, #tpu.memory_space<vmem_shared>> -> memref<10112x128xf32, #tpu.memory_space<vmem_shared>>
      %dma_wait3A_2261 = tpu.memref_slice %arg24[%dma_wait3A_2250] : memref<2x!tpu.dma_semaphore, #tpu.memory_space<semaphore_mem>> -> memref<1x!tpu.dma_semaphore, #tpu.memory_space<semaphore_mem>>
      %dma_wait3A_2262 = tpu.memref_squeeze %dma_wait3A_2261 : memref<1x!tpu.dma_semaphore, #tpu.memory_space<semaphore_mem>> -> memref<!tpu.dma_semaphore, #tpu.memory_space<semaphore_mem>>
      tpu.wait_indirect_dma semaphore(%dma_wait3A_2262 : memref<!tpu.dma_semaphore, #tpu.memory_space<semaphore_mem>>) src(%dma_wait3A_2260 : memref<10112x128xf32, #tpu.memory_space<vmem_shared>>) dst(%dma_wait3A_2254 : memref<96x128xf32, #tpu.memory_space<vmem>>)
      %mul3A_2263 = arith.constant 96 : i32
      %mul3A_2264 = arith.muli %add3A_2042, %mul3A_2263 : i32
      %add3A_2265 = arith.addi %mul3A_22, %mul3A_2264 : i32
      %dma_start3A_2266 = arith.constant 1 : i32
      %dma_start3A_2267 = arith.constant 1 : i32
      %dma_start3A_2268 = arith.constant 0 : i32
      %dma_start3A_2269 = arith.constant 0 : i32
      %dma_start3A_2270 = tpu.memref_slice %arg18[%dma_start3A_2266, %dma_start3A_2268, %dma_start3A_2269] : memref<2x96x128xf32, #tpu.memory_space<vmem>> -> memref<1x96x128xf32, #tpu.memory_space<vmem>>
      %dma_start3A_2271 = tpu.memref_squeeze %dma_start3A_2270 : memref<1x96x128xf32, #tpu.memory_space<vmem>> -> memref<96x128xf32, #tpu.memory_space<vmem>>
      %dma_start3A_2272 = arith.constant 0 : i32
      %dma_start3A_2273 = tpu.memref_slice %arg8[%add3A_2265, %dma_start3A_2272] : memref<276480x128xf32, #tpu.memory_space<hbm>> -> memref<96x128xf32, #tpu.memory_space<hbm>>
      %dma_start3A_2274 = tpu.memref_slice %arg25[%dma_start3A_2267] : memref<2x!tpu.dma_semaphore, #tpu.memory_space<semaphore_mem>> -> memref<1x!tpu.dma_semaphore, #tpu.memory_space<semaphore_mem>>
      %dma_start3A_2275 = tpu.memref_squeeze %dma_start3A_2274 : memref<1x!tpu.dma_semaphore, #tpu.memory_space<semaphore_mem>> -> memref<!tpu.dma_semaphore, #tpu.memory_space<semaphore_mem>>
      %dma_start3A_2276 = arith.constant 0 : i32
      %dma_start3A_2277 = tpu.memref_slice %arg8[%add3A_2265, %dma_start3A_2276] : memref<276480x128xf32, #tpu.memory_space<hbm>> -> memref<96x128xf32, #tpu.memory_space<hbm>>
      %dma_start3A_2278 = arith.constant 0 : i32
      %dma_start3A_2279 = arith.constant 0 : i32
      %dma_start3A_2280 = tpu.memref_slice %arg18[%dma_start3A_2266, %dma_start3A_2278, %dma_start3A_2279] : memref<2x96x128xf32, #tpu.memory_space<vmem>> -> memref<1x96x128xf32, #tpu.memory_space<vmem>>
      %dma_start3A_2281 = tpu.memref_squeeze %dma_start3A_2280 : memref<1x96x128xf32, #tpu.memory_space<vmem>> -> memref<96x128xf32, #tpu.memory_space<vmem>>
      tpu.enqueue_dma source(%dma_start3A_2281 : memref<96x128xf32, #tpu.memory_space<vmem>>) target(%dma_start3A_2277 : memref<96x128xf32, #tpu.memory_space<hbm>>) target_semaphore(%dma_start3A_2275 : memref<!tpu.dma_semaphore, #tpu.memory_space<semaphore_mem>>)
      %add3A_2282 = arith.constant 1 : i32
      %add3A_2283 = arith.addi %add3A_2042, %add3A_2282 : i32
      %lt3A_2284 = arith.constant 90 : i32
      %lt3A_2285 = arith.cmpi slt, %add3A_2283, %lt3A_2284 : i32
      %convert_element_type3A_2286 = arith.extui %lt3A_2285 : i1 to i32
      %cond3A_2287 = arith.constant 0 : i32
      %cond3A_2288 = arith.cmpi ne, %convert_element_type3A_2286, %cond3A_2287 : i32
      scf.if %cond3A_2288 {
        %dma_start3A_2289 = arith.constant 0 : i32
        %dma_start3A_2290 = arith.constant 0 : i32
        %dma_start3A_2291 = arith.constant 0 : i32
        %dma_start3A_2292 = arith.constant 0 : i32
        %dma_start3A_2293 = arith.constant 0 : i32
        %dma_start3A_2294 = tpu.memref_slice %arg18[%dma_start3A_2290, %dma_start3A_2292, %dma_start3A_2293] : memref<2x96x128xf32, #tpu.memory_space<vmem>> -> memref<1x96x128xf32, #tpu.memory_space<vmem>>
        %dma_start3A_2295 = tpu.memref_squeeze %dma_start3A_2294 : memref<1x96x128xf32, #tpu.memory_space<vmem>> -> memref<96x128xf32, #tpu.memory_space<vmem>>
        %dma_start3A_2296 = arith.constant 0 : i32
        %dma_start3A_2297 = tpu.memref_slice %arg17[%dma_start3A_2289, %dma_start3A_2296] : memref<2x96xi32, #tpu.memory_space<vmem>> -> memref<1x96xi32, #tpu.memory_space<vmem>>
        %dma_start3A_2298 = tpu.memref_squeeze %dma_start3A_2297 : memref<1x96xi32, #tpu.memory_space<vmem>> -> memref<96xi32, #tpu.memory_space<vmem>>
        %dma_start3A_2299 = arith.constant 0 : i32
        %dma_start3A_2300 = arith.constant 0 : i32
        %dma_start3A_2301 = tpu.memref_slice %arg19[%dma_start3A_2299, %dma_start3A_2300] : memref<10112x128xf32, #tpu.memory_space<vmem_shared>> -> memref<10112x128xf32, #tpu.memory_space<vmem_shared>>
        %dma_start3A_2302 = tpu.memref_slice %arg24[%dma_start3A_2291] : memref<2x!tpu.dma_semaphore, #tpu.memory_space<semaphore_mem>> -> memref<1x!tpu.dma_semaphore, #tpu.memory_space<semaphore_mem>>
        %dma_start3A_2303 = tpu.memref_squeeze %dma_start3A_2302 : memref<1x!tpu.dma_semaphore, #tpu.memory_space<semaphore_mem>> -> memref<!tpu.dma_semaphore, #tpu.memory_space<semaphore_mem>>
        tpu.enqueue_indirect_dma source(%dma_start3A_2301 : memref<10112x128xf32, #tpu.memory_space<vmem_shared>>) target(%dma_start3A_2295 : memref<96x128xf32, #tpu.memory_space<vmem>>) offsets(%dma_start3A_2298 : memref<96xi32, #tpu.memory_space<vmem>>) semaphore(%dma_start3A_2303 : memref<!tpu.dma_semaphore, #tpu.memory_space<semaphore_mem>>)
      } else {
      }
    }
    %scan3A_2021 = arith.constant 45 : i32
    %dma_wait3A_2022 = arith.constant 1 : i32
    %dma_wait3A_2023 = arith.constant 1 : i32
    %dma_wait3A_2024 = arith.constant 0 : i32
    %dma_wait3A_2025 = arith.constant 0 : i32
    %dma_wait3A_2026 = tpu.memref_slice %arg18[%dma_wait3A_2022, %dma_wait3A_2024, %dma_wait3A_2025] : memref<2x96x128xf32, #tpu.memory_space<vmem>> -> memref<1x96x128xf32, #tpu.memory_space<vmem>>
    %dma_wait3A_2027 = tpu.memref_squeeze %dma_wait3A_2026 : memref<1x96x128xf32, #tpu.memory_space<vmem>> -> memref<96x128xf32, #tpu.memory_space<vmem>>
    %dma_wait3A_2028 = arith.constant 0 : i32
    %dma_wait3A_2029 = tpu.memref_slice %arg8[%mul3A_22, %dma_wait3A_2028] : memref<276480x128xf32, #tpu.memory_space<hbm>> -> memref<96x128xf32, #tpu.memory_space<hbm>>
    %dma_wait3A_2030 = tpu.memref_slice %arg25[%dma_wait3A_2023] : memref<2x!tpu.dma_semaphore, #tpu.memory_space<semaphore_mem>> -> memref<1x!tpu.dma_semaphore, #tpu.memory_space<semaphore_mem>>
    %dma_wait3A_2031 = tpu.memref_squeeze %dma_wait3A_2030 : memref<1x!tpu.dma_semaphore, #tpu.memory_space<semaphore_mem>> -> memref<!tpu.dma_semaphore, #tpu.memory_space<semaphore_mem>>
    %dma_wait3A_2032 = arith.constant 0 : i32
    %dma_wait3A_2033 = tpu.memref_slice %arg8[%mul3A_22, %dma_wait3A_2032] : memref<276480x128xf32, #tpu.memory_space<hbm>> -> memref<96x128xf32, #tpu.memory_space<hbm>>
    %dma_wait3A_2034 = arith.constant 0 : i32
    %dma_wait3A_2035 = arith.constant 0 : i32
    %dma_wait3A_2036 = tpu.memref_slice %arg18[%dma_wait3A_2022, %dma_wait3A_2034, %dma_wait3A_2035] : memref<2x96x128xf32, #tpu.memory_space<vmem>> -> memref<1x96x128xf32, #tpu.memory_space<vmem>>
    %dma_wait3A_2037 = tpu.memref_squeeze %dma_wait3A_2036 : memref<1x96x128xf32, #tpu.memory_space<vmem>> -> memref<96x128xf32, #tpu.memory_space<vmem>>
    tpu.wait_dma2 semaphore(%dma_wait3A_2031 : memref<!tpu.dma_semaphore, #tpu.memory_space<semaphore_mem>>) src(%dma_wait3A_2037 : memref<96x128xf32, #tpu.memory_space<vmem>>) dst(%dma_wait3A_2033 : memref<96x128xf32, #tpu.memory_space<hbm>>)
    return
  }
}

module attributes {stable_mosaic.version = 14 : i64} {
  func.func @_tc_gemm_body(%arg0: i32, %arg1: memref<512x3456xf32, #tpu.memory_space<vmem>>, %arg2: memref<3456x128xf32, #tpu.memory_space<vmem>>, %arg3: memref<1x128xf32, #tpu.memory_space<vmem>>, %arg4: memref<512x128xf32, #tpu.memory_space<vmem>>) attributes {dimension_semantics = [#tpu.dimension_semantics<arbitrary>], iteration_bounds = array<i64: 20>, scalar_prefetch = 0 : i64, scratch_operands = 0 : i64, tpu.core_type = #tpu.core_type<tc>, window_params = [{transform_indices = @transform_0, window_bounds = array<i64: 512, 3456>}, {pipeline_mode = #tpu.pipeline_mode<synchronous>, transform_indices = @transform_1, window_bounds = array<i64: 3456, 128>}, {pipeline_mode = #tpu.pipeline_mode<synchronous>, transform_indices = @transform_2, window_bounds = array<i64: 1, 128>}, {transform_indices = @transform_3, window_bounds = array<i64: 512, 128>}]} {
    %get3A = arith.constant 0 : index
    %get3A_0 = arith.constant 0 : index
    %get3A_1 = vector.load %arg1[%get3A, %get3A_0] : memref<512x3456xf32, #tpu.memory_space<vmem>>, vector<512x3456xf32>
    %get3A_2 = arith.constant 0 : index
    %get3A_3 = arith.constant 0 : index
    %get3A_4 = vector.load %arg2[%get3A_2, %get3A_3] : memref<3456x128xf32, #tpu.memory_space<vmem>>, vector<3456x128xf32>
    %dot_general3A = arith.constant dense<0.000000e+00> : vector<512x128xf32>
    %dot_general3A_5 = tpu.matmul %get3A_1, %get3A_4, %dot_general3A {dimension_numbers = #tpu.dot_dimension_numbers<[1], [0], [0], [1], [0, 0, 1, 1], [], []>, transpose_lhs_hint = false} : vector<512x3456xf32>, vector<3456x128xf32>, vector<512x128xf32> -> vector<512x128xf32>
    %get3A_6 = arith.constant 0 : index
    %get3A_7 = arith.constant 0 : index
    %get3A_8 = vector.load %arg3[%get3A_6, %get3A_7] : memref<1x128xf32, #tpu.memory_space<vmem>>, vector<1x128xf32>
    %add3A = vector.broadcast %get3A_8 : vector<1x128xf32> to vector<512x128xf32>
    %add3A_9 = arith.addf %dot_general3A_5, %add3A : vector<512x128xf32>
    %swap3A = arith.constant 0 : index
    %swap3A_10 = arith.constant 0 : index
    %swap3A_11 = vector.load %arg4[%swap3A, %swap3A_10] : memref<512x128xf32, #tpu.memory_space<vmem>>, vector<512x128xf32>
    tpu.vector_store %arg4[%swap3A, %swap3A_10], %add3A_9 {strides = array<i32>} : memref<512x128xf32, #tpu.memory_space<vmem>>, vector<512x128xf32>,
    return
  }
  func.func @transform_0(%arg0: i32) -> (i32, i32) {
    %c0_i32 = arith.constant 0 : i32
    %c0_i32_0 = arith.constant 0 : i32
    return %arg0, %c0_i32 : i32, i32
  }
  func.func @transform_1(%arg0: i32) -> (i32, i32) {
    %c0_i32 = arith.constant 0 : i32
    %c0_i32_0 = arith.constant 0 : i32
    %c0_i32_1 = arith.constant 0 : i32
    return %c0_i32, %c0_i32_0 : i32, i32
  }
  func.func @transform_2(%arg0: i32) -> (i32, i32) {
    %c0_i32 = arith.constant 0 : i32
    %c0_i32_0 = arith.constant 0 : i32
    %c0_i32_1 = arith.constant 0 : i32
    return %c0_i32, %c0_i32_0 : i32, i32
  }
  func.func @transform_3(%arg0: i32) -> (i32, i32) {
    %c0_i32 = arith.constant 0 : i32
    %c0_i32_0 = arith.constant 0 : i32
    return %arg0, %c0_i32 : i32, i32
  }
}

</mosaic_0001>

<sc_bundles>
// kernel: kernel.4.cloned.1.call-start
scs
__scs_entry_jumppad:
0x0: {  	(pc) =	sbr.rel $0x88, $3  }
0x1: {  	(tag) =	ssettag $0x0;
	lr =	simm.s32 $0x1  }
0x2: {  	[smem:$0x3F9D] =	sst lr;
	_ =	strace $0xD0000000  }
0x3: {  	_ = 	snop  }
0x4: {  	_ = 	snop  }
0x5: {  	_ = 	snop  }
0x6: {  	_ = 	snop  }
0x7: {  	_ = 	snop  }
__scs_overlays_trampoline_lowered:
0x8: {  	[smem:$0x3FAC] =	sst s0  }
0x9: {  	[smem:$0x3FAD] =	sst s1  }
0xa: {  	[smem:$0x3FAE] =	sst s2  }
0xb: {  	[smem:$0x3FAF] =	sst s3  }
0xc: {  	[smem:$0x3FB0] =	sst s4  }
0xd: {  	[smem:$0x3FB1] =	sst s5  }
0xe: {  	[smem:$0x3FB2] =	sst s6  }
0xf: {  	[smem:$0x3FB3] =	sst s7  }
0x10: {  	[smem:$0x3FB4] =	sst s8  }
0x11: {  	[smem:$0x3FB5] =	sst s9;
	s0 =	simm.s32 @!p0 $0x0  }
0x12: {  	s1 =	sld [smem:$0x3F9B];
	s0 =	simm.s32 @p0 $0x1  }
0x13: {  	[smem:$0x3FB6] =	sst s0;
	s0 =	simm.s32 @!p1 $0x0  }
0x14: {  	s2 =	sld [smem:$0x3F9A];
	s0 =	simm.s32 @p1 $0x1  }
0x15: {  	[smem:$0x3FB7] =	sst s0;
	s0 =	simm.s32 @!p2 $0x0  }
0x16: {  	s3 =	sld [smem:$0x3FDB];
	s0 =	simm.s32 @p2 $0x1  }
0x17: {  	s4 =	simm.s32 $0x1BF5;
	[smem:$0x3FB9] =	sst s0  }
0x18: {  	s0 =	sld [smem:$0x3F9C];
	_ =	swait.ge [sflag:s4], $0x0  }
0x19: {  	s7 =	sld [smem:$0x3F9D]  }
0x1a: {  	s8 =	sadd.s32 $0xFFFFE003, lr  }
0x1b: {  	s9 =	sadd.s32 $0xFFFFFEF7, lr;
	s5 =	simm.s32 $0xFFFFFFFF;
	p2 =	slt.u32 s8, $0xFFFFF086  }
0x1c: {  	p1 =	slt.u32 s9, $0xF7A;
	s5 =	simm.s32 @!p2 $0x0  }
0x1d: {  	s5 =	simm.s32 @p1 $0x1;
	p0 =	seq.s32 s7, s2  }
0x1e: {  	s7 =	smul.u32 @!p0 $0xF7A, s2;
	p2 =	seq.s32 @!p0 s5, $0x0  }
0x1f: {  	s9 =	smul.u32 $0xF7A, s1;
	s8 =	simm.s32 @!p0 $0x1BF5;
	p2 =	por !p2, p0  }
0x20: {  	[sflag:s8] =	ssyncset.s32 @!p0 $0xFFFFF086;
	s6 =	sadd.s32 @!p0 s3, s7;
	s7 =	simm.s32 @!p0 $0x108  }
0x21: {  	s3 =	sadd.s32 s3, s9;
	s6 =	sadd.s32 @!p0 $0x88, s6;
	s7 =	simm.s32 @p2 $0x1082  }
0x22: {  	[simem:s7], [sflag:s8] =	dma.local @!p0 [hbm:s6], $0xF7A  }
0x23: {  	s9 =	sor.u32 $0xD0000000, s2;
	s6 =	simm.s32 $0x108;
	_ =	swait.ge @!p0 [sflag:s8], $0x0  }
0x24: {  	s3 =	sadd.s32 $0x88, s3;
	s6 =	simm.s32 @!p1 $0x1082;
	[sflag:s4] =	ssyncset.s32 $0xFFFFF086  }
0x25: {  	[simem:s6], [sflag:s4] =	dma.local [hbm:s3], $0xF7A  }
0x26: {  	[smem:$0x3F9D] =	sst s1;
	(tag) =	ssettag s2;
	_ =	strace s9  }
0x27: {  	s1 =	sld [smem:$0x3FAD]  }
0x28: {  	s2 =	sld [smem:$0x3FAE]  }
0x29: {  	s4 =	sld [smem:$0x3FB0]  }
0x2a: {  	p0 =	seq.s32 s5, $0x0;
	s5 =	sld [smem:$0x3FB1]  }
0x2b: {  	s6 =	sld [smem:$0x3FB2]  }
0x2c: {  	s7 =	sld [smem:$0x3FB3]  }
0x2d: {  	s3 =	simm.s32 $0x108;
	s8 =	sld [smem:$0x3FB4]  }
0x2e: {  	s3 =	simm.s32 @!p0 $0x1082;
	s9 =	sld [smem:$0x3FB5]  }
0x2f: {  	lr =	sadd.s32 s0, s3;
	s0 =	sld [smem:$0x3FAC]  }
0x30: {  	s3 =	sld [smem:$0x3FAF]  }
0x31: {  	[smem:$0x3FB8] =	sst s10  }
0x32: {  	s10 =	sld [smem:$0x3FB6];
	_ =	sdelay $0x3  }
0x33: {  	p0 =	seq.s32 s10, $0x1;
	s10 =	sld [smem:$0x3FB8];
	_ =	sdelay $0x3  }
0x34: {  	[smem:$0x3FB8] =	sst s10  }
0x35: {  	s10 =	sld [smem:$0x3FB7];
	_ =	sdelay $0x3  }
0x36: {  	p1 =	seq.s32 s10, $0x1;
	s10 =	sld [smem:$0x3FB8];
	_ =	sdelay $0x3  }
0x37: {  	[smem:$0x3FB8] =	sst s10  }
0x38: {  	s10 =	sld [smem:$0x3FB9]  }
0x39: {  	_ = 	snop;
	(pc) =	sbr.ind lr, $3  }
0x3a: {  	_ = 	snop  }
0x3b: {  	_ = 	snop  }
0x3c: {  	p2 =	seq.s32 s10, $0x1;
	s10 =	sld [smem:$0x3FB8]  }
0x3d: {  	_ =	shalt  }
0x3e: {  	_ =	shalt  }
0x3f: {  	_ =	shalt  }
0x40: {  	_ =	shalt  }
0x41: {  	_ =	shalt  }
0x42: {  	_ =	shalt  }
0x43: {  	_ =	shalt  }
0x44: {  	_ =	shalt  }
0x45: {  	_ =	shalt  }
0x46: {  	_ =	shalt  }
0x47: {  	_ =	shalt  }
0x48: {  	_ =	shalt  }
0x49: {  	_ =	shalt  }
0x4a: {  	_ =	shalt  }
0x4b: {  	_ =	shalt  }
0x4c: {  	_ =	shalt  }
0x4d: {  	_ =	shalt  }
0x4e: {  	_ =	shalt  }
0x4f: {  	_ =	shalt  }
0x50: {  	_ =	shalt  }
0x51: {  	_ =	shalt  }
0x52: {  	_ =	shalt  }
0x53: {  	_ =	shalt  }
0x54: {  	_ =	shalt  }
0x55: {  	_ =	shalt  }
0x56: {  	_ =	shalt  }
0x57: {  	_ =	shalt  }
0x58: {  	_ =	shalt  }
0x59: {  	_ =	shalt  }
0x5a: {  	_ =	shalt  }
0x5b: {  	_ =	shalt  }
0x5c: {  	_ =	shalt  }
0x5d: {  	_ =	shalt  }
0x5e: {  	_ =	shalt  }
0x5f: {  	_ =	shalt  }
0x60: {  	_ =	shalt  }
0x61: {  	_ =	shalt  }
0x62: {  	_ =	shalt  }
0x63: {  	_ =	shalt  }
0x64: {  	_ =	shalt  }
0x65: {  	_ =	shalt  }
0x66: {  	_ =	shalt  }
0x67: {  	_ =	shalt  }
0x68: {  	_ =	shalt  }
0x69: {  	_ =	shalt  }
0x6a: {  	_ =	shalt  }
0x6b: {  	_ =	shalt  }
0x6c: {  	_ =	shalt  }
0x6d: {  	_ =	shalt  }
0x6e: {  	_ =	shalt  }
0x6f: {  	_ =	shalt  }
0x70: {  	_ =	shalt  }
0x71: {  	_ =	shalt  }
0x72: {  	_ =	shalt  }
0x73: {  	_ =	shalt  }
0x74: {  	_ =	shalt  }
0x75: {  	_ =	shalt  }
0x76: {  	_ =	shalt  }
0x77: {  	_ =	shalt  }
0x78: {  	_ =	shalt  }
0x79: {  	_ =	shalt  }
0x7a: {  	_ =	shalt  }
0x7b: {  	_ =	shalt  }
0x7c: {  	_ =	shalt  }
0x7d: {  	_ =	shalt  }
0x7e: {  	_ =	shalt  }
0x7f: {  	_ =	shalt  }
0x80: {  	_ =	shalt  }
0x81: {  	_ =	shalt  }
0x82: {  	_ =	shalt  }
0x83: {  	_ =	shalt  }
0x84: {  	_ =	shalt  }
0x85: {  	_ =	shalt  }
0x86: {  	_ =	shalt  }
0x87: {  	_ =	shalt  }
.Lfunc_end0:
.L_simem_size_0:
called_computation_lowered:
.L_overlay_start_0:
0x88: {  	s2 =	sld [smem:$0x3FD9]  }
0x89: {  	s3 =	sld [smem:$0x3FFE];
	_ =	sdelay $0x1  }
0x8a: {  	s1 =	srdreg.scid  }
0x8b: {  	s0 =	sand.u32 $0x1, s1  }
0x8c: {  	s17 =	sshll.u32 s0, $0xA;
	s2 =	sadd.s32 s3, s2  }
0x8d: {  	s2 =	sadd.s32 s2, s17  }
0x8e: {  	[smem:$0x3FC4] =	sst s2  }
0x8f: {  	_ = 	snop  }
0x90: {  	s2 =	sld [smem:$0x3FD0];
	(tm) =	ssettm $0x1  }
0x91: {  	s18 =	sld [smem:$0x3FFB];
	_ =	sdelay $0x3  }
0x92: {  	_ =	strace s18  }
0x93: {  	s3 =	sld [smem:$0x3FFC];
	_ =	sdelay $0x3  }
0x94: {  	_ =	strace s3  }
0x95: {  	s3 =	sld [smem:$0x3FFD];
	_ =	sdelay $0x3  }
0x96: {  	_ =	strace s3  }
0x97: {  	_ =	strace $0x8FFFFFFF  }
0x98: {  	s19 =	sld [smem:$0x3FDB];
	_ =	sdelay $0x1  }
0x99: {  	s4 =	simm.s32 $_scs_section_size  }
0x9a: {  	s5 =	simm.s32 $_size__tile_overlayer_lowered;
	s6 =	simm.s32 $_tile_overlayer_lowered  }
0x9b: {  	s22 =	simm.s32 $0x1BFF;
	s21 =	sshll.u32 s6, $0x1;
	s3 =	sadd.s32 s4, s19  }
0x9c: {  	s7 =	simm.s32 $0x0;
	s20 =	sshll.u32 s5, $0x1;
	s5 =	sadd.s32 s21, s3  }
0x9d: {  	[timem:s7], [sflag:s22] =	dma.local [hbm:s5], s20  }
0x9e: {  	_ =	swait.ge [sflag:s22], s20  }
0x9f: {  	s4 =	ssub.s32 $0x0, s20;
	[sflag:s22] =	ssyncset.done $0x0  }
0xa0: {  	[sflag:s22] =	ssyncadd.s32 s4;
	_ =	sdelay $0x1  }
0xa1: {  	s23 =	simm.s32 $0x1B8B  }
0xa2: {  	_ =	swait.ge [sflag:s23], $0x1  }
0xa3: {  	[sflag:s23] =	ssyncset.done $0x0  }
0xa4: {  	s25 =	simm.s32 $0x1B8E;
	s24 =	sld [smem:$0x3FFE];
	[sflag:s23] =	ssyncadd.s32 $0xFFFFFFFF  }
0xa5: {  	s26 =	simm.s32 $execute0_lowered;
	[smem:$0x3FD2] =	sst s25  }
0xa6: {  	s5 =	sshll.u32 s26, $0x1;
	_ =	strace $0x80000046;
	[dreg:$0x1] =	wrdreg $0xFFFFFFFF  }
0xa7: {  	s28 =	simm.s32 $_size_execute0_lowered;
	s3 =	sadd.s32 s3, s5;
	[dreg:$0x0] =	wrdreg $0x0  }
0xa8: {  	s5 =	sshll.u32 s28, $0x1;
	[dreg:$0x2] =	wrdreg s3  }
0xa9: {  	[dreg:$0x3] =	wrdreg s5  }
0xaa: {  	[dreg:$0x4] =	wrdreg $0xC0  }
0xab: {  	_ =	task [dreg:s7], $0x5FFFF  }
0xac: {  	[dreg:$0x1] =	wrdreg $0xFFFFFFFF  }
0xad: {  	[dreg:$0x0] =	wrdreg $0x60  }
0xae: {  	[dreg:$0x2] =	wrdreg s2  }
0xaf: {  	[dreg:$0x3] =	wrdreg s24  }
0xb0: {  	[dreg:$0x4] =	wrdreg $0x73800  }
0xb1: {  	[dreg:$0x5] =	wrdreg $0x1AF800  }
0xb2: {  	[dreg:$0x6] =	wrdreg $0x9  }
0xb3: {  	_ =	task.clear_ibuf [dreg:s7], $0x7FFFF;
	_ =	strace $0x90000046  }
0xb4: {  	s29 =	simm.s32 $0x9;
	_ =	strace $0x80000048  }
0xb5: {  	_ =	swait.ge [sflag:s29], $0x1  }
0xb6: {  	[sflag:s29] =	ssyncadd.s32 $0xFFFFFFFF  }
0xb7: {  	_ =	strace $0x90000048  }
0xb8: {  	_ =	sfence  }
0xb9: {  	s30 =	sld [smem:$0x0];
	_ =	sdelay $0x2  }
0xba: {  	s31 =	sshll.u32 s1, $0xD;
	s1 =	sshrl.u32 s1, $0x2  }
0xbb: {  	s3 =	sand.u32 $0x4000, s31;
	s1 =	sadd.s32 s1, s30  }
0xbc: {  	s0 =	sor.u32 s3, s0;
	s1 =	sshll.u32 s1, $0x11  }
0xbd: {  	s0 =	sor.u32 s1, s0  }
0xbe: {  	s0 =	sadd.s32 $0x8F2B, s0  }
0xbf: {  	[sflag:s0] =	ssyncadd.remote.s32 $0x1  }
0xc0: {  	_ =	sfence.sel $0xFFFF  }
0xc1: {  	[dreg:$0x0] =	wrdreg $0xFFFFFFFF;
	(pc) =	sbr.abs _section_cstart, $3  }
0xc2: {  	[dreg:$0x1] =	wrdreg $0xFFFFFFFF  }
0xc3: {  	_ =	task.clear_ibuf [dreg:s7], $0x2FFFF;
	_ =	strace $0x9FFFFFFF  }
0xc4: {  	(tm) =	ssettm $0x7FFFFFFF  }
0xc5: {  	_ =	shalt  }
tec
execute0_lowered:
.L_overlay_start_1:
0x0: {  	(tag) =	ssettag $0x1  }
0x1: {  	s1 =	stileid.u32  }
0x2: {  	s0 =	smul.u32 $0x280, s1  }
0x3: {  	v0 =	vlaneseq.u32  }
0x4: {  	v1 =	vor.u32 s0, v0;
	s2 =	sor.u32 $0x10, s0  }
0x5: {  	s3 =	sor.u32 $0x20, s0;
	[tilespmem:$0x1FBC0] =	vst v1;
	v38 =	vor.u32 s2, v0  }
0x6: {  	s4 =	sor.u32 $0x30, s0;
	v39 =	vor.u32 s3, v0;
	[tilespmem:$0x1FBD0] =	vst v38  }
0x7: {  	s15 =	sor.u32 $0x40, s0;
	v40 =	vor.u32 s4, v0;
	[tilespmem:$0x1FBE0] =	vst v39  }
0x8: {  	s16 =	sor.u32 $0x50, s0;
	v41 =	vor.u32 s15, v0;
	[tilespmem:$0x1FBF0] =	vst v40  }
0x9: {  	s17 =	sor.u32 $0x60, s0;
	v42 =	vor.u32 s16, v0;
	[tilespmem:$0x1FC00] =	vst v41  }
0xa: {  	s18 =	sor.u32 $0x70, s0;
	v43 =	vor.u32 s17, v0;
	[tilespmem:$0x1FC10] =	vst v42  }
0xb: {  	s19 =	sadd.s32 $0x80, s0;
	v44 =	vor.u32 s18, v0;
	[tilespmem:$0x1FC20] =	vst v43  }
0xc: {  	s20 =	sadd.s32 $0x90, s0;
	v45 =	vor.u32 s19, v0;
	[tilespmem:$0x1FC30] =	vst v44  }
0xd: {  	s21 =	sadd.s32 $0xA0, s0;
	v46 =	vor.u32 s20, v0;
	[tilespmem:$0x1FC40] =	vst v45  }
0xe: {  	s22 =	sadd.s32 $0xB0, s0;
	v47 =	vor.u32 s21, v0;
	[tilespmem:$0x1FC50] =	vst v46  }
0xf: {  	s23 =	sadd.s32 $0xC0, s0;
	v48 =	vor.u32 s22, v0;
	[tilespmem:$0x1FC60] =	vst v47  }
0x10: {  	s24 =	sadd.s32 $0xD0, s0;
	v49 =	vor.u32 s23, v0;
	[tilespmem:$0x1FC70] =	vst v48  }
0x11: {  	s25 =	sadd.s32 $0xE0, s0;
	v50 =	vor.u32 s24, v0;
	[tilespmem:$0x1FC80] =	vst v49  }
0x12: {  	s26 =	sadd.s32 $0xF0, s0;
	v51 =	vor.u32 s25, v0;
	[tilespmem:$0x1FC90] =	vst v50  }
0x13: {  	s5 =	sadd.s32 $0x110, s0;
	v52 =	vor.u32 s26, v0;
	[tilespmem:$0x1FCA0] =	vst v51  }
0x14: {  	s6 =	sadd.s32 $0x120, s0;
	v54 =	vor.u32 s5, v0;
	[tilespmem:$0x1FCB0] =	vst v52  }
0x15: {  	s7 =	sadd.s32 $0x130, s0;
	v55 =	vor.u32 s6, v0;
	[tilespmem:$0x1FCD0] =	vst v54  }
0x16: {  	s8 =	sadd.s32 $0x140, s0;
	v56 =	vor.u32 s7, v0;
	[tilespmem:$0x1FCE0] =	vst v55  }
0x17: {  	s9 =	sadd.s32 $0x150, s0;
	v57 =	vor.u32 s8, v0;
	[tilespmem:$0x1FCF0] =	vst v56  }
0x18: {  	s10 =	sadd.s32 $0x160, s0;
	v58 =	vor.u32 s9, v0;
	[tilespmem:$0x1FD00] =	vst v57  }
0x19: {  	s11 =	sadd.s32 $0x170, s0;
	v59 =	vor.u32 s10, v0;
	[tilespmem:$0x1FD10] =	vst v58  }
0x1a: {  	s12 =	sadd.s32 $0x180, s0;
	v60 =	vor.u32 s11, v0;
	[tilespmem:$0x1FD20] =	vst v59  }
0x1b: {  	s13 =	sadd.s32 $0x190, s0;
	v61 =	vor.u32 s12, v0;
	[tilespmem:$0x1FD30] =	vst v60  }
0x1c: {  	s14 =	sadd.s32 $0x1A0, s0;
	v62 =	vor.u32 s13, v0;
	[tilespmem:$0x1FD40] =	vst v61  }
0x1d: {  	v10 =	vimm.s32 $0x40FD503F;
	v14 =	vimm.s32 $0xD34D34D3;
	s4 =	sadd.s32 $0x100, s0;
	v63 =	vor.u32 s14, v0;
	[tilespmem:$0x1FD50] =	vst v62  }
0x1e: {  	v18 =	vimm.s32 $0xFFD55550;
	s15 =	sadd.s32 $0x1B0, s0;
	v53 =	vor.u32 s4, v0;
	[tilespmem:$0x1FD60] =	vst v63  }
0x1f: {  	v19 =	vimm.s32 $0xFD503F5;
	s16 =	sadd.s32 $0x1C0, s0;
	v4 =	vor.u32 s15, v0;
	[tilespmem:$0x1FCC0] =	vst v53  }
0x20: {  	v22 =	vimm.s32 $0x540000FF;
	s17 =	sadd.s32 $0x1D0, s0;
	v5 =	vor.u32 s16, v0;
	[tilespmem:$0x1FD70] =	vst v4  }
0x21: {  	v28 =	vimm.s32 $0x3FFFF555;
	s18 =	sadd.s32 $0x1E0, s0;
	v6 =	vor.u32 s17, v0;
	[tilespmem:$0x1FD80] =	vst v5  }
0x22: {  	vm3 =	vcmask $0x2B00;
	v29 =	vimm.s32 $0xD503F540;
	s19 =	sadd.s32 $0x1F0, s0;
	v7 =	vor.u32 s18, v0;
	[tilespmem:$0x1FD90] =	vst v6  }
0x23: {  	v30 =	vimm.s32 $0x503F540F;
	v36 =	vimm.s32 $0xFFFFD;
	s20 =	sadd.s32 $0x200, s0;
	v8 =	vor.u32 s19, v0;
	[tilespmem:$0x1FDA0] =	vst v7  }
0x24: {  	vm5 =	vcmask $0x300;
	v32 =	vunpack.c.l.s2.s4 v30;
	s21 =	sadd.s32 $0x210, s0;
	v9 =	vor.u32 s20, v0;
	[tilespmem:$0x1FDB0] =	vst v8  }
0x25: {  	vm6 =	vcmask $0x2F00;
	v20 =	vunpack.c.l.s2.s4 v19;
	s22 =	sadd.s32 $0x220, s0;
	v2 =	vor.u32 s21, v0;
	[tilespmem:$0x1FDC0] =	vst v9  }
0x26: {  	v35 =	vunpack.c.l.s4.s8 v32;
	s23 =	sadd.s32 $0x230, s0;
	s24 =	sadd.s32 $0x240, s0;
	v1 =	vunpack.c.l.s2.s4 v10;
	s25 =	sadd.s32 $0x250, s0;
	v11 =	vor.u32 s22, v0;
	[tilespmem:$0x1FDD0] =	vst v2  }
0x27: {  	v12 =	vor.u32 s23, v0;
	v13 =	vor.u32 s24, v0;
	v3 =	vor.u32 s25, v0;
	[tilespmem:$0x1FDE0] =	vst v11  }
0x28: {  	s14 =	sadd.s32 $0x260, s0;
	[tilespmem:$0x1FDF0] =	vst v12;
	v1 =	vunpack.c.l.s4.s8 v1;
	v2 =	vunpack.c.l.s2.s4 v14;
	v4 =	vimm.s32 $0x34D34D34  }
0x29: {  	v15 =	vor.u32 s14, v0;
	[tilespmem:$0x1FE00] =	vst v13;
	v6 =	vimm.s32 $0x4D34D34D;
	v21 =	vunpack.c.l.s2.s4 v4  }
0x2a: {  	s0 =	sadd.s32 $0x270, s0;
	[tilespmem:$0x1FE10] =	vst v3;
	v24 =	vunpack.c.l.s2.s4 v6;
	v1 =	vunpack.c.0.s8.s32 v1;
	v17 =	vunpack.c.l.s4.s8 v2  }
0x2b: {  	s26 =	rddreg [dreg:$0x0];
	v16 =	vor.u32 s0, v0;
	v38 =	vunpack.c.0.s8.s32 v35;
	[tilespmem:$0x1FE20] =	vst v15;
	v3 =	vunpack.c.l.s4.s8 v21  }
0x2c: {  	s28 =	simm.s32 $0x580;
	s29 =	simm.s32 $0x980;
	s5 =	rddreg [dreg:$0x1];
	v42 =	vimm.s32 $0x500003FF;
	v27 =	vunpack.c.l.s4.s8 v24;
	[tilespmem:$0x1FE40] =	vst v1;
	v1 =	vunpack.c.0.s8.s32 v17  }
0x2d: {  	s30 =	simm.s32 $0x600;
	s2 =	rddreg [dreg:$0x3];
	s3 =	simm.s32 $0x0;
	[tilespmem:$0x1FE30] =	vst v16;
	v5 =	vimm.s32 $0xFD503F54;
	v2 =	vunpack.c.l.s2.s4 v18;
	v25 =	vunpack.c.0.s8.s32 v3  }
0x2e: {  	s31 =	simm.s32 $0xA00;
	p0 =	sne.s32 s1, $0x0;
	[smem:$0x7FF] =	sst s3;
	v4 =	vunpack.c.l.s2.s4 v22;
	v33 =	vunpack.c.0.s8.s32 v27;
	[tilespmem:$0x1FE50] =	vst v1;
	v1 =	vunpack.c.l.s4.s8 v20  }
0x2f: {  	s6 =	smul.u32 $0x2780, s1;
	s0 =	rddreg [dreg:$0x2];
	v23 =	vunpack.c.l.s2.s4 v5;
	v5 =	vunpack.c.l.s2.s4 v42;
	v2 =	vunpack.c.l.s4.s8 v2;
	_ =	strace $0x80000047;
	[tilespmem:$0x1FE80] =	vst v25  }
0x30: {  	vm2 =	vcmask $0x3300;
	s7 =	smul.u32 $0x43800, s1;
	s8 =	srdreg.scid;
	s9 =	sshll.u32 s1, $0x7;
	v26 =	vunpack.c.l.s4.s8 v4;
	[tilespmem:$0x1FEB0] =	vst v33;
	v1 =	vunpack.c.0.s8.s32 v1  }
0x31: {  	v31 =	vunpack.c.l.s2.s4 v29;
	s10 =	smul.u32 $0x4F000, s1;
	s8 =	sand.u32 $0x1, s8;
	s9 =	sadd.s32 s9, s5;
	v45 =	vunpack.c.l.s4.s8 v5;
	v2 =	vunpack.c.0.s8.s32 v2;
	[tilespmem:$0x1FEE0] =	vst v38  }
0x32: {  	s15 =	sshrl.u32 s1, $0x2;
	s16 =	sshll.u32 s1, $0x8;
	s14 =	sshll.u32 s1, $0x6;
	v39 =	vimm.s32 $0x3F540FD;
	v40 =	vimm.s32 $0xFF555540;
	[tilespmem:$0x1FE70] =	vst v1;
	v1 =	vunpack.c.0.s8.s32 v26  }
0x33: {  	s18 =	sshll.u32 s1, $0xE;
	s19 =	sshll.u32 s1, $0xB;
	s4 =	sadd.s32 $0x8000, s26;
	v4 =	vunpack.c.l.s2.s4 v28;
	v49 =	vunpack.c.0.s8.s32 v45;
	[tilespmem:$0x1FE60] =	vst v2;
	v2 =	vunpack.c.l.s4.s8 v23  }
0x34: {  	v41 =	vimm.s32 $0x3F540FD5;
	v55 =	vimm.s32 $0x4;
	s6 =	sadd.s32 s6, s5;
	s11 =	ssub.s32 $0x2, s8;
	s7 =	sadd.s32 s7, s5;
	[tilespmem:$0x1FE90] =	vst v1;
	v1 =	vunpack.c.l.s4.s8 v31  }
0x35: {  	s10 =	sshrl.u32 s10, $0x2;
	s13 =	sshll.u32 s8, $0x7;
	s17 =	sor.u32 $0x1C01, s14;
	v56 =	vsel vm2, $0x3, v55;
	v34 =	vunpack.c.l.s4.s8 v4;
	[tilespmem:$0x1FF30] =	vst v49;
	v2 =	vunpack.c.0.s8.s32 v2  }
0x36: {  	vm1 =	vcmask $0x1B00;
	v46 =	vimm.s32 $0xF540FD50;
	s20 =	sadd.s32 s26, s19;
	s8 =	smul.u32 $0x21C00, s8;
	s23 =	sadd.s32 $0x1200, s9;
	[tilespmem:$0x1FF70] =	vst v56;
	v1 =	vunpack.c.0.s8.s32 v1  }
0x37: {  	v37 =	vunpack.c.l.s2.s4 v36;
	v50 =	vimm.s32 $0x540FD503;
	s9 =	simm.s32 $0xE00;
	s19 =	simm.s32 $0x1300;
	s14 =	simm.s32 $0x7;
	[tilespmem:$0x1FEA0] =	vst v2;
	v2 =	vunpack.c.0.s8.s32 v34  }
0x38: {  	v60 =	vimm.s32 $0x3;
	v7 =	vimm.s32 $0x1;
	s12 =	sshrl.u32 s11, $0x1;
	s10 =	sadd.s32 s10, s0;
	s6 =	sadd.s32 $0x1A00, s6;
	[tilespmem:$0x1FED0] =	vst v1;
	v1 =	vunpack.c.l.s2.s4 v39  }
0x39: {  	v58 =	vsel vm3, $0x0, v7;
	s11 =	ssub.s32 s11, s12;
	s12 =	sor.u32 s13, s16;
	v3 =	vunpack.c.l.s2.s4 v40;
	[dreg:$0x5] =	wrdreg s6;
	[tilespmem:$0x1FEC0] =	vst v2;
	v2 =	vunpack.c.l.s4.s8 v37  }
0x3a: {  	v51 =	vimm.s32 $0x3FFFF5;
	v61 =	vsel vm5, $0x2, v60;
	s13 =	sadd.s32 s18, s2;
	s22 =	sadd.s32 s8, s7;
	[dreg:$0x6] =	wrdreg s17;
	[tilespmem:$0x1FFA0] =	vst v58;
	v1 =	vunpack.c.l.s4.s8 v1  }
0x3b: {  	v0 =	vshrl.u32 v0, $0x3;
	s25 =	sshrl.u32 s10, $0x3;
	s7 =	simm.s32 $0xD80;
	[dreg:$0x7] =	wrdreg s20;
	v43 =	vunpack.c.l.s4.s8 v3;
	[tilespmem:$0x1FFC0] =	vst v61;
	v2 =	vunpack.c.0.s8.s32 v2  }
0x3c: {  	v52 =	vimm.s32 $0xFD555500;
	v47 =	vunpack.c.l.s2.s4 v46;
	s10 =	simm.s32 $0xE80;
	s18 =	simm.s32 $0x1380;
	[dreg:$0x8] =	wrdreg s4;
	[tilespmem:$0x1FFE0] =	vst v0;
	v1 =	vunpack.c.0.s8.s32 v1  }
0x3d: {  	v54 =	vimm.s32 $0xFFFFFFFF;
	s12 =	sand.u32 $0x380, s12;
	s24 =	smax.u32 s11, $0x1;
	v4 =	vunpack.c.l.s2.s4 v41;
	[dreg:$0xc] =	wrdreg s23;
	[tilespmem:$0x1FEF0] =	vst v2;
	v2 =	vunpack.c.0.s8.s32 v43  }
0x3e: {  	v53 =	vunpack.c.l.s2.s4 v52;
	s26 =	sshrl.u32 s13, $0x3;
	s11 =	simm.s32 $0x60;
	[dreg:$0xd] =	wrdreg s24;
	v3 =	vunpack.c.l.s2.s4 v51;
	[tilespmem:$0x1FF00] =	vst v1;
	v1 =	vunpack.c.l.s4.s8 v47  }
0x3f: {  	v63 =	vsel vm6, $0x0, v7;
	s13 =	simm.s32 $0x3;
	s6 =	smul.u32 $0xC00, s15;
	[dreg:$0xf] =	wrdreg s25;
	v44 =	vunpack.c.l.s4.s8 v4;
	[tilespmem:$0x1FF10] =	vst v2;
	v2 =	vunpack.c.l.s2.s4 v50  }
0x40: {  	[dreg:$0x10] =	wrdreg s26;
	s17 =	simm.s32 $0x80;
	s20 =	simm.s32 $0xA80;
	v4 =	vsel vm1, $0x1, v54;
	[tilespmem:$0x1FFF0] =	vst v63;
	v3 =	vunpack.c.l.s4.s8 v3;
	v1 =	vunpack.c.0.s8.s32 v1  }
0x41: {  	s25 =	simm.s32 $0x5;
	s15 =	simm.s32 $0x6;
	[tilespmem:$0x1FF50] =	vst v4;
	s6 =	sor.u32 s6, s12;
	v48 =	vunpack.c.0.s8.s32 v44;
	v2 =	vunpack.c.l.s4.s8 v2  }
0x42: {  	s23 =	simm.s32 $0x0;
	s12 =	sadd.s32 $0x40000, s2;
	s6 =	sshrl.u32 s6, $0x3;
	v57 =	vunpack.c.0.s8.s32 v3;
	[tilespmem:$0x1FF40] =	vst v1;
	v1 =	vunpack.c.l.s4.s8 v53  }
0x43: {  	s1 =	sshrl.u32 @!p0 s12, $0x3;
	s12 =	simm.s32 $0x4380;
	s21 =	sadd.s32 s5, s6;
	[tilespmem:$0x1FF20] =	vst v48;
	v2 =	vunpack.c.0.s8.s32 v2  }
.Ltmp0:
0x44: {  	[dreg:$0x11] =	wrdreg s1;
	s1 =	simm.s32 $0x680;
	[tilespmem:$0x1FF80] =	vst v57;
	v1 =	vunpack.c.0.s8.s32 v1;
	(pc) =	sbr.rel .LBB2_1-.Ltmp0, $4  }
0x45: {  	vm4 =	vcmask $0x1700;
	v59 =	vimm.s32 $0x2;
	s6 =	simm.s32 $0xD00;
	s5 =	sadd.s32 $0x600, s21;
	[dreg:$0x9] =	wrdreg s21;
	[tilespmem:$0x1FF60] =	vst v2  }
0x46: {  	vm0 =	vcmask $0x2300;
	v62 =	vimm.s32 $0x0;
	s4 =	sadd.s32 $0xC00, s21;
	s21 =	simm.s32 $0x2;
	[dreg:$0xa] =	wrdreg s5;
	[tilespmem:$0x1FF90] =	vst v1;
	v1 =	vsel vm4, $0x1, v59  }
0x47: {  	[dreg:$0xb] =	wrdreg s4;
	s4 =	sadd.s32 $0x29800, s22;
	s22 =	simm.s32 $0x480;
	[tilespmem:$0x1FFB0] =	vst v1;
	v1 =	vsel vm0, $0xFFFFFFFF, v62  }
0x48: {  	vm2 =	vcmask $0x700;
	s5 =	simm.s32 $0x4;
	[dreg:$0xe] =	wrdreg s4;
	s4 =	simm.s32 $0xC80;
	[tilespmem:$0x1FFD0] =	vst v1  }
.LBB2_10:
0x49: {  	s16 =	simm.s32 $0x8  }
0x4a: {  	_ =	swait.ge [sflag:s16], $0x3000  }
0x4b: {  	s23 =	rddreg [dreg:$0x12]  }
0x4c: {  	s8 =	rddreg [dreg:$0xd];
	s23 =	sadd.s32 $0x1, s23  }
0x4d: {  	p1 =	sne.s32 s23, s8  }
.Ltmp1:
0x4e: {  	_ = 	snop;
	(pc) =	sbr.rel @!p1 .LBB2_11-.Ltmp1, $3  }
0x4f: {  	_ =	sdelay $0x1  }
0x50: {  	[sflag:s16] =	ssyncset.done $0x0  }
0x51: {  	[sflag:s16] =	ssyncadd.s32 $0xFFFFD000  }
.LBB2_1:
0x52: {  	[dreg:$0x12] =	wrdreg s23  }
0x53: {  	s8 =	rddreg [dreg:$0x5]  }
0x54: {  	s16 =	rddreg [dreg:$0x6]  }
0x55: {  	s26 =	rddreg [dreg:$0xf]  }
0x56: {  	[spmem:s26], [sflag:s16] =	dma.local [hbm:s8], $0x2780  }
0x57: {  	s8 =	rddreg [dreg:$0x7]  }
0x58: {  	s23 =	rddreg [dreg:$0x10]  }
0x59: {  	[spmem:s23], [sflag:s16] =	dma.local [hbm:s8], $0x800  }
0x5a: {  	s8 =	rddreg [dreg:$0x8]  }
0x5b: {  	s23 =	rddreg [dreg:$0x11]  }
0x5c: {  	[spmem:s23], [sflag:s16] =	dma.local @!p0 [hbm:s8], $0x10  }
0x5d: {  	s16 =	simm.s32 @!p0 $0x1  }
0x5e: {  	_ =	swait.ge @!p0 [sflag:s16], $0x10  }
0x5f: {  	s23 =	simm.s32 $0x9;
	[sflag:s16] =	ssyncset.done @!p0 $0x0  }
0x60: {  	s24 =	rddreg [dreg:$0xa];
	[sflag:s16] =	ssyncadd.s32 @!p0 $0xFFFFFFF0;
	s16 =	simm.s32 $0x400  }
0x61: {  	[tilespmem:s3], [sflag:$0x9] =	stream.strided.gather [hbm4b:s24+s17], $0x180, s16, s17, $0x38;
	[tilespmem:$0x1EF88] =	vst v63  }
0x62: {  	_ =	swait.ge [sflag:s23], $0x180  }
0x63: {  	[sflag:s23] =	ssyncset.done $0x0  }
0x64: {  	s24 =	simm.s32 $0x180;
	s26 =	rddreg [dreg:$0xb];
	[sflag:s23] =	ssyncadd.s32 $0xFFFFFE80  }
0x65: {  	[tilespmem:s24], [sflag:$0x9] =	stream.strided.gather [hbm4b:s26+s17], $0x180, s16, s17, $0x38;
	[tilespmem:$0x1EF88] =	vst v63  }
0x66: {  	_ =	swait.ge [sflag:s23], $0x180  }
0x67: {  	[sflag:s23] =	ssyncset.done $0x0  }
0x68: {  	s26 =	simm.s32 $0x300;
	s24 =	rddreg [dreg:$0x9];
	[sflag:s23] =	ssyncadd.s32 $0xFFFFFE80  }
0x69: {  	[tilespmem:s26], [sflag:$0x9] =	stream.strided.gather [hbm4b:s24+s17], $0x180, s16, s17, $0x38;
	[tilespmem:$0x1EF88] =	vst v63  }
0x6a: {  	_ =	swait.ge [sflag:s23], $0x180  }
0x6b: {  	[sflag:s23] =	ssyncset.done $0x0  }
0x6c: {  	s24 =	rddreg [dreg:$0xc];
	[sflag:s23] =	ssyncadd.s32 $0xFFFFFE80  }
0x6d: {  	[tilespmem:s22], [sflag:$0x9] =	stream.linear.gather [hbm4b:s24+s3], $0x280, $0x38;
	[tilespmem:$0x1EF88] =	vst v63  }
0x6e: {  	_ =	swait.ge [sflag:s23], $0x280  }
0x6f: {  	[sflag:s23] =	ssyncset.done $0x0  }
0x70: {  	s26 =	simm.s32 $0x1;
	[sflag:s23] =	ssyncadd.s32 $0xFFFFFD80  }
0x71: {  	_ =	swait.ge [sflag:s26], $0x2780  }
0x72: {  	[sflag:s26] =	ssyncset.done $0x0  }
0x73: {  	[sflag:s26] =	ssyncadd.s32 $0xFFFFD880  }
0x74: {  	_ =	swait.ge [sflag:s26], $0x800  }
0x75: {  	[sflag:s26] =	ssyncset.done $0x0  }
0x76: {  	[sflag:s26] =	ssyncadd.s32 $0xFFFFF800  }
0x77: {  	[bflag:$0x0] =	sbarrier.arrive $0xFFFF  }
0x78: {  	v0 =	vld [tilespmem:$0x1FBC0]  }
0x79: {  	v25 =	vld [tilespmem:$0x1FBD0]  }
0x7a: {  	v26 =	vld [tilespmem:$0x1FBE0]  }
0x7b: {  	v27 =	vld [tilespmem:$0x1FBF0]  }
0x7c: {  	v28 =	vld [tilespmem:$0x1FC00]  }
0x7d: {  	v29 =	vld [tilespmem:$0x1FC10];
	[tilespmem:$0x880] =	vst v0  }
0x7e: {  	v30 =	vld [tilespmem:$0x1FC20];
	[tilespmem:$0x890] =	vst v25  }
0x7f: {  	v31 =	vld [tilespmem:$0x1FC30];
	[tilespmem:$0x8A0] =	vst v26  }
0x80: {  	v32 =	vld [tilespmem:$0x1FC40];
	[tilespmem:$0x8B0] =	vst v27  }
0x81: {  	v33 =	vld [tilespmem:$0x1FC50];
	[tilespmem:$0x8C0] =	vst v28  }
0x82: {  	v34 =	vld [tilespmem:$0x1FC60];
	[tilespmem:$0x8D0] =	vst v29  }
0x83: {  	v35 =	vld [tilespmem:$0x1FC70];
	[tilespmem:$0x8E0] =	vst v30  }
0x84: {  	v36 =	vld [tilespmem:$0x1FC80];
	[tilespmem:$0x8F0] =	vst v31  }
0x85: {  	v37 =	vld [tilespmem:$0x1FC90];
	[tilespmem:$0x900] =	vst v32  }
0x86: {  	v38 =	vld [tilespmem:$0x1FCA0];
	[tilespmem:$0x910] =	vst v33  }
0x87: {  	v39 =	vld [tilespmem:$0x1FCB0];
	[tilespmem:$0x920] =	vst v34  }
0x88: {  	v40 =	vld [tilespmem:$0x1FCC0];
	[tilespmem:$0x930] =	vst v35  }
0x89: {  	v41 =	vld [tilespmem:$0x1FCD0];
	[tilespmem:$0x940] =	vst v36  }
0x8a: {  	v42 =	vld [tilespmem:$0x1FCE0];
	[tilespmem:$0x950] =	vst v37  }
0x8b: {  	v43 =	vld [tilespmem:$0x1FCF0];
	[tilespmem:$0x960] =	vst v38  }
0x8c: {  	v44 =	vld [tilespmem:$0x1FD00];
	[tilespmem:$0x970] =	vst v39  }
0x8d: {  	v45 =	vld [tilespmem:$0x1FD10];
	[tilespmem:$0x980] =	vst v40  }
0x8e: {  	v46 =	vld [tilespmem:$0x1FD20];
	[tilespmem:$0x990] =	vst v41  }
0x8f: {  	v47 =	vld [tilespmem:$0x1FD30];
	[tilespmem:$0x9A0] =	vst v42  }
0x90: {  	v48 =	vld [tilespmem:$0x1FD40];
	[tilespmem:$0x9B0] =	vst v43  }
0x91: {  	v49 =	vld [tilespmem:$0x1FD50];
	[tilespmem:$0x9C0] =	vst v44  }
0x92: {  	v50 =	vld [tilespmem:$0x1FD60];
	[tilespmem:$0x9D0] =	vst v45  }
0x93: {  	v51 =	vld [tilespmem:$0x1FD70];
	[tilespmem:$0x9E0] =	vst v46  }
0x94: {  	v52 =	vld [tilespmem:$0x1FD80];
	[tilespmem:$0x9F0] =	vst v47  }
0x95: {  	v53 =	vld [tilespmem:$0x1FD90];
	[tilespmem:$0xA00] =	vst v48  }
0x96: {  	v54 =	vld [tilespmem:$0x1FDA0];
	[tilespmem:$0xA10] =	vst v49  }
0x97: {  	v55 =	vld [tilespmem:$0x1FDB0];
	[tilespmem:$0xA20] =	vst v50  }
0x98: {  	v56 =	vld [tilespmem:$0x1FDC0];
	[tilespmem:$0xA30] =	vst v51  }
0x99: {  	v57 =	vld [tilespmem:$0x1FDD0];
	[tilespmem:$0xA40] =	vst v52  }
0x9a: {  	v58 =	vld [tilespmem:$0x1FDE0];
	[tilespmem:$0xA50] =	vst v53  }
0x9b: {  	v59 =	vld [tilespmem:$0x1FDF0];
	[tilespmem:$0xA60] =	vst v54  }
0x9c: {  	v60 =	vld [tilespmem:$0x1FE00];
	[tilespmem:$0xA70] =	vst v55  }
0x9d: {  	v61 =	vld [tilespmem:$0x1FE10];
	[tilespmem:$0xA80] =	vst v56  }
0x9e: {  	v62 =	vld [tilespmem:$0x1FE20];
	[tilespmem:$0xA90] =	vst v57  }
0x9f: {  	v63 =	vld [tilespmem:$0x1FE30];
	[tilespmem:$0xAA0] =	vst v58  }
0xa0: {  	[tilespmem:$0xAB0] =	vst v59  }
0xa1: {  	[tilespmem:$0xAC0] =	vst v60  }
0xa2: {  	[tilespmem:$0xAD0] =	vst v61  }
0xa3: {  	[tilespmem:$0xAE0] =	vst v62  }
0xa4: {  	s8 =	simm.s32 $0x880;
	[tilespmem:$0xAF0] =	vst v63  }
0xa5: {  	[spmem:s2] =	stream.indirect.scatter [tilespmem:s8], [sflag:$0x2], $0x1, s22, s17, $0xb8;
	[tilespmem:$0x1EF88] =	vst v63  }
0xa6: {  	s24 =	simm.s32 $0x900;
	s23 =	simm.s32 $0x500  }
0xa7: {  	[spmem:s2] =	stream.indirect.scatter [tilespmem:s24], [sflag:$0x2], $0x1, s23, s17, $0xb8;
	[tilespmem:$0x1EF88] =	vst v63  }
0xa8: {  	_ = 	snop  }
0xa9: {  	[spmem:s2] =	stream.indirect.scatter [tilespmem:s29], [sflag:$0x2], $0x1, s28, s17, $0xb8;
	[tilespmem:$0x1EF88] =	vst v63  }
0xaa: {  	_ = 	snop  }
0xab: {  	[spmem:s2] =	stream.indirect.scatter [tilespmem:s31], [sflag:$0x2], $0x1, s30, s17, $0xb8;
	[tilespmem:$0x1EF88] =	vst v63  }
0xac: {  	_ = 	snop  }
0xad: {  	[spmem:s2] =	stream.indirect.scatter [tilespmem:s20], [sflag:$0x2], $0x1, s1, s17, $0xb8;
	[tilespmem:$0x1EF88] =	vst v63  }
0xae: {  	_ =	swait.ge [sflag:s21], $0x80  }
0xaf: {  	[sflag:s21] =	ssyncset.done $0x0  }
0xb0: {  	[sflag:s21] =	ssyncadd.s32 $0xFFFFFF80  }
0xb1: {  	_ =	swait.ge [sflag:s21], $0x80  }
0xb2: {  	[sflag:s21] =	ssyncset.done $0x0  }
0xb3: {  	[sflag:s21] =	ssyncadd.s32 $0xFFFFFF80  }
0xb4: {  	_ =	swait.ge [sflag:s21], $0x80  }
0xb5: {  	[sflag:s21] =	ssyncset.done $0x0  }
0xb6: {  	[sflag:s21] =	ssyncadd.s32 $0xFFFFFF80  }
0xb7: {  	_ =	swait.ge [sflag:s21], $0x80  }
0xb8: {  	[sflag:s21] =	ssyncset.done $0x0  }
0xb9: {  	[sflag:s21] =	ssyncadd.s32 $0xFFFFFF80  }
0xba: {  	_ =	swait.ge [sflag:s21], $0x80  }
0xbb: {  	[sflag:s21] =	ssyncset.done $0x0  }
0xbc: {  	[sflag:s21] =	ssyncadd.s32 $0xFFFFFF80  }
0xbd: {  	s16 =	simm.s32 $0x4;
	[bflag:$0x0] =	sbarrier.arrive $0xFFFF  }
.LBB2_2:
0xbe: {  	[tilespmem:s4], [sflag:$0x2] =	stream.indirect.gather [spmem:s2], $0x1, s22, s17, $0xb8;
	[tilespmem:$0x1EF88] =	vst v63  }
0xbf: {  	_ = 	snop  }
0xc0: {  	[tilespmem:s6], [sflag:$0x2] =	stream.indirect.gather [spmem:s2], $0x1, s23, s17, $0xb8;
	[tilespmem:$0x1EF88] =	vst v63  }
0xc1: {  	_ = 	snop  }
0xc2: {  	[tilespmem:s7], [sflag:$0x2] =	stream.indirect.gather [spmem:s2], $0x1, s28, s17, $0xb8;
	[tilespmem:$0x1EF88] =	vst v63  }
0xc3: {  	_ = 	snop  }
0xc4: {  	[tilespmem:s9], [sflag:$0x2] =	stream.indirect.gather [spmem:s2], $0x1, s30, s17, $0xb8;
	[tilespmem:$0x1EF88] =	vst v63  }
0xc5: {  	_ = 	snop  }
0xc6: {  	[tilespmem:s10], [sflag:$0x2] =	stream.indirect.gather [spmem:s2], $0x1, s1, s17, $0xb8;
	[tilespmem:$0x1EF88] =	vst v63  }
0xc7: {  	_ =	swait.ge [sflag:s21], $0x80  }
0xc8: {  	[sflag:s21] =	ssyncset.done $0x0  }
0xc9: {  	[sflag:s21] =	ssyncadd.s32 $0xFFFFFF80  }
0xca: {  	_ =	swait.ge [sflag:s21], $0x80  }
0xcb: {  	[sflag:s21] =	ssyncset.done $0x0  }
0xcc: {  	[sflag:s21] =	ssyncadd.s32 $0xFFFFFF80  }
0xcd: {  	_ =	swait.ge [sflag:s21], $0x80  }
0xce: {  	[sflag:s21] =	ssyncset.done $0x0  }
0xcf: {  	[sflag:s21] =	ssyncadd.s32 $0xFFFFFF80  }
0xd0: {  	_ =	swait.ge [sflag:s21], $0x80  }
0xd1: {  	[sflag:s21] =	ssyncset.done $0x0  }
0xd2: {  	[sflag:s21] =	ssyncadd.s32 $0xFFFFFF80  }
0xd3: {  	_ =	swait.ge [sflag:s21], $0x80  }
0xd4: {  	[sflag:s21] =	ssyncset.done $0x0  }
0xd5: {  	[sflag:s21] =	ssyncadd.s32 $0xFFFFFF80  }
0xd6: {  	v9 =	vld [tilespmem:$0xC80]  }
0xd7: {  	v10 =	vld [tilespmem:$0x880]  }
0xd8: {  	v11 =	vld [tilespmem:$0x480]  }
0xd9: {  	v12 =	vld [tilespmem:$0xC90]  }
0xda: {  	v13 =	vld [tilespmem:$0x890]  }
0xdb: {  	v14 =	vld [tilespmem:$0x490]  }
0xdc: {  	v15 =	vld [tilespmem:$0xCA0]  }
0xdd: {  	v16 =	vld [tilespmem:$0x8A0]  }
0xde: {  	v49 =	vld [tilespmem:$0xDD0]  }
0xdf: {  	v17 =	vld [tilespmem:$0x4A0]  }
0xe0: {  	v18 =	vld [tilespmem:$0xCB0]  }
0xe1: {  	v19 =	vld [tilespmem:$0x8B0]  }
0xe2: {  	v20 =	vld [tilespmem:$0x4B0]  }
0xe3: {  	[tilespmem:$0x1FA80] =	vst v49;
	v49 =	vld [tilespmem:$0x5D0]  }
0xe4: {  	v21 =	vld [tilespmem:$0xCC0]  }
0xe5: {  	v22 =	vld [tilespmem:$0x8C0]  }
0xe6: {  	v23 =	vld [tilespmem:$0x4C0]  }
0xe7: {  	v24 =	vld [tilespmem:$0xCD0]  }
0xe8: {  	[tilespmem:$0x1FA90] =	vst v49;
	v49 =	vld [tilespmem:$0xDE0]  }
0xe9: {  	v25 =	vld [tilespmem:$0x8D0]  }
0xea: {  	v26 =	vld [tilespmem:$0x4D0]  }
0xeb: {  	v27 =	vld [tilespmem:$0xCE0]  }
0xec: {  	v28 =	vld [tilespmem:$0x8E0]  }
0xed: {  	[tilespmem:$0x1FAA0] =	vst v49;
	v49 =	vld [tilespmem:$0x9E0]  }
0xee: {  	v29 =	vld [tilespmem:$0x4E0]  }
0xef: {  	v30 =	vld [tilespmem:$0xCF0]  }
0xf0: {  	v31 =	vld [tilespmem:$0x8F0]  }
0xf1: {  	v32 =	vld [tilespmem:$0x4F0]  }
0xf2: {  	[tilespmem:$0x1FAB0] =	vst v49;
	v49 =	vld [tilespmem:$0x5E0]  }
0xf3: {  	v33 =	vld [tilespmem:$0xD00]  }
0xf4: {  	v34 =	vld [tilespmem:$0x900]  }
0xf5: {  	v35 =	vld [tilespmem:$0x500]  }
0xf6: {  	v36 =	vld [tilespmem:$0xD10]  }
0xf7: {  	[tilespmem:$0x1FAC0] =	vst v49;
	v49 =	vld [tilespmem:$0xDF0]  }
0xf8: {  	v37 =	vld [tilespmem:$0x910]  }
0xf9: {  	v38 =	vld [tilespmem:$0x510]  }
0xfa: {  	v39 =	vld [tilespmem:$0xD20]  }
0xfb: {  	v40 =	vld [tilespmem:$0x920]  }
0xfc: {  	[tilespmem:$0x1FAD0] =	vst v49;
	v49 =	vld [tilespmem:$0x9F0]  }
0xfd: {  	v44 =	vld [tilespmem:$0x520]  }
0xfe: {  	v47 =	vld [tilespmem:$0xD30]  }
0xff: {  	v50 =	vld [tilespmem:$0x930]  }
0x100: {  	v51 =	vld [tilespmem:$0x530]  }
0x101: {  	[tilespmem:$0x1FAE0] =	vst v49;
	v49 =	vld [tilespmem:$0x5F0]  }
0x102: {  	v52 =	vld [tilespmem:$0xD40]  }
0x103: {  	v53 =	vld [tilespmem:$0x940]  }
0x104: {  	v54 =	vld [tilespmem:$0x540]  }
0x105: {  	v55 =	vld [tilespmem:$0xD50]  }
0x106: {  	[tilespmem:$0x1FAF0] =	vst v49;
	v49 =	vld [tilespmem:$0xE00]  }
0x107: {  	v56 =	vld [tilespmem:$0x950]  }
0x108: {  	v57 =	vld [tilespmem:$0x550]  }
0x109: {  	v58 =	vld [tilespmem:$0xD60]  }
0x10a: {  	v59 =	vld [tilespmem:$0x960]  }
0x10b: {  	[tilespmem:$0x1FB00] =	vst v49;
	v49 =	vld [tilespmem:$0xA00]  }
0x10c: {  	v60 =	vld [tilespmem:$0x560]  }
0x10d: {  	v62 =	vld [tilespmem:$0xD70]  }
0x10e: {  	v63 =	vld [tilespmem:$0x970]  }
0x10f: {  	v6 =	vld [tilespmem:$0x570]  }
0x110: {  	[tilespmem:$0x1FB10] =	vst v49;
	v49 =	vld [tilespmem:$0x600]  }
0x111: {  	v7 =	vld [tilespmem:$0xD80]  }
0x112: {  	v5 =	vld [tilespmem:$0x980]  }
0x113: {  	v41 =	vld [tilespmem:$0x580]  }
0x114: {  	v45 =	vld [tilespmem:$0xD90]  }
0x115: {  	[tilespmem:$0x1FB20] =	vst v49;
	v49 =	vld [tilespmem:$0xE10]  }
0x116: {  	v48 =	vld [tilespmem:$0x990]  }
0x117: {  	v61 =	vld [tilespmem:$0x590]  }
0x118: {  	v1 =	vld [tilespmem:$0xDA0]  }
0x119: {  	v3 =	vld [tilespmem:$0x9A0]  }
0x11a: {  	[tilespmem:$0x1FB30] =	vst v49;
	v49 =	vld [tilespmem:$0xA10]  }
0x11b: {  	v4 =	vld [tilespmem:$0x5A0]  }
0x11c: {  	v8 =	vld [tilespmem:$0xDB0]  }
0x11d: {  	v43 =	vld [tilespmem:$0x9B0]  }
0x11e: {  	v0 =	vld [tilespmem:$0x5C0]  }
0x11f: {  	[tilespmem:$0x1FB40] =	vst v49;
	v49 =	vld [tilespmem:$0x610]  }
0x120: {  	v2 =	vld [tilespmem:$0x5B0]  }
0x121: {  	v42 =	vld [tilespmem:$0xDC0]  }
0x122: {  	v46 =	vld [tilespmem:$0x9C0]  }
0x123: {  	[tilespmem:$0x1FA70] =	vst v0;
	v0 =	vld [tilespmem:$0x9D0]  }
0x124: {  	[tilespmem:$0x1FB50] =	vst v49;
	v49 =	vld [tilespmem:$0xE20]  }
0x125: {  	vm3 =	vlt.s32 v9, v10;
	v9 =	vld [tilespmem:$0xE40]  }
0x126: {  	vm4 =	vlt.s32 v12, v13;
	v12 =	vld [tilespmem:$0x640]  }
0x127: {  	v13 =	vld [tilespmem:$0xE50]  }
0x128: {  	vm12 =	vlt.s32 v18, v19;
	v18 =	vld [tilespmem:$0x660]  }
0x129: {  	[tilespmem:$0x1FB60] =	vst v49;
	v49 =	vld [tilespmem:$0xA20]  }
0x12a: {  	vm13 =	vlt.s32 v24, v25;
	v24 =	vld [tilespmem:$0xE90]  }
0x12b: {  	vm15 =	vlt.s32 v36, v37;
	v36 =	vld [tilespmem:$0xEC0]  }
0x12c: {  	v10 =	vnsel vm3, $0x40008, v11;
	v11 =	vld [tilespmem:$0xA40]  }
0x12d: {  	vm3 =	vlt.s32 v15, v16;
	v16 =	vnsel vm4, $0x40008, v14;
	v14 =	vld [tilespmem:$0xA50]  }
0x12e: {  	[tilespmem:$0x1FB70] =	vst v49;
	v49 =	vld [tilespmem:$0x620]  }
0x12f: {  	v15 =	vld [tilespmem:$0x650]  }
0x130: {  	[tilespmem:$0xC90] =	vst v16;
	v16 =	vld [tilespmem:$0xE60]  }
0x131: {  	v19 =	vnsel vm3, $0x40008, v17;
	v17 =	vld [tilespmem:$0xA60]  }
0x132: {  	[tilespmem:$0xC80] =	vst v10;
	v10 =	vld [tilespmem:$0xA70]  }
0x133: {  	[tilespmem:$0x1FB80] =	vst v49;
	v49 =	vld [tilespmem:$0xE30]  }
0x134: {  	vm3 =	vlt.s32 v21, v22;
	v22 =	vnsel vm12, $0x40008, v20;
	v20 =	vld [tilespmem:$0x670]  }
0x135: {  	v21 =	vld [tilespmem:$0xE80]  }
0x136: {  	[tilespmem:$0xCA0] =	vst v19;
	v19 =	vld [tilespmem:$0xE70]  }
0x137: {  	[tilespmem:$0xCB0] =	vst v22;
	v25 =	vnsel vm3, $0x40008, v23;
	vm3 =	vlt.s32 v27, v28;
	v22 =	vld [tilespmem:$0xA80]  }
0x138: {  	vm14 =	vlt.s32 v30, v31;
	v31 =	vnsel vm3, $0x40008, v29;
	vm3 =	vlt.s32 v33, v34;
	[tilespmem:$0x1FB90] =	vst v49;
	v49 =	vld [tilespmem:$0xA30]  }
0x139: {  	v23 =	vld [tilespmem:$0x680];
	v37 =	vnsel vm3, $0x40008, v35;
	vm3 =	vlt.s32 v39, v40;
	v40 =	vnsel vm15, $0x40008, v38  }
0x13a: {  	[tilespmem:$0xD10] =	vst v40;
	v40 =	vld [tilespmem:$0xAC0]  }
0x13b: {  	v34 =	vnsel vm14, $0x40008, v32;
	v33 =	vld [tilespmem:$0x1FAF0]  }
0x13c: {  	[tilespmem:$0xCF0] =	vst v34;
	v34 =	vld [tilespmem:$0x1FB00]  }
0x13d: {  	[tilespmem:$0x1FBA0] =	vst v49;
	v49 =	vld [tilespmem:$0x630]  }
0x13e: {  	v35 =	vld [tilespmem:$0x1FB10]  }
0x13f: {  	[tilespmem:$0xD00] =	vst v37;
	v37 =	vld [tilespmem:$0x1FB20]  }
0x140: {  	v38 =	vld [tilespmem:$0x1FB30]  }
0x141: {  	v39 =	vld [tilespmem:$0x1FB40]  }
0x142: {  	[tilespmem:$0x1FBB0] =	vst v49;
	v49 =	vnsel vm3, $0x40008, v44;
	v44 =	vld [tilespmem:$0x6C0]  }
0x143: {  	vm3 =	vlt.s32 v47, v50;
	v47 =	vld [tilespmem:$0x1FBA0]  }
0x144: {  	v50 =	vnsel vm3, $0x40008, v51;
	vm3 =	vlt.s32 v52, v53;
	[tilespmem:$0xD20] =	vst v49;
	v49 =	vld [tilespmem:$0x1FBB0]  }
0x145: {  	v51 =	vnsel vm3, $0x40008, v54;
	vm3 =	vlt.s32 v55, v56;
	v55 =	vld [tilespmem:$0x1FA70]  }
0x146: {  	v56 =	vld [tilespmem:$0x1FA80]  }
0x147: {  	[tilespmem:$0xD30] =	vst v50;
	v50 =	vld [tilespmem:$0xAD0]  }
0x148: {  	v52 =	vnsel vm3, $0x40008, v57;
	v57 =	vld [tilespmem:$0x1FA90]  }
0x149: {  	vm3 =	vlt.s32 v58, v59;
	v58 =	vld [tilespmem:$0x1FAA0]  }
0x14a: {  	[tilespmem:$0xCC0] =	vst v25;
	v59 =	vld [tilespmem:$0x1FAB0]  }
0x14b: {  	v28 =	vnsel vm13, $0x40008, v26;
	[tilespmem:$0xD40] =	vst v51;
	v51 =	vld [tilespmem:$0x6D0]  }
0x14c: {  	[tilespmem:$0xCD0] =	vst v28;
	v53 =	vnsel vm3, $0x40008, v60;
	v60 =	vld [tilespmem:$0x1FAC0]  }
0x14d: {  	[tilespmem:$0xCE0] =	vst v31;
	vm3 =	vlt.s32 v62, v63;
	v62 =	vld [tilespmem:$0x1FAE0]  }
0x14e: {  	[tilespmem:$0xD50] =	vst v52;
	v63 =	vld [tilespmem:$0x6B0]  }
0x14f: {  	v52 =	vld [tilespmem:$0xEE0];
	v6 =	vnsel vm3, $0x40008, v6;
	vm3 =	vlt.s32 v7, v5;
	[tilespmem:$0xD60] =	vst v53  }
0x150: {  	v7 =	vnsel vm3, $0x40008, v41;
	vm3 =	vlt.s32 v45, v48;
	[tilespmem:$0xD70] =	vst v6;
	v41 =	vld [tilespmem:$0x1FB50]  }
0x151: {  	v54 =	vnsel vm3, $0x40008, v61;
	vm3 =	vlt.s32 v1, v3;
	[tilespmem:$0xD80] =	vst v7;
	v61 =	vld [tilespmem:$0x1FAD0]  }
0x152: {  	v45 =	vld [tilespmem:$0x1FB80];
	v3 =	vnsel vm3, $0x40008, v4;
	vm3 =	vlt.s32 v8, v43;
	[tilespmem:$0xD90] =	vst v54  }
0x153: {  	v43 =	vld [tilespmem:$0x1FB70];
	v2 =	vnsel vm3, $0x40008, v2;
	vm3 =	vlt.s32 v42, v46;
	[tilespmem:$0xDA0] =	vst v3  }
0x154: {  	v42 =	vld [tilespmem:$0x1FB60];
	v7 =	vnsel vm3, $0x40008, v55;
	vm3 =	vlt.s32 v56, v0;
	[tilespmem:$0xDB0] =	vst v2  }
0x155: {  	v46 =	vld [tilespmem:$0x1FB90];
	v2 =	vnsel vm3, $0x40008, v57;
	vm3 =	vlt.s32 v58, v59;
	[tilespmem:$0xDC0] =	vst v7  }
0x156: {  	v5 =	vld [tilespmem:$0xA90];
	v8 =	vnsel vm3, $0x40008, v60;
	vm3 =	vlt.s32 v61, v62;
	[tilespmem:$0xDD0] =	vst v2  }
0x157: {  	v6 =	vld [tilespmem:$0x690];
	v25 =	vnsel vm3, $0x40008, v33;
	vm3 =	vlt.s32 v34, v35;
	[tilespmem:$0xDE0] =	vst v8  }
0x158: {  	v48 =	vld [tilespmem:$0xED0];
	v26 =	vnsel vm3, $0x40008, v37;
	vm3 =	vlt.s32 v38, v39;
	[tilespmem:$0xDF0] =	vst v25  }
0x159: {  	v1 =	vld [tilespmem:$0xEA0];
	v27 =	vnsel vm3, $0x40008, v41;
	vm3 =	vlt.s32 v42, v43;
	[tilespmem:$0xE00] =	vst v26  }
0x15a: {  	v4 =	vld [tilespmem:$0xAA0];
	v28 =	vnsel vm3, $0x40008, v45;
	vm3 =	vlt.s32 v46, v47;
	[tilespmem:$0xE10] =	vst v27  }
0x15b: {  	v3 =	vld [tilespmem:$0x6A0];
	v29 =	vnsel vm3, $0x40008, v49;
	vm3 =	vlt.s32 v9, v11;
	[tilespmem:$0xE20] =	vst v28  }
0x15c: {  	v0 =	vld [tilespmem:$0xEB0];
	v11 =	vnsel vm3, $0x40008, v12;
	vm3 =	vlt.s32 v13, v14;
	[tilespmem:$0xE30] =	vst v29  }
0x15d: {  	v7 =	vld [tilespmem:$0xAB0];
	v13 =	vnsel vm3, $0x40008, v15;
	vm3 =	vlt.s32 v16, v17;
	[tilespmem:$0xE40] =	vst v11  }
0x15e: {  	v54 =	vld [tilespmem:$0xAE0];
	v53 =	vnsel vm3, $0x40008, v18;
	vm3 =	vlt.s32 v19, v10;
	[tilespmem:$0xE50] =	vst v13  }
0x15f: {  	v56 =	vld [tilespmem:$0x6E0];
	v55 =	vnsel vm3, $0x40008, v20;
	vm3 =	vlt.s32 v21, v22;
	[tilespmem:$0xE60] =	vst v53  }
0x160: {  	v58 =	vld [tilespmem:$0xEF0];
	v57 =	vnsel vm3, $0x40008, v23;
	vm3 =	vlt.s32 v24, v5;
	[tilespmem:$0xE70] =	vst v55  }
0x161: {  	v59 =	vld [tilespmem:$0xAF0];
	v6 =	vnsel vm3, $0x40008, v6;
	vm3 =	vlt.s32 v1, v4;
	[tilespmem:$0xE80] =	vst v57  }
0x162: {  	v60 =	vld [tilespmem:$0x6F0];
	v3 =	vnsel vm3, $0x40008, v3;
	vm3 =	vlt.s32 v0, v7;
	[tilespmem:$0xE90] =	vst v6  }
0x163: {  	v2 =	vnsel vm3, $0x40008, v63;
	vm3 =	vlt.s32 v36, v40;
	[tilespmem:$0xEA0] =	vst v3  }
0x164: {  	v61 =	vnsel vm3, $0x40008, v44;
	vm3 =	vlt.s32 v48, v50;
	[tilespmem:$0xEB0] =	vst v2  }
0x165: {  	v62 =	vnsel vm3, $0x40008, v51;
	vm3 =	vlt.s32 v52, v54;
	[tilespmem:$0xEC0] =	vst v61  }
0x166: {  	v63 =	vnsel vm3, $0x40008, v56;
	vm3 =	vlt.s32 v58, v59;
	[tilespmem:$0xED0] =	vst v62  }
0x167: {  	[tilespmem:$0xEE0] =	vst v63;
	v0 =	vnsel vm3, $0x40008, v60  }
0x168: {  	[tilespmem:$0xEF0] =	vst v0  }
0x169: {  	[spmem:s2] =	stream.indirect.scatter [tilespmem:s8], [sflag:$0x2], $0x1, s4, s17, $0xb8;
	[tilespmem:$0x1EF88] =	vst v63  }
0x16a: {  	_ = 	snop  }
0x16b: {  	[spmem:s2] =	stream.indirect.scatter [tilespmem:s24], [sflag:$0x2], $0x1, s6, s17, $0xb8;
	[tilespmem:$0x1EF88] =	vst v63  }
0x16c: {  	_ = 	snop  }
0x16d: {  	[spmem:s2] =	stream.indirect.scatter [tilespmem:s29], [sflag:$0x2], $0x1, s7, s17, $0xb8;
	[tilespmem:$0x1EF88] =	vst v63  }
0x16e: {  	_ = 	snop  }
0x16f: {  	[spmem:s2] =	stream.indirect.scatter [tilespmem:s31], [sflag:$0x2], $0x1, s9, s17, $0xb8;
	[tilespmem:$0x1EF88] =	vst v63  }
0x170: {  	_ = 	snop  }
0x171: {  	[spmem:s2] =	stream.indirect.scatter [tilespmem:s20], [sflag:$0x2], $0x1, s10, s17, $0xb8;
	[tilespmem:$0x1EF88] =	vst v63  }
0x172: {  	_ =	swait.ge [sflag:s21], $0x80  }
0x173: {  	[sflag:s21] =	ssyncset.done $0x0  }
0x174: {  	[sflag:s21] =	ssyncadd.s32 $0xFFFFFF80  }
0x175: {  	_ =	swait.ge [sflag:s21], $0x80  }
0x176: {  	[sflag:s21] =	ssyncset.done $0x0  }
0x177: {  	[sflag:s21] =	ssyncadd.s32 $0xFFFFFF80  }
0x178: {  	_ =	swait.ge [sflag:s21], $0x80  }
0x179: {  	[sflag:s21] =	ssyncset.done $0x0  }
0x17a: {  	[sflag:s21] =	ssyncadd.s32 $0xFFFFFF80  }
0x17b: {  	_ =	swait.ge [sflag:s21], $0x80  }
0x17c: {  	[sflag:s21] =	ssyncset.done $0x0  }
0x17d: {  	p1 =	sne.s32 s16, $0x1;
	[sflag:s21] =	ssyncadd.s32 $0xFFFFFF80  }
.Ltmp2:
0x17e: {  	_ =	swait.ge [sflag:s21], $0x80;
	(pc) =	sbr.rel @p1 .LBB2_2-.Ltmp2, $4  }
0x17f: {  	[sflag:s21] =	ssyncset.done $0x0  }
0x180: {  	[sflag:s21] =	ssyncadd.s32 $0xFFFFFF80  }
0x181: {  	[bflag:$0x0] =	sbarrier.arrive $0xFFFF  }
0x182: {  	s16 =	sadd.s32 $0xFFFFFFFF, s16  }
0x183: {  	v0 =	vld [tilespmem:$0x0]  }
0x184: {  	v1 =	vld [tilespmem:$0x180]  }
0x185: {  	v2 =	vld [tilespmem:$0x300]  }
0x186: {  	v6 =	vld [tilespmem:$0x1FFD0]  }
0x187: {  	v12 =	vld [tilespmem:$0x1FE40]  }
0x188: {  	v30 =	vld [tilespmem:$0x1FFA0]  }
0x189: {  	v13 =	vld [tilespmem:$0x1FE50]  }
0x18a: {  	v16 =	vld [tilespmem:$0x1FE80]  }
0x18b: {  	v5 =	vimm.s32 $0x0;
	v36 =	vld [tilespmem:$0x1FFB0]  }
0x18c: {  	v11 =	vld [tilespmem:$0x1FE90];
	v3 =	vperm.xlane v0, v5;
	v4 =	vperm.xlane v1, v5  }
0x18d: {  	v14 =	vimm.s32 $0x1;
	v48 =	vld [tilespmem:$0x1FFC0];
	v5 =	vperm.xlane v2, v5;
	v31 =	vperm.xlane v0, v30  }
0x18e: {  	v17 =	vld [tilespmem:$0x1FEA0];
	v32 =	vperm.xlane v1, v30;
	v8 =	vperm.xlane v0, v14  }
0x18f: {  	v18 =	vld [tilespmem:$0x1FEB0];
	v9 =	vperm.xlane v1, v14;
	v10 =	vperm.xlane v2, v14  }
0x190: {  	v19 =	vimm.s32 $0x2;
	v49 =	vld [tilespmem:$0x1FEF0];
	v37 =	vperm.xlane v0, v36;
	v38 =	vperm.xlane v1, v36  }
0x191: {  	v50 =	vld [tilespmem:$0x1FF00];
	v42 =	vperm.xlane v0, v19;
	v43 =	vperm.xlane v1, v19  }
0x192: {  	v44 =	vperm.xlane v2, v19;
	v0 =	vperm.xlane v0, v48  }
0x193: {  	v1 =	vperm.xlane v1, v48;
	v3 =	vadd.s32 v6, v3;
	v4 =	vadd.s32 v12, v4  }
0x194: {  	v7 =	vld [tilespmem:$0x1FE60];
	v5 =	vadd.s32 v13, v5;
	v8 =	vadd.s32 v11, v8;
	v9 =	vadd.s32 v17, v9  }
0x195: {  	v33 =	vadd.s32 v18, v10;
	v10 =	vperm.xlane v2, v36;
	v47 =	vadd.s32 v16, v44  }
0x196: {  	v15 =	vld [tilespmem:$0x1FE70];
	v0 =	vadd.s32 v49, v0;
	v1 =	vadd.s32 v50, v1;
	v6 =	vor.u32 v3, v4  }
0x197: {  	v3 =	vshll.u32 v3, $0xC;
	v4 =	vshll.u32 v4, $0x6;
	v34 =	vor.u32 v8, v9  }
0x198: {  	v8 =	vshll.u32 v8, $0xC;
	v9 =	vshll.u32 v9, $0x6;
	v6 =	vor.u32 v5, v6  }
0x199: {  	v3 =	vadd.s32 v3, v4;
	v4 =	vadd.s32 v7, v31;
	v35 =	vor.u32 v33, v34  }
0x19a: {  	v8 =	vadd.s32 v8, v9;
	v41 =	vadd.s32 v13, v10;
	vm3 =	vlt.u32 v6, $0x40  }
0x19b: {  	v3 =	vadd.s32 v5, v3;
	v6 =	vperm.xlane v2, v30;
	v5 =	vadd.s32 v15, v32  }
0x19c: {  	v39 =	vld [tilespmem:$0x1FEC0];
	vm4 =	vlt.u32 v35, $0x40;
	v2 =	vperm.xlane v2, v48;
	v3 =	vnsel vm3, $0x40000, v3  }
0x19d: {  	v40 =	vld [tilespmem:$0x1FED0];
	v7 =	vor.u32 v4, v5;
	v4 =	vshll.u32 v4, $0xC;
	v5 =	vshll.u32 v5, $0x6  }
0x19e: {  	v6 =	vadd.s32 v16, v6;
	v4 =	vadd.s32 v4, v5;
	v5 =	vadd.s32 v33, v8  }
0x19f: {  	v45 =	vld [tilespmem:$0x1FFE0];
	[tilespmem:$0x1080] =	vst v3;
	v2 =	vadd.s32 v18, v2;
	v3 =	vor.u32 v0, v1;
	v0 =	vshll.u32 v0, $0xC  }
0x1a0: {  	v46 =	vld [tilespmem:$0x1FEE0];
	v1 =	vshll.u32 v1, $0x6;
	v7 =	vor.u32 v6, v7;
	v4 =	vadd.s32 v6, v4  }
0x1a1: {  	v6 =	vadd.s32 v39, v37;
	v5 =	vnsel vm4, $0x40000, v5;
	v3 =	vor.u32 v2, v3  }
0x1a2: {  	v0 =	vadd.s32 v0, v1;
	vm3 =	vlt.u32 v7, $0x40;
	v7 =	vadd.s32 v40, v38  }
0x1a3: {  	v9 =	vor.u32 v6, v7;
	v6 =	vshll.u32 v6, $0xC;
	v7 =	vshll.u32 v7, $0x6  }
0x1a4: {  	v4 =	vnsel vm3, $0x40000, v4;
	v9 =	vor.u32 v41, v9;
	v6 =	vadd.s32 v6, v7  }
0x1a5: {  	v7 =	vadd.s32 v45, v42;
	vm3 =	vlt.u32 v9, $0x40;
	v9 =	vadd.s32 v46, v43  }
0x1a6: {  	v10 =	vor.u32 v7, v9;
	v7 =	vshll.u32 v7, $0xC;
	v9 =	vshll.u32 v9, $0x6  }
0x1a7: {  	[tilespmem:$0x10A0] =	vst v5;
	v6 =	vadd.s32 v41, v6;
	v10 =	vor.u32 v47, v10;
	v7 =	vadd.s32 v7, v9  }
0x1a8: {  	[tilespmem:$0x1090] =	vst v4;
	v6 =	vnsel vm3, $0x40000, v6;
	vm3 =	vlt.u32 v10, $0x40;
	v51 =	vadd.s32 v47, v7  }
0x1a9: {  	v0 =	vadd.s32 v2, v0;
	[tilespmem:$0x10B0] =	vst v6;
	v52 =	vnsel vm3, $0x40000, v51;
	vm3 =	vlt.u32 v3, $0x40  }
0x1aa: {  	[tilespmem:$0x10C0] =	vst v52;
	v0 =	vnsel vm3, $0x40000, v0  }
0x1ab: {  	s8 =	simm.s32 $0x1080;
	s16 =	simm.s32 $0x1180;
	[tilespmem:$0x10D0] =	vst v0  }
0x1ac: {  	v56 =	vld [tilespmem:$0x1FFF0];
	[tilespmem:s16], [sflag:$0x3] =	stream.indirect.gather [spmem:s2], $0x1, s8, s11, $0xb8  }
0x1ad: {  	v53 =	vld [tilespmem:$0x3]  }
0x1ae: {  	v54 =	vld [tilespmem:$0x183]  }
0x1af: {  	v55 =	vld [tilespmem:$0x303];
	_ =	sdelay $0x3  }
0x1b0: {  	v59 =	vld [tilespmem:$0x1FF10];
	v57 =	vperm.xlane v53, v56  }
0x1b1: {  	v50 =	vld [tilespmem:$0x1FF70];
	v58 =	vperm.xlane v54, v56;
	v5 =	vperm.xlane v55, v56  }
0x1b2: {  	v60 =	vld [tilespmem:$0x1FF20];
	v24 =	vsel vm1, $0x1, v19;
	v61 =	vperm.xlane v53, v14;
	v62 =	vperm.xlane v54, v14  }
0x1b3: {  	v28 =	vld [tilespmem:$0x1FF50];
	v63 =	vperm.xlane v55, v14;
	v26 =	vperm.xlane v53, v24  }
0x1b4: {  	v29 =	vld [tilespmem:$0x1FF60];
	v27 =	vperm.xlane v54, v24;
	v7 =	vperm.xlane v55, v24  }
0x1b5: {  	v34 =	vperm.xlane v53, v19;
	v35 =	vperm.xlane v54, v19  }
0x1b6: {  	v38 =	vsel vm0, $0x0, v14;
	v51 =	vld [tilespmem:$0x1FF90];
	v37 =	vperm.xlane v55, v19;
	v0 =	vperm.xlane v53, v50  }
0x1b7: {  	v41 =	vimm.s32 $0x3;
	v1 =	vperm.xlane v54, v50;
	v2 =	vperm.xlane v55, v50  }
0x1b8: {  	v3 =	vadd.s32 v59, v57;
	v4 =	vadd.s32 v60, v58;
	v5 =	vadd.s32 v13, v5  }
0x1b9: {  	v23 =	vadd.s32 v16, v63;
	v9 =	vadd.s32 v28, v26;
	v10 =	vadd.s32 v29, v27  }
0x1ba: {  	v22 =	vld [tilespmem:$0x1FF40];
	v30 =	vadd.s32 v18, v7;
	v7 =	vadd.s32 v38, v34;
	v39 =	vadd.s32 v13, v37  }
0x1bb: {  	v0 =	vadd.s32 v51, v0;
	v1 =	vadd.s32 v17, v1;
	v2 =	vadd.s32 v18, v2  }
0x1bc: {  	v21 =	vld [tilespmem:$0x1FF30];
	v6 =	vor.u32 v3, v4;
	v3 =	vshll.u32 v3, $0xC;
	v4 =	vshll.u32 v4, $0x6  }
0x1bd: {  	v31 =	vor.u32 v9, v10;
	v33 =	vshll.u32 v9, $0xC;
	v36 =	vshll.u32 v10, $0x6  }
0x1be: {  	v10 =	vsel vm2, $0x2, v41;
	v6 =	vor.u32 v5, v6;
	v3 =	vadd.s32 v3, v4  }
0x1bf: {  	v4 =	vadd.s32 v22, v62;
	v32 =	vor.u32 v30, v31;
	v42 =	vperm.xlane v53, v10  }
0x1c0: {  	v43 =	vperm.xlane v54, v10;
	v46 =	vperm.xlane v55, v10;
	vm3 =	vlt.u32 v6, $0x40  }
0x1c1: {  	v3 =	vadd.s32 v5, v3;
	v5 =	vadd.s32 v21, v61;
	v6 =	vadd.s32 v33, v36  }
0x1c2: {  	v25 =	vor.u32 v5, v4;
	v5 =	vshll.u32 v5, $0xC;
	v4 =	vshll.u32 v4, $0x6  }
0x1c3: {  	v3 =	vnsel vm3, $0x40000, v3;
	vm3 =	vlt.u32 v32, $0x40;
	v45 =	vadd.s32 v15, v43  }
0x1c4: {  	v8 =	vor.u32 v23, v25;
	v4 =	vadd.s32 v5, v4;
	v5 =	vadd.s32 v30, v6  }
0x1c5: {  	v44 =	vld [tilespmem:$0x1FF80];
	v48 =	vshll.u32 v45, $0x6;
	[tilespmem:$0x1100] =	vst v3;
	v3 =	vor.u32 v0, v1;
	v0 =	vshll.u32 v0, $0xC  }
0x1c6: {  	v1 =	vshll.u32 v1, $0x6;
	vm15 =	vlt.u32 v8, $0x40;
	v4 =	vadd.s32 v23, v4  }
0x1c7: {  	v8 =	vadd.s32 v12, v35;
	v5 =	vnsel vm3, $0x40000, v5;
	v3 =	vor.u32 v2, v3  }
0x1c8: {  	v40 =	vor.u32 v7, v8;
	v7 =	vshll.u32 v7, $0xC;
	v8 =	vshll.u32 v8, $0x6  }
0x1c9: {  	v0 =	vadd.s32 v0, v1;
	v9 =	vor.u32 v39, v40;
	v7 =	vadd.s32 v7, v8  }
0x1ca: {  	vm3 =	vlt.u32 v9, $0x40;
	v6 =	vadd.s32 v39, v7;
	v7 =	vadd.s32 v44, v42  }
0x1cb: {  	v9 =	vadd.s32 v16, v46;
	v47 =	vshll.u32 v7, $0xC;
	v7 =	vor.u32 v7, v45  }
0x1cc: {  	v4 =	vnsel vm15, $0x40000, v4;
	[tilespmem:$0x1120] =	vst v5;
	v49 =	vadd.s32 v47, v48;
	v7 =	vor.u32 v9, v7  }
0x1cd: {  	[tilespmem:$0x1110] =	vst v4;
	v6 =	vnsel vm3, $0x40000, v6;
	v8 =	vadd.s32 v9, v49;
	vm3 =	vlt.u32 v7, $0x40  }
0x1ce: {  	v0 =	vadd.s32 v2, v0;
	[tilespmem:$0x1130] =	vst v6;
	v52 =	vnsel vm3, $0x40000, v8;
	vm3 =	vlt.u32 v3, $0x40  }
0x1cf: {  	[tilespmem:$0x1140] =	vst v52;
	v0 =	vnsel vm3, $0x40000, v0  }
0x1d0: {  	s23 =	simm.s32 $0x1100;
	s24 =	simm.s32 $0x1200;
	[tilespmem:$0x1150] =	vst v0  }
0x1d1: {  	[tilespmem:s24], [sflag:$0x4] =	stream.indirect.gather [spmem:s2], $0x1, s23, s11, $0xb8;
	[tilespmem:$0x1EF88] =	vst v63  }
0x1d2: {  	_ =	swait.ge [sflag:s13], $0x60  }
0x1d3: {  	[sflag:s13] =	ssyncset.done $0x0  }
0x1d4: {  	[sflag:s13] =	ssyncadd.s32 $0xFFFFFFA0  }
0x1d5: {  	v53 =	vld [tilespmem:$0x1180]  }
0x1d6: {  	v54 =	vld [tilespmem:$0x1190]  }
0x1d7: {  	v55 =	vld [tilespmem:$0x11A0]  }
0x1d8: {  	v56 =	vld [tilespmem:$0x11B0]  }
0x1d9: {  	v57 =	vld [tilespmem:$0x11C0]  }
0x1da: {  	v58 =	vld [tilespmem:$0x11D0];
	vm3 =	vgt.s32 v53, $0xFFFFFFFF  }
0x1db: {  	v0 =	vnsel vm3, $0x2710, v53;
	vm3 =	vgt.s32 v54, $0xFFFFFFFF  }
0x1dc: {  	[tilespmem:$0x1280] =	vst v0;
	v59 =	vnsel vm3, $0x2710, v54;
	vm3 =	vgt.s32 v55, $0xFFFFFFFF  }
0x1dd: {  	[tilespmem:$0x1290] =	vst v59;
	v60 =	vnsel vm3, $0x2710, v55;
	vm3 =	vgt.s32 v56, $0xFFFFFFFF  }
0x1de: {  	[tilespmem:$0x12A0] =	vst v60;
	v61 =	vnsel vm3, $0x2710, v56;
	vm3 =	vgt.s32 v57, $0xFFFFFFFF  }
0x1df: {  	[tilespmem:$0x12B0] =	vst v61;
	v62 =	vnsel vm3, $0x2710, v57;
	vm3 =	vgt.s32 v58, $0xFFFFFFFF  }
0x1e0: {  	s26 =	simm.s32 $0x1280;
	[tilespmem:$0x12C0] =	vst v62;
	v63 =	vnsel vm3, $0x2710, v58  }
0x1e1: {  	s16 =	simm.s32 $0x170;
	s23 =	simm.s32 $0x2AAAB20;
	s24 =	rddreg [dreg:$0xe];
	[tilespmem:$0x12D0] =	vst v63  }
0x1e2: {  	v19 =	vlaneseq.u32;
	[tilespmem:s18], [sflag:$0x5] =	stream.indirect.gather [spmem:s0], $0x80, s26, s11, $0xb8;
	[tilespmem:$0x1EF88] =	vst v63  }
.LBB2_4:
0x1e3: {  	p1 =	seq.s32 s16, $0x2270  }
.Ltmp3:
0x1e4: {  	_ = 	snop;
	(pc) =	sbr.rel @p1 .LBB2_6-.Ltmp3, $1  }
0x1e5: {  	_ =	sdelay $0x3  }
0x1e6: {  	s26 =	sadd.s32 $0xFFFFFF50, s16;
	s8 =	sadd.s32 $0xFF1C71A0, s23  }
0x1e7: {  	v0 =	vor.u32 s26, v19;
	s26 =	sshrl.u32 s8, $0x16  }
0x1e8: {  	v9 =	vld [tilespmem:s26+$0x0]  }
0x1e9: {  	s8 =	sadd.s32 $0xFFFFFF60, s16;
	v1 =	vmul.u32 $0x25ED1, v0;
	v10 =	vld [tilespmem:s26+$0x180]  }
0x1ea: {  	v4 =	vor.u32 s8, v19;
	v11 =	vld [tilespmem:s26+$0x300];
	v12 =	vmov s26;
	s26 =	sadd.s32 $0xFFFFFF70, s16  }
0x1eb: {  	v5 =	vmul.u32 $0x25ED1, v4;
	v60 =	vor.u32 s26, v19;
	v1 =	vshra.s32 v1, $0x16  }
0x1ec: {  	s26 =	sadd.s32 $0xFFFFFF80, s16;
	v61 =	vmul.u32 $0x25ED1, v60;
	v2 =	vmul.u32 $0xFFFFFFE5, v1  }
0x1ed: {  	v24 =	vor.u32 s26, v19;
	v1 =	vsub.s32 v1, v12;
	v5 =	vshra.s32 v5, $0x16  }
0x1ee: {  	s26 =	sadd.s32 $0xFFFFFF90, s16;
	v25 =	vmul.u32 $0x25ED1, v24;
	v6 =	vmul.u32 $0xFFFFFFE5, v5;
	v0 =	vadd.s32 v0, v2  }
0x1ef: {  	v37 =	vor.u32 s26, v19;
	v1 =	vand.u32 $0xF, v1;
	v2 =	vmul.u32 $0x39, v0  }
0x1f0: {  	s26 =	sadd.s32 $0xFFFFFFA0, s16;
	v5 =	vsub.s32 v5, v12;
	v38 =	vmul.u32 $0x25ED1, v37;
	v4 =	vadd.s32 v4, v6  }
0x1f1: {  	v46 =	vor.u32 s26, v19;
	v6 =	vmul.u32 $0x39, v4;
	v2 =	vshra.s32 v2, $0x9  }
0x1f2: {  	v7 =	vperm.xlane v9, v1;
	v8 =	vperm.xlane v10, v1;
	v3 =	vmul.u32 $0xFFFFFFF7, v2  }
0x1f3: {  	v1 =	vperm.xlane v11, v1;
	v5 =	vand.u32 $0xF, v5;
	v57 =	vshra.s32 v6, $0x9  }
0x1f4: {  	v28 =	vshra.s32 v25, $0x16;
	v59 =	vmul.u32 $0xFFFFFFF7, v57;
	v0 =	vadd.s32 v0, v3  }
0x1f5: {  	v47 =	vmul.u32 $0x25ED1, v46;
	v62 =	vperm.xlane v9, v5;
	v3 =	vmul.u32 $0xB, v0  }
0x1f6: {  	v63 =	vperm.xlane v10, v5;
	v5 =	vperm.xlane v11, v5;
	v4 =	vadd.s32 v4, v59  }
0x1f7: {  	v2 =	vadd.s32 v7, v2;
	v7 =	vmul.u32 $0xB, v4;
	v3 =	vshra.s32 v3, $0x5  }
0x1f8: {  	v30 =	vmul.u32 $0xFFFFFFE5, v28;
	v13 =	vmul.u32 $0xFFFFFFFD, v3;
	v3 =	vadd.s32 v8, v3  }
0x1f9: {  	v2 =	vadd.s32 $0xFFFFFFFF, v2;
	v7 =	vshra.s32 v7, $0x5;
	v3 =	vadd.s32 $0xFFFFFFFF, v3  }
0x1fa: {  	v15 =	vmul.u32 $0xFFFFFFFD, v7;
	v0 =	vadd.s32 v13, v0;
	v58 =	vor.u32 v2, v3  }
0x1fb: {  	v2 =	vshll.u32 v2, $0xC;
	v3 =	vshll.u32 v3, $0x6;
	v0 =	vadd.s32 v1, v0  }
0x1fc: {  	v2 =	vadd.s32 v2, v3;
	v1 =	vadd.s32 v62, v57;
	v3 =	vadd.s32 v63, v7  }
0x1fd: {  	v4 =	vadd.s32 v15, v4;
	v0 =	vadd.s32 $0xFFFFFFFF, v0;
	v1 =	vadd.s32 $0xFFFFFFFF, v1  }
0x1fe: {  	v3 =	vadd.s32 $0xFFFFFFFF, v3;
	v4 =	vadd.s32 v5, v4;
	v6 =	vor.u32 v0, v58  }
0x1ff: {  	v4 =	vadd.s32 $0xFFFFFFFF, v4;
	vm3 =	vlt.u32 v6, $0x40;
	v6 =	vshra.s32 v61, $0x16  }
0x200: {  	v21 =	vor.u32 v1, v3;
	v0 =	vadd.s32 v0, v2;
	v14 =	vmul.u32 $0xFFFFFFE5, v6  }
0x201: {  	v1 =	vshll.u32 v1, $0xC;
	v3 =	vshll.u32 v3, $0x6;
	v2 =	vadd.s32 v24, v30  }
0x202: {  	v22 =	vor.u32 v4, v21;
	v1 =	vadd.s32 v1, v3;
	v8 =	vadd.s32 v60, v14  }
0x203: {  	v33 =	vmul.u32 $0x39, v2;
	v0 =	vnsel vm3, $0x40000, v0;
	v15 =	vmul.u32 $0x39, v8  }
0x204: {  	vm3 =	vlt.u32 v22, $0x40;
	v6 =	vsub.s32 v6, v12;
	v1 =	vadd.s32 v4, v1  }
0x205: {  	v27 =	vand.u32 $0xF, v6;
	v1 =	vnsel vm3, $0x40000, v1;
	v7 =	vshra.s32 v15, $0x9  }
0x206: {  	v6 =	vsub.s32 v28, v12;
	v29 =	vperm.xlane v9, v27;
	v23 =	vmul.u32 $0xFFFFFFF7, v7  }
0x207: {  	v31 =	vperm.xlane v10, v27;
	v3 =	vperm.xlane v11, v27;
	v6 =	vand.u32 $0xF, v6  }
0x208: {  	v40 =	vperm.xlane v9, v6;
	v5 =	vadd.s32 v8, v23;
	v8 =	vshra.s32 v33, $0x9  }
0x209: {  	v7 =	vadd.s32 v29, v7;
	v26 =	vmul.u32 $0xB, v5;
	v35 =	vmul.u32 $0xFFFFFFF7, v8  }
0x20a: {  	v41 =	vperm.xlane v10, v6;
	v42 =	vperm.xlane v11, v6;
	v7 =	vadd.s32 $0xFFFFFFFF, v7  }
0x20b: {  	v36 =	vshll.u32 v7, $0xC;
	v13 =	vshra.s32 v26, $0x5;
	v2 =	vadd.s32 v2, v35  }
0x20c: {  	v32 =	vmul.u32 $0xFFFFFFFD, v13;
	v4 =	vadd.s32 v31, v13;
	v13 =	vshra.s32 v38, $0x16  }
0x20d: {  	v39 =	vmul.u32 $0xB, v2;
	v4 =	vadd.s32 $0xFFFFFFFF, v4;
	v16 =	vmul.u32 $0xFFFFFFE5, v13  }
0x20e: {  	v13 =	vsub.s32 v13, v12;
	v5 =	vadd.s32 v32, v5;
	v34 =	vor.u32 v7, v4  }
0x20f: {  	v4 =	vshll.u32 v4, $0x6;
	v14 =	vshra.s32 v39, $0x5;
	v13 =	vand.u32 $0xF, v13  }
0x210: {  	v3 =	vadd.s32 v3, v5;
	v4 =	vadd.s32 v36, v4;
	v43 =	vmul.u32 $0xFFFFFFFD, v14  }
0x211: {  	v44 =	vadd.s32 v41, v14;
	v7 =	vadd.s32 v37, v16;
	v3 =	vadd.s32 $0xFFFFFFFF, v3  }
0x212: {  	v50 =	vperm.xlane v9, v13;
	v45 =	vmul.u32 $0x39, v7;
	v5 =	vor.u32 v3, v34  }
0x213: {  	v3 =	vadd.s32 v3, v4;
	v2 =	vadd.s32 v43, v2;
	v4 =	vshra.s32 v47, $0x16  }
0x214: {  	vm3 =	vlt.u32 v5, $0x40;
	v5 =	vadd.s32 v40, v8;
	v2 =	vadd.s32 v42, v2  }
0x215: {  	v8 =	vadd.s32 $0xFFFFFFFF, v44;
	v6 =	vshra.s32 v45, $0x9;
	v17 =	vmul.u32 $0xFFFFFFE5, v4  }
0x216: {  	v4 =	vsub.s32 v4, v12;
	v5 =	vadd.s32 $0xFFFFFFFF, v5;
	v2 =	vadd.s32 $0xFFFFFFFF, v2  }
0x217: {  	v16 =	vmul.u32 $0xFFFFFFF7, v6;
	v3 =	vnsel vm3, $0x40000, v3;
	v51 =	vadd.s32 v50, v6  }
0x218: {  	v4 =	vand.u32 $0xF, v4;
	v48 =	vor.u32 v5, v8;
	v5 =	vshll.u32 v5, $0xC  }
0x219: {  	v14 =	vadd.s32 v46, v17;
	v17 =	vperm.xlane v10, v13;
	v13 =	vperm.xlane v11, v13  }
0x21a: {  	v9 =	vperm.xlane v9, v4;
	v7 =	vadd.s32 v7, v16;
	v16 =	vmul.u32 $0x39, v14  }
0x21b: {  	v8 =	vshll.u32 v8, $0x6;
	v56 =	vperm.xlane v10, v4;
	v4 =	vperm.xlane v11, v4  }
0x21c: {  	v15 =	vor.u32 v2, v48;
	v49 =	vmul.u32 $0xB, v7;
	v16 =	vshra.s32 v16, $0x9  }
0x21d: {  	v5 =	vadd.s32 v5, v8;
	vm3 =	vlt.u32 v15, $0x40;
	v52 =	vmul.u32 $0xFFFFFFF7, v16  }
0x21e: {  	v2 =	vadd.s32 v2, v5;
	v5 =	vadd.s32 $0xFFFFFFFF, v51;
	v15 =	vshra.s32 v49, $0x5  }
0x21f: {  	v2 =	vnsel vm3, $0x40000, v2;
	v18 =	vmul.u32 $0xFFFFFFFD, v15;
	v6 =	vadd.s32 v14, v52  }
0x220: {  	v9 =	vadd.s32 v9, v16;
	v53 =	vadd.s32 v17, v15;
	v54 =	vmul.u32 $0xB, v6  }
0x221: {  	v59 =	vadd.s32 $0xFFFFFFFF, v9;
	v8 =	vadd.s32 $0xFFFFFFFF, v53;
	v7 =	vadd.s32 v18, v7  }
0x222: {  	v55 =	vor.u32 v5, v8;
	v5 =	vshll.u32 v5, $0xC;
	v12 =	vshra.s32 v54, $0x5  }
0x223: {  	v8 =	vshll.u32 v8, $0x6;
	v7 =	vadd.s32 v13, v7;
	v57 =	vmul.u32 $0xFFFFFFFD, v12  }
0x224: {  	[tilespmem:$0x1080] =	vst v0;
	v0 =	vshll.u32 v59, $0xC;
	v5 =	vadd.s32 v5, v8;
	v7 =	vadd.s32 $0xFFFFFFFF, v7  }
0x225: {  	v8 =	vadd.s32 v56, v12;
	v58 =	vor.u32 v7, v55;
	v6 =	vadd.s32 v57, v6  }
0x226: {  	v62 =	vadd.s32 v7, v5;
	v60 =	vadd.s32 $0xFFFFFFFF, v8;
	v4 =	vadd.s32 v4, v6  }
0x227: {  	[tilespmem:$0x1090] =	vst v1;
	v61 =	vor.u32 v59, v60;
	v6 =	vshll.u32 v60, $0x6;
	v4 =	vadd.s32 $0xFFFFFFFF, v4  }
0x228: {  	[tilespmem:$0x10A0] =	vst v3;
	vm3 =	vlt.u32 v58, $0x40;
	v0 =	vadd.s32 v0, v6;
	v1 =	vor.u32 v4, v61  }
0x229: {  	[tilespmem:$0x10B0] =	vst v2;
	v63 =	vnsel vm3, $0x40000, v62;
	v0 =	vadd.s32 v4, v0;
	vm3 =	vlt.u32 v1, $0x40  }
0x22a: {  	[tilespmem:$0x10C0] =	vst v63;
	v0 =	vnsel vm3, $0x40000, v0  }
0x22b: {  	s8 =	simm.s32 $0x1080;
	s26 =	simm.s32 $0x1180;
	[tilespmem:$0x10D0] =	vst v0  }
0x22c: {  	[tilespmem:s26], [sflag:$0x3] =	stream.indirect.gather [spmem:s2], $0x1, s8, s11, $0xb8;
	[tilespmem:$0x1EF88] =	vst v63  }
.LBB2_6:
0x22d: {  	_ =	swait.ge [sflag:s5], $0x60  }
0x22e: {  	[sflag:s5] =	ssyncset.done $0x0  }
0x22f: {  	[sflag:s5] =	ssyncadd.s32 $0xFFFFFFA0  }
0x230: {  	v0 =	vld [tilespmem:$0x1200]  }
0x231: {  	v1 =	vld [tilespmem:$0x1210]  }
0x232: {  	v2 =	vld [tilespmem:$0x1220]  }
0x233: {  	v3 =	vld [tilespmem:$0x1230]  }
0x234: {  	v4 =	vld [tilespmem:$0x1240]  }
0x235: {  	v5 =	vld [tilespmem:$0x1250];
	vm3 =	vgt.s32 v0, $0xFFFFFFFF  }
0x236: {  	v0 =	vnsel vm3, $0x2710, v0;
	vm3 =	vgt.s32 v1, $0xFFFFFFFF  }
0x237: {  	[tilespmem:$0x1300] =	vst v0;
	v59 =	vnsel vm3, $0x2710, v1;
	vm3 =	vgt.s32 v2, $0xFFFFFFFF  }
0x238: {  	[tilespmem:$0x1310] =	vst v59;
	v60 =	vnsel vm3, $0x2710, v2;
	vm3 =	vgt.s32 v3, $0xFFFFFFFF  }
0x239: {  	[tilespmem:$0x1320] =	vst v60;
	v61 =	vnsel vm3, $0x2710, v3;
	vm3 =	vgt.s32 v4, $0xFFFFFFFF  }
0x23a: {  	[tilespmem:$0x1330] =	vst v61;
	v62 =	vnsel vm3, $0x2710, v4;
	vm3 =	vgt.s32 v5, $0xFFFFFFFF  }
0x23b: {  	p2 =	seq.s32 s16, $0x170;
	[tilespmem:$0x1340] =	vst v62;
	v63 =	vnsel vm3, $0x2710, v5  }
0x23c: {  	s8 =	simm.s32 @!p2 $0x8;
	[tilespmem:$0x1350] =	vst v63  }
0x23d: {  	_ =	swait.ge @!p2 [sflag:s8], $0x3000  }
0x23e: {  	[sflag:s8] =	ssyncset.done @!p2 $0x0  }
0x23f: {  	[sflag:s8] =	ssyncadd.s32 @!p2 $0xFFFFD000  }
0x240: {  	_ =	swait.ge [sflag:s25], $0x3000  }
.Ltmp4:
0x241: {  	[sflag:s25] =	ssyncset.done $0x0;
	(pc) =	sbr.rel @p1 .LBB2_8-.Ltmp4, $4  }
0x242: {  	s26 =	sadd.s32 $0xFFFFFA00, s24;
	[sflag:s25] =	ssyncadd.s32 $0xFFFFD000  }
0x243: {  	[hbm4b:s26+s3] =	stream.linear.scatter [tilespmem:s18], [sflag:$0x7], $0x3000, $0x38;
	[tilespmem:$0x1EF88] =	vst v63  }
0x244: {  	_ = 	snop  }
0x245: {  	[tilespmem:s12], [sflag:$0x6] =	stream.indirect.gather [spmem:s0], $0x80, s19, s11, $0xb8;
	[tilespmem:$0x1EF88] =	vst v63  }
0x246: {  	s8 =	sadd.s32 $0xFFFFFFB0, s16  }
0x247: {  	s26 =	sadd.s32 $0xFFFFFFC0, s16;
	v0 =	vor.u32 s8, v19  }
0x248: {  	v4 =	vor.u32 s26, v19;
	v1 =	vmul.u32 $0x25ED1, v0  }
0x249: {  	v5 =	vmul.u32 $0x25ED1, v4  }
0x24a: {  	v35 =	vor.u32 s16, v19;
	v1 =	vshra.s32 v1, $0x16  }
0x24b: {  	s8 =	sshrl.u32 s23, $0x16;
	s26 =	sadd.s32 $0xFFFFFFD0, s16;
	v36 =	vmul.u32 $0x25ED1, v35;
	v5 =	vshra.s32 v5, $0x16;
	v2 =	vmul.u32 $0xFFFFFFE5, v1  }
0x24c: {  	v12 =	vmov s8;
	v48 =	vor.u32 s26, v19;
	s26 =	sadd.s32 $0xFFFFFFE0, s16;
	v6 =	vmul.u32 $0xFFFFFFE5, v5  }
0x24d: {  	v9 =	vld [tilespmem:s8+$0x0];
	v49 =	vmul.u32 $0x25ED1, v48;
	v56 =	vor.u32 s26, v19;
	v0 =	vadd.s32 v0, v2  }
0x24e: {  	v10 =	vld [tilespmem:s8+$0x180];
	s26 =	sadd.s32 $0xFFFFFFF0, s16;
	v57 =	vmul.u32 $0x25ED1, v56;
	v4 =	vadd.s32 v4, v6;
	v2 =	vmul.u32 $0x39, v0  }
0x24f: {  	v11 =	vld [tilespmem:s8+$0x300];
	v26 =	vor.u32 s26, v19;
	v1 =	vsub.s32 v1, v12;
	v6 =	vmul.u32 $0x39, v4  }
0x250: {  	v5 =	vsub.s32 v5, v12;
	v27 =	vmul.u32 $0x25ED1, v26;
	v2 =	vshra.s32 v2, $0x9  }
0x251: {  	v1 =	vand.u32 $0xF, v1;
	v45 =	vshra.s32 v6, $0x9;
	v3 =	vmul.u32 $0xFFFFFFF7, v2  }
0x252: {  	v5 =	vand.u32 $0xF, v5;
	v60 =	vshra.s32 v57, $0x16;
	v47 =	vmul.u32 $0xFFFFFFF7, v45  }
0x253: {  	v7 =	vperm.xlane v9, v1;
	v8 =	vperm.xlane v10, v1;
	v0 =	vadd.s32 v0, v3  }
0x254: {  	v1 =	vperm.xlane v11, v1;
	v4 =	vadd.s32 v4, v47;
	v3 =	vmul.u32 $0xB, v0  }
0x255: {  	v50 =	vperm.xlane v9, v5;
	v2 =	vadd.s32 v7, v2;
	v7 =	vmul.u32 $0xB, v4  }
0x256: {  	v51 =	vperm.xlane v10, v5;
	v5 =	vperm.xlane v11, v5;
	v3 =	vshra.s32 v3, $0x5  }
0x257: {  	v7 =	vshra.s32 v7, $0x5;
	v13 =	vmul.u32 $0xFFFFFFFD, v3;
	v3 =	vadd.s32 v8, v3  }
0x258: {  	v2 =	vadd.s32 $0xFFFFFFFF, v2;
	v15 =	vmul.u32 $0xFFFFFFFD, v7;
	v3 =	vadd.s32 $0xFFFFFFFF, v3  }
0x259: {  	v62 =	vmul.u32 $0xFFFFFFE5, v60;
	v0 =	vadd.s32 v13, v0;
	v46 =	vor.u32 v2, v3  }
0x25a: {  	v2 =	vshll.u32 v2, $0xC;
	v3 =	vshll.u32 v3, $0x6;
	v4 =	vadd.s32 v15, v4  }
0x25b: {  	v0 =	vadd.s32 v1, v0;
	v2 =	vadd.s32 v2, v3;
	v1 =	vadd.s32 v50, v45  }
0x25c: {  	v3 =	vadd.s32 v51, v7;
	v4 =	vadd.s32 v5, v4;
	v0 =	vadd.s32 $0xFFFFFFFF, v0  }
0x25d: {  	v1 =	vadd.s32 $0xFFFFFFFF, v1;
	v3 =	vadd.s32 $0xFFFFFFFF, v3;
	v6 =	vor.u32 v0, v46  }
0x25e: {  	v4 =	vadd.s32 $0xFFFFFFFF, v4;
	vm3 =	vlt.u32 v6, $0x40;
	v6 =	vshra.s32 v49, $0x16  }
0x25f: {  	v53 =	vor.u32 v1, v3;
	v0 =	vadd.s32 v0, v2;
	v14 =	vmul.u32 $0xFFFFFFE5, v6  }
0x260: {  	v1 =	vshll.u32 v1, $0xC;
	v3 =	vshll.u32 v3, $0x6;
	v2 =	vadd.s32 v56, v62  }
0x261: {  	v54 =	vor.u32 v4, v53;
	v1 =	vadd.s32 v1, v3;
	v8 =	vadd.s32 v48, v14  }
0x262: {  	v22 =	vmul.u32 $0x39, v2;
	v0 =	vnsel vm3, $0x40000, v0;
	v52 =	vmul.u32 $0x39, v8  }
0x263: {  	vm3 =	vlt.u32 v54, $0x40;
	v6 =	vsub.s32 v6, v12;
	v1 =	vadd.s32 v4, v1  }
0x264: {  	v59 =	vand.u32 $0xF, v6;
	v1 =	vnsel vm3, $0x40000, v1;
	v7 =	vshra.s32 v52, $0x9  }
0x265: {  	v6 =	vsub.s32 v60, v12;
	v61 =	vperm.xlane v9, v59;
	v55 =	vmul.u32 $0xFFFFFFF7, v7  }
0x266: {  	v63 =	vperm.xlane v10, v59;
	v3 =	vperm.xlane v11, v59;
	v6 =	vand.u32 $0xF, v6  }
0x267: {  	v29 =	vperm.xlane v9, v6;
	v5 =	vadd.s32 v8, v55;
	v8 =	vshra.s32 v22, $0x9  }
0x268: {  	v7 =	vadd.s32 v61, v7;
	v58 =	vmul.u32 $0xB, v5;
	v24 =	vmul.u32 $0xFFFFFFF7, v8  }
0x269: {  	v30 =	vperm.xlane v10, v6;
	v31 =	vperm.xlane v11, v6;
	v7 =	vadd.s32 $0xFFFFFFFF, v7  }
0x26a: {  	v25 =	vshll.u32 v7, $0xC;
	v13 =	vshra.s32 v58, $0x5;
	v2 =	vadd.s32 v2, v24  }
0x26b: {  	v21 =	vmul.u32 $0xFFFFFFFD, v13;
	v4 =	vadd.s32 v63, v13;
	v13 =	vshra.s32 v27, $0x16  }
0x26c: {  	v28 =	vmul.u32 $0xB, v2;
	v4 =	vadd.s32 $0xFFFFFFFF, v4;
	v16 =	vmul.u32 $0xFFFFFFE5, v13  }
0x26d: {  	v13 =	vsub.s32 v13, v12;
	v5 =	vadd.s32 v21, v5;
	v23 =	vor.u32 v7, v4  }
0x26e: {  	v4 =	vshll.u32 v4, $0x6;
	v14 =	vshra.s32 v28, $0x5;
	v13 =	vand.u32 $0xF, v13  }
0x26f: {  	v3 =	vadd.s32 v3, v5;
	v4 =	vadd.s32 v25, v4;
	v32 =	vmul.u32 $0xFFFFFFFD, v14  }
0x270: {  	v33 =	vadd.s32 v30, v14;
	v7 =	vadd.s32 v26, v16;
	v3 =	vadd.s32 $0xFFFFFFFF, v3  }
0x271: {  	v39 =	vperm.xlane v9, v13;
	v34 =	vmul.u32 $0x39, v7;
	v5 =	vor.u32 v3, v23  }
0x272: {  	v3 =	vadd.s32 v3, v4;
	v2 =	vadd.s32 v32, v2;
	v4 =	vshra.s32 v36, $0x16  }
0x273: {  	vm3 =	vlt.u32 v5, $0x40;
	v5 =	vadd.s32 v29, v8;
	v2 =	vadd.s32 v31, v2  }
0x274: {  	v8 =	vadd.s32 $0xFFFFFFFF, v33;
	v6 =	vshra.s32 v34, $0x9;
	v17 =	vmul.u32 $0xFFFFFFE5, v4  }
0x275: {  	v4 =	vsub.s32 v4, v12;
	v5 =	vadd.s32 $0xFFFFFFFF, v5;
	v2 =	vadd.s32 $0xFFFFFFFF, v2  }
0x276: {  	v16 =	vmul.u32 $0xFFFFFFF7, v6;
	v3 =	vnsel vm3, $0x40000, v3;
	v40 =	vadd.s32 v39, v6  }
0x277: {  	v4 =	vand.u32 $0xF, v4;
	v37 =	vor.u32 v5, v8;
	v5 =	vshll.u32 v5, $0xC  }
0x278: {  	v14 =	vadd.s32 v35, v17;
	v17 =	vperm.xlane v10, v13;
	v13 =	vperm.xlane v11, v13  }
0x279: {  	v9 =	vperm.xlane v9, v4;
	v7 =	vadd.s32 v7, v16;
	v16 =	vmul.u32 $0x39, v14  }
0x27a: {  	v8 =	vshll.u32 v8, $0x6;
	v45 =	vperm.xlane v10, v4;
	v4 =	vperm.xlane v11, v4  }
0x27b: {  	v15 =	vor.u32 v2, v37;
	v38 =	vmul.u32 $0xB, v7;
	v16 =	vshra.s32 v16, $0x9  }
0x27c: {  	v5 =	vadd.s32 v5, v8;
	vm3 =	vlt.u32 v15, $0x40;
	v41 =	vmul.u32 $0xFFFFFFF7, v16  }
0x27d: {  	v2 =	vadd.s32 v2, v5;
	v5 =	vadd.s32 $0xFFFFFFFF, v40;
	v15 =	vshra.s32 v38, $0x5  }
0x27e: {  	v2 =	vnsel vm3, $0x40000, v2;
	v18 =	vmul.u32 $0xFFFFFFFD, v15;
	v6 =	vadd.s32 v14, v41  }
0x27f: {  	v9 =	vadd.s32 v9, v16;
	v42 =	vadd.s32 v17, v15;
	v43 =	vmul.u32 $0xB, v6  }
0x280: {  	v48 =	vadd.s32 $0xFFFFFFFF, v9;
	v8 =	vadd.s32 $0xFFFFFFFF, v42;
	v7 =	vadd.s32 v18, v7  }
0x281: {  	v44 =	vor.u32 v5, v8;
	v5 =	vshll.u32 v5, $0xC;
	v12 =	vshra.s32 v43, $0x5  }
0x282: {  	v8 =	vshll.u32 v8, $0x6;
	v7 =	vadd.s32 v13, v7;
	v46 =	vmul.u32 $0xFFFFFFFD, v12  }
0x283: {  	[tilespmem:$0x1100] =	vst v0;
	v0 =	vshll.u32 v48, $0xC;
	v5 =	vadd.s32 v5, v8;
	v7 =	vadd.s32 $0xFFFFFFFF, v7  }
0x284: {  	v8 =	vadd.s32 v45, v12;
	v47 =	vor.u32 v7, v44;
	v6 =	vadd.s32 v46, v6  }
0x285: {  	v51 =	vadd.s32 v7, v5;
	v49 =	vadd.s32 $0xFFFFFFFF, v8;
	v4 =	vadd.s32 v4, v6  }
0x286: {  	[tilespmem:$0x1110] =	vst v1;
	v50 =	vor.u32 v48, v49;
	v6 =	vshll.u32 v49, $0x6;
	v4 =	vadd.s32 $0xFFFFFFFF, v4  }
0x287: {  	[tilespmem:$0x1120] =	vst v3;
	vm3 =	vlt.u32 v47, $0x40;
	v0 =	vadd.s32 v0, v6;
	v1 =	vor.u32 v4, v50  }
0x288: {  	[tilespmem:$0x1130] =	vst v2;
	v52 =	vnsel vm3, $0x40000, v51;
	v0 =	vadd.s32 v4, v0;
	vm3 =	vlt.u32 v1, $0x40  }
0x289: {  	[tilespmem:$0x1140] =	vst v52;
	v0 =	vnsel vm3, $0x40000, v0  }
0x28a: {  	s8 =	simm.s32 $0x1100;
	s26 =	simm.s32 $0x1200;
	[tilespmem:$0x1150] =	vst v0  }
0x28b: {  	[tilespmem:s26], [sflag:$0x4] =	stream.indirect.gather [spmem:s2], $0x1, s8, s11, $0xb8;
	[tilespmem:$0x1EF88] =	vst v63  }
0x28c: {  	_ =	swait.ge [sflag:s13], $0x60  }
0x28d: {  	[sflag:s13] =	ssyncset.done $0x0  }
0x28e: {  	[sflag:s13] =	ssyncadd.s32 $0xFFFFFFA0  }
0x28f: {  	v53 =	vld [tilespmem:$0x1180]  }
0x290: {  	v54 =	vld [tilespmem:$0x1190]  }
0x291: {  	v55 =	vld [tilespmem:$0x11A0]  }
0x292: {  	v56 =	vld [tilespmem:$0x11B0]  }
0x293: {  	v57 =	vld [tilespmem:$0x11C0]  }
0x294: {  	v58 =	vld [tilespmem:$0x11D0];
	vm3 =	vgt.s32 v53, $0xFFFFFFFF  }
0x295: {  	v0 =	vnsel vm3, $0x2710, v53;
	vm3 =	vgt.s32 v54, $0xFFFFFFFF  }
0x296: {  	[tilespmem:$0x1280] =	vst v0;
	v59 =	vnsel vm3, $0x2710, v54;
	vm3 =	vgt.s32 v55, $0xFFFFFFFF  }
0x297: {  	[tilespmem:$0x1290] =	vst v59;
	v60 =	vnsel vm3, $0x2710, v55;
	vm3 =	vgt.s32 v56, $0xFFFFFFFF  }
0x298: {  	[tilespmem:$0x12A0] =	vst v60;
	v61 =	vnsel vm3, $0x2710, v56;
	vm3 =	vgt.s32 v57, $0xFFFFFFFF  }
0x299: {  	[tilespmem:$0x12B0] =	vst v61;
	v62 =	vnsel vm3, $0x2710, v57;
	vm3 =	vgt.s32 v58, $0xFFFFFFFF  }
0x29a: {  	[tilespmem:$0x12C0] =	vst v62;
	v63 =	vnsel vm3, $0x2710, v58  }
0x29b: {  	[tilespmem:$0x12D0] =	vst v63  }
.LBB2_8:
0x29c: {  	_ =	swait.ge [sflag:s14], $0x3000  }
0x29d: {  	[sflag:s14] =	ssyncset.done $0x0  }
.Ltmp5:
0x29e: {  	[sflag:s14] =	ssyncadd.s32 $0xFFFFD000;
	(pc) =	sbr.rel @p1 .LBB2_10-.Ltmp5, $4  }
0x29f: {  	_ =	swait.ge [sflag:s15], $0x3000  }
0x2a0: {  	[sflag:s15] =	ssyncset.done $0x0  }
0x2a1: {  	[sflag:s15] =	ssyncadd.s32 $0xFFFFD000  }
0x2a2: {  	[hbm4b:s24+s3] =	stream.linear.scatter [tilespmem:s12], [sflag:$0x8], $0x3000, $0x38;
	[tilespmem:$0x1EF88] =	vst v63  }
.Ltmp6:
0x2a3: {  	(pc) =	sbr.rel .LBB2_4-.Ltmp6, $4  }
0x2a4: {  	_ = 	snop  }
0x2a5: {  	s8 =	simm.s32 $0x1280  }
0x2a6: {  	s24 =	sadd.s32 $0xC00, s24;
	s16 =	sadd.s32 $0xC0, s16;
	s23 =	sadd.s32 $0x1C71CC0, s23  }
0x2a7: {  	[tilespmem:s18], [sflag:$0x5] =	stream.indirect.gather [spmem:s0], $0x80, s8, s11, $0xb8;
	[tilespmem:$0x1EF88] =	vst v63  }
.LBB2_11:
0x2a8: {  	_ =	sfence.sel $0x180000  }
0x2a9: {  	[bflag:$0x0] =	sbarrier.arrive $0xFFFF  }
0x2aa: {  	_ =	strace $0x90000047  }
0x2ab: {  	[bflag:$0x2] =	sbarrier.arrive $0xFFFF  }
0x2ac: {  	s0 =	rddreg [dreg:$0x4]  }
0x2ad: {  	s0 =	sadd.s32 @!p0 $0x100000, s0  }
0x2ae: {  	[sflag:s0] =	ssyncadd.tile.s32 @!p0 $0x1;
	_ =	shalt  }
.Lfunc_end2:
_tile_overlayer_lowered:
.L_overlay_start_2:
0x2af: {  	(tag) =	ssettag $0x2  }
0x2b0: {  	s0 =	rddreg [dreg:$0x0];
	s2 =	stileid.u32  }
0x2b1: {  	s1 =	rddreg [dreg:$0x1];
	p0 =	sne.s32 s2, $0x0  }
0x2b2: {  	s3 =	rddreg [dreg:$0x2];
	[bflag:$0x3] =	sbarrier.arrive $0xFFFF;
	s2 =	simm.s32 @!p0 $0x1C09  }
0x2b3: {  	[timem:s3], [sflag:s2] =	dma.local @!p0 [hbm:s0], s1  }
0x2b4: {  	s0 =	simm.s32 @!p0 $0x9  }
0x2b5: {  	_ =	swait.ge @!p0 [sflag:s0], s1  }
0x2b6: {  	s1 =	ssub.s32 @!p0 $0x0, s1;
	[sflag:s0] =	ssyncset.done @!p0 $0x0  }
0x2b7: {  	[sflag:s0] =	ssyncadd.s32 @!p0 s1  }
0x2b8: {  	[bflag:$0x3] =	sbarrier.arrive $0xFFFF  }
0x2b9: {  	_ =	shalt  }

</sc_bundles>
